<compile_context>
chip_gen: v7x
topology: tpu7x:2x2x1
jax: 0.10.2.dev20260603
libtpu: 0.0.44.dev20260713+nightly
codegen_flags: <defaults>
</compile_context>

<pallas_src>
import functools

import jax
import jax.numpy as jnp
from jax import lax
from jax.experimental import pallas as pl
from jax.experimental.pallas import tpu as pltpu
from jax.experimental.pallas import tpu_sc as plsc

_L = 128
_NW = 32
_NTILES = 16
_NBUF = 3


def _make_sc_agg(N, D, CH, NPAD):
    FULL = ((N + _NTILES - 1) // _NTILES + 7) // 8 * 8
    LAST = N - (_NTILES - 1) * FULL
    mesh = plsc.VectorSubcoreMesh(core_axis_name="c", subcore_axis_name="s")

    CH2 = CH // 2

    @functools.partial(
        pl.kernel, mesh=mesh,
        out_type=jax.ShapeDtypeStruct((2, N, D), jnp.float32),
        scratch_types=[
            pltpu.VMEM((CH2, _L), jnp.int32),
            pltpu.VMEM((CH2, _L), jnp.int32),
            pltpu.VMEM((_L, D), jnp.float32),
            pltpu.VMEM((_L, D), jnp.float32),
            pltpu.VMEM_SHARED((NPAD, D), jnp.float32),
            pltpu.SemaphoreType.DMA,
            pltpu.SemaphoreType.DMA,
            pltpu.SemaphoreType.DMA,
            pltpu.SemaphoreType.DMA,
        ],
    )
    def sc_agg(h_hbm, src_hbm, dst_hbm, out_hbm, src_v, dst_v, bufA, bufB,
               acc_sh, gA, gB, sA, sB):
        c = lax.axis_index("c")
        s = lax.axis_index("s")
        w = c * _NTILES + s
        r0 = pl.multiple_of(s * FULL, 8)

        @pl.when(s < _NTILES - 1)
        def _():
            pltpu.sync_copy(h_hbm.at[pl.ds(r0, FULL)],
                            acc_sh.at[pl.ds(r0, FULL)])

        @pl.when(s == _NTILES - 1)
        def _():
            pltpu.sync_copy(h_hbm.at[pl.ds(r0, LAST)],
                            acc_sh.at[pl.ds(r0, LAST)])

        plsc.subcore_barrier()

        for half in range(2):
            pltpu.sync_copy(src_hbm.at[pl.ds(w * CH + half * CH2, CH2)],
                            src_v)
            pltpu.sync_copy(dst_hbm.at[pl.ds(w * CH + half * CH2, CH2)],
                            dst_v)
            pltpu.async_copy(h_hbm.at[src_v.at[0]], bufA, gA)

            def body(i, carry):
                j0 = i * 2
                pltpu.make_async_copy(h_hbm.at[src_v.at[j0]], bufA, gA).wait()
                pltpu.async_copy(bufA, acc_sh.at[dst_v.at[j0]], sA, add=True)

                @pl.when(i > 0)
                def _():
                    pltpu.make_async_copy(bufB, acc_sh.at[dst_v.at[j0 - 1]],
                                          sB).wait()

                pltpu.async_copy(h_hbm.at[src_v.at[j0 + 1]], bufB, gB)
                pltpu.make_async_copy(h_hbm.at[src_v.at[j0 + 1]], bufB,
                                      gB).wait()
                pltpu.async_copy(bufB, acc_sh.at[dst_v.at[j0 + 1]], sB,
                                 add=True)

                @pl.when(j0 + 2 < CH2)
                def _():
                    pltpu.make_async_copy(bufA, acc_sh.at[dst_v.at[j0]],
                                          sA).wait()
                    pltpu.async_copy(h_hbm.at[src_v.at[j0 + 2]], bufA, gA)

                return carry

            lax.fori_loop(0, CH2 // 2, body, 0)
            pltpu.make_async_copy(bufA, acc_sh.at[dst_v.at[CH2 - 2]],
                                  sA).wait()
            pltpu.make_async_copy(bufB, acc_sh.at[dst_v.at[CH2 - 1]],
                                  sB).wait()

        plsc.subcore_barrier()

        @pl.when(s < _NTILES - 1)
        def _():
            pltpu.sync_copy(acc_sh.at[pl.ds(r0, FULL)],
                            out_hbm.at[c, pl.ds(r0, FULL)])

        @pl.when(s == _NTILES - 1)
        def _():
            pltpu.sync_copy(acc_sh.at[pl.ds(r0, LAST)],
                            out_hbm.at[c, pl.ds(r0, LAST)])

    return sc_agg


def _mlp_body(h_ref, a_ref, w1_ref, b1_ref, g1_ref,
              be1_ref, w2_ref, b2_ref, g2_ref, be2_ref, hout_ref):
    y = a_ref[0] + a_ref[1] - h_ref[...]
    h1 = jnp.maximum(
        jnp.dot(y, w1_ref[...], preferred_element_type=jnp.float32, precision=lax.Precision.HIGHEST)
        + b1_ref[...], 0.0)
    m1 = jnp.mean(h1, axis=0, keepdims=True)
    v1 = jnp.mean((h1 - m1) ** 2, axis=0, keepdims=True)
    h1 = (h1 - m1) / jnp.sqrt(v1 + 1e-5) * g1_ref[...] + be1_ref[...]
    h2 = jnp.maximum(
        jnp.dot(h1, w2_ref[...], preferred_element_type=jnp.float32, precision=lax.Precision.HIGHEST)
        + b2_ref[...], 0.0)
    m2 = jnp.mean(h2, axis=0, keepdims=True)
    v2 = jnp.mean((h2 - m2) ** 2, axis=0, keepdims=True)
    h2 = (h2 - m2) / jnp.sqrt(v2 + 1e-5) * g2_ref[...] + be2_ref[...]
    hout_ref[...] = h2


def _pool_body(G, N, b_ref, h_ref, pool_ref):
    gids = lax.broadcasted_iota(jnp.int32, (G, N), 0)
    onehot = (gids == b_ref[...]).astype(jnp.float32)
    pool_ref[...] = jnp.dot(onehot, h_ref[...],
                            preferred_element_type=jnp.float32,
                            precision=lax.Precision.HIGHEST)


def _cls_body(f_ref, gc_ref, bcn_ref, w1_ref, b1_ref, w2_ref, b2_ref, o_ref):
    f = f_ref[...]
    m = jnp.mean(f, axis=0, keepdims=True)
    v = jnp.mean((f - m) ** 2, axis=0, keepdims=True)
    f = (f - m) / jnp.sqrt(v + 1e-5) * gc_ref[...] + bcn_ref[...]
    f = jnp.maximum(
        jnp.dot(f, w1_ref[...], preferred_element_type=jnp.float32, precision=lax.Precision.HIGHEST)
        + b1_ref[...], 0.0)
    z = jnp.dot(f, w2_ref[...], preferred_element_type=jnp.float32, precision=lax.Precision.HIGHEST) + b2_ref[...]
    zm = jnp.max(z, axis=-1, keepdims=True)
    o_ref[...] = (z - zm) - jnp.log(
        jnp.sum(jnp.exp(z - zm), axis=-1, keepdims=True))


def kernel(x, edge_index, batch, W1, b1, g1, be1, W2, b2, g2, be2, gc, bcn,
           Wc1, bc1, Wc2, bc2):
    N, D = x.shape
    E = edge_index.shape[1]
    BLOCKS = W1.shape[0]
    G = 64
    C = Wc2.shape[1]

    CH = -(-E // (_NW * _L))
    CH = -(-CH // 4) * 4
    Epad = _NW * CH * _L
    NPAD = N + _L
    src = edge_index[0]
    dst = edge_index[1]
    pad = Epad - E
    lanes = jnp.arange(pad, dtype=jnp.int32) % _L
    srcp = jnp.concatenate([src, lanes]).reshape(_NW * CH, _L)
    dstp = jnp.concatenate([dst, N + lanes]).reshape(_NW * CH, _L)
    batch_row = batch.reshape(1, N)

    sc_agg = _make_sc_agg(N, D, CH, NPAD)

    mlp = pl.pallas_call(
        _mlp_body,
        out_shape=jax.ShapeDtypeStruct((N, D), jnp.float32),
    )

    pool = pl.pallas_call(
        functools.partial(_pool_body, G, N),
        out_shape=jax.ShapeDtypeStruct((G, D), jnp.float32),
    )

    cls = pl.pallas_call(
        _cls_body,
        out_shape=jax.ShapeDtypeStruct((G, C), jnp.float32),
    )

    h = x
    pooled = []
    for i in range(BLOCKS):
        acc = sc_agg(h, srcp, dstp)
        h = mlp(h, acc,
                W1[i], b1[i].reshape(1, D), g1[i].reshape(1, D),
                be1[i].reshape(1, D),
                W2[i], b2[i].reshape(1, D), g2[i].reshape(1, D),
                be2[i].reshape(1, D))
        pooled.append(pool(batch_row, h))

    f = jnp.concatenate(pooled, axis=1)
    return cls(f, gc.reshape(1, -1), bcn.reshape(1, -1), Wc1,
               bc1.reshape(1, -1), Wc2, bc2.reshape(1, -1))

# --- scband reference (transcript-rebuilt; emitter-appended) ---
"""Pipeline reference for scband-net-18184891531554 (READ-ONLY COPY).

The authoritative reference and input builder live on the scoring server;
editing this copy changes nothing except your own understanding.
"""

import jax, jax.numpy as jnp
import numpy as np

N = 10000
E = 320000
D = 128
BLOCKS = 5
G = 64
C = 10


def _bn(h, gamma, beta):
    m = jnp.mean(h, axis=0, keepdims=True)
    v = jnp.var(h, axis=0, keepdims=True)
    return (h - m) / jnp.sqrt(v + 1e-5) * gamma + beta


def setup_inputs(seed: int = 0) -> dict:
    key = jax.random.key(seed)
    ks = jax.random.split(key, 20)
    scale = 0.05
    x = jax.random.normal(ks[0], (N, D), dtype=jnp.float32)
    edge_index = jax.random.randint(ks[1], (2, E), 0, N, dtype=jnp.int32)
    batch = jnp.sort(jax.random.randint(ks[2], (N,), 0, G, dtype=jnp.int32))
    W1 = jax.random.normal(ks[3], (BLOCKS, D, D), dtype=jnp.float32) * scale
    b1 = jnp.zeros((BLOCKS, D), dtype=jnp.float32)
    g1 = jnp.ones((BLOCKS, D), dtype=jnp.float32)
    be1 = jnp.zeros((BLOCKS, D), dtype=jnp.float32)
    W2 = jax.random.normal(ks[4], (BLOCKS, D, D), dtype=jnp.float32) * scale
    b2 = jnp.zeros((BLOCKS, D), dtype=jnp.float32)
    g2 = jnp.ones((BLOCKS, D), dtype=jnp.float32)
    be2 = jnp.zeros((BLOCKS, D), dtype=jnp.float32)
    gc = jnp.ones((BLOCKS * D,), dtype=jnp.float32)
    bcn = jnp.zeros((BLOCKS * D,), dtype=jnp.float32)
    Wc1 = jax.random.normal(ks[5], (BLOCKS * D, D), dtype=jnp.float32) * scale
    bc1 = jnp.zeros((D,), dtype=jnp.float32)
    Wc2 = jax.random.normal(ks[6], (D, C), dtype=jnp.float32) * scale
    bc2 = jnp.zeros((C,), dtype=jnp.float32)
    return {"x": x, "edge_index": edge_index, "batch": batch,
            "W1": W1, "b1": b1, "g1": g1, "be1": be1,
            "W2": W2, "b2": b2, "g2": g2, "be2": be2,
            "gc": gc, "bcn": bcn, "Wc1": Wc1, "bc1": bc1,
            "Wc2": Wc2, "bc2": bc2}


def reference(x, edge_index, batch, W1, b1, g1, be1, W2, b2, g2, be2, gc, bcn, Wc1, bc1, Wc2, bc2):
    src = edge_index[0]
    dst = edge_index[1]
    h = x
    feats = []
    for i in range(BLOCKS):
        # GINConv with eps=0: nn((1+eps)*x + sum_{j in N(i)} x_j)
        agg = jnp.zeros_like(h).at[dst].add(h[src])
        h = h + agg
        h = jax.nn.relu(h @ W1[i] + b1[i])
        h = _bn(h, g1[i], be1[i])
        h = jax.nn.relu(h @ W2[i] + b2[i])
        h = _bn(h, g2[i], be2[i])
        # global_add_pool (model='sum')
        feats.append(jax.ops.segment_sum(h, batch, num_segments=G))
    f = jnp.concatenate(feats, axis=1)
    # classifier: BatchNorm1d -> Linear -> ReLU -> Dropout(eval: identity) -> Linear
    f = _bn(f, gc, bcn)
    f = jax.nn.relu(f @ Wc1 + bc1)
    f = f @ Wc2 + bc2
    return jax.nn.log_softmax(f, axis=-1)

if __name__ == "__main__":
    import jax
    _d = setup_inputs()
    print(jax.jit(kernel)(*tuple(_d.values())))

</pallas_src>

<mosaic_0001>
#map = affine_map<(d0, d1) -> (0, 0)>
#map1 = affine_map<(d0, d1) -> (0, 0, 0)>
module attributes {stable_mosaic.version = 14 : i64} {
  func.func @sc_agg(%arg0: i32, %arg1: i32, %arg2: memref<10000x128xf32, #tpu.memory_space<hbm>>, %arg3: memref<2560x128xi32, #tpu.memory_space<hbm>>, %arg4: memref<2560x128xi32, #tpu.memory_space<hbm>>, %arg5: memref<2x10000x128xf32, #tpu.memory_space<hbm>>, %arg6: memref<40x128xi32, #tpu.memory_space<vmem>>, %arg7: memref<40x128xi32, #tpu.memory_space<vmem>>, %arg8: memref<128x128xf32, #tpu.memory_space<vmem>>, %arg9: memref<128x128xf32, #tpu.memory_space<vmem>>, %arg10: memref<10128x128xf32, #tpu.memory_space<vmem_shared>>, %arg11: memref<!tpu.dma_semaphore, #tpu.memory_space<semaphore_mem>>, %arg12: memref<!tpu.dma_semaphore, #tpu.memory_space<semaphore_mem>>, %arg13: memref<!tpu.dma_semaphore, #tpu.memory_space<semaphore_mem>>, %arg14: memref<!tpu.dma_semaphore, #tpu.memory_space<semaphore_mem>>) attributes {dimension_semantics = [#tpu.dimension_semantics<core_parallel>, #tpu.dimension_semantics<subcore_parallel>], iteration_bounds = array<i64: 2, 16>, scalar_prefetch = 0 : i64, scratch_operands = 9 : i64, tpu.core_type = #tpu.core_type<sc_vector_subcore>, window_params = [{transform_indices = #map}, {transform_indices = #map}, {transform_indices = #map}, {transform_indices = #map1}]} {
    %mul3A = arith.constant 16 : i32
    %mul3A_0 = arith.muli %arg0, %mul3A : i32
    %add3A = arith.addi %mul3A_0, %arg1 : i32
    %mul3A_1 = arith.constant 632 : i32
    %mul3A_2 = arith.muli %arg1, %mul3A_1 : i32
    %multiple_of3A = tpu.assume_multiple %mul3A_2, 8 : i32
    %lt3A = arith.constant 15 : i32
    %lt3A_3 = arith.cmpi slt, %arg1, %lt3A : i32
    %convert_element_type3A = arith.extui %lt3A_3 : i1 to i32
    %cond3A = arith.constant 0 : i32
    %cond3A_4 = arith.cmpi ne, %convert_element_type3A, %cond3A : i32
    scf.if %cond3A_4 {
      "tpu.region"() ({
        %run_scoped3A = tpu.sem_alloc : memref<!tpu.dma_semaphore, #tpu.memory_space<semaphore_mem>>
        %dma_start3A_87 = arith.constant 0 : i32
        %dma_start3A_88 = tpu.memref_slice %arg10[%multiple_of3A, %dma_start3A_87] : memref<10128x128xf32, #tpu.memory_space<vmem_shared>> -> memref<632x128xf32, #tpu.memory_space<vmem_shared>>
        %dma_start3A_89 = arith.constant 0 : i32
        %dma_start3A_90 = tpu.memref_slice %arg2[%multiple_of3A, %dma_start3A_89] : memref<10000x128xf32, #tpu.memory_space<hbm>> -> memref<632x128xf32, #tpu.memory_space<hbm>>
        tpu.enqueue_dma source(%dma_start3A_90 : memref<632x128xf32, #tpu.memory_space<hbm>>) target(%dma_start3A_88 : memref<632x128xf32, #tpu.memory_space<vmem_shared>>) target_semaphore(%run_scoped3A : memref<!tpu.dma_semaphore, #tpu.memory_space<semaphore_mem>>)
        %dma_wait3A_91 = arith.constant 0 : i32
        %dma_wait3A_92 = tpu.memref_slice %arg10[%multiple_of3A, %dma_wait3A_91] : memref<10128x128xf32, #tpu.memory_space<vmem_shared>> -> memref<632x128xf32, #tpu.memory_space<vmem_shared>>
        %dma_wait3A_93 = arith.constant 0 : i32
        %dma_wait3A_94 = tpu.memref_slice %arg2[%multiple_of3A, %dma_wait3A_93] : memref<10000x128xf32, #tpu.memory_space<hbm>> -> memref<632x128xf32, #tpu.memory_space<hbm>>
        tpu.wait_dma2 semaphore(%run_scoped3A : memref<!tpu.dma_semaphore, #tpu.memory_space<semaphore_mem>>) src(%dma_wait3A_94 : memref<632x128xf32, #tpu.memory_space<hbm>>) dst(%dma_wait3A_92 : memref<632x128xf32, #tpu.memory_space<vmem_shared>>)
        tpu.yield
      }) : () -> ()
    } else {
    }
    %eq3A = arith.constant 15 : i32
    %eq3A_5 = arith.cmpi eq, %arg1, %eq3A : i32
    %convert_element_type3A_6 = arith.extui %eq3A_5 : i1 to i32
    %cond3A_7 = arith.constant 0 : i32
    %cond3A_8 = arith.cmpi ne, %convert_element_type3A_6, %cond3A_7 : i32
    scf.if %cond3A_8 {
      "tpu.region"() ({
        %run_scoped3A = tpu.sem_alloc : memref<!tpu.dma_semaphore, #tpu.memory_space<semaphore_mem>>
        %dma_start3A_87 = arith.constant 0 : i32
        %dma_start3A_88 = tpu.memref_slice %arg10[%multiple_of3A, %dma_start3A_87] : memref<10128x128xf32, #tpu.memory_space<vmem_shared>> -> memref<520x128xf32, #tpu.memory_space<vmem_shared>>
        %dma_start3A_89 = arith.constant 0 : i32
        %dma_start3A_90 = tpu.memref_slice %arg2[%multiple_of3A, %dma_start3A_89] : memref<10000x128xf32, #tpu.memory_space<hbm>> -> memref<520x128xf32, #tpu.memory_space<hbm>>
        tpu.enqueue_dma source(%dma_start3A_90 : memref<520x128xf32, #tpu.memory_space<hbm>>) target(%dma_start3A_88 : memref<520x128xf32, #tpu.memory_space<vmem_shared>>) target_semaphore(%run_scoped3A : memref<!tpu.dma_semaphore, #tpu.memory_space<semaphore_mem>>)
        %dma_wait3A_91 = arith.constant 0 : i32
        %dma_wait3A_92 = tpu.memref_slice %arg10[%multiple_of3A, %dma_wait3A_91] : memref<10128x128xf32, #tpu.memory_space<vmem_shared>> -> memref<520x128xf32, #tpu.memory_space<vmem_shared>>
        %dma_wait3A_93 = arith.constant 0 : i32
        %dma_wait3A_94 = tpu.memref_slice %arg2[%multiple_of3A, %dma_wait3A_93] : memref<10000x128xf32, #tpu.memory_space<hbm>> -> memref<520x128xf32, #tpu.memory_space<hbm>>
        tpu.wait_dma2 semaphore(%run_scoped3A : memref<!tpu.dma_semaphore, #tpu.memory_space<semaphore_mem>>) src(%dma_wait3A_94 : memref<520x128xf32, #tpu.memory_space<hbm>>) dst(%dma_wait3A_92 : memref<520x128xf32, #tpu.memory_space<vmem_shared>>)
        tpu.yield
      }) : () -> ()
    } else {
    }
    %barrier3A = arith.constant 0 : index
    tpu.barrier barrier_id(%barrier3A)
    %mul3A_9 = arith.constant 80 : i32
    %mul3A_10 = arith.muli %add3A, %mul3A_9 : i32
    %add3A_11 = arith.constant 0 : i32
    %add3A_12 = arith.addi %mul3A_10, %add3A_11 : i32
    "tpu.region"() ({
      %run_scoped3A = tpu.sem_alloc : memref<!tpu.dma_semaphore, #tpu.memory_space<semaphore_mem>>
      %dma_start3A_87 = arith.constant 0 : i32
      %dma_start3A_88 = tpu.memref_slice %arg3[%add3A_12, %dma_start3A_87] : memref<2560x128xi32, #tpu.memory_space<hbm>> -> memref<40x128xi32, #tpu.memory_space<hbm>>
      %dma_start3A_89 = arith.constant 0 : i32
      %dma_start3A_90 = tpu.memref_slice %arg3[%add3A_12, %dma_start3A_89] : memref<2560x128xi32, #tpu.memory_space<hbm>> -> memref<40x128xi32, #tpu.memory_space<hbm>>
      tpu.enqueue_dma source(%dma_start3A_90 : memref<40x128xi32, #tpu.memory_space<hbm>>) target(%arg6 : memref<40x128xi32, #tpu.memory_space<vmem>>) target_semaphore(%run_scoped3A : memref<!tpu.dma_semaphore, #tpu.memory_space<semaphore_mem>>)
      %dma_wait3A_91 = arith.constant 0 : i32
      %dma_wait3A_92 = tpu.memref_slice %arg3[%add3A_12, %dma_wait3A_91] : memref<2560x128xi32, #tpu.memory_space<hbm>> -> memref<40x128xi32, #tpu.memory_space<hbm>>
      %dma_wait3A_93 = arith.constant 0 : i32
      %dma_wait3A_94 = tpu.memref_slice %arg3[%add3A_12, %dma_wait3A_93] : memref<2560x128xi32, #tpu.memory_space<hbm>> -> memref<40x128xi32, #tpu.memory_space<hbm>>
      tpu.wait_dma2 semaphore(%run_scoped3A : memref<!tpu.dma_semaphore, #tpu.memory_space<semaphore_mem>>) src(%dma_wait3A_94 : memref<40x128xi32, #tpu.memory_space<hbm>>) dst(%arg6 : memref<40x128xi32, #tpu.memory_space<vmem>>)
      tpu.yield
    }) : () -> ()
    %mul3A_13 = arith.constant 80 : i32
    %mul3A_14 = arith.muli %add3A, %mul3A_13 : i32
    %add3A_15 = arith.constant 0 : i32
    %add3A_16 = arith.addi %mul3A_14, %add3A_15 : i32
    "tpu.region"() ({
      %run_scoped3A = tpu.sem_alloc : memref<!tpu.dma_semaphore, #tpu.memory_space<semaphore_mem>>
      %dma_start3A_87 = arith.constant 0 : i32
      %dma_start3A_88 = tpu.memref_slice %arg4[%add3A_16, %dma_start3A_87] : memref<2560x128xi32, #tpu.memory_space<hbm>> -> memref<40x128xi32, #tpu.memory_space<hbm>>
      %dma_start3A_89 = arith.constant 0 : i32
      %dma_start3A_90 = tpu.memref_slice %arg4[%add3A_16, %dma_start3A_89] : memref<2560x128xi32, #tpu.memory_space<hbm>> -> memref<40x128xi32, #tpu.memory_space<hbm>>
      tpu.enqueue_dma source(%dma_start3A_90 : memref<40x128xi32, #tpu.memory_space<hbm>>) target(%arg7 : memref<40x128xi32, #tpu.memory_space<vmem>>) target_semaphore(%run_scoped3A : memref<!tpu.dma_semaphore, #tpu.memory_space<semaphore_mem>>)
      %dma_wait3A_91 = arith.constant 0 : i32
      %dma_wait3A_92 = tpu.memref_slice %arg4[%add3A_16, %dma_wait3A_91] : memref<2560x128xi32, #tpu.memory_space<hbm>> -> memref<40x128xi32, #tpu.memory_space<hbm>>
      %dma_wait3A_93 = arith.constant 0 : i32
      %dma_wait3A_94 = tpu.memref_slice %arg4[%add3A_16, %dma_wait3A_93] : memref<2560x128xi32, #tpu.memory_space<hbm>> -> memref<40x128xi32, #tpu.memory_space<hbm>>
      tpu.wait_dma2 semaphore(%run_scoped3A : memref<!tpu.dma_semaphore, #tpu.memory_space<semaphore_mem>>) src(%dma_wait3A_94 : memref<40x128xi32, #tpu.memory_space<hbm>>) dst(%arg7 : memref<40x128xi32, #tpu.memory_space<vmem>>)
      tpu.yield
    }) : () -> ()
    %dma_start3A = arith.constant 0 : i32
    %dma_start3A_17 = arith.constant 0 : i32
    %dma_start3A_18 = tpu.memref_slice %arg6[%dma_start3A, %dma_start3A_17] : memref<40x128xi32, #tpu.memory_space<vmem>> -> memref<1x128xi32, #tpu.memory_space<vmem>>
    %dma_start3A_19 = tpu.memref_squeeze %dma_start3A_18 : memref<1x128xi32, #tpu.memory_space<vmem>> -> memref<128xi32, #tpu.memory_space<vmem>>
    %dma_start3A_20 = arith.constant 0 : i32
    %dma_start3A_21 = arith.constant 0 : i32
    %dma_start3A_22 = tpu.memref_slice %arg2[%dma_start3A_20, %dma_start3A_21] : memref<10000x128xf32, #tpu.memory_space<hbm>> -> memref<10000x128xf32, #tpu.memory_space<hbm>>
    tpu.enqueue_indirect_dma source(%dma_start3A_22 : memref<10000x128xf32, #tpu.memory_space<hbm>>) target(%arg8 : memref<128x128xf32, #tpu.memory_space<vmem>>) offsets(%dma_start3A_19 : memref<128xi32, #tpu.memory_space<vmem>>) semaphore(%arg11 : memref<!tpu.dma_semaphore, #tpu.memory_space<semaphore_mem>>)
    %scan3A = arith.constant 0 : i32
    %scan3A_23 = arith.constant 0 : i32
    %scan3A_24 = arith.constant 20 : i32
    %scan3A_25 = arith.addi %scan3A_23, %scan3A_24 : i32
    %scan3A_26 = arith.constant 1 : i32
    scf.for %scan3A_87 = %scan3A_23 to %scan3A_25 step %scan3A_26  : i32 {
      %mul3A_88 = arith.constant 2 : i32
      %mul3A_89 = arith.muli %scan3A_87, %mul3A_88 : i32
      %dma_wait3A_90 = arith.constant 0 : i32
      %dma_wait3A_91 = tpu.memref_slice %arg6[%mul3A_89, %dma_wait3A_90] : memref<40x128xi32, #tpu.memory_space<vmem>> -> memref<1x128xi32, #tpu.memory_space<vmem>>
      %dma_wait3A_92 = tpu.memref_squeeze %dma_wait3A_91 : memref<1x128xi32, #tpu.memory_space<vmem>> -> memref<128xi32, #tpu.memory_space<vmem>>
      %dma_wait3A_93 = arith.constant 0 : i32
      %dma_wait3A_94 = arith.constant 0 : i32
      %dma_wait3A_95 = tpu.memref_slice %arg2[%dma_wait3A_93, %dma_wait3A_94] : memref<10000x128xf32, #tpu.memory_space<hbm>> -> memref<10000x128xf32, #tpu.memory_space<hbm>>
      tpu.wait_indirect_dma semaphore(%arg11 : memref<!tpu.dma_semaphore, #tpu.memory_space<semaphore_mem>>) src(%dma_wait3A_95 : memref<10000x128xf32, #tpu.memory_space<hbm>>) dst(%arg8 : memref<128x128xf32, #tpu.memory_space<vmem>>)
      %dma_start3A_96 = arith.constant 0 : i32
      %dma_start3A_97 = tpu.memref_slice %arg7[%mul3A_89, %dma_start3A_96] : memref<40x128xi32, #tpu.memory_space<vmem>> -> memref<1x128xi32, #tpu.memory_space<vmem>>
      %dma_start3A_98 = tpu.memref_squeeze %dma_start3A_97 : memref<1x128xi32, #tpu.memory_space<vmem>> -> memref<128xi32, #tpu.memory_space<vmem>>
      %dma_start3A_99 = arith.constant 0 : i32
      %dma_start3A_100 = arith.constant 0 : i32
      %dma_start3A_101 = tpu.memref_slice %arg10[%dma_start3A_99, %dma_start3A_100] : memref<10128x128xf32, #tpu.memory_space<vmem_shared>> -> memref<10128x128xf32, #tpu.memory_space<vmem_shared>>
      tpu.enqueue_indirect_dma source(%arg8 : memref<128x128xf32, #tpu.memory_space<vmem>>) target(%dma_start3A_101 : memref<10128x128xf32, #tpu.memory_space<vmem_shared>>) offsets(%dma_start3A_98 : memref<128xi32, #tpu.memory_space<vmem>>) semaphore(%arg13 : memref<!tpu.dma_semaphore, #tpu.memory_space<semaphore_mem>>) {add = true}
      %gt3A = arith.constant 0 : i32
      %gt3A_102 = arith.cmpi sgt, %scan3A_87, %gt3A : i32
      %convert_element_type3A_103 = arith.extui %gt3A_102 : i1 to i32
      %cond3A_104 = arith.constant 0 : i32
      %cond3A_105 = arith.cmpi ne, %convert_element_type3A_103, %cond3A_104 : i32
      scf.if %cond3A_105 {
        %sub3A = arith.constant 1 : i32
        %sub3A_137 = arith.subi %mul3A_89, %sub3A : i32
        %dma_wait3A_138 = arith.constant 0 : i32
        %dma_wait3A_139 = tpu.memref_slice %arg7[%sub3A_137, %dma_wait3A_138] : memref<40x128xi32, #tpu.memory_space<vmem>> -> memref<1x128xi32, #tpu.memory_space<vmem>>
        %dma_wait3A_140 = tpu.memref_squeeze %dma_wait3A_139 : memref<1x128xi32, #tpu.memory_space<vmem>> -> memref<128xi32, #tpu.memory_space<vmem>>
        %dma_wait3A_141 = arith.constant 0 : i32
        %dma_wait3A_142 = arith.constant 0 : i32
        %dma_wait3A_143 = tpu.memref_slice %arg10[%dma_wait3A_141, %dma_wait3A_142] : memref<10128x128xf32, #tpu.memory_space<vmem_shared>> -> memref<10128x128xf32, #tpu.memory_space<vmem_shared>>
        tpu.wait_indirect_dma semaphore(%arg14 : memref<!tpu.dma_semaphore, #tpu.memory_space<semaphore_mem>>) src(%arg9 : memref<128x128xf32, #tpu.memory_space<vmem>>) dst(%dma_wait3A_143 : memref<10128x128xf32, #tpu.memory_space<vmem_shared>>)
      } else {
      }
      %add3A_106 = arith.constant 1 : i32
      %add3A_107 = arith.addi %mul3A_89, %add3A_106 : i32
      %dma_start3A_108 = arith.constant 0 : i32
      %dma_start3A_109 = tpu.memref_slice %arg6[%add3A_107, %dma_start3A_108] : memref<40x128xi32, #tpu.memory_space<vmem>> -> memref<1x128xi32, #tpu.memory_space<vmem>>
      %dma_start3A_110 = tpu.memref_squeeze %dma_start3A_109 : memref<1x128xi32, #tpu.memory_space<vmem>> -> memref<128xi32, #tpu.memory_space<vmem>>
      %dma_start3A_111 = arith.constant 0 : i32
      %dma_start3A_112 = arith.constant 0 : i32
      %dma_start3A_113 = tpu.memref_slice %arg2[%dma_start3A_111, %dma_start3A_112] : memref<10000x128xf32, #tpu.memory_space<hbm>> -> memref<10000x128xf32, #tpu.memory_space<hbm>>
      tpu.enqueue_indirect_dma source(%dma_start3A_113 : memref<10000x128xf32, #tpu.memory_space<hbm>>) target(%arg9 : memref<128x128xf32, #tpu.memory_space<vmem>>) offsets(%dma_start3A_110 : memref<128xi32, #tpu.memory_space<vmem>>) semaphore(%arg12 : memref<!tpu.dma_semaphore, #tpu.memory_space<semaphore_mem>>)
      %add3A_114 = arith.constant 1 : i32
      %add3A_115 = arith.addi %mul3A_89, %add3A_114 : i32
      %dma_wait3A_116 = arith.constant 0 : i32
      %dma_wait3A_117 = tpu.memref_slice %arg6[%add3A_115, %dma_wait3A_116] : memref<40x128xi32, #tpu.memory_space<vmem>> -> memref<1x128xi32, #tpu.memory_space<vmem>>
      %dma_wait3A_118 = tpu.memref_squeeze %dma_wait3A_117 : memref<1x128xi32, #tpu.memory_space<vmem>> -> memref<128xi32, #tpu.memory_space<vmem>>
      %dma_wait3A_119 = arith.constant 0 : i32
      %dma_wait3A_120 = arith.constant 0 : i32
      %dma_wait3A_121 = tpu.memref_slice %arg2[%dma_wait3A_119, %dma_wait3A_120] : memref<10000x128xf32, #tpu.memory_space<hbm>> -> memref<10000x128xf32, #tpu.memory_space<hbm>>
      tpu.wait_indirect_dma semaphore(%arg12 : memref<!tpu.dma_semaphore, #tpu.memory_space<semaphore_mem>>) src(%dma_wait3A_121 : memref<10000x128xf32, #tpu.memory_space<hbm>>) dst(%arg9 : memref<128x128xf32, #tpu.memory_space<vmem>>)
      %add3A_122 = arith.constant 1 : i32
      %add3A_123 = arith.addi %mul3A_89, %add3A_122 : i32
      %dma_start3A_124 = arith.constant 0 : i32
      %dma_start3A_125 = tpu.memref_slice %arg7[%add3A_123, %dma_start3A_124] : memref<40x128xi32, #tpu.memory_space<vmem>> -> memref<1x128xi32, #tpu.memory_space<vmem>>
      %dma_start3A_126 = tpu.memref_squeeze %dma_start3A_125 : memref<1x128xi32, #tpu.memory_space<vmem>> -> memref<128xi32, #tpu.memory_space<vmem>>
      %dma_start3A_127 = arith.constant 0 : i32
      %dma_start3A_128 = arith.constant 0 : i32
      %dma_start3A_129 = tpu.memref_slice %arg10[%dma_start3A_127, %dma_start3A_128] : memref<10128x128xf32, #tpu.memory_space<vmem_shared>> -> memref<10128x128xf32, #tpu.memory_space<vmem_shared>>
      tpu.enqueue_indirect_dma source(%arg9 : memref<128x128xf32, #tpu.memory_space<vmem>>) target(%dma_start3A_129 : memref<10128x128xf32, #tpu.memory_space<vmem_shared>>) offsets(%dma_start3A_126 : memref<128xi32, #tpu.memory_space<vmem>>) semaphore(%arg14 : memref<!tpu.dma_semaphore, #tpu.memory_space<semaphore_mem>>) {add = true}
      %add3A_130 = arith.constant 2 : i32
      %add3A_131 = arith.addi %mul3A_89, %add3A_130 : i32
      %lt3A_132 = arith.constant 40 : i32
      %lt3A_133 = arith.cmpi slt, %add3A_131, %lt3A_132 : i32
      %convert_element_type3A_134 = arith.extui %lt3A_133 : i1 to i32
      %cond3A_135 = arith.constant 0 : i32
      %cond3A_136 = arith.cmpi ne, %convert_element_type3A_134, %cond3A_135 : i32
      scf.if %cond3A_136 {
        %dma_wait3A_137 = arith.constant 0 : i32
        %dma_wait3A_138 = tpu.memref_slice %arg7[%mul3A_89, %dma_wait3A_137] : memref<40x128xi32, #tpu.memory_space<vmem>> -> memref<1x128xi32, #tpu.memory_space<vmem>>
        %dma_wait3A_139 = tpu.memref_squeeze %dma_wait3A_138 : memref<1x128xi32, #tpu.memory_space<vmem>> -> memref<128xi32, #tpu.memory_space<vmem>>
        %dma_wait3A_140 = arith.constant 0 : i32
        %dma_wait3A_141 = arith.constant 0 : i32
        %dma_wait3A_142 = tpu.memref_slice %arg10[%dma_wait3A_140, %dma_wait3A_141] : memref<10128x128xf32, #tpu.memory_space<vmem_shared>> -> memref<10128x128xf32, #tpu.memory_space<vmem_shared>>
        tpu.wait_indirect_dma semaphore(%arg13 : memref<!tpu.dma_semaphore, #tpu.memory_space<semaphore_mem>>) src(%arg8 : memref<128x128xf32, #tpu.memory_space<vmem>>) dst(%dma_wait3A_142 : memref<10128x128xf32, #tpu.memory_space<vmem_shared>>)
        %add3A_143 = arith.constant 2 : i32
        %add3A_144 = arith.addi %mul3A_89, %add3A_143 : i32
        %dma_start3A_145 = arith.constant 0 : i32
        %dma_start3A_146 = tpu.memref_slice %arg6[%add3A_144, %dma_start3A_145] : memref<40x128xi32, #tpu.memory_space<vmem>> -> memref<1x128xi32, #tpu.memory_space<vmem>>
        %dma_start3A_147 = tpu.memref_squeeze %dma_start3A_146 : memref<1x128xi32, #tpu.memory_space<vmem>> -> memref<128xi32, #tpu.memory_space<vmem>>
        %dma_start3A_148 = arith.constant 0 : i32
        %dma_start3A_149 = arith.constant 0 : i32
        %dma_start3A_150 = tpu.memref_slice %arg2[%dma_start3A_148, %dma_start3A_149] : memref<10000x128xf32, #tpu.memory_space<hbm>> -> memref<10000x128xf32, #tpu.memory_space<hbm>>
        tpu.enqueue_indirect_dma source(%dma_start3A_150 : memref<10000x128xf32, #tpu.memory_space<hbm>>) target(%arg8 : memref<128x128xf32, #tpu.memory_space<vmem>>) offsets(%dma_start3A_147 : memref<128xi32, #tpu.memory_space<vmem>>) semaphore(%arg11 : memref<!tpu.dma_semaphore, #tpu.memory_space<semaphore_mem>>)
      } else {
      }
    }
    %scan3A_27 = arith.constant 20 : i32
    %dma_wait3A = arith.constant 38 : i32
    %dma_wait3A_28 = arith.constant 0 : i32
    %dma_wait3A_29 = tpu.memref_slice %arg7[%dma_wait3A, %dma_wait3A_28] : memref<40x128xi32, #tpu.memory_space<vmem>> -> memref<1x128xi32, #tpu.memory_space<vmem>>
    %dma_wait3A_30 = tpu.memref_squeeze %dma_wait3A_29 : memref<1x128xi32, #tpu.memory_space<vmem>> -> memref<128xi32, #tpu.memory_space<vmem>>
    %dma_wait3A_31 = arith.constant 0 : i32
    %dma_wait3A_32 = arith.constant 0 : i32
    %dma_wait3A_33 = tpu.memref_slice %arg10[%dma_wait3A_31, %dma_wait3A_32] : memref<10128x128xf32, #tpu.memory_space<vmem_shared>> -> memref<10128x128xf32, #tpu.memory_space<vmem_shared>>
    tpu.wait_indirect_dma semaphore(%arg13 : memref<!tpu.dma_semaphore, #tpu.memory_space<semaphore_mem>>) src(%arg8 : memref<128x128xf32, #tpu.memory_space<vmem>>) dst(%dma_wait3A_33 : memref<10128x128xf32, #tpu.memory_space<vmem_shared>>)
    %dma_wait3A_34 = arith.constant 39 : i32
    %dma_wait3A_35 = arith.constant 0 : i32
    %dma_wait3A_36 = tpu.memref_slice %arg7[%dma_wait3A_34, %dma_wait3A_35] : memref<40x128xi32, #tpu.memory_space<vmem>> -> memref<1x128xi32, #tpu.memory_space<vmem>>
    %dma_wait3A_37 = tpu.memref_squeeze %dma_wait3A_36 : memref<1x128xi32, #tpu.memory_space<vmem>> -> memref<128xi32, #tpu.memory_space<vmem>>
    %dma_wait3A_38 = arith.constant 0 : i32
    %dma_wait3A_39 = arith.constant 0 : i32
    %dma_wait3A_40 = tpu.memref_slice %arg10[%dma_wait3A_38, %dma_wait3A_39] : memref<10128x128xf32, #tpu.memory_space<vmem_shared>> -> memref<10128x128xf32, #tpu.memory_space<vmem_shared>>
    tpu.wait_indirect_dma semaphore(%arg14 : memref<!tpu.dma_semaphore, #tpu.memory_space<semaphore_mem>>) src(%arg9 : memref<128x128xf32, #tpu.memory_space<vmem>>) dst(%dma_wait3A_40 : memref<10128x128xf32, #tpu.memory_space<vmem_shared>>)
    %mul3A_41 = arith.constant 80 : i32
    %mul3A_42 = arith.muli %add3A, %mul3A_41 : i32
    %add3A_43 = arith.constant 40 : i32
    %add3A_44 = arith.addi %mul3A_42, %add3A_43 : i32
    "tpu.region"() ({
      %run_scoped3A = tpu.sem_alloc : memref<!tpu.dma_semaphore, #tpu.memory_space<semaphore_mem>>
      %dma_start3A_87 = arith.constant 0 : i32
      %dma_start3A_88 = tpu.memref_slice %arg3[%add3A_44, %dma_start3A_87] : memref<2560x128xi32, #tpu.memory_space<hbm>> -> memref<40x128xi32, #tpu.memory_space<hbm>>
      %dma_start3A_89 = arith.constant 0 : i32
      %dma_start3A_90 = tpu.memref_slice %arg3[%add3A_44, %dma_start3A_89] : memref<2560x128xi32, #tpu.memory_space<hbm>> -> memref<40x128xi32, #tpu.memory_space<hbm>>
      tpu.enqueue_dma source(%dma_start3A_90 : memref<40x128xi32, #tpu.memory_space<hbm>>) target(%arg6 : memref<40x128xi32, #tpu.memory_space<vmem>>) target_semaphore(%run_scoped3A : memref<!tpu.dma_semaphore, #tpu.memory_space<semaphore_mem>>)
      %dma_wait3A_91 = arith.constant 0 : i32
      %dma_wait3A_92 = tpu.memref_slice %arg3[%add3A_44, %dma_wait3A_91] : memref<2560x128xi32, #tpu.memory_space<hbm>> -> memref<40x128xi32, #tpu.memory_space<hbm>>
      %dma_wait3A_93 = arith.constant 0 : i32
      %dma_wait3A_94 = tpu.memref_slice %arg3[%add3A_44, %dma_wait3A_93] : memref<2560x128xi32, #tpu.memory_space<hbm>> -> memref<40x128xi32, #tpu.memory_space<hbm>>
      tpu.wait_dma2 semaphore(%run_scoped3A : memref<!tpu.dma_semaphore, #tpu.memory_space<semaphore_mem>>) src(%dma_wait3A_94 : memref<40x128xi32, #tpu.memory_space<hbm>>) dst(%arg6 : memref<40x128xi32, #tpu.memory_space<vmem>>)
      tpu.yield
    }) : () -> ()
    %mul3A_45 = arith.constant 80 : i32
    %mul3A_46 = arith.muli %add3A, %mul3A_45 : i32
    %add3A_47 = arith.constant 40 : i32
    %add3A_48 = arith.addi %mul3A_46, %add3A_47 : i32
    "tpu.region"() ({
      %run_scoped3A = tpu.sem_alloc : memref<!tpu.dma_semaphore, #tpu.memory_space<semaphore_mem>>
      %dma_start3A_87 = arith.constant 0 : i32
      %dma_start3A_88 = tpu.memref_slice %arg4[%add3A_48, %dma_start3A_87] : memref<2560x128xi32, #tpu.memory_space<hbm>> -> memref<40x128xi32, #tpu.memory_space<hbm>>
      %dma_start3A_89 = arith.constant 0 : i32
      %dma_start3A_90 = tpu.memref_slice %arg4[%add3A_48, %dma_start3A_89] : memref<2560x128xi32, #tpu.memory_space<hbm>> -> memref<40x128xi32, #tpu.memory_space<hbm>>
      tpu.enqueue_dma source(%dma_start3A_90 : memref<40x128xi32, #tpu.memory_space<hbm>>) target(%arg7 : memref<40x128xi32, #tpu.memory_space<vmem>>) target_semaphore(%run_scoped3A : memref<!tpu.dma_semaphore, #tpu.memory_space<semaphore_mem>>)
      %dma_wait3A_91 = arith.constant 0 : i32
      %dma_wait3A_92 = tpu.memref_slice %arg4[%add3A_48, %dma_wait3A_91] : memref<2560x128xi32, #tpu.memory_space<hbm>> -> memref<40x128xi32, #tpu.memory_space<hbm>>
      %dma_wait3A_93 = arith.constant 0 : i32
      %dma_wait3A_94 = tpu.memref_slice %arg4[%add3A_48, %dma_wait3A_93] : memref<2560x128xi32, #tpu.memory_space<hbm>> -> memref<40x128xi32, #tpu.memory_space<hbm>>
      tpu.wait_dma2 semaphore(%run_scoped3A : memref<!tpu.dma_semaphore, #tpu.memory_space<semaphore_mem>>) src(%dma_wait3A_94 : memref<40x128xi32, #tpu.memory_space<hbm>>) dst(%arg7 : memref<40x128xi32, #tpu.memory_space<vmem>>)
      tpu.yield
    }) : () -> ()
    %dma_start3A_49 = arith.constant 0 : i32
    %dma_start3A_50 = arith.constant 0 : i32
    %dma_start3A_51 = tpu.memref_slice %arg6[%dma_start3A_49, %dma_start3A_50] : memref<40x128xi32, #tpu.memory_space<vmem>> -> memref<1x128xi32, #tpu.memory_space<vmem>>
    %dma_start3A_52 = tpu.memref_squeeze %dma_start3A_51 : memref<1x128xi32, #tpu.memory_space<vmem>> -> memref<128xi32, #tpu.memory_space<vmem>>
    %dma_start3A_53 = arith.constant 0 : i32
    %dma_start3A_54 = arith.constant 0 : i32
    %dma_start3A_55 = tpu.memref_slice %arg2[%dma_start3A_53, %dma_start3A_54] : memref<10000x128xf32, #tpu.memory_space<hbm>> -> memref<10000x128xf32, #tpu.memory_space<hbm>>
    tpu.enqueue_indirect_dma source(%dma_start3A_55 : memref<10000x128xf32, #tpu.memory_space<hbm>>) target(%arg8 : memref<128x128xf32, #tpu.memory_space<vmem>>) offsets(%dma_start3A_52 : memref<128xi32, #tpu.memory_space<vmem>>) semaphore(%arg11 : memref<!tpu.dma_semaphore, #tpu.memory_space<semaphore_mem>>)
    %scan3A_56 = arith.constant 0 : i32
    %scan3A_57 = arith.constant 0 : i32
    %scan3A_58 = arith.constant 20 : i32
    %scan3A_59 = arith.addi %scan3A_57, %scan3A_58 : i32
    %scan3A_60 = arith.constant 1 : i32
    scf.for %scan3A_87 = %scan3A_57 to %scan3A_59 step %scan3A_60  : i32 {
      %mul3A_88 = arith.constant 2 : i32
      %mul3A_89 = arith.muli %scan3A_87, %mul3A_88 : i32
      %dma_wait3A_90 = arith.constant 0 : i32
      %dma_wait3A_91 = tpu.memref_slice %arg6[%mul3A_89, %dma_wait3A_90] : memref<40x128xi32, #tpu.memory_space<vmem>> -> memref<1x128xi32, #tpu.memory_space<vmem>>
      %dma_wait3A_92 = tpu.memref_squeeze %dma_wait3A_91 : memref<1x128xi32, #tpu.memory_space<vmem>> -> memref<128xi32, #tpu.memory_space<vmem>>
      %dma_wait3A_93 = arith.constant 0 : i32
      %dma_wait3A_94 = arith.constant 0 : i32
      %dma_wait3A_95 = tpu.memref_slice %arg2[%dma_wait3A_93, %dma_wait3A_94] : memref<10000x128xf32, #tpu.memory_space<hbm>> -> memref<10000x128xf32, #tpu.memory_space<hbm>>
      tpu.wait_indirect_dma semaphore(%arg11 : memref<!tpu.dma_semaphore, #tpu.memory_space<semaphore_mem>>) src(%dma_wait3A_95 : memref<10000x128xf32, #tpu.memory_space<hbm>>) dst(%arg8 : memref<128x128xf32, #tpu.memory_space<vmem>>)
      %dma_start3A_96 = arith.constant 0 : i32
      %dma_start3A_97 = tpu.memref_slice %arg7[%mul3A_89, %dma_start3A_96] : memref<40x128xi32, #tpu.memory_space<vmem>> -> memref<1x128xi32, #tpu.memory_space<vmem>>
      %dma_start3A_98 = tpu.memref_squeeze %dma_start3A_97 : memref<1x128xi32, #tpu.memory_space<vmem>> -> memref<128xi32, #tpu.memory_space<vmem>>
      %dma_start3A_99 = arith.constant 0 : i32
      %dma_start3A_100 = arith.constant 0 : i32
      %dma_start3A_101 = tpu.memref_slice %arg10[%dma_start3A_99, %dma_start3A_100] : memref<10128x128xf32, #tpu.memory_space<vmem_shared>> -> memref<10128x128xf32, #tpu.memory_space<vmem_shared>>
      tpu.enqueue_indirect_dma source(%arg8 : memref<128x128xf32, #tpu.memory_space<vmem>>) target(%dma_start3A_101 : memref<10128x128xf32, #tpu.memory_space<vmem_shared>>) offsets(%dma_start3A_98 : memref<128xi32, #tpu.memory_space<vmem>>) semaphore(%arg13 : memref<!tpu.dma_semaphore, #tpu.memory_space<semaphore_mem>>) {add = true}
      %gt3A = arith.constant 0 : i32
      %gt3A_102 = arith.cmpi sgt, %scan3A_87, %gt3A : i32
      %convert_element_type3A_103 = arith.extui %gt3A_102 : i1 to i32
      %cond3A_104 = arith.constant 0 : i32
      %cond3A_105 = arith.cmpi ne, %convert_element_type3A_103, %cond3A_104 : i32
      scf.if %cond3A_105 {
        %sub3A = arith.constant 1 : i32
        %sub3A_137 = arith.subi %mul3A_89, %sub3A : i32
        %dma_wait3A_138 = arith.constant 0 : i32
        %dma_wait3A_139 = tpu.memref_slice %arg7[%sub3A_137, %dma_wait3A_138] : memref<40x128xi32, #tpu.memory_space<vmem>> -> memref<1x128xi32, #tpu.memory_space<vmem>>
        %dma_wait3A_140 = tpu.memref_squeeze %dma_wait3A_139 : memref<1x128xi32, #tpu.memory_space<vmem>> -> memref<128xi32, #tpu.memory_space<vmem>>
        %dma_wait3A_141 = arith.constant 0 : i32
        %dma_wait3A_142 = arith.constant 0 : i32
        %dma_wait3A_143 = tpu.memref_slice %arg10[%dma_wait3A_141, %dma_wait3A_142] : memref<10128x128xf32, #tpu.memory_space<vmem_shared>> -> memref<10128x128xf32, #tpu.memory_space<vmem_shared>>
        tpu.wait_indirect_dma semaphore(%arg14 : memref<!tpu.dma_semaphore, #tpu.memory_space<semaphore_mem>>) src(%arg9 : memref<128x128xf32, #tpu.memory_space<vmem>>) dst(%dma_wait3A_143 : memref<10128x128xf32, #tpu.memory_space<vmem_shared>>)
      } else {
      }
      %add3A_106 = arith.constant 1 : i32
      %add3A_107 = arith.addi %mul3A_89, %add3A_106 : i32
      %dma_start3A_108 = arith.constant 0 : i32
      %dma_start3A_109 = tpu.memref_slice %arg6[%add3A_107, %dma_start3A_108] : memref<40x128xi32, #tpu.memory_space<vmem>> -> memref<1x128xi32, #tpu.memory_space<vmem>>
      %dma_start3A_110 = tpu.memref_squeeze %dma_start3A_109 : memref<1x128xi32, #tpu.memory_space<vmem>> -> memref<128xi32, #tpu.memory_space<vmem>>
      %dma_start3A_111 = arith.constant 0 : i32
      %dma_start3A_112 = arith.constant 0 : i32
      %dma_start3A_113 = tpu.memref_slice %arg2[%dma_start3A_111, %dma_start3A_112] : memref<10000x128xf32, #tpu.memory_space<hbm>> -> memref<10000x128xf32, #tpu.memory_space<hbm>>
      tpu.enqueue_indirect_dma source(%dma_start3A_113 : memref<10000x128xf32, #tpu.memory_space<hbm>>) target(%arg9 : memref<128x128xf32, #tpu.memory_space<vmem>>) offsets(%dma_start3A_110 : memref<128xi32, #tpu.memory_space<vmem>>) semaphore(%arg12 : memref<!tpu.dma_semaphore, #tpu.memory_space<semaphore_mem>>)
      %add3A_114 = arith.constant 1 : i32
      %add3A_115 = arith.addi %mul3A_89, %add3A_114 : i32
      %dma_wait3A_116 = arith.constant 0 : i32
      %dma_wait3A_117 = tpu.memref_slice %arg6[%add3A_115, %dma_wait3A_116] : memref<40x128xi32, #tpu.memory_space<vmem>> -> memref<1x128xi32, #tpu.memory_space<vmem>>
      %dma_wait3A_118 = tpu.memref_squeeze %dma_wait3A_117 : memref<1x128xi32, #tpu.memory_space<vmem>> -> memref<128xi32, #tpu.memory_space<vmem>>
      %dma_wait3A_119 = arith.constant 0 : i32
      %dma_wait3A_120 = arith.constant 0 : i32
      %dma_wait3A_121 = tpu.memref_slice %arg2[%dma_wait3A_119, %dma_wait3A_120] : memref<10000x128xf32, #tpu.memory_space<hbm>> -> memref<10000x128xf32, #tpu.memory_space<hbm>>
      tpu.wait_indirect_dma semaphore(%arg12 : memref<!tpu.dma_semaphore, #tpu.memory_space<semaphore_mem>>) src(%dma_wait3A_121 : memref<10000x128xf32, #tpu.memory_space<hbm>>) dst(%arg9 : memref<128x128xf32, #tpu.memory_space<vmem>>)
      %add3A_122 = arith.constant 1 : i32
      %add3A_123 = arith.addi %mul3A_89, %add3A_122 : i32
      %dma_start3A_124 = arith.constant 0 : i32
      %dma_start3A_125 = tpu.memref_slice %arg7[%add3A_123, %dma_start3A_124] : memref<40x128xi32, #tpu.memory_space<vmem>> -> memref<1x128xi32, #tpu.memory_space<vmem>>
      %dma_start3A_126 = tpu.memref_squeeze %dma_start3A_125 : memref<1x128xi32, #tpu.memory_space<vmem>> -> memref<128xi32, #tpu.memory_space<vmem>>
      %dma_start3A_127 = arith.constant 0 : i32
      %dma_start3A_128 = arith.constant 0 : i32
      %dma_start3A_129 = tpu.memref_slice %arg10[%dma_start3A_127, %dma_start3A_128] : memref<10128x128xf32, #tpu.memory_space<vmem_shared>> -> memref<10128x128xf32, #tpu.memory_space<vmem_shared>>
      tpu.enqueue_indirect_dma source(%arg9 : memref<128x128xf32, #tpu.memory_space<vmem>>) target(%dma_start3A_129 : memref<10128x128xf32, #tpu.memory_space<vmem_shared>>) offsets(%dma_start3A_126 : memref<128xi32, #tpu.memory_space<vmem>>) semaphore(%arg14 : memref<!tpu.dma_semaphore, #tpu.memory_space<semaphore_mem>>) {add = true}
      %add3A_130 = arith.constant 2 : i32
      %add3A_131 = arith.addi %mul3A_89, %add3A_130 : i32
      %lt3A_132 = arith.constant 40 : i32
      %lt3A_133 = arith.cmpi slt, %add3A_131, %lt3A_132 : i32
      %convert_element_type3A_134 = arith.extui %lt3A_133 : i1 to i32
      %cond3A_135 = arith.constant 0 : i32
      %cond3A_136 = arith.cmpi ne, %convert_element_type3A_134, %cond3A_135 : i32
      scf.if %cond3A_136 {
        %dma_wait3A_137 = arith.constant 0 : i32
        %dma_wait3A_138 = tpu.memref_slice %arg7[%mul3A_89, %dma_wait3A_137] : memref<40x128xi32, #tpu.memory_space<vmem>> -> memref<1x128xi32, #tpu.memory_space<vmem>>
        %dma_wait3A_139 = tpu.memref_squeeze %dma_wait3A_138 : memref<1x128xi32, #tpu.memory_space<vmem>> -> memref<128xi32, #tpu.memory_space<vmem>>
        %dma_wait3A_140 = arith.constant 0 : i32
        %dma_wait3A_141 = arith.constant 0 : i32
        %dma_wait3A_142 = tpu.memref_slice %arg10[%dma_wait3A_140, %dma_wait3A_141] : memref<10128x128xf32, #tpu.memory_space<vmem_shared>> -> memref<10128x128xf32, #tpu.memory_space<vmem_shared>>
        tpu.wait_indirect_dma semaphore(%arg13 : memref<!tpu.dma_semaphore, #tpu.memory_space<semaphore_mem>>) src(%arg8 : memref<128x128xf32, #tpu.memory_space<vmem>>) dst(%dma_wait3A_142 : memref<10128x128xf32, #tpu.memory_space<vmem_shared>>)
        %add3A_143 = arith.constant 2 : i32
        %add3A_144 = arith.addi %mul3A_89, %add3A_143 : i32
        %dma_start3A_145 = arith.constant 0 : i32
        %dma_start3A_146 = tpu.memref_slice %arg6[%add3A_144, %dma_start3A_145] : memref<40x128xi32, #tpu.memory_space<vmem>> -> memref<1x128xi32, #tpu.memory_space<vmem>>
        %dma_start3A_147 = tpu.memref_squeeze %dma_start3A_146 : memref<1x128xi32, #tpu.memory_space<vmem>> -> memref<128xi32, #tpu.memory_space<vmem>>
        %dma_start3A_148 = arith.constant 0 : i32
        %dma_start3A_149 = arith.constant 0 : i32
        %dma_start3A_150 = tpu.memref_slice %arg2[%dma_start3A_148, %dma_start3A_149] : memref<10000x128xf32, #tpu.memory_space<hbm>> -> memref<10000x128xf32, #tpu.memory_space<hbm>>
        tpu.enqueue_indirect_dma source(%dma_start3A_150 : memref<10000x128xf32, #tpu.memory_space<hbm>>) target(%arg8 : memref<128x128xf32, #tpu.memory_space<vmem>>) offsets(%dma_start3A_147 : memref<128xi32, #tpu.memory_space<vmem>>) semaphore(%arg11 : memref<!tpu.dma_semaphore, #tpu.memory_space<semaphore_mem>>)
      } else {
      }
    }
    %scan3A_61 = arith.constant 20 : i32
    %dma_wait3A_62 = arith.constant 38 : i32
    %dma_wait3A_63 = arith.constant 0 : i32
    %dma_wait3A_64 = tpu.memref_slice %arg7[%dma_wait3A_62, %dma_wait3A_63] : memref<40x128xi32, #tpu.memory_space<vmem>> -> memref<1x128xi32, #tpu.memory_space<vmem>>
    %dma_wait3A_65 = tpu.memref_squeeze %dma_wait3A_64 : memref<1x128xi32, #tpu.memory_space<vmem>> -> memref<128xi32, #tpu.memory_space<vmem>>
    %dma_wait3A_66 = arith.constant 0 : i32
    %dma_wait3A_67 = arith.constant 0 : i32
    %dma_wait3A_68 = tpu.memref_slice %arg10[%dma_wait3A_66, %dma_wait3A_67] : memref<10128x128xf32, #tpu.memory_space<vmem_shared>> -> memref<10128x128xf32, #tpu.memory_space<vmem_shared>>
    tpu.wait_indirect_dma semaphore(%arg13 : memref<!tpu.dma_semaphore, #tpu.memory_space<semaphore_mem>>) src(%arg8 : memref<128x128xf32, #tpu.memory_space<vmem>>) dst(%dma_wait3A_68 : memref<10128x128xf32, #tpu.memory_space<vmem_shared>>)
    %dma_wait3A_69 = arith.constant 39 : i32
    %dma_wait3A_70 = arith.constant 0 : i32
    %dma_wait3A_71 = tpu.memref_slice %arg7[%dma_wait3A_69, %dma_wait3A_70] : memref<40x128xi32, #tpu.memory_space<vmem>> -> memref<1x128xi32, #tpu.memory_space<vmem>>
    %dma_wait3A_72 = tpu.memref_squeeze %dma_wait3A_71 : memref<1x128xi32, #tpu.memory_space<vmem>> -> memref<128xi32, #tpu.memory_space<vmem>>
    %dma_wait3A_73 = arith.constant 0 : i32
    %dma_wait3A_74 = arith.constant 0 : i32
    %dma_wait3A_75 = tpu.memref_slice %arg10[%dma_wait3A_73, %dma_wait3A_74] : memref<10128x128xf32, #tpu.memory_space<vmem_shared>> -> memref<10128x128xf32, #tpu.memory_space<vmem_shared>>
    tpu.wait_indirect_dma semaphore(%arg14 : memref<!tpu.dma_semaphore, #tpu.memory_space<semaphore_mem>>) src(%arg9 : memref<128x128xf32, #tpu.memory_space<vmem>>) dst(%dma_wait3A_75 : memref<10128x128xf32, #tpu.memory_space<vmem_shared>>)
    %barrier3A_76 = arith.constant 0 : index
    tpu.barrier barrier_id(%barrier3A_76)
    %lt3A_77 = arith.constant 15 : i32
    %lt3A_78 = arith.cmpi slt, %arg1, %lt3A_77 : i32
    %convert_element_type3A_79 = arith.extui %lt3A_78 : i1 to i32
    %cond3A_80 = arith.constant 0 : i32
    %cond3A_81 = arith.cmpi ne, %convert_element_type3A_79, %cond3A_80 : i32
    scf.if %cond3A_81 {
      "tpu.region"() ({
        %run_scoped3A = tpu.sem_alloc : memref<!tpu.dma_semaphore, #tpu.memory_space<semaphore_mem>>
        %dma_start3A_87 = arith.constant 0 : i32
        %dma_start3A_88 = tpu.memref_slice %arg5[%arg0, %multiple_of3A, %dma_start3A_87] : memref<2x10000x128xf32, #tpu.memory_space<hbm>> -> memref<1x632x128xf32, #tpu.memory_space<hbm>>
        %dma_start3A_89 = tpu.memref_squeeze %dma_start3A_88 : memref<1x632x128xf32, #tpu.memory_space<hbm>> -> memref<632x128xf32, #tpu.memory_space<hbm>>
        %dma_start3A_90 = arith.constant 0 : i32
        %dma_start3A_91 = tpu.memref_slice %arg10[%multiple_of3A, %dma_start3A_90] : memref<10128x128xf32, #tpu.memory_space<vmem_shared>> -> memref<632x128xf32, #tpu.memory_space<vmem_shared>>
        tpu.enqueue_dma source(%dma_start3A_91 : memref<632x128xf32, #tpu.memory_space<vmem_shared>>) target(%dma_start3A_89 : memref<632x128xf32, #tpu.memory_space<hbm>>) target_semaphore(%run_scoped3A : memref<!tpu.dma_semaphore, #tpu.memory_space<semaphore_mem>>)
        %dma_wait3A_92 = arith.constant 0 : i32
        %dma_wait3A_93 = tpu.memref_slice %arg5[%arg0, %multiple_of3A, %dma_wait3A_92] : memref<2x10000x128xf32, #tpu.memory_space<hbm>> -> memref<1x632x128xf32, #tpu.memory_space<hbm>>
        %dma_wait3A_94 = tpu.memref_squeeze %dma_wait3A_93 : memref<1x632x128xf32, #tpu.memory_space<hbm>> -> memref<632x128xf32, #tpu.memory_space<hbm>>
        %dma_wait3A_95 = arith.constant 0 : i32
        %dma_wait3A_96 = tpu.memref_slice %arg10[%multiple_of3A, %dma_wait3A_95] : memref<10128x128xf32, #tpu.memory_space<vmem_shared>> -> memref<632x128xf32, #tpu.memory_space<vmem_shared>>
        tpu.wait_dma2 semaphore(%run_scoped3A : memref<!tpu.dma_semaphore, #tpu.memory_space<semaphore_mem>>) src(%dma_wait3A_96 : memref<632x128xf32, #tpu.memory_space<vmem_shared>>) dst(%dma_wait3A_94 : memref<632x128xf32, #tpu.memory_space<hbm>>)
        tpu.yield
      }) : () -> ()
    } else {
    }
    %eq3A_82 = arith.constant 15 : i32
    %eq3A_83 = arith.cmpi eq, %arg1, %eq3A_82 : i32
    %convert_element_type3A_84 = arith.extui %eq3A_83 : i1 to i32
    %cond3A_85 = arith.constant 0 : i32
    %cond3A_86 = arith.cmpi ne, %convert_element_type3A_84, %cond3A_85 : i32
    scf.if %cond3A_86 {
      "tpu.region"() ({
        %run_scoped3A = tpu.sem_alloc : memref<!tpu.dma_semaphore, #tpu.memory_space<semaphore_mem>>
        %dma_start3A_87 = arith.constant 0 : i32
        %dma_start3A_88 = tpu.memref_slice %arg5[%arg0, %multiple_of3A, %dma_start3A_87] : memref<2x10000x128xf32, #tpu.memory_space<hbm>> -> memref<1x520x128xf32, #tpu.memory_space<hbm>>
        %dma_start3A_89 = tpu.memref_squeeze %dma_start3A_88 : memref<1x520x128xf32, #tpu.memory_space<hbm>> -> memref<520x128xf32, #tpu.memory_space<hbm>>
        %dma_start3A_90 = arith.constant 0 : i32
        %dma_start3A_91 = tpu.memref_slice %arg10[%multiple_of3A, %dma_start3A_90] : memref<10128x128xf32, #tpu.memory_space<vmem_shared>> -> memref<520x128xf32, #tpu.memory_space<vmem_shared>>
        tpu.enqueue_dma source(%dma_start3A_91 : memref<520x128xf32, #tpu.memory_space<vmem_shared>>) target(%dma_start3A_89 : memref<520x128xf32, #tpu.memory_space<hbm>>) target_semaphore(%run_scoped3A : memref<!tpu.dma_semaphore, #tpu.memory_space<semaphore_mem>>)
        %dma_wait3A_92 = arith.constant 0 : i32
        %dma_wait3A_93 = tpu.memref_slice %arg5[%arg0, %multiple_of3A, %dma_wait3A_92] : memref<2x10000x128xf32, #tpu.memory_space<hbm>> -> memref<1x520x128xf32, #tpu.memory_space<hbm>>
        %dma_wait3A_94 = tpu.memref_squeeze %dma_wait3A_93 : memref<1x520x128xf32, #tpu.memory_space<hbm>> -> memref<520x128xf32, #tpu.memory_space<hbm>>
        %dma_wait3A_95 = arith.constant 0 : i32
        %dma_wait3A_96 = tpu.memref_slice %arg10[%multiple_of3A, %dma_wait3A_95] : memref<10128x128xf32, #tpu.memory_space<vmem_shared>> -> memref<520x128xf32, #tpu.memory_space<vmem_shared>>
        tpu.wait_dma2 semaphore(%run_scoped3A : memref<!tpu.dma_semaphore, #tpu.memory_space<semaphore_mem>>) src(%dma_wait3A_96 : memref<520x128xf32, #tpu.memory_space<vmem_shared>>) dst(%dma_wait3A_94 : memref<520x128xf32, #tpu.memory_space<hbm>>)
        tpu.yield
      }) : () -> ()
    } else {
    }
    return
  }
}

#map = affine_map<(d0, d1) -> (0, 0)>
#map1 = affine_map<(d0, d1) -> (0, 0, 0)>
module attributes {stable_mosaic.version = 14 : i64} {
  func.func @sc_agg(%arg0: i32, %arg1: i32, %arg2: memref<10000x128xf32, #tpu.memory_space<hbm>>, %arg3: memref<2560x128xi32, #tpu.memory_space<hbm>>, %arg4: memref<2560x128xi32, #tpu.memory_space<hbm>>, %arg5: memref<2x10000x128xf32, #tpu.memory_space<hbm>>, %arg6: memref<40x128xi32, #tpu.memory_space<vmem>>, %arg7: memref<40x128xi32, #tpu.memory_space<vmem>>, %arg8: memref<128x128xf32, #tpu.memory_space<vmem>>, %arg9: memref<128x128xf32, #tpu.memory_space<vmem>>, %arg10: memref<10128x128xf32, #tpu.memory_space<vmem_shared>>, %arg11: memref<!tpu.dma_semaphore, #tpu.memory_space<semaphore_mem>>, %arg12: memref<!tpu.dma_semaphore, #tpu.memory_space<semaphore_mem>>, %arg13: memref<!tpu.dma_semaphore, #tpu.memory_space<semaphore_mem>>, %arg14: memref<!tpu.dma_semaphore, #tpu.memory_space<semaphore_mem>>) attributes {dimension_semantics = [#tpu.dimension_semantics<core_parallel>, #tpu.dimension_semantics<subcore_parallel>], iteration_bounds = array<i64: 2, 16>, scalar_prefetch = 0 : i64, scratch_operands = 9 : i64, tpu.core_type = #tpu.core_type<sc_vector_subcore>, window_params = [{transform_indices = #map}, {transform_indices = #map}, {transform_indices = #map}, {transform_indices = #map1}]} {
    %mul3A = arith.constant 16 : i32
    %mul3A_0 = arith.muli %arg0, %mul3A : i32
    %add3A = arith.addi %mul3A_0, %arg1 : i32
    %mul3A_1 = arith.constant 632 : i32
    %mul3A_2 = arith.muli %arg1, %mul3A_1 : i32
    %multiple_of3A = tpu.assume_multiple %mul3A_2, 8 : i32
    %lt3A = arith.constant 15 : i32
    %lt3A_3 = arith.cmpi slt, %arg1, %lt3A : i32
    %convert_element_type3A = arith.extui %lt3A_3 : i1 to i32
    %cond3A = arith.constant 0 : i32
    %cond3A_4 = arith.cmpi ne, %convert_element_type3A, %cond3A : i32
    scf.if %cond3A_4 {
      "tpu.region"() ({
        %run_scoped3A = tpu.sem_alloc : memref<!tpu.dma_semaphore, #tpu.memory_space<semaphore_mem>>
        %dma_start3A_87 = arith.constant 0 : i32
        %dma_start3A_88 = tpu.memref_slice %arg10[%multiple_of3A, %dma_start3A_87] : memref<10128x128xf32, #tpu.memory_space<vmem_shared>> -> memref<632x128xf32, #tpu.memory_space<vmem_shared>>
        %dma_start3A_89 = arith.constant 0 : i32
        %dma_start3A_90 = tpu.memref_slice %arg2[%multiple_of3A, %dma_start3A_89] : memref<10000x128xf32, #tpu.memory_space<hbm>> -> memref<632x128xf32, #tpu.memory_space<hbm>>
        tpu.enqueue_dma source(%dma_start3A_90 : memref<632x128xf32, #tpu.memory_space<hbm>>) target(%dma_start3A_88 : memref<632x128xf32, #tpu.memory_space<vmem_shared>>) target_semaphore(%run_scoped3A : memref<!tpu.dma_semaphore, #tpu.memory_space<semaphore_mem>>)
        %dma_wait3A_91 = arith.constant 0 : i32
        %dma_wait3A_92 = tpu.memref_slice %arg10[%multiple_of3A, %dma_wait3A_91] : memref<10128x128xf32, #tpu.memory_space<vmem_shared>> -> memref<632x128xf32, #tpu.memory_space<vmem_shared>>
        %dma_wait3A_93 = arith.constant 0 : i32
        %dma_wait3A_94 = tpu.memref_slice %arg2[%multiple_of3A, %dma_wait3A_93] : memref<10000x128xf32, #tpu.memory_space<hbm>> -> memref<632x128xf32, #tpu.memory_space<hbm>>
        tpu.wait_dma2 semaphore(%run_scoped3A : memref<!tpu.dma_semaphore, #tpu.memory_space<semaphore_mem>>) src(%dma_wait3A_94 : memref<632x128xf32, #tpu.memory_space<hbm>>) dst(%dma_wait3A_92 : memref<632x128xf32, #tpu.memory_space<vmem_shared>>)
        tpu.yield
      }) : () -> ()
    } else {
    }
    %eq3A = arith.constant 15 : i32
    %eq3A_5 = arith.cmpi eq, %arg1, %eq3A : i32
    %convert_element_type3A_6 = arith.extui %eq3A_5 : i1 to i32
    %cond3A_7 = arith.constant 0 : i32
    %cond3A_8 = arith.cmpi ne, %convert_element_type3A_6, %cond3A_7 : i32
    scf.if %cond3A_8 {
      "tpu.region"() ({
        %run_scoped3A = tpu.sem_alloc : memref<!tpu.dma_semaphore, #tpu.memory_space<semaphore_mem>>
        %dma_start3A_87 = arith.constant 0 : i32
        %dma_start3A_88 = tpu.memref_slice %arg10[%multiple_of3A, %dma_start3A_87] : memref<10128x128xf32, #tpu.memory_space<vmem_shared>> -> memref<520x128xf32, #tpu.memory_space<vmem_shared>>
        %dma_start3A_89 = arith.constant 0 : i32
        %dma_start3A_90 = tpu.memref_slice %arg2[%multiple_of3A, %dma_start3A_89] : memref<10000x128xf32, #tpu.memory_space<hbm>> -> memref<520x128xf32, #tpu.memory_space<hbm>>
        tpu.enqueue_dma source(%dma_start3A_90 : memref<520x128xf32, #tpu.memory_space<hbm>>) target(%dma_start3A_88 : memref<520x128xf32, #tpu.memory_space<vmem_shared>>) target_semaphore(%run_scoped3A : memref<!tpu.dma_semaphore, #tpu.memory_space<semaphore_mem>>)
        %dma_wait3A_91 = arith.constant 0 : i32
        %dma_wait3A_92 = tpu.memref_slice %arg10[%multiple_of3A, %dma_wait3A_91] : memref<10128x128xf32, #tpu.memory_space<vmem_shared>> -> memref<520x128xf32, #tpu.memory_space<vmem_shared>>
        %dma_wait3A_93 = arith.constant 0 : i32
        %dma_wait3A_94 = tpu.memref_slice %arg2[%multiple_of3A, %dma_wait3A_93] : memref<10000x128xf32, #tpu.memory_space<hbm>> -> memref<520x128xf32, #tpu.memory_space<hbm>>
        tpu.wait_dma2 semaphore(%run_scoped3A : memref<!tpu.dma_semaphore, #tpu.memory_space<semaphore_mem>>) src(%dma_wait3A_94 : memref<520x128xf32, #tpu.memory_space<hbm>>) dst(%dma_wait3A_92 : memref<520x128xf32, #tpu.memory_space<vmem_shared>>)
        tpu.yield
      }) : () -> ()
    } else {
    }
    %barrier3A = arith.constant 0 : index
    tpu.barrier barrier_id(%barrier3A)
    %mul3A_9 = arith.constant 80 : i32
    %mul3A_10 = arith.muli %add3A, %mul3A_9 : i32
    %add3A_11 = arith.constant 0 : i32
    %add3A_12 = arith.addi %mul3A_10, %add3A_11 : i32
    "tpu.region"() ({
      %run_scoped3A = tpu.sem_alloc : memref<!tpu.dma_semaphore, #tpu.memory_space<semaphore_mem>>
      %dma_start3A_87 = arith.constant 0 : i32
      %dma_start3A_88 = tpu.memref_slice %arg3[%add3A_12, %dma_start3A_87] : memref<2560x128xi32, #tpu.memory_space<hbm>> -> memref<40x128xi32, #tpu.memory_space<hbm>>
      %dma_start3A_89 = arith.constant 0 : i32
      %dma_start3A_90 = tpu.memref_slice %arg3[%add3A_12, %dma_start3A_89] : memref<2560x128xi32, #tpu.memory_space<hbm>> -> memref<40x128xi32, #tpu.memory_space<hbm>>
      tpu.enqueue_dma source(%dma_start3A_90 : memref<40x128xi32, #tpu.memory_space<hbm>>) target(%arg6 : memref<40x128xi32, #tpu.memory_space<vmem>>) target_semaphore(%run_scoped3A : memref<!tpu.dma_semaphore, #tpu.memory_space<semaphore_mem>>)
      %dma_wait3A_91 = arith.constant 0 : i32
      %dma_wait3A_92 = tpu.memref_slice %arg3[%add3A_12, %dma_wait3A_91] : memref<2560x128xi32, #tpu.memory_space<hbm>> -> memref<40x128xi32, #tpu.memory_space<hbm>>
      %dma_wait3A_93 = arith.constant 0 : i32
      %dma_wait3A_94 = tpu.memref_slice %arg3[%add3A_12, %dma_wait3A_93] : memref<2560x128xi32, #tpu.memory_space<hbm>> -> memref<40x128xi32, #tpu.memory_space<hbm>>
      tpu.wait_dma2 semaphore(%run_scoped3A : memref<!tpu.dma_semaphore, #tpu.memory_space<semaphore_mem>>) src(%dma_wait3A_94 : memref<40x128xi32, #tpu.memory_space<hbm>>) dst(%arg6 : memref<40x128xi32, #tpu.memory_space<vmem>>)
      tpu.yield
    }) : () -> ()
    %mul3A_13 = arith.constant 80 : i32
    %mul3A_14 = arith.muli %add3A, %mul3A_13 : i32
    %add3A_15 = arith.constant 0 : i32
    %add3A_16 = arith.addi %mul3A_14, %add3A_15 : i32
    "tpu.region"() ({
      %run_scoped3A = tpu.sem_alloc : memref<!tpu.dma_semaphore, #tpu.memory_space<semaphore_mem>>
      %dma_start3A_87 = arith.constant 0 : i32
      %dma_start3A_88 = tpu.memref_slice %arg4[%add3A_16, %dma_start3A_87] : memref<2560x128xi32, #tpu.memory_space<hbm>> -> memref<40x128xi32, #tpu.memory_space<hbm>>
      %dma_start3A_89 = arith.constant 0 : i32
      %dma_start3A_90 = tpu.memref_slice %arg4[%add3A_16, %dma_start3A_89] : memref<2560x128xi32, #tpu.memory_space<hbm>> -> memref<40x128xi32, #tpu.memory_space<hbm>>
      tpu.enqueue_dma source(%dma_start3A_90 : memref<40x128xi32, #tpu.memory_space<hbm>>) target(%arg7 : memref<40x128xi32, #tpu.memory_space<vmem>>) target_semaphore(%run_scoped3A : memref<!tpu.dma_semaphore, #tpu.memory_space<semaphore_mem>>)
      %dma_wait3A_91 = arith.constant 0 : i32
      %dma_wait3A_92 = tpu.memref_slice %arg4[%add3A_16, %dma_wait3A_91] : memref<2560x128xi32, #tpu.memory_space<hbm>> -> memref<40x128xi32, #tpu.memory_space<hbm>>
      %dma_wait3A_93 = arith.constant 0 : i32
      %dma_wait3A_94 = tpu.memref_slice %arg4[%add3A_16, %dma_wait3A_93] : memref<2560x128xi32, #tpu.memory_space<hbm>> -> memref<40x128xi32, #tpu.memory_space<hbm>>
      tpu.wait_dma2 semaphore(%run_scoped3A : memref<!tpu.dma_semaphore, #tpu.memory_space<semaphore_mem>>) src(%dma_wait3A_94 : memref<40x128xi32, #tpu.memory_space<hbm>>) dst(%arg7 : memref<40x128xi32, #tpu.memory_space<vmem>>)
      tpu.yield
    }) : () -> ()
    %dma_start3A = arith.constant 0 : i32
    %dma_start3A_17 = arith.constant 0 : i32
    %dma_start3A_18 = tpu.memref_slice %arg6[%dma_start3A, %dma_start3A_17] : memref<40x128xi32, #tpu.memory_space<vmem>> -> memref<1x128xi32, #tpu.memory_space<vmem>>
    %dma_start3A_19 = tpu.memref_squeeze %dma_start3A_18 : memref<1x128xi32, #tpu.memory_space<vmem>> -> memref<128xi32, #tpu.memory_space<vmem>>
    %dma_start3A_20 = arith.constant 0 : i32
    %dma_start3A_21 = arith.constant 0 : i32
    %dma_start3A_22 = tpu.memref_slice %arg2[%dma_start3A_20, %dma_start3A_21] : memref<10000x128xf32, #tpu.memory_space<hbm>> -> memref<10000x128xf32, #tpu.memory_space<hbm>>
    tpu.enqueue_indirect_dma source(%dma_start3A_22 : memref<10000x128xf32, #tpu.memory_space<hbm>>) target(%arg8 : memref<128x128xf32, #tpu.memory_space<vmem>>) offsets(%dma_start3A_19 : memref<128xi32, #tpu.memory_space<vmem>>) semaphore(%arg11 : memref<!tpu.dma_semaphore, #tpu.memory_space<semaphore_mem>>)
    %scan3A = arith.constant 0 : i32
    %scan3A_23 = arith.constant 0 : i32
    %scan3A_24 = arith.constant 20 : i32
    %scan3A_25 = arith.addi %scan3A_23, %scan3A_24 : i32
    %scan3A_26 = arith.constant 1 : i32
    scf.for %scan3A_87 = %scan3A_23 to %scan3A_25 step %scan3A_26  : i32 {
      %mul3A_88 = arith.constant 2 : i32
      %mul3A_89 = arith.muli %scan3A_87, %mul3A_88 : i32
      %dma_wait3A_90 = arith.constant 0 : i32
      %dma_wait3A_91 = tpu.memref_slice %arg6[%mul3A_89, %dma_wait3A_90] : memref<40x128xi32, #tpu.memory_space<vmem>> -> memref<1x128xi32, #tpu.memory_space<vmem>>
      %dma_wait3A_92 = tpu.memref_squeeze %dma_wait3A_91 : memref<1x128xi32, #tpu.memory_space<vmem>> -> memref<128xi32, #tpu.memory_space<vmem>>
      %dma_wait3A_93 = arith.constant 0 : i32
      %dma_wait3A_94 = arith.constant 0 : i32
      %dma_wait3A_95 = tpu.memref_slice %arg2[%dma_wait3A_93, %dma_wait3A_94] : memref<10000x128xf32, #tpu.memory_space<hbm>> -> memref<10000x128xf32, #tpu.memory_space<hbm>>
      tpu.wait_indirect_dma semaphore(%arg11 : memref<!tpu.dma_semaphore, #tpu.memory_space<semaphore_mem>>) src(%dma_wait3A_95 : memref<10000x128xf32, #tpu.memory_space<hbm>>) dst(%arg8 : memref<128x128xf32, #tpu.memory_space<vmem>>)
      %dma_start3A_96 = arith.constant 0 : i32
      %dma_start3A_97 = tpu.memref_slice %arg7[%mul3A_89, %dma_start3A_96] : memref<40x128xi32, #tpu.memory_space<vmem>> -> memref<1x128xi32, #tpu.memory_space<vmem>>
      %dma_start3A_98 = tpu.memref_squeeze %dma_start3A_97 : memref<1x128xi32, #tpu.memory_space<vmem>> -> memref<128xi32, #tpu.memory_space<vmem>>
      %dma_start3A_99 = arith.constant 0 : i32
      %dma_start3A_100 = arith.constant 0 : i32
      %dma_start3A_101 = tpu.memref_slice %arg10[%dma_start3A_99, %dma_start3A_100] : memref<10128x128xf32, #tpu.memory_space<vmem_shared>> -> memref<10128x128xf32, #tpu.memory_space<vmem_shared>>
      tpu.enqueue_indirect_dma source(%arg8 : memref<128x128xf32, #tpu.memory_space<vmem>>) target(%dma_start3A_101 : memref<10128x128xf32, #tpu.memory_space<vmem_shared>>) offsets(%dma_start3A_98 : memref<128xi32, #tpu.memory_space<vmem>>) semaphore(%arg13 : memref<!tpu.dma_semaphore, #tpu.memory_space<semaphore_mem>>) {add = true}
      %gt3A = arith.constant 0 : i32
      %gt3A_102 = arith.cmpi sgt, %scan3A_87, %gt3A : i32
      %convert_element_type3A_103 = arith.extui %gt3A_102 : i1 to i32
      %cond3A_104 = arith.constant 0 : i32
      %cond3A_105 = arith.cmpi ne, %convert_element_type3A_103, %cond3A_104 : i32
      scf.if %cond3A_105 {
        %sub3A = arith.constant 1 : i32
        %sub3A_137 = arith.subi %mul3A_89, %sub3A : i32
        %dma_wait3A_138 = arith.constant 0 : i32
        %dma_wait3A_139 = tpu.memref_slice %arg7[%sub3A_137, %dma_wait3A_138] : memref<40x128xi32, #tpu.memory_space<vmem>> -> memref<1x128xi32, #tpu.memory_space<vmem>>
        %dma_wait3A_140 = tpu.memref_squeeze %dma_wait3A_139 : memref<1x128xi32, #tpu.memory_space<vmem>> -> memref<128xi32, #tpu.memory_space<vmem>>
        %dma_wait3A_141 = arith.constant 0 : i32
        %dma_wait3A_142 = arith.constant 0 : i32
        %dma_wait3A_143 = tpu.memref_slice %arg10[%dma_wait3A_141, %dma_wait3A_142] : memref<10128x128xf32, #tpu.memory_space<vmem_shared>> -> memref<10128x128xf32, #tpu.memory_space<vmem_shared>>
        tpu.wait_indirect_dma semaphore(%arg14 : memref<!tpu.dma_semaphore, #tpu.memory_space<semaphore_mem>>) src(%arg9 : memref<128x128xf32, #tpu.memory_space<vmem>>) dst(%dma_wait3A_143 : memref<10128x128xf32, #tpu.memory_space<vmem_shared>>)
      } else {
      }
      %add3A_106 = arith.constant 1 : i32
      %add3A_107 = arith.addi %mul3A_89, %add3A_106 : i32
      %dma_start3A_108 = arith.constant 0 : i32
      %dma_start3A_109 = tpu.memref_slice %arg6[%add3A_107, %dma_start3A_108] : memref<40x128xi32, #tpu.memory_space<vmem>> -> memref<1x128xi32, #tpu.memory_space<vmem>>
      %dma_start3A_110 = tpu.memref_squeeze %dma_start3A_109 : memref<1x128xi32, #tpu.memory_space<vmem>> -> memref<128xi32, #tpu.memory_space<vmem>>
      %dma_start3A_111 = arith.constant 0 : i32
      %dma_start3A_112 = arith.constant 0 : i32
      %dma_start3A_113 = tpu.memref_slice %arg2[%dma_start3A_111, %dma_start3A_112] : memref<10000x128xf32, #tpu.memory_space<hbm>> -> memref<10000x128xf32, #tpu.memory_space<hbm>>
      tpu.enqueue_indirect_dma source(%dma_start3A_113 : memref<10000x128xf32, #tpu.memory_space<hbm>>) target(%arg9 : memref<128x128xf32, #tpu.memory_space<vmem>>) offsets(%dma_start3A_110 : memref<128xi32, #tpu.memory_space<vmem>>) semaphore(%arg12 : memref<!tpu.dma_semaphore, #tpu.memory_space<semaphore_mem>>)
      %add3A_114 = arith.constant 1 : i32
      %add3A_115 = arith.addi %mul3A_89, %add3A_114 : i32
      %dma_wait3A_116 = arith.constant 0 : i32
      %dma_wait3A_117 = tpu.memref_slice %arg6[%add3A_115, %dma_wait3A_116] : memref<40x128xi32, #tpu.memory_space<vmem>> -> memref<1x128xi32, #tpu.memory_space<vmem>>
      %dma_wait3A_118 = tpu.memref_squeeze %dma_wait3A_117 : memref<1x128xi32, #tpu.memory_space<vmem>> -> memref<128xi32, #tpu.memory_space<vmem>>
      %dma_wait3A_119 = arith.constant 0 : i32
      %dma_wait3A_120 = arith.constant 0 : i32
      %dma_wait3A_121 = tpu.memref_slice %arg2[%dma_wait3A_119, %dma_wait3A_120] : memref<10000x128xf32, #tpu.memory_space<hbm>> -> memref<10000x128xf32, #tpu.memory_space<hbm>>
      tpu.wait_indirect_dma semaphore(%arg12 : memref<!tpu.dma_semaphore, #tpu.memory_space<semaphore_mem>>) src(%dma_wait3A_121 : memref<10000x128xf32, #tpu.memory_space<hbm>>) dst(%arg9 : memref<128x128xf32, #tpu.memory_space<vmem>>)
      %add3A_122 = arith.constant 1 : i32
      %add3A_123 = arith.addi %mul3A_89, %add3A_122 : i32
      %dma_start3A_124 = arith.constant 0 : i32
      %dma_start3A_125 = tpu.memref_slice %arg7[%add3A_123, %dma_start3A_124] : memref<40x128xi32, #tpu.memory_space<vmem>> -> memref<1x128xi32, #tpu.memory_space<vmem>>
      %dma_start3A_126 = tpu.memref_squeeze %dma_start3A_125 : memref<1x128xi32, #tpu.memory_space<vmem>> -> memref<128xi32, #tpu.memory_space<vmem>>
      %dma_start3A_127 = arith.constant 0 : i32
      %dma_start3A_128 = arith.constant 0 : i32
      %dma_start3A_129 = tpu.memref_slice %arg10[%dma_start3A_127, %dma_start3A_128] : memref<10128x128xf32, #tpu.memory_space<vmem_shared>> -> memref<10128x128xf32, #tpu.memory_space<vmem_shared>>
      tpu.enqueue_indirect_dma source(%arg9 : memref<128x128xf32, #tpu.memory_space<vmem>>) target(%dma_start3A_129 : memref<10128x128xf32, #tpu.memory_space<vmem_shared>>) offsets(%dma_start3A_126 : memref<128xi32, #tpu.memory_space<vmem>>) semaphore(%arg14 : memref<!tpu.dma_semaphore, #tpu.memory_space<semaphore_mem>>) {add = true}
      %add3A_130 = arith.constant 2 : i32
      %add3A_131 = arith.addi %mul3A_89, %add3A_130 : i32
      %lt3A_132 = arith.constant 40 : i32
      %lt3A_133 = arith.cmpi slt, %add3A_131, %lt3A_132 : i32
      %convert_element_type3A_134 = arith.extui %lt3A_133 : i1 to i32
      %cond3A_135 = arith.constant 0 : i32
      %cond3A_136 = arith.cmpi ne, %convert_element_type3A_134, %cond3A_135 : i32
      scf.if %cond3A_136 {
        %dma_wait3A_137 = arith.constant 0 : i32
        %dma_wait3A_138 = tpu.memref_slice %arg7[%mul3A_89, %dma_wait3A_137] : memref<40x128xi32, #tpu.memory_space<vmem>> -> memref<1x128xi32, #tpu.memory_space<vmem>>
        %dma_wait3A_139 = tpu.memref_squeeze %dma_wait3A_138 : memref<1x128xi32, #tpu.memory_space<vmem>> -> memref<128xi32, #tpu.memory_space<vmem>>
        %dma_wait3A_140 = arith.constant 0 : i32
        %dma_wait3A_141 = arith.constant 0 : i32
        %dma_wait3A_142 = tpu.memref_slice %arg10[%dma_wait3A_140, %dma_wait3A_141] : memref<10128x128xf32, #tpu.memory_space<vmem_shared>> -> memref<10128x128xf32, #tpu.memory_space<vmem_shared>>
        tpu.wait_indirect_dma semaphore(%arg13 : memref<!tpu.dma_semaphore, #tpu.memory_space<semaphore_mem>>) src(%arg8 : memref<128x128xf32, #tpu.memory_space<vmem>>) dst(%dma_wait3A_142 : memref<10128x128xf32, #tpu.memory_space<vmem_shared>>)
        %add3A_143 = arith.constant 2 : i32
        %add3A_144 = arith.addi %mul3A_89, %add3A_143 : i32
        %dma_start3A_145 = arith.constant 0 : i32
        %dma_start3A_146 = tpu.memref_slice %arg6[%add3A_144, %dma_start3A_145] : memref<40x128xi32, #tpu.memory_space<vmem>> -> memref<1x128xi32, #tpu.memory_space<vmem>>
        %dma_start3A_147 = tpu.memref_squeeze %dma_start3A_146 : memref<1x128xi32, #tpu.memory_space<vmem>> -> memref<128xi32, #tpu.memory_space<vmem>>
        %dma_start3A_148 = arith.constant 0 : i32
        %dma_start3A_149 = arith.constant 0 : i32
        %dma_start3A_150 = tpu.memref_slice %arg2[%dma_start3A_148, %dma_start3A_149] : memref<10000x128xf32, #tpu.memory_space<hbm>> -> memref<10000x128xf32, #tpu.memory_space<hbm>>
        tpu.enqueue_indirect_dma source(%dma_start3A_150 : memref<10000x128xf32, #tpu.memory_space<hbm>>) target(%arg8 : memref<128x128xf32, #tpu.memory_space<vmem>>) offsets(%dma_start3A_147 : memref<128xi32, #tpu.memory_space<vmem>>) semaphore(%arg11 : memref<!tpu.dma_semaphore, #tpu.memory_space<semaphore_mem>>)
      } else {
      }
    }
    %scan3A_27 = arith.constant 20 : i32
    %dma_wait3A = arith.constant 38 : i32
    %dma_wait3A_28 = arith.constant 0 : i32
    %dma_wait3A_29 = tpu.memref_slice %arg7[%dma_wait3A, %dma_wait3A_28] : memref<40x128xi32, #tpu.memory_space<vmem>> -> memref<1x128xi32, #tpu.memory_space<vmem>>
    %dma_wait3A_30 = tpu.memref_squeeze %dma_wait3A_29 : memref<1x128xi32, #tpu.memory_space<vmem>> -> memref<128xi32, #tpu.memory_space<vmem>>
    %dma_wait3A_31 = arith.constant 0 : i32
    %dma_wait3A_32 = arith.constant 0 : i32
    %dma_wait3A_33 = tpu.memref_slice %arg10[%dma_wait3A_31, %dma_wait3A_32] : memref<10128x128xf32, #tpu.memory_space<vmem_shared>> -> memref<10128x128xf32, #tpu.memory_space<vmem_shared>>
    tpu.wait_indirect_dma semaphore(%arg13 : memref<!tpu.dma_semaphore, #tpu.memory_space<semaphore_mem>>) src(%arg8 : memref<128x128xf32, #tpu.memory_space<vmem>>) dst(%dma_wait3A_33 : memref<10128x128xf32, #tpu.memory_space<vmem_shared>>)
    %dma_wait3A_34 = arith.constant 39 : i32
    %dma_wait3A_35 = arith.constant 0 : i32
    %dma_wait3A_36 = tpu.memref_slice %arg7[%dma_wait3A_34, %dma_wait3A_35] : memref<40x128xi32, #tpu.memory_space<vmem>> -> memref<1x128xi32, #tpu.memory_space<vmem>>
    %dma_wait3A_37 = tpu.memref_squeeze %dma_wait3A_36 : memref<1x128xi32, #tpu.memory_space<vmem>> -> memref<128xi32, #tpu.memory_space<vmem>>
    %dma_wait3A_38 = arith.constant 0 : i32
    %dma_wait3A_39 = arith.constant 0 : i32
    %dma_wait3A_40 = tpu.memref_slice %arg10[%dma_wait3A_38, %dma_wait3A_39] : memref<10128x128xf32, #tpu.memory_space<vmem_shared>> -> memref<10128x128xf32, #tpu.memory_space<vmem_shared>>
    tpu.wait_indirect_dma semaphore(%arg14 : memref<!tpu.dma_semaphore, #tpu.memory_space<semaphore_mem>>) src(%arg9 : memref<128x128xf32, #tpu.memory_space<vmem>>) dst(%dma_wait3A_40 : memref<10128x128xf32, #tpu.memory_space<vmem_shared>>)
    %mul3A_41 = arith.constant 80 : i32
    %mul3A_42 = arith.muli %add3A, %mul3A_41 : i32
    %add3A_43 = arith.constant 40 : i32
    %add3A_44 = arith.addi %mul3A_42, %add3A_43 : i32
    "tpu.region"() ({
      %run_scoped3A = tpu.sem_alloc : memref<!tpu.dma_semaphore, #tpu.memory_space<semaphore_mem>>
      %dma_start3A_87 = arith.constant 0 : i32
      %dma_start3A_88 = tpu.memref_slice %arg3[%add3A_44, %dma_start3A_87] : memref<2560x128xi32, #tpu.memory_space<hbm>> -> memref<40x128xi32, #tpu.memory_space<hbm>>
      %dma_start3A_89 = arith.constant 0 : i32
      %dma_start3A_90 = tpu.memref_slice %arg3[%add3A_44, %dma_start3A_89] : memref<2560x128xi32, #tpu.memory_space<hbm>> -> memref<40x128xi32, #tpu.memory_space<hbm>>
      tpu.enqueue_dma source(%dma_start3A_90 : memref<40x128xi32, #tpu.memory_space<hbm>>) target(%arg6 : memref<40x128xi32, #tpu.memory_space<vmem>>) target_semaphore(%run_scoped3A : memref<!tpu.dma_semaphore, #tpu.memory_space<semaphore_mem>>)
      %dma_wait3A_91 = arith.constant 0 : i32
      %dma_wait3A_92 = tpu.memref_slice %arg3[%add3A_44, %dma_wait3A_91] : memref<2560x128xi32, #tpu.memory_space<hbm>> -> memref<40x128xi32, #tpu.memory_space<hbm>>
      %dma_wait3A_93 = arith.constant 0 : i32
      %dma_wait3A_94 = tpu.memref_slice %arg3[%add3A_44, %dma_wait3A_93] : memref<2560x128xi32, #tpu.memory_space<hbm>> -> memref<40x128xi32, #tpu.memory_space<hbm>>
      tpu.wait_dma2 semaphore(%run_scoped3A : memref<!tpu.dma_semaphore, #tpu.memory_space<semaphore_mem>>) src(%dma_wait3A_94 : memref<40x128xi32, #tpu.memory_space<hbm>>) dst(%arg6 : memref<40x128xi32, #tpu.memory_space<vmem>>)
      tpu.yield
    }) : () -> ()
    %mul3A_45 = arith.constant 80 : i32
    %mul3A_46 = arith.muli %add3A, %mul3A_45 : i32
    %add3A_47 = arith.constant 40 : i32
    %add3A_48 = arith.addi %mul3A_46, %add3A_47 : i32
    "tpu.region"() ({
      %run_scoped3A = tpu.sem_alloc : memref<!tpu.dma_semaphore, #tpu.memory_space<semaphore_mem>>
      %dma_start3A_87 = arith.constant 0 : i32
      %dma_start3A_88 = tpu.memref_slice %arg4[%add3A_48, %dma_start3A_87] : memref<2560x128xi32, #tpu.memory_space<hbm>> -> memref<40x128xi32, #tpu.memory_space<hbm>>
      %dma_start3A_89 = arith.constant 0 : i32
      %dma_start3A_90 = tpu.memref_slice %arg4[%add3A_48, %dma_start3A_89] : memref<2560x128xi32, #tpu.memory_space<hbm>> -> memref<40x128xi32, #tpu.memory_space<hbm>>
      tpu.enqueue_dma source(%dma_start3A_90 : memref<40x128xi32, #tpu.memory_space<hbm>>) target(%arg7 : memref<40x128xi32, #tpu.memory_space<vmem>>) target_semaphore(%run_scoped3A : memref<!tpu.dma_semaphore, #tpu.memory_space<semaphore_mem>>)
      %dma_wait3A_91 = arith.constant 0 : i32
      %dma_wait3A_92 = tpu.memref_slice %arg4[%add3A_48, %dma_wait3A_91] : memref<2560x128xi32, #tpu.memory_space<hbm>> -> memref<40x128xi32, #tpu.memory_space<hbm>>
      %dma_wait3A_93 = arith.constant 0 : i32
      %dma_wait3A_94 = tpu.memref_slice %arg4[%add3A_48, %dma_wait3A_93] : memref<2560x128xi32, #tpu.memory_space<hbm>> -> memref<40x128xi32, #tpu.memory_space<hbm>>
      tpu.wait_dma2 semaphore(%run_scoped3A : memref<!tpu.dma_semaphore, #tpu.memory_space<semaphore_mem>>) src(%dma_wait3A_94 : memref<40x128xi32, #tpu.memory_space<hbm>>) dst(%arg7 : memref<40x128xi32, #tpu.memory_space<vmem>>)
      tpu.yield
    }) : () -> ()
    %dma_start3A_49 = arith.constant 0 : i32
    %dma_start3A_50 = arith.constant 0 : i32
    %dma_start3A_51 = tpu.memref_slice %arg6[%dma_start3A_49, %dma_start3A_50] : memref<40x128xi32, #tpu.memory_space<vmem>> -> memref<1x128xi32, #tpu.memory_space<vmem>>
    %dma_start3A_52 = tpu.memref_squeeze %dma_start3A_51 : memref<1x128xi32, #tpu.memory_space<vmem>> -> memref<128xi32, #tpu.memory_space<vmem>>
    %dma_start3A_53 = arith.constant 0 : i32
    %dma_start3A_54 = arith.constant 0 : i32
    %dma_start3A_55 = tpu.memref_slice %arg2[%dma_start3A_53, %dma_start3A_54] : memref<10000x128xf32, #tpu.memory_space<hbm>> -> memref<10000x128xf32, #tpu.memory_space<hbm>>
    tpu.enqueue_indirect_dma source(%dma_start3A_55 : memref<10000x128xf32, #tpu.memory_space<hbm>>) target(%arg8 : memref<128x128xf32, #tpu.memory_space<vmem>>) offsets(%dma_start3A_52 : memref<128xi32, #tpu.memory_space<vmem>>) semaphore(%arg11 : memref<!tpu.dma_semaphore, #tpu.memory_space<semaphore_mem>>)
    %scan3A_56 = arith.constant 0 : i32
    %scan3A_57 = arith.constant 0 : i32
    %scan3A_58 = arith.constant 20 : i32
    %scan3A_59 = arith.addi %scan3A_57, %scan3A_58 : i32
    %scan3A_60 = arith.constant 1 : i32
    scf.for %scan3A_87 = %scan3A_57 to %scan3A_59 step %scan3A_60  : i32 {
      %mul3A_88 = arith.constant 2 : i32
      %mul3A_89 = arith.muli %scan3A_87, %mul3A_88 : i32
      %dma_wait3A_90 = arith.constant 0 : i32
      %dma_wait3A_91 = tpu.memref_slice %arg6[%mul3A_89, %dma_wait3A_90] : memref<40x128xi32, #tpu.memory_space<vmem>> -> memref<1x128xi32, #tpu.memory_space<vmem>>
      %dma_wait3A_92 = tpu.memref_squeeze %dma_wait3A_91 : memref<1x128xi32, #tpu.memory_space<vmem>> -> memref<128xi32, #tpu.memory_space<vmem>>
      %dma_wait3A_93 = arith.constant 0 : i32
      %dma_wait3A_94 = arith.constant 0 : i32
      %dma_wait3A_95 = tpu.memref_slice %arg2[%dma_wait3A_93, %dma_wait3A_94] : memref<10000x128xf32, #tpu.memory_space<hbm>> -> memref<10000x128xf32, #tpu.memory_space<hbm>>
      tpu.wait_indirect_dma semaphore(%arg11 : memref<!tpu.dma_semaphore, #tpu.memory_space<semaphore_mem>>) src(%dma_wait3A_95 : memref<10000x128xf32, #tpu.memory_space<hbm>>) dst(%arg8 : memref<128x128xf32, #tpu.memory_space<vmem>>)
      %dma_start3A_96 = arith.constant 0 : i32
      %dma_start3A_97 = tpu.memref_slice %arg7[%mul3A_89, %dma_start3A_96] : memref<40x128xi32, #tpu.memory_space<vmem>> -> memref<1x128xi32, #tpu.memory_space<vmem>>
      %dma_start3A_98 = tpu.memref_squeeze %dma_start3A_97 : memref<1x128xi32, #tpu.memory_space<vmem>> -> memref<128xi32, #tpu.memory_space<vmem>>
      %dma_start3A_99 = arith.constant 0 : i32
      %dma_start3A_100 = arith.constant 0 : i32
      %dma_start3A_101 = tpu.memref_slice %arg10[%dma_start3A_99, %dma_start3A_100] : memref<10128x128xf32, #tpu.memory_space<vmem_shared>> -> memref<10128x128xf32, #tpu.memory_space<vmem_shared>>
      tpu.enqueue_indirect_dma source(%arg8 : memref<128x128xf32, #tpu.memory_space<vmem>>) target(%dma_start3A_101 : memref<10128x128xf32, #tpu.memory_space<vmem_shared>>) offsets(%dma_start3A_98 : memref<128xi32, #tpu.memory_space<vmem>>) semaphore(%arg13 : memref<!tpu.dma_semaphore, #tpu.memory_space<semaphore_mem>>) {add = true}
      %gt3A = arith.constant 0 : i32
      %gt3A_102 = arith.cmpi sgt, %scan3A_87, %gt3A : i32
      %convert_element_type3A_103 = arith.extui %gt3A_102 : i1 to i32
      %cond3A_104 = arith.constant 0 : i32
      %cond3A_105 = arith.cmpi ne, %convert_element_type3A_103, %cond3A_104 : i32
      scf.if %cond3A_105 {
        %sub3A = arith.constant 1 : i32
        %sub3A_137 = arith.subi %mul3A_89, %sub3A : i32
        %dma_wait3A_138 = arith.constant 0 : i32
        %dma_wait3A_139 = tpu.memref_slice %arg7[%sub3A_137, %dma_wait3A_138] : memref<40x128xi32, #tpu.memory_space<vmem>> -> memref<1x128xi32, #tpu.memory_space<vmem>>
        %dma_wait3A_140 = tpu.memref_squeeze %dma_wait3A_139 : memref<1x128xi32, #tpu.memory_space<vmem>> -> memref<128xi32, #tpu.memory_space<vmem>>
        %dma_wait3A_141 = arith.constant 0 : i32
        %dma_wait3A_142 = arith.constant 0 : i32
        %dma_wait3A_143 = tpu.memref_slice %arg10[%dma_wait3A_141, %dma_wait3A_142] : memref<10128x128xf32, #tpu.memory_space<vmem_shared>> -> memref<10128x128xf32, #tpu.memory_space<vmem_shared>>
        tpu.wait_indirect_dma semaphore(%arg14 : memref<!tpu.dma_semaphore, #tpu.memory_space<semaphore_mem>>) src(%arg9 : memref<128x128xf32, #tpu.memory_space<vmem>>) dst(%dma_wait3A_143 : memref<10128x128xf32, #tpu.memory_space<vmem_shared>>)
      } else {
      }
      %add3A_106 = arith.constant 1 : i32
      %add3A_107 = arith.addi %mul3A_89, %add3A_106 : i32
      %dma_start3A_108 = arith.constant 0 : i32
      %dma_start3A_109 = tpu.memref_slice %arg6[%add3A_107, %dma_start3A_108] : memref<40x128xi32, #tpu.memory_space<vmem>> -> memref<1x128xi32, #tpu.memory_space<vmem>>
      %dma_start3A_110 = tpu.memref_squeeze %dma_start3A_109 : memref<1x128xi32, #tpu.memory_space<vmem>> -> memref<128xi32, #tpu.memory_space<vmem>>
      %dma_start3A_111 = arith.constant 0 : i32
      %dma_start3A_112 = arith.constant 0 : i32
      %dma_start3A_113 = tpu.memref_slice %arg2[%dma_start3A_111, %dma_start3A_112] : memref<10000x128xf32, #tpu.memory_space<hbm>> -> memref<10000x128xf32, #tpu.memory_space<hbm>>
      tpu.enqueue_indirect_dma source(%dma_start3A_113 : memref<10000x128xf32, #tpu.memory_space<hbm>>) target(%arg9 : memref<128x128xf32, #tpu.memory_space<vmem>>) offsets(%dma_start3A_110 : memref<128xi32, #tpu.memory_space<vmem>>) semaphore(%arg12 : memref<!tpu.dma_semaphore, #tpu.memory_space<semaphore_mem>>)
      %add3A_114 = arith.constant 1 : i32
      %add3A_115 = arith.addi %mul3A_89, %add3A_114 : i32
      %dma_wait3A_116 = arith.constant 0 : i32
      %dma_wait3A_117 = tpu.memref_slice %arg6[%add3A_115, %dma_wait3A_116] : memref<40x128xi32, #tpu.memory_space<vmem>> -> memref<1x128xi32, #tpu.memory_space<vmem>>
      %dma_wait3A_118 = tpu.memref_squeeze %dma_wait3A_117 : memref<1x128xi32, #tpu.memory_space<vmem>> -> memref<128xi32, #tpu.memory_space<vmem>>
      %dma_wait3A_119 = arith.constant 0 : i32
      %dma_wait3A_120 = arith.constant 0 : i32
      %dma_wait3A_121 = tpu.memref_slice %arg2[%dma_wait3A_119, %dma_wait3A_120] : memref<10000x128xf32, #tpu.memory_space<hbm>> -> memref<10000x128xf32, #tpu.memory_space<hbm>>
      tpu.wait_indirect_dma semaphore(%arg12 : memref<!tpu.dma_semaphore, #tpu.memory_space<semaphore_mem>>) src(%dma_wait3A_121 : memref<10000x128xf32, #tpu.memory_space<hbm>>) dst(%arg9 : memref<128x128xf32, #tpu.memory_space<vmem>>)
      %add3A_122 = arith.constant 1 : i32
      %add3A_123 = arith.addi %mul3A_89, %add3A_122 : i32
      %dma_start3A_124 = arith.constant 0 : i32
      %dma_start3A_125 = tpu.memref_slice %arg7[%add3A_123, %dma_start3A_124] : memref<40x128xi32, #tpu.memory_space<vmem>> -> memref<1x128xi32, #tpu.memory_space<vmem>>
      %dma_start3A_126 = tpu.memref_squeeze %dma_start3A_125 : memref<1x128xi32, #tpu.memory_space<vmem>> -> memref<128xi32, #tpu.memory_space<vmem>>
      %dma_start3A_127 = arith.constant 0 : i32
      %dma_start3A_128 = arith.constant 0 : i32
      %dma_start3A_129 = tpu.memref_slice %arg10[%dma_start3A_127, %dma_start3A_128] : memref<10128x128xf32, #tpu.memory_space<vmem_shared>> -> memref<10128x128xf32, #tpu.memory_space<vmem_shared>>
      tpu.enqueue_indirect_dma source(%arg9 : memref<128x128xf32, #tpu.memory_space<vmem>>) target(%dma_start3A_129 : memref<10128x128xf32, #tpu.memory_space<vmem_shared>>) offsets(%dma_start3A_126 : memref<128xi32, #tpu.memory_space<vmem>>) semaphore(%arg14 : memref<!tpu.dma_semaphore, #tpu.memory_space<semaphore_mem>>) {add = true}
      %add3A_130 = arith.constant 2 : i32
      %add3A_131 = arith.addi %mul3A_89, %add3A_130 : i32
      %lt3A_132 = arith.constant 40 : i32
      %lt3A_133 = arith.cmpi slt, %add3A_131, %lt3A_132 : i32
      %convert_element_type3A_134 = arith.extui %lt3A_133 : i1 to i32
      %cond3A_135 = arith.constant 0 : i32
      %cond3A_136 = arith.cmpi ne, %convert_element_type3A_134, %cond3A_135 : i32
      scf.if %cond3A_136 {
        %dma_wait3A_137 = arith.constant 0 : i32
        %dma_wait3A_138 = tpu.memref_slice %arg7[%mul3A_89, %dma_wait3A_137] : memref<40x128xi32, #tpu.memory_space<vmem>> -> memref<1x128xi32, #tpu.memory_space<vmem>>
        %dma_wait3A_139 = tpu.memref_squeeze %dma_wait3A_138 : memref<1x128xi32, #tpu.memory_space<vmem>> -> memref<128xi32, #tpu.memory_space<vmem>>
        %dma_wait3A_140 = arith.constant 0 : i32
        %dma_wait3A_141 = arith.constant 0 : i32
        %dma_wait3A_142 = tpu.memref_slice %arg10[%dma_wait3A_140, %dma_wait3A_141] : memref<10128x128xf32, #tpu.memory_space<vmem_shared>> -> memref<10128x128xf32, #tpu.memory_space<vmem_shared>>
        tpu.wait_indirect_dma semaphore(%arg13 : memref<!tpu.dma_semaphore, #tpu.memory_space<semaphore_mem>>) src(%arg8 : memref<128x128xf32, #tpu.memory_space<vmem>>) dst(%dma_wait3A_142 : memref<10128x128xf32, #tpu.memory_space<vmem_shared>>)
        %add3A_143 = arith.constant 2 : i32
        %add3A_144 = arith.addi %mul3A_89, %add3A_143 : i32
        %dma_start3A_145 = arith.constant 0 : i32
        %dma_start3A_146 = tpu.memref_slice %arg6[%add3A_144, %dma_start3A_145] : memref<40x128xi32, #tpu.memory_space<vmem>> -> memref<1x128xi32, #tpu.memory_space<vmem>>
        %dma_start3A_147 = tpu.memref_squeeze %dma_start3A_146 : memref<1x128xi32, #tpu.memory_space<vmem>> -> memref<128xi32, #tpu.memory_space<vmem>>
        %dma_start3A_148 = arith.constant 0 : i32
        %dma_start3A_149 = arith.constant 0 : i32
        %dma_start3A_150 = tpu.memref_slice %arg2[%dma_start3A_148, %dma_start3A_149] : memref<10000x128xf32, #tpu.memory_space<hbm>> -> memref<10000x128xf32, #tpu.memory_space<hbm>>
        tpu.enqueue_indirect_dma source(%dma_start3A_150 : memref<10000x128xf32, #tpu.memory_space<hbm>>) target(%arg8 : memref<128x128xf32, #tpu.memory_space<vmem>>) offsets(%dma_start3A_147 : memref<128xi32, #tpu.memory_space<vmem>>) semaphore(%arg11 : memref<!tpu.dma_semaphore, #tpu.memory_space<semaphore_mem>>)
      } else {
      }
    }
    %scan3A_61 = arith.constant 20 : i32
    %dma_wait3A_62 = arith.constant 38 : i32
    %dma_wait3A_63 = arith.constant 0 : i32
    %dma_wait3A_64 = tpu.memref_slice %arg7[%dma_wait3A_62, %dma_wait3A_63] : memref<40x128xi32, #tpu.memory_space<vmem>> -> memref<1x128xi32, #tpu.memory_space<vmem>>
    %dma_wait3A_65 = tpu.memref_squeeze %dma_wait3A_64 : memref<1x128xi32, #tpu.memory_space<vmem>> -> memref<128xi32, #tpu.memory_space<vmem>>
    %dma_wait3A_66 = arith.constant 0 : i32
    %dma_wait3A_67 = arith.constant 0 : i32
    %dma_wait3A_68 = tpu.memref_slice %arg10[%dma_wait3A_66, %dma_wait3A_67] : memref<10128x128xf32, #tpu.memory_space<vmem_shared>> -> memref<10128x128xf32, #tpu.memory_space<vmem_shared>>
    tpu.wait_indirect_dma semaphore(%arg13 : memref<!tpu.dma_semaphore, #tpu.memory_space<semaphore_mem>>) src(%arg8 : memref<128x128xf32, #tpu.memory_space<vmem>>) dst(%dma_wait3A_68 : memref<10128x128xf32, #tpu.memory_space<vmem_shared>>)
    %dma_wait3A_69 = arith.constant 39 : i32
    %dma_wait3A_70 = arith.constant 0 : i32
    %dma_wait3A_71 = tpu.memref_slice %arg7[%dma_wait3A_69, %dma_wait3A_70] : memref<40x128xi32, #tpu.memory_space<vmem>> -> memref<1x128xi32, #tpu.memory_space<vmem>>
    %dma_wait3A_72 = tpu.memref_squeeze %dma_wait3A_71 : memref<1x128xi32, #tpu.memory_space<vmem>> -> memref<128xi32, #tpu.memory_space<vmem>>
    %dma_wait3A_73 = arith.constant 0 : i32
    %dma_wait3A_74 = arith.constant 0 : i32
    %dma_wait3A_75 = tpu.memref_slice %arg10[%dma_wait3A_73, %dma_wait3A_74] : memref<10128x128xf32, #tpu.memory_space<vmem_shared>> -> memref<10128x128xf32, #tpu.memory_space<vmem_shared>>
    tpu.wait_indirect_dma semaphore(%arg14 : memref<!tpu.dma_semaphore, #tpu.memory_space<semaphore_mem>>) src(%arg9 : memref<128x128xf32, #tpu.memory_space<vmem>>) dst(%dma_wait3A_75 : memref<10128x128xf32, #tpu.memory_space<vmem_shared>>)
    %barrier3A_76 = arith.constant 0 : index
    tpu.barrier barrier_id(%barrier3A_76)
    %lt3A_77 = arith.constant 15 : i32
    %lt3A_78 = arith.cmpi slt, %arg1, %lt3A_77 : i32
    %convert_element_type3A_79 = arith.extui %lt3A_78 : i1 to i32
    %cond3A_80 = arith.constant 0 : i32
    %cond3A_81 = arith.cmpi ne, %convert_element_type3A_79, %cond3A_80 : i32
    scf.if %cond3A_81 {
      "tpu.region"() ({
        %run_scoped3A = tpu.sem_alloc : memref<!tpu.dma_semaphore, #tpu.memory_space<semaphore_mem>>
        %dma_start3A_87 = arith.constant 0 : i32
        %dma_start3A_88 = tpu.memref_slice %arg5[%arg0, %multiple_of3A, %dma_start3A_87] : memref<2x10000x128xf32, #tpu.memory_space<hbm>> -> memref<1x632x128xf32, #tpu.memory_space<hbm>>
        %dma_start3A_89 = tpu.memref_squeeze %dma_start3A_88 : memref<1x632x128xf32, #tpu.memory_space<hbm>> -> memref<632x128xf32, #tpu.memory_space<hbm>>
        %dma_start3A_90 = arith.constant 0 : i32
        %dma_start3A_91 = tpu.memref_slice %arg10[%multiple_of3A, %dma_start3A_90] : memref<10128x128xf32, #tpu.memory_space<vmem_shared>> -> memref<632x128xf32, #tpu.memory_space<vmem_shared>>
        tpu.enqueue_dma source(%dma_start3A_91 : memref<632x128xf32, #tpu.memory_space<vmem_shared>>) target(%dma_start3A_89 : memref<632x128xf32, #tpu.memory_space<hbm>>) target_semaphore(%run_scoped3A : memref<!tpu.dma_semaphore, #tpu.memory_space<semaphore_mem>>)
        %dma_wait3A_92 = arith.constant 0 : i32
        %dma_wait3A_93 = tpu.memref_slice %arg5[%arg0, %multiple_of3A, %dma_wait3A_92] : memref<2x10000x128xf32, #tpu.memory_space<hbm>> -> memref<1x632x128xf32, #tpu.memory_space<hbm>>
        %dma_wait3A_94 = tpu.memref_squeeze %dma_wait3A_93 : memref<1x632x128xf32, #tpu.memory_space<hbm>> -> memref<632x128xf32, #tpu.memory_space<hbm>>
        %dma_wait3A_95 = arith.constant 0 : i32
        %dma_wait3A_96 = tpu.memref_slice %arg10[%multiple_of3A, %dma_wait3A_95] : memref<10128x128xf32, #tpu.memory_space<vmem_shared>> -> memref<632x128xf32, #tpu.memory_space<vmem_shared>>
        tpu.wait_dma2 semaphore(%run_scoped3A : memref<!tpu.dma_semaphore, #tpu.memory_space<semaphore_mem>>) src(%dma_wait3A_96 : memref<632x128xf32, #tpu.memory_space<vmem_shared>>) dst(%dma_wait3A_94 : memref<632x128xf32, #tpu.memory_space<hbm>>)
        tpu.yield
      }) : () -> ()
    } else {
    }
    %eq3A_82 = arith.constant 15 : i32
    %eq3A_83 = arith.cmpi eq, %arg1, %eq3A_82 : i32
    %convert_element_type3A_84 = arith.extui %eq3A_83 : i1 to i32
    %cond3A_85 = arith.constant 0 : i32
    %cond3A_86 = arith.cmpi ne, %convert_element_type3A_84, %cond3A_85 : i32
    scf.if %cond3A_86 {
      "tpu.region"() ({
        %run_scoped3A = tpu.sem_alloc : memref<!tpu.dma_semaphore, #tpu.memory_space<semaphore_mem>>
        %dma_start3A_87 = arith.constant 0 : i32
        %dma_start3A_88 = tpu.memref_slice %arg5[%arg0, %multiple_of3A, %dma_start3A_87] : memref<2x10000x128xf32, #tpu.memory_space<hbm>> -> memref<1x520x128xf32, #tpu.memory_space<hbm>>
        %dma_start3A_89 = tpu.memref_squeeze %dma_start3A_88 : memref<1x520x128xf32, #tpu.memory_space<hbm>> -> memref<520x128xf32, #tpu.memory_space<hbm>>
        %dma_start3A_90 = arith.constant 0 : i32
        %dma_start3A_91 = tpu.memref_slice %arg10[%multiple_of3A, %dma_start3A_90] : memref<10128x128xf32, #tpu.memory_space<vmem_shared>> -> memref<520x128xf32, #tpu.memory_space<vmem_shared>>
        tpu.enqueue_dma source(%dma_start3A_91 : memref<520x128xf32, #tpu.memory_space<vmem_shared>>) target(%dma_start3A_89 : memref<520x128xf32, #tpu.memory_space<hbm>>) target_semaphore(%run_scoped3A : memref<!tpu.dma_semaphore, #tpu.memory_space<semaphore_mem>>)
        %dma_wait3A_92 = arith.constant 0 : i32
        %dma_wait3A_93 = tpu.memref_slice %arg5[%arg0, %multiple_of3A, %dma_wait3A_92] : memref<2x10000x128xf32, #tpu.memory_space<hbm>> -> memref<1x520x128xf32, #tpu.memory_space<hbm>>
        %dma_wait3A_94 = tpu.memref_squeeze %dma_wait3A_93 : memref<1x520x128xf32, #tpu.memory_space<hbm>> -> memref<520x128xf32, #tpu.memory_space<hbm>>
        %dma_wait3A_95 = arith.constant 0 : i32
        %dma_wait3A_96 = tpu.memref_slice %arg10[%multiple_of3A, %dma_wait3A_95] : memref<10128x128xf32, #tpu.memory_space<vmem_shared>> -> memref<520x128xf32, #tpu.memory_space<vmem_shared>>
        tpu.wait_dma2 semaphore(%run_scoped3A : memref<!tpu.dma_semaphore, #tpu.memory_space<semaphore_mem>>) src(%dma_wait3A_96 : memref<520x128xf32, #tpu.memory_space<vmem_shared>>) dst(%dma_wait3A_94 : memref<520x128xf32, #tpu.memory_space<hbm>>)
        tpu.yield
      }) : () -> ()
    } else {
    }
    return
  }
}

#map = affine_map<(d0, d1) -> (0, 0)>
#map1 = affine_map<(d0, d1) -> (0, 0, 0)>
module attributes {stable_mosaic.version = 14 : i64} {
  func.func @sc_agg(%arg0: i32, %arg1: i32, %arg2: memref<10000x128xf32, #tpu.memory_space<hbm>>, %arg3: memref<2560x128xi32, #tpu.memory_space<hbm>>, %arg4: memref<2560x128xi32, #tpu.memory_space<hbm>>, %arg5: memref<2x10000x128xf32, #tpu.memory_space<hbm>>, %arg6: memref<40x128xi32, #tpu.memory_space<vmem>>, %arg7: memref<40x128xi32, #tpu.memory_space<vmem>>, %arg8: memref<128x128xf32, #tpu.memory_space<vmem>>, %arg9: memref<128x128xf32, #tpu.memory_space<vmem>>, %arg10: memref<10128x128xf32, #tpu.memory_space<vmem_shared>>, %arg11: memref<!tpu.dma_semaphore, #tpu.memory_space<semaphore_mem>>, %arg12: memref<!tpu.dma_semaphore, #tpu.memory_space<semaphore_mem>>, %arg13: memref<!tpu.dma_semaphore, #tpu.memory_space<semaphore_mem>>, %arg14: memref<!tpu.dma_semaphore, #tpu.memory_space<semaphore_mem>>) attributes {dimension_semantics = [#tpu.dimension_semantics<core_parallel>, #tpu.dimension_semantics<subcore_parallel>], iteration_bounds = array<i64: 2, 16>, scalar_prefetch = 0 : i64, scratch_operands = 9 : i64, tpu.core_type = #tpu.core_type<sc_vector_subcore>, window_params = [{transform_indices = #map}, {transform_indices = #map}, {transform_indices = #map}, {transform_indices = #map1}]} {
    %mul3A = arith.constant 16 : i32
    %mul3A_0 = arith.muli %arg0, %mul3A : i32
    %add3A = arith.addi %mul3A_0, %arg1 : i32
    %mul3A_1 = arith.constant 632 : i32
    %mul3A_2 = arith.muli %arg1, %mul3A_1 : i32
    %multiple_of3A = tpu.assume_multiple %mul3A_2, 8 : i32
    %lt3A = arith.constant 15 : i32
    %lt3A_3 = arith.cmpi slt, %arg1, %lt3A : i32
    %convert_element_type3A = arith.extui %lt3A_3 : i1 to i32
    %cond3A = arith.constant 0 : i32
    %cond3A_4 = arith.cmpi ne, %convert_element_type3A, %cond3A : i32
    scf.if %cond3A_4 {
      "tpu.region"() ({
        %run_scoped3A = tpu.sem_alloc : memref<!tpu.dma_semaphore, #tpu.memory_space<semaphore_mem>>
        %dma_start3A_87 = arith.constant 0 : i32
        %dma_start3A_88 = tpu.memref_slice %arg10[%multiple_of3A, %dma_start3A_87] : memref<10128x128xf32, #tpu.memory_space<vmem_shared>> -> memref<632x128xf32, #tpu.memory_space<vmem_shared>>
        %dma_start3A_89 = arith.constant 0 : i32
        %dma_start3A_90 = tpu.memref_slice %arg2[%multiple_of3A, %dma_start3A_89] : memref<10000x128xf32, #tpu.memory_space<hbm>> -> memref<632x128xf32, #tpu.memory_space<hbm>>
        tpu.enqueue_dma source(%dma_start3A_90 : memref<632x128xf32, #tpu.memory_space<hbm>>) target(%dma_start3A_88 : memref<632x128xf32, #tpu.memory_space<vmem_shared>>) target_semaphore(%run_scoped3A : memref<!tpu.dma_semaphore, #tpu.memory_space<semaphore_mem>>)
        %dma_wait3A_91 = arith.constant 0 : i32
        %dma_wait3A_92 = tpu.memref_slice %arg10[%multiple_of3A, %dma_wait3A_91] : memref<10128x128xf32, #tpu.memory_space<vmem_shared>> -> memref<632x128xf32, #tpu.memory_space<vmem_shared>>
        %dma_wait3A_93 = arith.constant 0 : i32
        %dma_wait3A_94 = tpu.memref_slice %arg2[%multiple_of3A, %dma_wait3A_93] : memref<10000x128xf32, #tpu.memory_space<hbm>> -> memref<632x128xf32, #tpu.memory_space<hbm>>
        tpu.wait_dma2 semaphore(%run_scoped3A : memref<!tpu.dma_semaphore, #tpu.memory_space<semaphore_mem>>) src(%dma_wait3A_94 : memref<632x128xf32, #tpu.memory_space<hbm>>) dst(%dma_wait3A_92 : memref<632x128xf32, #tpu.memory_space<vmem_shared>>)
        tpu.yield
      }) : () -> ()
    } else {
    }
    %eq3A = arith.constant 15 : i32
    %eq3A_5 = arith.cmpi eq, %arg1, %eq3A : i32
    %convert_element_type3A_6 = arith.extui %eq3A_5 : i1 to i32
    %cond3A_7 = arith.constant 0 : i32
    %cond3A_8 = arith.cmpi ne, %convert_element_type3A_6, %cond3A_7 : i32
    scf.if %cond3A_8 {
      "tpu.region"() ({
        %run_scoped3A = tpu.sem_alloc : memref<!tpu.dma_semaphore, #tpu.memory_space<semaphore_mem>>
        %dma_start3A_87 = arith.constant 0 : i32
        %dma_start3A_88 = tpu.memref_slice %arg10[%multiple_of3A, %dma_start3A_87] : memref<10128x128xf32, #tpu.memory_space<vmem_shared>> -> memref<520x128xf32, #tpu.memory_space<vmem_shared>>
        %dma_start3A_89 = arith.constant 0 : i32
        %dma_start3A_90 = tpu.memref_slice %arg2[%multiple_of3A, %dma_start3A_89] : memref<10000x128xf32, #tpu.memory_space<hbm>> -> memref<520x128xf32, #tpu.memory_space<hbm>>
        tpu.enqueue_dma source(%dma_start3A_90 : memref<520x128xf32, #tpu.memory_space<hbm>>) target(%dma_start3A_88 : memref<520x128xf32, #tpu.memory_space<vmem_shared>>) target_semaphore(%run_scoped3A : memref<!tpu.dma_semaphore, #tpu.memory_space<semaphore_mem>>)
        %dma_wait3A_91 = arith.constant 0 : i32
        %dma_wait3A_92 = tpu.memref_slice %arg10[%multiple_of3A, %dma_wait3A_91] : memref<10128x128xf32, #tpu.memory_space<vmem_shared>> -> memref<520x128xf32, #tpu.memory_space<vmem_shared>>
        %dma_wait3A_93 = arith.constant 0 : i32
        %dma_wait3A_94 = tpu.memref_slice %arg2[%multiple_of3A, %dma_wait3A_93] : memref<10000x128xf32, #tpu.memory_space<hbm>> -> memref<520x128xf32, #tpu.memory_space<hbm>>
        tpu.wait_dma2 semaphore(%run_scoped3A : memref<!tpu.dma_semaphore, #tpu.memory_space<semaphore_mem>>) src(%dma_wait3A_94 : memref<520x128xf32, #tpu.memory_space<hbm>>) dst(%dma_wait3A_92 : memref<520x128xf32, #tpu.memory_space<vmem_shared>>)
        tpu.yield
      }) : () -> ()
    } else {
    }
    %barrier3A = arith.constant 0 : index
    tpu.barrier barrier_id(%barrier3A)
    %mul3A_9 = arith.constant 80 : i32
    %mul3A_10 = arith.muli %add3A, %mul3A_9 : i32
    %add3A_11 = arith.constant 0 : i32
    %add3A_12 = arith.addi %mul3A_10, %add3A_11 : i32
    "tpu.region"() ({
      %run_scoped3A = tpu.sem_alloc : memref<!tpu.dma_semaphore, #tpu.memory_space<semaphore_mem>>
      %dma_start3A_87 = arith.constant 0 : i32
      %dma_start3A_88 = tpu.memref_slice %arg3[%add3A_12, %dma_start3A_87] : memref<2560x128xi32, #tpu.memory_space<hbm>> -> memref<40x128xi32, #tpu.memory_space<hbm>>
      %dma_start3A_89 = arith.constant 0 : i32
      %dma_start3A_90 = tpu.memref_slice %arg3[%add3A_12, %dma_start3A_89] : memref<2560x128xi32, #tpu.memory_space<hbm>> -> memref<40x128xi32, #tpu.memory_space<hbm>>
      tpu.enqueue_dma source(%dma_start3A_90 : memref<40x128xi32, #tpu.memory_space<hbm>>) target(%arg6 : memref<40x128xi32, #tpu.memory_space<vmem>>) target_semaphore(%run_scoped3A : memref<!tpu.dma_semaphore, #tpu.memory_space<semaphore_mem>>)
      %dma_wait3A_91 = arith.constant 0 : i32
      %dma_wait3A_92 = tpu.memref_slice %arg3[%add3A_12, %dma_wait3A_91] : memref<2560x128xi32, #tpu.memory_space<hbm>> -> memref<40x128xi32, #tpu.memory_space<hbm>>
      %dma_wait3A_93 = arith.constant 0 : i32
      %dma_wait3A_94 = tpu.memref_slice %arg3[%add3A_12, %dma_wait3A_93] : memref<2560x128xi32, #tpu.memory_space<hbm>> -> memref<40x128xi32, #tpu.memory_space<hbm>>
      tpu.wait_dma2 semaphore(%run_scoped3A : memref<!tpu.dma_semaphore, #tpu.memory_space<semaphore_mem>>) src(%dma_wait3A_94 : memref<40x128xi32, #tpu.memory_space<hbm>>) dst(%arg6 : memref<40x128xi32, #tpu.memory_space<vmem>>)
      tpu.yield
    }) : () -> ()
    %mul3A_13 = arith.constant 80 : i32
    %mul3A_14 = arith.muli %add3A, %mul3A_13 : i32
    %add3A_15 = arith.constant 0 : i32
    %add3A_16 = arith.addi %mul3A_14, %add3A_15 : i32
    "tpu.region"() ({
      %run_scoped3A = tpu.sem_alloc : memref<!tpu.dma_semaphore, #tpu.memory_space<semaphore_mem>>
      %dma_start3A_87 = arith.constant 0 : i32
      %dma_start3A_88 = tpu.memref_slice %arg4[%add3A_16, %dma_start3A_87] : memref<2560x128xi32, #tpu.memory_space<hbm>> -> memref<40x128xi32, #tpu.memory_space<hbm>>
      %dma_start3A_89 = arith.constant 0 : i32
      %dma_start3A_90 = tpu.memref_slice %arg4[%add3A_16, %dma_start3A_89] : memref<2560x128xi32, #tpu.memory_space<hbm>> -> memref<40x128xi32, #tpu.memory_space<hbm>>
      tpu.enqueue_dma source(%dma_start3A_90 : memref<40x128xi32, #tpu.memory_space<hbm>>) target(%arg7 : memref<40x128xi32, #tpu.memory_space<vmem>>) target_semaphore(%run_scoped3A : memref<!tpu.dma_semaphore, #tpu.memory_space<semaphore_mem>>)
      %dma_wait3A_91 = arith.constant 0 : i32
      %dma_wait3A_92 = tpu.memref_slice %arg4[%add3A_16, %dma_wait3A_91] : memref<2560x128xi32, #tpu.memory_space<hbm>> -> memref<40x128xi32, #tpu.memory_space<hbm>>
      %dma_wait3A_93 = arith.constant 0 : i32
      %dma_wait3A_94 = tpu.memref_slice %arg4[%add3A_16, %dma_wait3A_93] : memref<2560x128xi32, #tpu.memory_space<hbm>> -> memref<40x128xi32, #tpu.memory_space<hbm>>
      tpu.wait_dma2 semaphore(%run_scoped3A : memref<!tpu.dma_semaphore, #tpu.memory_space<semaphore_mem>>) src(%dma_wait3A_94 : memref<40x128xi32, #tpu.memory_space<hbm>>) dst(%arg7 : memref<40x128xi32, #tpu.memory_space<vmem>>)
      tpu.yield
    }) : () -> ()
    %dma_start3A = arith.constant 0 : i32
    %dma_start3A_17 = arith.constant 0 : i32
    %dma_start3A_18 = tpu.memref_slice %arg6[%dma_start3A, %dma_start3A_17] : memref<40x128xi32, #tpu.memory_space<vmem>> -> memref<1x128xi32, #tpu.memory_space<vmem>>
    %dma_start3A_19 = tpu.memref_squeeze %dma_start3A_18 : memref<1x128xi32, #tpu.memory_space<vmem>> -> memref<128xi32, #tpu.memory_space<vmem>>
    %dma_start3A_20 = arith.constant 0 : i32
    %dma_start3A_21 = arith.constant 0 : i32
    %dma_start3A_22 = tpu.memref_slice %arg2[%dma_start3A_20, %dma_start3A_21] : memref<10000x128xf32, #tpu.memory_space<hbm>> -> memref<10000x128xf32, #tpu.memory_space<hbm>>
    tpu.enqueue_indirect_dma source(%dma_start3A_22 : memref<10000x128xf32, #tpu.memory_space<hbm>>) target(%arg8 : memref<128x128xf32, #tpu.memory_space<vmem>>) offsets(%dma_start3A_19 : memref<128xi32, #tpu.memory_space<vmem>>) semaphore(%arg11 : memref<!tpu.dma_semaphore, #tpu.memory_space<semaphore_mem>>)
    %scan3A = arith.constant 0 : i32
    %scan3A_23 = arith.constant 0 : i32
    %scan3A_24 = arith.constant 20 : i32
    %scan3A_25 = arith.addi %scan3A_23, %scan3A_24 : i32
    %scan3A_26 = arith.constant 1 : i32
    scf.for %scan3A_87 = %scan3A_23 to %scan3A_25 step %scan3A_26  : i32 {
      %mul3A_88 = arith.constant 2 : i32
      %mul3A_89 = arith.muli %scan3A_87, %mul3A_88 : i32
      %dma_wait3A_90 = arith.constant 0 : i32
      %dma_wait3A_91 = tpu.memref_slice %arg6[%mul3A_89, %dma_wait3A_90] : memref<40x128xi32, #tpu.memory_space<vmem>> -> memref<1x128xi32, #tpu.memory_space<vmem>>
      %dma_wait3A_92 = tpu.memref_squeeze %dma_wait3A_91 : memref<1x128xi32, #tpu.memory_space<vmem>> -> memref<128xi32, #tpu.memory_space<vmem>>
      %dma_wait3A_93 = arith.constant 0 : i32
      %dma_wait3A_94 = arith.constant 0 : i32
      %dma_wait3A_95 = tpu.memref_slice %arg2[%dma_wait3A_93, %dma_wait3A_94] : memref<10000x128xf32, #tpu.memory_space<hbm>> -> memref<10000x128xf32, #tpu.memory_space<hbm>>
      tpu.wait_indirect_dma semaphore(%arg11 : memref<!tpu.dma_semaphore, #tpu.memory_space<semaphore_mem>>) src(%dma_wait3A_95 : memref<10000x128xf32, #tpu.memory_space<hbm>>) dst(%arg8 : memref<128x128xf32, #tpu.memory_space<vmem>>)
      %dma_start3A_96 = arith.constant 0 : i32
      %dma_start3A_97 = tpu.memref_slice %arg7[%mul3A_89, %dma_start3A_96] : memref<40x128xi32, #tpu.memory_space<vmem>> -> memref<1x128xi32, #tpu.memory_space<vmem>>
      %dma_start3A_98 = tpu.memref_squeeze %dma_start3A_97 : memref<1x128xi32, #tpu.memory_space<vmem>> -> memref<128xi32, #tpu.memory_space<vmem>>
      %dma_start3A_99 = arith.constant 0 : i32
      %dma_start3A_100 = arith.constant 0 : i32
      %dma_start3A_101 = tpu.memref_slice %arg10[%dma_start3A_99, %dma_start3A_100] : memref<10128x128xf32, #tpu.memory_space<vmem_shared>> -> memref<10128x128xf32, #tpu.memory_space<vmem_shared>>
      tpu.enqueue_indirect_dma source(%arg8 : memref<128x128xf32, #tpu.memory_space<vmem>>) target(%dma_start3A_101 : memref<10128x128xf32, #tpu.memory_space<vmem_shared>>) offsets(%dma_start3A_98 : memref<128xi32, #tpu.memory_space<vmem>>) semaphore(%arg13 : memref<!tpu.dma_semaphore, #tpu.memory_space<semaphore_mem>>) {add = true}
      %gt3A = arith.constant 0 : i32
      %gt3A_102 = arith.cmpi sgt, %scan3A_87, %gt3A : i32
      %convert_element_type3A_103 = arith.extui %gt3A_102 : i1 to i32
      %cond3A_104 = arith.constant 0 : i32
      %cond3A_105 = arith.cmpi ne, %convert_element_type3A_103, %cond3A_104 : i32
      scf.if %cond3A_105 {
        %sub3A = arith.constant 1 : i32
        %sub3A_137 = arith.subi %mul3A_89, %sub3A : i32
        %dma_wait3A_138 = arith.constant 0 : i32
        %dma_wait3A_139 = tpu.memref_slice %arg7[%sub3A_137, %dma_wait3A_138] : memref<40x128xi32, #tpu.memory_space<vmem>> -> memref<1x128xi32, #tpu.memory_space<vmem>>
        %dma_wait3A_140 = tpu.memref_squeeze %dma_wait3A_139 : memref<1x128xi32, #tpu.memory_space<vmem>> -> memref<128xi32, #tpu.memory_space<vmem>>
        %dma_wait3A_141 = arith.constant 0 : i32
        %dma_wait3A_142 = arith.constant 0 : i32
        %dma_wait3A_143 = tpu.memref_slice %arg10[%dma_wait3A_141, %dma_wait3A_142] : memref<10128x128xf32, #tpu.memory_space<vmem_shared>> -> memref<10128x128xf32, #tpu.memory_space<vmem_shared>>
        tpu.wait_indirect_dma semaphore(%arg14 : memref<!tpu.dma_semaphore, #tpu.memory_space<semaphore_mem>>) src(%arg9 : memref<128x128xf32, #tpu.memory_space<vmem>>) dst(%dma_wait3A_143 : memref<10128x128xf32, #tpu.memory_space<vmem_shared>>)
      } else {
      }
      %add3A_106 = arith.constant 1 : i32
      %add3A_107 = arith.addi %mul3A_89, %add3A_106 : i32
      %dma_start3A_108 = arith.constant 0 : i32
      %dma_start3A_109 = tpu.memref_slice %arg6[%add3A_107, %dma_start3A_108] : memref<40x128xi32, #tpu.memory_space<vmem>> -> memref<1x128xi32, #tpu.memory_space<vmem>>
      %dma_start3A_110 = tpu.memref_squeeze %dma_start3A_109 : memref<1x128xi32, #tpu.memory_space<vmem>> -> memref<128xi32, #tpu.memory_space<vmem>>
      %dma_start3A_111 = arith.constant 0 : i32
      %dma_start3A_112 = arith.constant 0 : i32
      %dma_start3A_113 = tpu.memref_slice %arg2[%dma_start3A_111, %dma_start3A_112] : memref<10000x128xf32, #tpu.memory_space<hbm>> -> memref<10000x128xf32, #tpu.memory_space<hbm>>
      tpu.enqueue_indirect_dma source(%dma_start3A_113 : memref<10000x128xf32, #tpu.memory_space<hbm>>) target(%arg9 : memref<128x128xf32, #tpu.memory_space<vmem>>) offsets(%dma_start3A_110 : memref<128xi32, #tpu.memory_space<vmem>>) semaphore(%arg12 : memref<!tpu.dma_semaphore, #tpu.memory_space<semaphore_mem>>)
      %add3A_114 = arith.constant 1 : i32
      %add3A_115 = arith.addi %mul3A_89, %add3A_114 : i32
      %dma_wait3A_116 = arith.constant 0 : i32
      %dma_wait3A_117 = tpu.memref_slice %arg6[%add3A_115, %dma_wait3A_116] : memref<40x128xi32, #tpu.memory_space<vmem>> -> memref<1x128xi32, #tpu.memory_space<vmem>>
      %dma_wait3A_118 = tpu.memref_squeeze %dma_wait3A_117 : memref<1x128xi32, #tpu.memory_space<vmem>> -> memref<128xi32, #tpu.memory_space<vmem>>
      %dma_wait3A_119 = arith.constant 0 : i32
      %dma_wait3A_120 = arith.constant 0 : i32
      %dma_wait3A_121 = tpu.memref_slice %arg2[%dma_wait3A_119, %dma_wait3A_120] : memref<10000x128xf32, #tpu.memory_space<hbm>> -> memref<10000x128xf32, #tpu.memory_space<hbm>>
      tpu.wait_indirect_dma semaphore(%arg12 : memref<!tpu.dma_semaphore, #tpu.memory_space<semaphore_mem>>) src(%dma_wait3A_121 : memref<10000x128xf32, #tpu.memory_space<hbm>>) dst(%arg9 : memref<128x128xf32, #tpu.memory_space<vmem>>)
      %add3A_122 = arith.constant 1 : i32
      %add3A_123 = arith.addi %mul3A_89, %add3A_122 : i32
      %dma_start3A_124 = arith.constant 0 : i32
      %dma_start3A_125 = tpu.memref_slice %arg7[%add3A_123, %dma_start3A_124] : memref<40x128xi32, #tpu.memory_space<vmem>> -> memref<1x128xi32, #tpu.memory_space<vmem>>
      %dma_start3A_126 = tpu.memref_squeeze %dma_start3A_125 : memref<1x128xi32, #tpu.memory_space<vmem>> -> memref<128xi32, #tpu.memory_space<vmem>>
      %dma_start3A_127 = arith.constant 0 : i32
      %dma_start3A_128 = arith.constant 0 : i32
      %dma_start3A_129 = tpu.memref_slice %arg10[%dma_start3A_127, %dma_start3A_128] : memref<10128x128xf32, #tpu.memory_space<vmem_shared>> -> memref<10128x128xf32, #tpu.memory_space<vmem_shared>>
      tpu.enqueue_indirect_dma source(%arg9 : memref<128x128xf32, #tpu.memory_space<vmem>>) target(%dma_start3A_129 : memref<10128x128xf32, #tpu.memory_space<vmem_shared>>) offsets(%dma_start3A_126 : memref<128xi32, #tpu.memory_space<vmem>>) semaphore(%arg14 : memref<!tpu.dma_semaphore, #tpu.memory_space<semaphore_mem>>) {add = true}
      %add3A_130 = arith.constant 2 : i32
      %add3A_131 = arith.addi %mul3A_89, %add3A_130 : i32
      %lt3A_132 = arith.constant 40 : i32
      %lt3A_133 = arith.cmpi slt, %add3A_131, %lt3A_132 : i32
      %convert_element_type3A_134 = arith.extui %lt3A_133 : i1 to i32
      %cond3A_135 = arith.constant 0 : i32
      %cond3A_136 = arith.cmpi ne, %convert_element_type3A_134, %cond3A_135 : i32
      scf.if %cond3A_136 {
        %dma_wait3A_137 = arith.constant 0 : i32
        %dma_wait3A_138 = tpu.memref_slice %arg7[%mul3A_89, %dma_wait3A_137] : memref<40x128xi32, #tpu.memory_space<vmem>> -> memref<1x128xi32, #tpu.memory_space<vmem>>
        %dma_wait3A_139 = tpu.memref_squeeze %dma_wait3A_138 : memref<1x128xi32, #tpu.memory_space<vmem>> -> memref<128xi32, #tpu.memory_space<vmem>>
        %dma_wait3A_140 = arith.constant 0 : i32
        %dma_wait3A_141 = arith.constant 0 : i32
        %dma_wait3A_142 = tpu.memref_slice %arg10[%dma_wait3A_140, %dma_wait3A_141] : memref<10128x128xf32, #tpu.memory_space<vmem_shared>> -> memref<10128x128xf32, #tpu.memory_space<vmem_shared>>
        tpu.wait_indirect_dma semaphore(%arg13 : memref<!tpu.dma_semaphore, #tpu.memory_space<semaphore_mem>>) src(%arg8 : memref<128x128xf32, #tpu.memory_space<vmem>>) dst(%dma_wait3A_142 : memref<10128x128xf32, #tpu.memory_space<vmem_shared>>)
        %add3A_143 = arith.constant 2 : i32
        %add3A_144 = arith.addi %mul3A_89, %add3A_143 : i32
        %dma_start3A_145 = arith.constant 0 : i32
        %dma_start3A_146 = tpu.memref_slice %arg6[%add3A_144, %dma_start3A_145] : memref<40x128xi32, #tpu.memory_space<vmem>> -> memref<1x128xi32, #tpu.memory_space<vmem>>
        %dma_start3A_147 = tpu.memref_squeeze %dma_start3A_146 : memref<1x128xi32, #tpu.memory_space<vmem>> -> memref<128xi32, #tpu.memory_space<vmem>>
        %dma_start3A_148 = arith.constant 0 : i32
        %dma_start3A_149 = arith.constant 0 : i32
        %dma_start3A_150 = tpu.memref_slice %arg2[%dma_start3A_148, %dma_start3A_149] : memref<10000x128xf32, #tpu.memory_space<hbm>> -> memref<10000x128xf32, #tpu.memory_space<hbm>>
        tpu.enqueue_indirect_dma source(%dma_start3A_150 : memref<10000x128xf32, #tpu.memory_space<hbm>>) target(%arg8 : memref<128x128xf32, #tpu.memory_space<vmem>>) offsets(%dma_start3A_147 : memref<128xi32, #tpu.memory_space<vmem>>) semaphore(%arg11 : memref<!tpu.dma_semaphore, #tpu.memory_space<semaphore_mem>>)
      } else {
      }
    }
    %scan3A_27 = arith.constant 20 : i32
    %dma_wait3A = arith.constant 38 : i32
    %dma_wait3A_28 = arith.constant 0 : i32
    %dma_wait3A_29 = tpu.memref_slice %arg7[%dma_wait3A, %dma_wait3A_28] : memref<40x128xi32, #tpu.memory_space<vmem>> -> memref<1x128xi32, #tpu.memory_space<vmem>>
    %dma_wait3A_30 = tpu.memref_squeeze %dma_wait3A_29 : memref<1x128xi32, #tpu.memory_space<vmem>> -> memref<128xi32, #tpu.memory_space<vmem>>
    %dma_wait3A_31 = arith.constant 0 : i32
    %dma_wait3A_32 = arith.constant 0 : i32
    %dma_wait3A_33 = tpu.memref_slice %arg10[%dma_wait3A_31, %dma_wait3A_32] : memref<10128x128xf32, #tpu.memory_space<vmem_shared>> -> memref<10128x128xf32, #tpu.memory_space<vmem_shared>>
    tpu.wait_indirect_dma semaphore(%arg13 : memref<!tpu.dma_semaphore, #tpu.memory_space<semaphore_mem>>) src(%arg8 : memref<128x128xf32, #tpu.memory_space<vmem>>) dst(%dma_wait3A_33 : memref<10128x128xf32, #tpu.memory_space<vmem_shared>>)
    %dma_wait3A_34 = arith.constant 39 : i32
    %dma_wait3A_35 = arith.constant 0 : i32
    %dma_wait3A_36 = tpu.memref_slice %arg7[%dma_wait3A_34, %dma_wait3A_35] : memref<40x128xi32, #tpu.memory_space<vmem>> -> memref<1x128xi32, #tpu.memory_space<vmem>>
    %dma_wait3A_37 = tpu.memref_squeeze %dma_wait3A_36 : memref<1x128xi32, #tpu.memory_space<vmem>> -> memref<128xi32, #tpu.memory_space<vmem>>
    %dma_wait3A_38 = arith.constant 0 : i32
    %dma_wait3A_39 = arith.constant 0 : i32
    %dma_wait3A_40 = tpu.memref_slice %arg10[%dma_wait3A_38, %dma_wait3A_39] : memref<10128x128xf32, #tpu.memory_space<vmem_shared>> -> memref<10128x128xf32, #tpu.memory_space<vmem_shared>>
    tpu.wait_indirect_dma semaphore(%arg14 : memref<!tpu.dma_semaphore, #tpu.memory_space<semaphore_mem>>) src(%arg9 : memref<128x128xf32, #tpu.memory_space<vmem>>) dst(%dma_wait3A_40 : memref<10128x128xf32, #tpu.memory_space<vmem_shared>>)
    %mul3A_41 = arith.constant 80 : i32
    %mul3A_42 = arith.muli %add3A, %mul3A_41 : i32
    %add3A_43 = arith.constant 40 : i32
    %add3A_44 = arith.addi %mul3A_42, %add3A_43 : i32
    "tpu.region"() ({
      %run_scoped3A = tpu.sem_alloc : memref<!tpu.dma_semaphore, #tpu.memory_space<semaphore_mem>>
      %dma_start3A_87 = arith.constant 0 : i32
      %dma_start3A_88 = tpu.memref_slice %arg3[%add3A_44, %dma_start3A_87] : memref<2560x128xi32, #tpu.memory_space<hbm>> -> memref<40x128xi32, #tpu.memory_space<hbm>>
      %dma_start3A_89 = arith.constant 0 : i32
      %dma_start3A_90 = tpu.memref_slice %arg3[%add3A_44, %dma_start3A_89] : memref<2560x128xi32, #tpu.memory_space<hbm>> -> memref<40x128xi32, #tpu.memory_space<hbm>>
      tpu.enqueue_dma source(%dma_start3A_90 : memref<40x128xi32, #tpu.memory_space<hbm>>) target(%arg6 : memref<40x128xi32, #tpu.memory_space<vmem>>) target_semaphore(%run_scoped3A : memref<!tpu.dma_semaphore, #tpu.memory_space<semaphore_mem>>)
      %dma_wait3A_91 = arith.constant 0 : i32
      %dma_wait3A_92 = tpu.memref_slice %arg3[%add3A_44, %dma_wait3A_91] : memref<2560x128xi32, #tpu.memory_space<hbm>> -> memref<40x128xi32, #tpu.memory_space<hbm>>
      %dma_wait3A_93 = arith.constant 0 : i32
      %dma_wait3A_94 = tpu.memref_slice %arg3[%add3A_44, %dma_wait3A_93] : memref<2560x128xi32, #tpu.memory_space<hbm>> -> memref<40x128xi32, #tpu.memory_space<hbm>>
      tpu.wait_dma2 semaphore(%run_scoped3A : memref<!tpu.dma_semaphore, #tpu.memory_space<semaphore_mem>>) src(%dma_wait3A_94 : memref<40x128xi32, #tpu.memory_space<hbm>>) dst(%arg6 : memref<40x128xi32, #tpu.memory_space<vmem>>)
      tpu.yield
    }) : () -> ()
    %mul3A_45 = arith.constant 80 : i32
    %mul3A_46 = arith.muli %add3A, %mul3A_45 : i32
    %add3A_47 = arith.constant 40 : i32
    %add3A_48 = arith.addi %mul3A_46, %add3A_47 : i32
    "tpu.region"() ({
      %run_scoped3A = tpu.sem_alloc : memref<!tpu.dma_semaphore, #tpu.memory_space<semaphore_mem>>
      %dma_start3A_87 = arith.constant 0 : i32
      %dma_start3A_88 = tpu.memref_slice %arg4[%add3A_48, %dma_start3A_87] : memref<2560x128xi32, #tpu.memory_space<hbm>> -> memref<40x128xi32, #tpu.memory_space<hbm>>
      %dma_start3A_89 = arith.constant 0 : i32
      %dma_start3A_90 = tpu.memref_slice %arg4[%add3A_48, %dma_start3A_89] : memref<2560x128xi32, #tpu.memory_space<hbm>> -> memref<40x128xi32, #tpu.memory_space<hbm>>
      tpu.enqueue_dma source(%dma_start3A_90 : memref<40x128xi32, #tpu.memory_space<hbm>>) target(%arg7 : memref<40x128xi32, #tpu.memory_space<vmem>>) target_semaphore(%run_scoped3A : memref<!tpu.dma_semaphore, #tpu.memory_space<semaphore_mem>>)
      %dma_wait3A_91 = arith.constant 0 : i32
      %dma_wait3A_92 = tpu.memref_slice %arg4[%add3A_48, %dma_wait3A_91] : memref<2560x128xi32, #tpu.memory_space<hbm>> -> memref<40x128xi32, #tpu.memory_space<hbm>>
      %dma_wait3A_93 = arith.constant 0 : i32
      %dma_wait3A_94 = tpu.memref_slice %arg4[%add3A_48, %dma_wait3A_93] : memref<2560x128xi32, #tpu.memory_space<hbm>> -> memref<40x128xi32, #tpu.memory_space<hbm>>
      tpu.wait_dma2 semaphore(%run_scoped3A : memref<!tpu.dma_semaphore, #tpu.memory_space<semaphore_mem>>) src(%dma_wait3A_94 : memref<40x128xi32, #tpu.memory_space<hbm>>) dst(%arg7 : memref<40x128xi32, #tpu.memory_space<vmem>>)
      tpu.yield
    }) : () -> ()
    %dma_start3A_49 = arith.constant 0 : i32
    %dma_start3A_50 = arith.constant 0 : i32
    %dma_start3A_51 = tpu.memref_slice %arg6[%dma_start3A_49, %dma_start3A_50] : memref<40x128xi32, #tpu.memory_space<vmem>> -> memref<1x128xi32, #tpu.memory_space<vmem>>
    %dma_start3A_52 = tpu.memref_squeeze %dma_start3A_51 : memref<1x128xi32, #tpu.memory_space<vmem>> -> memref<128xi32, #tpu.memory_space<vmem>>
    %dma_start3A_53 = arith.constant 0 : i32
    %dma_start3A_54 = arith.constant 0 : i32
    %dma_start3A_55 = tpu.memref_slice %arg2[%dma_start3A_53, %dma_start3A_54] : memref<10000x128xf32, #tpu.memory_space<hbm>> -> memref<10000x128xf32, #tpu.memory_space<hbm>>
    tpu.enqueue_indirect_dma source(%dma_start3A_55 : memref<10000x128xf32, #tpu.memory_space<hbm>>) target(%arg8 : memref<128x128xf32, #tpu.memory_space<vmem>>) offsets(%dma_start3A_52 : memref<128xi32, #tpu.memory_space<vmem>>) semaphore(%arg11 : memref<!tpu.dma_semaphore, #tpu.memory_space<semaphore_mem>>)
    %scan3A_56 = arith.constant 0 : i32
    %scan3A_57 = arith.constant 0 : i32
    %scan3A_58 = arith.constant 20 : i32
    %scan3A_59 = arith.addi %scan3A_57, %scan3A_58 : i32
    %scan3A_60 = arith.constant 1 : i32
    scf.for %scan3A_87 = %scan3A_57 to %scan3A_59 step %scan3A_60  : i32 {
      %mul3A_88 = arith.constant 2 : i32
      %mul3A_89 = arith.muli %scan3A_87, %mul3A_88 : i32
      %dma_wait3A_90 = arith.constant 0 : i32
      %dma_wait3A_91 = tpu.memref_slice %arg6[%mul3A_89, %dma_wait3A_90] : memref<40x128xi32, #tpu.memory_space<vmem>> -> memref<1x128xi32, #tpu.memory_space<vmem>>
      %dma_wait3A_92 = tpu.memref_squeeze %dma_wait3A_91 : memref<1x128xi32, #tpu.memory_space<vmem>> -> memref<128xi32, #tpu.memory_space<vmem>>
      %dma_wait3A_93 = arith.constant 0 : i32
      %dma_wait3A_94 = arith.constant 0 : i32
      %dma_wait3A_95 = tpu.memref_slice %arg2[%dma_wait3A_93, %dma_wait3A_94] : memref<10000x128xf32, #tpu.memory_space<hbm>> -> memref<10000x128xf32, #tpu.memory_space<hbm>>
      tpu.wait_indirect_dma semaphore(%arg11 : memref<!tpu.dma_semaphore, #tpu.memory_space<semaphore_mem>>) src(%dma_wait3A_95 : memref<10000x128xf32, #tpu.memory_space<hbm>>) dst(%arg8 : memref<128x128xf32, #tpu.memory_space<vmem>>)
      %dma_start3A_96 = arith.constant 0 : i32
      %dma_start3A_97 = tpu.memref_slice %arg7[%mul3A_89, %dma_start3A_96] : memref<40x128xi32, #tpu.memory_space<vmem>> -> memref<1x128xi32, #tpu.memory_space<vmem>>
      %dma_start3A_98 = tpu.memref_squeeze %dma_start3A_97 : memref<1x128xi32, #tpu.memory_space<vmem>> -> memref<128xi32, #tpu.memory_space<vmem>>
      %dma_start3A_99 = arith.constant 0 : i32
      %dma_start3A_100 = arith.constant 0 : i32
      %dma_start3A_101 = tpu.memref_slice %arg10[%dma_start3A_99, %dma_start3A_100] : memref<10128x128xf32, #tpu.memory_space<vmem_shared>> -> memref<10128x128xf32, #tpu.memory_space<vmem_shared>>
      tpu.enqueue_indirect_dma source(%arg8 : memref<128x128xf32, #tpu.memory_space<vmem>>) target(%dma_start3A_101 : memref<10128x128xf32, #tpu.memory_space<vmem_shared>>) offsets(%dma_start3A_98 : memref<128xi32, #tpu.memory_space<vmem>>) semaphore(%arg13 : memref<!tpu.dma_semaphore, #tpu.memory_space<semaphore_mem>>) {add = true}
      %gt3A = arith.constant 0 : i32
      %gt3A_102 = arith.cmpi sgt, %scan3A_87, %gt3A : i32
      %convert_element_type3A_103 = arith.extui %gt3A_102 : i1 to i32
      %cond3A_104 = arith.constant 0 : i32
      %cond3A_105 = arith.cmpi ne, %convert_element_type3A_103, %cond3A_104 : i32
      scf.if %cond3A_105 {
        %sub3A = arith.constant 1 : i32
        %sub3A_137 = arith.subi %mul3A_89, %sub3A : i32
        %dma_wait3A_138 = arith.constant 0 : i32
        %dma_wait3A_139 = tpu.memref_slice %arg7[%sub3A_137, %dma_wait3A_138] : memref<40x128xi32, #tpu.memory_space<vmem>> -> memref<1x128xi32, #tpu.memory_space<vmem>>
        %dma_wait3A_140 = tpu.memref_squeeze %dma_wait3A_139 : memref<1x128xi32, #tpu.memory_space<vmem>> -> memref<128xi32, #tpu.memory_space<vmem>>
        %dma_wait3A_141 = arith.constant 0 : i32
        %dma_wait3A_142 = arith.constant 0 : i32
        %dma_wait3A_143 = tpu.memref_slice %arg10[%dma_wait3A_141, %dma_wait3A_142] : memref<10128x128xf32, #tpu.memory_space<vmem_shared>> -> memref<10128x128xf32, #tpu.memory_space<vmem_shared>>
        tpu.wait_indirect_dma semaphore(%arg14 : memref<!tpu.dma_semaphore, #tpu.memory_space<semaphore_mem>>) src(%arg9 : memref<128x128xf32, #tpu.memory_space<vmem>>) dst(%dma_wait3A_143 : memref<10128x128xf32, #tpu.memory_space<vmem_shared>>)
      } else {
      }
      %add3A_106 = arith.constant 1 : i32
      %add3A_107 = arith.addi %mul3A_89, %add3A_106 : i32
      %dma_start3A_108 = arith.constant 0 : i32
      %dma_start3A_109 = tpu.memref_slice %arg6[%add3A_107, %dma_start3A_108] : memref<40x128xi32, #tpu.memory_space<vmem>> -> memref<1x128xi32, #tpu.memory_space<vmem>>
      %dma_start3A_110 = tpu.memref_squeeze %dma_start3A_109 : memref<1x128xi32, #tpu.memory_space<vmem>> -> memref<128xi32, #tpu.memory_space<vmem>>
      %dma_start3A_111 = arith.constant 0 : i32
      %dma_start3A_112 = arith.constant 0 : i32
      %dma_start3A_113 = tpu.memref_slice %arg2[%dma_start3A_111, %dma_start3A_112] : memref<10000x128xf32, #tpu.memory_space<hbm>> -> memref<10000x128xf32, #tpu.memory_space<hbm>>
      tpu.enqueue_indirect_dma source(%dma_start3A_113 : memref<10000x128xf32, #tpu.memory_space<hbm>>) target(%arg9 : memref<128x128xf32, #tpu.memory_space<vmem>>) offsets(%dma_start3A_110 : memref<128xi32, #tpu.memory_space<vmem>>) semaphore(%arg12 : memref<!tpu.dma_semaphore, #tpu.memory_space<semaphore_mem>>)
      %add3A_114 = arith.constant 1 : i32
      %add3A_115 = arith.addi %mul3A_89, %add3A_114 : i32
      %dma_wait3A_116 = arith.constant 0 : i32
      %dma_wait3A_117 = tpu.memref_slice %arg6[%add3A_115, %dma_wait3A_116] : memref<40x128xi32, #tpu.memory_space<vmem>> -> memref<1x128xi32, #tpu.memory_space<vmem>>
      %dma_wait3A_118 = tpu.memref_squeeze %dma_wait3A_117 : memref<1x128xi32, #tpu.memory_space<vmem>> -> memref<128xi32, #tpu.memory_space<vmem>>
      %dma_wait3A_119 = arith.constant 0 : i32
      %dma_wait3A_120 = arith.constant 0 : i32
      %dma_wait3A_121 = tpu.memref_slice %arg2[%dma_wait3A_119, %dma_wait3A_120] : memref<10000x128xf32, #tpu.memory_space<hbm>> -> memref<10000x128xf32, #tpu.memory_space<hbm>>
      tpu.wait_indirect_dma semaphore(%arg12 : memref<!tpu.dma_semaphore, #tpu.memory_space<semaphore_mem>>) src(%dma_wait3A_121 : memref<10000x128xf32, #tpu.memory_space<hbm>>) dst(%arg9 : memref<128x128xf32, #tpu.memory_space<vmem>>)
      %add3A_122 = arith.constant 1 : i32
      %add3A_123 = arith.addi %mul3A_89, %add3A_122 : i32
      %dma_start3A_124 = arith.constant 0 : i32
      %dma_start3A_125 = tpu.memref_slice %arg7[%add3A_123, %dma_start3A_124] : memref<40x128xi32, #tpu.memory_space<vmem>> -> memref<1x128xi32, #tpu.memory_space<vmem>>
      %dma_start3A_126 = tpu.memref_squeeze %dma_start3A_125 : memref<1x128xi32, #tpu.memory_space<vmem>> -> memref<128xi32, #tpu.memory_space<vmem>>
      %dma_start3A_127 = arith.constant 0 : i32
      %dma_start3A_128 = arith.constant 0 : i32
      %dma_start3A_129 = tpu.memref_slice %arg10[%dma_start3A_127, %dma_start3A_128] : memref<10128x128xf32, #tpu.memory_space<vmem_shared>> -> memref<10128x128xf32, #tpu.memory_space<vmem_shared>>
      tpu.enqueue_indirect_dma source(%arg9 : memref<128x128xf32, #tpu.memory_space<vmem>>) target(%dma_start3A_129 : memref<10128x128xf32, #tpu.memory_space<vmem_shared>>) offsets(%dma_start3A_126 : memref<128xi32, #tpu.memory_space<vmem>>) semaphore(%arg14 : memref<!tpu.dma_semaphore, #tpu.memory_space<semaphore_mem>>) {add = true}
      %add3A_130 = arith.constant 2 : i32
      %add3A_131 = arith.addi %mul3A_89, %add3A_130 : i32
      %lt3A_132 = arith.constant 40 : i32
      %lt3A_133 = arith.cmpi slt, %add3A_131, %lt3A_132 : i32
      %convert_element_type3A_134 = arith.extui %lt3A_133 : i1 to i32
      %cond3A_135 = arith.constant 0 : i32
      %cond3A_136 = arith.cmpi ne, %convert_element_type3A_134, %cond3A_135 : i32
      scf.if %cond3A_136 {
        %dma_wait3A_137 = arith.constant 0 : i32
        %dma_wait3A_138 = tpu.memref_slice %arg7[%mul3A_89, %dma_wait3A_137] : memref<40x128xi32, #tpu.memory_space<vmem>> -> memref<1x128xi32, #tpu.memory_space<vmem>>
        %dma_wait3A_139 = tpu.memref_squeeze %dma_wait3A_138 : memref<1x128xi32, #tpu.memory_space<vmem>> -> memref<128xi32, #tpu.memory_space<vmem>>
        %dma_wait3A_140 = arith.constant 0 : i32
        %dma_wait3A_141 = arith.constant 0 : i32
        %dma_wait3A_142 = tpu.memref_slice %arg10[%dma_wait3A_140, %dma_wait3A_141] : memref<10128x128xf32, #tpu.memory_space<vmem_shared>> -> memref<10128x128xf32, #tpu.memory_space<vmem_shared>>
        tpu.wait_indirect_dma semaphore(%arg13 : memref<!tpu.dma_semaphore, #tpu.memory_space<semaphore_mem>>) src(%arg8 : memref<128x128xf32, #tpu.memory_space<vmem>>) dst(%dma_wait3A_142 : memref<10128x128xf32, #tpu.memory_space<vmem_shared>>)
        %add3A_143 = arith.constant 2 : i32
        %add3A_144 = arith.addi %mul3A_89, %add3A_143 : i32
        %dma_start3A_145 = arith.constant 0 : i32
        %dma_start3A_146 = tpu.memref_slice %arg6[%add3A_144, %dma_start3A_145] : memref<40x128xi32, #tpu.memory_space<vmem>> -> memref<1x128xi32, #tpu.memory_space<vmem>>
        %dma_start3A_147 = tpu.memref_squeeze %dma_start3A_146 : memref<1x128xi32, #tpu.memory_space<vmem>> -> memref<128xi32, #tpu.memory_space<vmem>>
        %dma_start3A_148 = arith.constant 0 : i32
        %dma_start3A_149 = arith.constant 0 : i32
        %dma_start3A_150 = tpu.memref_slice %arg2[%dma_start3A_148, %dma_start3A_149] : memref<10000x128xf32, #tpu.memory_space<hbm>> -> memref<10000x128xf32, #tpu.memory_space<hbm>>
        tpu.enqueue_indirect_dma source(%dma_start3A_150 : memref<10000x128xf32, #tpu.memory_space<hbm>>) target(%arg8 : memref<128x128xf32, #tpu.memory_space<vmem>>) offsets(%dma_start3A_147 : memref<128xi32, #tpu.memory_space<vmem>>) semaphore(%arg11 : memref<!tpu.dma_semaphore, #tpu.memory_space<semaphore_mem>>)
      } else {
      }
    }
    %scan3A_61 = arith.constant 20 : i32
    %dma_wait3A_62 = arith.constant 38 : i32
    %dma_wait3A_63 = arith.constant 0 : i32
    %dma_wait3A_64 = tpu.memref_slice %arg7[%dma_wait3A_62, %dma_wait3A_63] : memref<40x128xi32, #tpu.memory_space<vmem>> -> memref<1x128xi32, #tpu.memory_space<vmem>>
    %dma_wait3A_65 = tpu.memref_squeeze %dma_wait3A_64 : memref<1x128xi32, #tpu.memory_space<vmem>> -> memref<128xi32, #tpu.memory_space<vmem>>
    %dma_wait3A_66 = arith.constant 0 : i32
    %dma_wait3A_67 = arith.constant 0 : i32
    %dma_wait3A_68 = tpu.memref_slice %arg10[%dma_wait3A_66, %dma_wait3A_67] : memref<10128x128xf32, #tpu.memory_space<vmem_shared>> -> memref<10128x128xf32, #tpu.memory_space<vmem_shared>>
    tpu.wait_indirect_dma semaphore(%arg13 : memref<!tpu.dma_semaphore, #tpu.memory_space<semaphore_mem>>) src(%arg8 : memref<128x128xf32, #tpu.memory_space<vmem>>) dst(%dma_wait3A_68 : memref<10128x128xf32, #tpu.memory_space<vmem_shared>>)
    %dma_wait3A_69 = arith.constant 39 : i32
    %dma_wait3A_70 = arith.constant 0 : i32
    %dma_wait3A_71 = tpu.memref_slice %arg7[%dma_wait3A_69, %dma_wait3A_70] : memref<40x128xi32, #tpu.memory_space<vmem>> -> memref<1x128xi32, #tpu.memory_space<vmem>>
    %dma_wait3A_72 = tpu.memref_squeeze %dma_wait3A_71 : memref<1x128xi32, #tpu.memory_space<vmem>> -> memref<128xi32, #tpu.memory_space<vmem>>
    %dma_wait3A_73 = arith.constant 0 : i32
    %dma_wait3A_74 = arith.constant 0 : i32
    %dma_wait3A_75 = tpu.memref_slice %arg10[%dma_wait3A_73, %dma_wait3A_74] : memref<10128x128xf32, #tpu.memory_space<vmem_shared>> -> memref<10128x128xf32, #tpu.memory_space<vmem_shared>>
    tpu.wait_indirect_dma semaphore(%arg14 : memref<!tpu.dma_semaphore, #tpu.memory_space<semaphore_mem>>) src(%arg9 : memref<128x128xf32, #tpu.memory_space<vmem>>) dst(%dma_wait3A_75 : memref<10128x128xf32, #tpu.memory_space<vmem_shared>>)
    %barrier3A_76 = arith.constant 0 : index
    tpu.barrier barrier_id(%barrier3A_76)
    %lt3A_77 = arith.constant 15 : i32
    %lt3A_78 = arith.cmpi slt, %arg1, %lt3A_77 : i32
    %convert_element_type3A_79 = arith.extui %lt3A_78 : i1 to i32
    %cond3A_80 = arith.constant 0 : i32
    %cond3A_81 = arith.cmpi ne, %convert_element_type3A_79, %cond3A_80 : i32
    scf.if %cond3A_81 {
      "tpu.region"() ({
        %run_scoped3A = tpu.sem_alloc : memref<!tpu.dma_semaphore, #tpu.memory_space<semaphore_mem>>
        %dma_start3A_87 = arith.constant 0 : i32
        %dma_start3A_88 = tpu.memref_slice %arg5[%arg0, %multiple_of3A, %dma_start3A_87] : memref<2x10000x128xf32, #tpu.memory_space<hbm>> -> memref<1x632x128xf32, #tpu.memory_space<hbm>>
        %dma_start3A_89 = tpu.memref_squeeze %dma_start3A_88 : memref<1x632x128xf32, #tpu.memory_space<hbm>> -> memref<632x128xf32, #tpu.memory_space<hbm>>
        %dma_start3A_90 = arith.constant 0 : i32
        %dma_start3A_91 = tpu.memref_slice %arg10[%multiple_of3A, %dma_start3A_90] : memref<10128x128xf32, #tpu.memory_space<vmem_shared>> -> memref<632x128xf32, #tpu.memory_space<vmem_shared>>
        tpu.enqueue_dma source(%dma_start3A_91 : memref<632x128xf32, #tpu.memory_space<vmem_shared>>) target(%dma_start3A_89 : memref<632x128xf32, #tpu.memory_space<hbm>>) target_semaphore(%run_scoped3A : memref<!tpu.dma_semaphore, #tpu.memory_space<semaphore_mem>>)
        %dma_wait3A_92 = arith.constant 0 : i32
        %dma_wait3A_93 = tpu.memref_slice %arg5[%arg0, %multiple_of3A, %dma_wait3A_92] : memref<2x10000x128xf32, #tpu.memory_space<hbm>> -> memref<1x632x128xf32, #tpu.memory_space<hbm>>
        %dma_wait3A_94 = tpu.memref_squeeze %dma_wait3A_93 : memref<1x632x128xf32, #tpu.memory_space<hbm>> -> memref<632x128xf32, #tpu.memory_space<hbm>>
        %dma_wait3A_95 = arith.constant 0 : i32
        %dma_wait3A_96 = tpu.memref_slice %arg10[%multiple_of3A, %dma_wait3A_95] : memref<10128x128xf32, #tpu.memory_space<vmem_shared>> -> memref<632x128xf32, #tpu.memory_space<vmem_shared>>
        tpu.wait_dma2 semaphore(%run_scoped3A : memref<!tpu.dma_semaphore, #tpu.memory_space<semaphore_mem>>) src(%dma_wait3A_96 : memref<632x128xf32, #tpu.memory_space<vmem_shared>>) dst(%dma_wait3A_94 : memref<632x128xf32, #tpu.memory_space<hbm>>)
        tpu.yield
      }) : () -> ()
    } else {
    }
    %eq3A_82 = arith.constant 15 : i32
    %eq3A_83 = arith.cmpi eq, %arg1, %eq3A_82 : i32
    %convert_element_type3A_84 = arith.extui %eq3A_83 : i1 to i32
    %cond3A_85 = arith.constant 0 : i32
    %cond3A_86 = arith.cmpi ne, %convert_element_type3A_84, %cond3A_85 : i32
    scf.if %cond3A_86 {
      "tpu.region"() ({
        %run_scoped3A = tpu.sem_alloc : memref<!tpu.dma_semaphore, #tpu.memory_space<semaphore_mem>>
        %dma_start3A_87 = arith.constant 0 : i32
        %dma_start3A_88 = tpu.memref_slice %arg5[%arg0, %multiple_of3A, %dma_start3A_87] : memref<2x10000x128xf32, #tpu.memory_space<hbm>> -> memref<1x520x128xf32, #tpu.memory_space<hbm>>
        %dma_start3A_89 = tpu.memref_squeeze %dma_start3A_88 : memref<1x520x128xf32, #tpu.memory_space<hbm>> -> memref<520x128xf32, #tpu.memory_space<hbm>>
        %dma_start3A_90 = arith.constant 0 : i32
        %dma_start3A_91 = tpu.memref_slice %arg10[%multiple_of3A, %dma_start3A_90] : memref<10128x128xf32, #tpu.memory_space<vmem_shared>> -> memref<520x128xf32, #tpu.memory_space<vmem_shared>>
        tpu.enqueue_dma source(%dma_start3A_91 : memref<520x128xf32, #tpu.memory_space<vmem_shared>>) target(%dma_start3A_89 : memref<520x128xf32, #tpu.memory_space<hbm>>) target_semaphore(%run_scoped3A : memref<!tpu.dma_semaphore, #tpu.memory_space<semaphore_mem>>)
        %dma_wait3A_92 = arith.constant 0 : i32
        %dma_wait3A_93 = tpu.memref_slice %arg5[%arg0, %multiple_of3A, %dma_wait3A_92] : memref<2x10000x128xf32, #tpu.memory_space<hbm>> -> memref<1x520x128xf32, #tpu.memory_space<hbm>>
        %dma_wait3A_94 = tpu.memref_squeeze %dma_wait3A_93 : memref<1x520x128xf32, #tpu.memory_space<hbm>> -> memref<520x128xf32, #tpu.memory_space<hbm>>
        %dma_wait3A_95 = arith.constant 0 : i32
        %dma_wait3A_96 = tpu.memref_slice %arg10[%multiple_of3A, %dma_wait3A_95] : memref<10128x128xf32, #tpu.memory_space<vmem_shared>> -> memref<520x128xf32, #tpu.memory_space<vmem_shared>>
        tpu.wait_dma2 semaphore(%run_scoped3A : memref<!tpu.dma_semaphore, #tpu.memory_space<semaphore_mem>>) src(%dma_wait3A_96 : memref<520x128xf32, #tpu.memory_space<vmem_shared>>) dst(%dma_wait3A_94 : memref<520x128xf32, #tpu.memory_space<hbm>>)
        tpu.yield
      }) : () -> ()
    } else {
    }
    return
  }
}

#map = affine_map<(d0, d1) -> (0, 0)>
#map1 = affine_map<(d0, d1) -> (0, 0, 0)>
module attributes {stable_mosaic.version = 14 : i64} {
  func.func @sc_agg(%arg0: i32, %arg1: i32, %arg2: memref<10000x128xf32, #tpu.memory_space<hbm>>, %arg3: memref<2560x128xi32, #tpu.memory_space<hbm>>, %arg4: memref<2560x128xi32, #tpu.memory_space<hbm>>, %arg5: memref<2x10000x128xf32, #tpu.memory_space<hbm>>, %arg6: memref<40x128xi32, #tpu.memory_space<vmem>>, %arg7: memref<40x128xi32, #tpu.memory_space<vmem>>, %arg8: memref<128x128xf32, #tpu.memory_space<vmem>>, %arg9: memref<128x128xf32, #tpu.memory_space<vmem>>, %arg10: memref<10128x128xf32, #tpu.memory_space<vmem_shared>>, %arg11: memref<!tpu.dma_semaphore, #tpu.memory_space<semaphore_mem>>, %arg12: memref<!tpu.dma_semaphore, #tpu.memory_space<semaphore_mem>>, %arg13: memref<!tpu.dma_semaphore, #tpu.memory_space<semaphore_mem>>, %arg14: memref<!tpu.dma_semaphore, #tpu.memory_space<semaphore_mem>>) attributes {dimension_semantics = [#tpu.dimension_semantics<core_parallel>, #tpu.dimension_semantics<subcore_parallel>], iteration_bounds = array<i64: 2, 16>, scalar_prefetch = 0 : i64, scratch_operands = 9 : i64, tpu.core_type = #tpu.core_type<sc_vector_subcore>, window_params = [{transform_indices = #map}, {transform_indices = #map}, {transform_indices = #map}, {transform_indices = #map1}]} {
    %mul3A = arith.constant 16 : i32
    %mul3A_0 = arith.muli %arg0, %mul3A : i32
    %add3A = arith.addi %mul3A_0, %arg1 : i32
    %mul3A_1 = arith.constant 632 : i32
    %mul3A_2 = arith.muli %arg1, %mul3A_1 : i32
    %multiple_of3A = tpu.assume_multiple %mul3A_2, 8 : i32
    %lt3A = arith.constant 15 : i32
    %lt3A_3 = arith.cmpi slt, %arg1, %lt3A : i32
    %convert_element_type3A = arith.extui %lt3A_3 : i1 to i32
    %cond3A = arith.constant 0 : i32
    %cond3A_4 = arith.cmpi ne, %convert_element_type3A, %cond3A : i32
    scf.if %cond3A_4 {
      "tpu.region"() ({
        %run_scoped3A = tpu.sem_alloc : memref<!tpu.dma_semaphore, #tpu.memory_space<semaphore_mem>>
        %dma_start3A_87 = arith.constant 0 : i32
        %dma_start3A_88 = tpu.memref_slice %arg10[%multiple_of3A, %dma_start3A_87] : memref<10128x128xf32, #tpu.memory_space<vmem_shared>> -> memref<632x128xf32, #tpu.memory_space<vmem_shared>>
        %dma_start3A_89 = arith.constant 0 : i32
        %dma_start3A_90 = tpu.memref_slice %arg2[%multiple_of3A, %dma_start3A_89] : memref<10000x128xf32, #tpu.memory_space<hbm>> -> memref<632x128xf32, #tpu.memory_space<hbm>>
        tpu.enqueue_dma source(%dma_start3A_90 : memref<632x128xf32, #tpu.memory_space<hbm>>) target(%dma_start3A_88 : memref<632x128xf32, #tpu.memory_space<vmem_shared>>) target_semaphore(%run_scoped3A : memref<!tpu.dma_semaphore, #tpu.memory_space<semaphore_mem>>)
        %dma_wait3A_91 = arith.constant 0 : i32
        %dma_wait3A_92 = tpu.memref_slice %arg10[%multiple_of3A, %dma_wait3A_91] : memref<10128x128xf32, #tpu.memory_space<vmem_shared>> -> memref<632x128xf32, #tpu.memory_space<vmem_shared>>
        %dma_wait3A_93 = arith.constant 0 : i32
        %dma_wait3A_94 = tpu.memref_slice %arg2[%multiple_of3A, %dma_wait3A_93] : memref<10000x128xf32, #tpu.memory_space<hbm>> -> memref<632x128xf32, #tpu.memory_space<hbm>>
        tpu.wait_dma2 semaphore(%run_scoped3A : memref<!tpu.dma_semaphore, #tpu.memory_space<semaphore_mem>>) src(%dma_wait3A_94 : memref<632x128xf32, #tpu.memory_space<hbm>>) dst(%dma_wait3A_92 : memref<632x128xf32, #tpu.memory_space<vmem_shared>>)
        tpu.yield
      }) : () -> ()
    } else {
    }
    %eq3A = arith.constant 15 : i32
    %eq3A_5 = arith.cmpi eq, %arg1, %eq3A : i32
    %convert_element_type3A_6 = arith.extui %eq3A_5 : i1 to i32
    %cond3A_7 = arith.constant 0 : i32
    %cond3A_8 = arith.cmpi ne, %convert_element_type3A_6, %cond3A_7 : i32
    scf.if %cond3A_8 {
      "tpu.region"() ({
        %run_scoped3A = tpu.sem_alloc : memref<!tpu.dma_semaphore, #tpu.memory_space<semaphore_mem>>
        %dma_start3A_87 = arith.constant 0 : i32
        %dma_start3A_88 = tpu.memref_slice %arg10[%multiple_of3A, %dma_start3A_87] : memref<10128x128xf32, #tpu.memory_space<vmem_shared>> -> memref<520x128xf32, #tpu.memory_space<vmem_shared>>
        %dma_start3A_89 = arith.constant 0 : i32
        %dma_start3A_90 = tpu.memref_slice %arg2[%multiple_of3A, %dma_start3A_89] : memref<10000x128xf32, #tpu.memory_space<hbm>> -> memref<520x128xf32, #tpu.memory_space<hbm>>
        tpu.enqueue_dma source(%dma_start3A_90 : memref<520x128xf32, #tpu.memory_space<hbm>>) target(%dma_start3A_88 : memref<520x128xf32, #tpu.memory_space<vmem_shared>>) target_semaphore(%run_scoped3A : memref<!tpu.dma_semaphore, #tpu.memory_space<semaphore_mem>>)
        %dma_wait3A_91 = arith.constant 0 : i32
        %dma_wait3A_92 = tpu.memref_slice %arg10[%multiple_of3A, %dma_wait3A_91] : memref<10128x128xf32, #tpu.memory_space<vmem_shared>> -> memref<520x128xf32, #tpu.memory_space<vmem_shared>>
        %dma_wait3A_93 = arith.constant 0 : i32
        %dma_wait3A_94 = tpu.memref_slice %arg2[%multiple_of3A, %dma_wait3A_93] : memref<10000x128xf32, #tpu.memory_space<hbm>> -> memref<520x128xf32, #tpu.memory_space<hbm>>
        tpu.wait_dma2 semaphore(%run_scoped3A : memref<!tpu.dma_semaphore, #tpu.memory_space<semaphore_mem>>) src(%dma_wait3A_94 : memref<520x128xf32, #tpu.memory_space<hbm>>) dst(%dma_wait3A_92 : memref<520x128xf32, #tpu.memory_space<vmem_shared>>)
        tpu.yield
      }) : () -> ()
    } else {
    }
    %barrier3A = arith.constant 0 : index
    tpu.barrier barrier_id(%barrier3A)
    %mul3A_9 = arith.constant 80 : i32
    %mul3A_10 = arith.muli %add3A, %mul3A_9 : i32
    %add3A_11 = arith.constant 0 : i32
    %add3A_12 = arith.addi %mul3A_10, %add3A_11 : i32
    "tpu.region"() ({
      %run_scoped3A = tpu.sem_alloc : memref<!tpu.dma_semaphore, #tpu.memory_space<semaphore_mem>>
      %dma_start3A_87 = arith.constant 0 : i32
      %dma_start3A_88 = tpu.memref_slice %arg3[%add3A_12, %dma_start3A_87] : memref<2560x128xi32, #tpu.memory_space<hbm>> -> memref<40x128xi32, #tpu.memory_space<hbm>>
      %dma_start3A_89 = arith.constant 0 : i32
      %dma_start3A_90 = tpu.memref_slice %arg3[%add3A_12, %dma_start3A_89] : memref<2560x128xi32, #tpu.memory_space<hbm>> -> memref<40x128xi32, #tpu.memory_space<hbm>>
      tpu.enqueue_dma source(%dma_start3A_90 : memref<40x128xi32, #tpu.memory_space<hbm>>) target(%arg6 : memref<40x128xi32, #tpu.memory_space<vmem>>) target_semaphore(%run_scoped3A : memref<!tpu.dma_semaphore, #tpu.memory_space<semaphore_mem>>)
      %dma_wait3A_91 = arith.constant 0 : i32
      %dma_wait3A_92 = tpu.memref_slice %arg3[%add3A_12, %dma_wait3A_91] : memref<2560x128xi32, #tpu.memory_space<hbm>> -> memref<40x128xi32, #tpu.memory_space<hbm>>
      %dma_wait3A_93 = arith.constant 0 : i32
      %dma_wait3A_94 = tpu.memref_slice %arg3[%add3A_12, %dma_wait3A_93] : memref<2560x128xi32, #tpu.memory_space<hbm>> -> memref<40x128xi32, #tpu.memory_space<hbm>>
      tpu.wait_dma2 semaphore(%run_scoped3A : memref<!tpu.dma_semaphore, #tpu.memory_space<semaphore_mem>>) src(%dma_wait3A_94 : memref<40x128xi32, #tpu.memory_space<hbm>>) dst(%arg6 : memref<40x128xi32, #tpu.memory_space<vmem>>)
      tpu.yield
    }) : () -> ()
    %mul3A_13 = arith.constant 80 : i32
    %mul3A_14 = arith.muli %add3A, %mul3A_13 : i32
    %add3A_15 = arith.constant 0 : i32
    %add3A_16 = arith.addi %mul3A_14, %add3A_15 : i32
    "tpu.region"() ({
      %run_scoped3A = tpu.sem_alloc : memref<!tpu.dma_semaphore, #tpu.memory_space<semaphore_mem>>
      %dma_start3A_87 = arith.constant 0 : i32
      %dma_start3A_88 = tpu.memref_slice %arg4[%add3A_16, %dma_start3A_87] : memref<2560x128xi32, #tpu.memory_space<hbm>> -> memref<40x128xi32, #tpu.memory_space<hbm>>
      %dma_start3A_89 = arith.constant 0 : i32
      %dma_start3A_90 = tpu.memref_slice %arg4[%add3A_16, %dma_start3A_89] : memref<2560x128xi32, #tpu.memory_space<hbm>> -> memref<40x128xi32, #tpu.memory_space<hbm>>
      tpu.enqueue_dma source(%dma_start3A_90 : memref<40x128xi32, #tpu.memory_space<hbm>>) target(%arg7 : memref<40x128xi32, #tpu.memory_space<vmem>>) target_semaphore(%run_scoped3A : memref<!tpu.dma_semaphore, #tpu.memory_space<semaphore_mem>>)
      %dma_wait3A_91 = arith.constant 0 : i32
      %dma_wait3A_92 = tpu.memref_slice %arg4[%add3A_16, %dma_wait3A_91] : memref<2560x128xi32, #tpu.memory_space<hbm>> -> memref<40x128xi32, #tpu.memory_space<hbm>>
      %dma_wait3A_93 = arith.constant 0 : i32
      %dma_wait3A_94 = tpu.memref_slice %arg4[%add3A_16, %dma_wait3A_93] : memref<2560x128xi32, #tpu.memory_space<hbm>> -> memref<40x128xi32, #tpu.memory_space<hbm>>
      tpu.wait_dma2 semaphore(%run_scoped3A : memref<!tpu.dma_semaphore, #tpu.memory_space<semaphore_mem>>) src(%dma_wait3A_94 : memref<40x128xi32, #tpu.memory_space<hbm>>) dst(%arg7 : memref<40x128xi32, #tpu.memory_space<vmem>>)
      tpu.yield
    }) : () -> ()
    %dma_start3A = arith.constant 0 : i32
    %dma_start3A_17 = arith.constant 0 : i32
    %dma_start3A_18 = tpu.memref_slice %arg6[%dma_start3A, %dma_start3A_17] : memref<40x128xi32, #tpu.memory_space<vmem>> -> memref<1x128xi32, #tpu.memory_space<vmem>>
    %dma_start3A_19 = tpu.memref_squeeze %dma_start3A_18 : memref<1x128xi32, #tpu.memory_space<vmem>> -> memref<128xi32, #tpu.memory_space<vmem>>
    %dma_start3A_20 = arith.constant 0 : i32
    %dma_start3A_21 = arith.constant 0 : i32
    %dma_start3A_22 = tpu.memref_slice %arg2[%dma_start3A_20, %dma_start3A_21] : memref<10000x128xf32, #tpu.memory_space<hbm>> -> memref<10000x128xf32, #tpu.memory_space<hbm>>
    tpu.enqueue_indirect_dma source(%dma_start3A_22 : memref<10000x128xf32, #tpu.memory_space<hbm>>) target(%arg8 : memref<128x128xf32, #tpu.memory_space<vmem>>) offsets(%dma_start3A_19 : memref<128xi32, #tpu.memory_space<vmem>>) semaphore(%arg11 : memref<!tpu.dma_semaphore, #tpu.memory_space<semaphore_mem>>)
    %scan3A = arith.constant 0 : i32
    %scan3A_23 = arith.constant 0 : i32
    %scan3A_24 = arith.constant 20 : i32
    %scan3A_25 = arith.addi %scan3A_23, %scan3A_24 : i32
    %scan3A_26 = arith.constant 1 : i32
    scf.for %scan3A_87 = %scan3A_23 to %scan3A_25 step %scan3A_26  : i32 {
      %mul3A_88 = arith.constant 2 : i32
      %mul3A_89 = arith.muli %scan3A_87, %mul3A_88 : i32
      %dma_wait3A_90 = arith.constant 0 : i32
      %dma_wait3A_91 = tpu.memref_slice %arg6[%mul3A_89, %dma_wait3A_90] : memref<40x128xi32, #tpu.memory_space<vmem>> -> memref<1x128xi32, #tpu.memory_space<vmem>>
      %dma_wait3A_92 = tpu.memref_squeeze %dma_wait3A_91 : memref<1x128xi32, #tpu.memory_space<vmem>> -> memref<128xi32, #tpu.memory_space<vmem>>
      %dma_wait3A_93 = arith.constant 0 : i32
      %dma_wait3A_94 = arith.constant 0 : i32
      %dma_wait3A_95 = tpu.memref_slice %arg2[%dma_wait3A_93, %dma_wait3A_94] : memref<10000x128xf32, #tpu.memory_space<hbm>> -> memref<10000x128xf32, #tpu.memory_space<hbm>>
      tpu.wait_indirect_dma semaphore(%arg11 : memref<!tpu.dma_semaphore, #tpu.memory_space<semaphore_mem>>) src(%dma_wait3A_95 : memref<10000x128xf32, #tpu.memory_space<hbm>>) dst(%arg8 : memref<128x128xf32, #tpu.memory_space<vmem>>)
      %dma_start3A_96 = arith.constant 0 : i32
      %dma_start3A_97 = tpu.memref_slice %arg7[%mul3A_89, %dma_start3A_96] : memref<40x128xi32, #tpu.memory_space<vmem>> -> memref<1x128xi32, #tpu.memory_space<vmem>>
      %dma_start3A_98 = tpu.memref_squeeze %dma_start3A_97 : memref<1x128xi32, #tpu.memory_space<vmem>> -> memref<128xi32, #tpu.memory_space<vmem>>
      %dma_start3A_99 = arith.constant 0 : i32
      %dma_start3A_100 = arith.constant 0 : i32
      %dma_start3A_101 = tpu.memref_slice %arg10[%dma_start3A_99, %dma_start3A_100] : memref<10128x128xf32, #tpu.memory_space<vmem_shared>> -> memref<10128x128xf32, #tpu.memory_space<vmem_shared>>
      tpu.enqueue_indirect_dma source(%arg8 : memref<128x128xf32, #tpu.memory_space<vmem>>) target(%dma_start3A_101 : memref<10128x128xf32, #tpu.memory_space<vmem_shared>>) offsets(%dma_start3A_98 : memref<128xi32, #tpu.memory_space<vmem>>) semaphore(%arg13 : memref<!tpu.dma_semaphore, #tpu.memory_space<semaphore_mem>>) {add = true}
      %gt3A = arith.constant 0 : i32
      %gt3A_102 = arith.cmpi sgt, %scan3A_87, %gt3A : i32
      %convert_element_type3A_103 = arith.extui %gt3A_102 : i1 to i32
      %cond3A_104 = arith.constant 0 : i32
      %cond3A_105 = arith.cmpi ne, %convert_element_type3A_103, %cond3A_104 : i32
      scf.if %cond3A_105 {
        %sub3A = arith.constant 1 : i32
        %sub3A_137 = arith.subi %mul3A_89, %sub3A : i32
        %dma_wait3A_138 = arith.constant 0 : i32
        %dma_wait3A_139 = tpu.memref_slice %arg7[%sub3A_137, %dma_wait3A_138] : memref<40x128xi32, #tpu.memory_space<vmem>> -> memref<1x128xi32, #tpu.memory_space<vmem>>
        %dma_wait3A_140 = tpu.memref_squeeze %dma_wait3A_139 : memref<1x128xi32, #tpu.memory_space<vmem>> -> memref<128xi32, #tpu.memory_space<vmem>>
        %dma_wait3A_141 = arith.constant 0 : i32
        %dma_wait3A_142 = arith.constant 0 : i32
        %dma_wait3A_143 = tpu.memref_slice %arg10[%dma_wait3A_141, %dma_wait3A_142] : memref<10128x128xf32, #tpu.memory_space<vmem_shared>> -> memref<10128x128xf32, #tpu.memory_space<vmem_shared>>
        tpu.wait_indirect_dma semaphore(%arg14 : memref<!tpu.dma_semaphore, #tpu.memory_space<semaphore_mem>>) src(%arg9 : memref<128x128xf32, #tpu.memory_space<vmem>>) dst(%dma_wait3A_143 : memref<10128x128xf32, #tpu.memory_space<vmem_shared>>)
      } else {
      }
      %add3A_106 = arith.constant 1 : i32
      %add3A_107 = arith.addi %mul3A_89, %add3A_106 : i32
      %dma_start3A_108 = arith.constant 0 : i32
      %dma_start3A_109 = tpu.memref_slice %arg6[%add3A_107, %dma_start3A_108] : memref<40x128xi32, #tpu.memory_space<vmem>> -> memref<1x128xi32, #tpu.memory_space<vmem>>
      %dma_start3A_110 = tpu.memref_squeeze %dma_start3A_109 : memref<1x128xi32, #tpu.memory_space<vmem>> -> memref<128xi32, #tpu.memory_space<vmem>>
      %dma_start3A_111 = arith.constant 0 : i32
      %dma_start3A_112 = arith.constant 0 : i32
      %dma_start3A_113 = tpu.memref_slice %arg2[%dma_start3A_111, %dma_start3A_112] : memref<10000x128xf32, #tpu.memory_space<hbm>> -> memref<10000x128xf32, #tpu.memory_space<hbm>>
      tpu.enqueue_indirect_dma source(%dma_start3A_113 : memref<10000x128xf32, #tpu.memory_space<hbm>>) target(%arg9 : memref<128x128xf32, #tpu.memory_space<vmem>>) offsets(%dma_start3A_110 : memref<128xi32, #tpu.memory_space<vmem>>) semaphore(%arg12 : memref<!tpu.dma_semaphore, #tpu.memory_space<semaphore_mem>>)
      %add3A_114 = arith.constant 1 : i32
      %add3A_115 = arith.addi %mul3A_89, %add3A_114 : i32
      %dma_wait3A_116 = arith.constant 0 : i32
      %dma_wait3A_117 = tpu.memref_slice %arg6[%add3A_115, %dma_wait3A_116] : memref<40x128xi32, #tpu.memory_space<vmem>> -> memref<1x128xi32, #tpu.memory_space<vmem>>
      %dma_wait3A_118 = tpu.memref_squeeze %dma_wait3A_117 : memref<1x128xi32, #tpu.memory_space<vmem>> -> memref<128xi32, #tpu.memory_space<vmem>>
      %dma_wait3A_119 = arith.constant 0 : i32
      %dma_wait3A_120 = arith.constant 0 : i32
      %dma_wait3A_121 = tpu.memref_slice %arg2[%dma_wait3A_119, %dma_wait3A_120] : memref<10000x128xf32, #tpu.memory_space<hbm>> -> memref<10000x128xf32, #tpu.memory_space<hbm>>
      tpu.wait_indirect_dma semaphore(%arg12 : memref<!tpu.dma_semaphore, #tpu.memory_space<semaphore_mem>>) src(%dma_wait3A_121 : memref<10000x128xf32, #tpu.memory_space<hbm>>) dst(%arg9 : memref<128x128xf32, #tpu.memory_space<vmem>>)
      %add3A_122 = arith.constant 1 : i32
      %add3A_123 = arith.addi %mul3A_89, %add3A_122 : i32
      %dma_start3A_124 = arith.constant 0 : i32
      %dma_start3A_125 = tpu.memref_slice %arg7[%add3A_123, %dma_start3A_124] : memref<40x128xi32, #tpu.memory_space<vmem>> -> memref<1x128xi32, #tpu.memory_space<vmem>>
      %dma_start3A_126 = tpu.memref_squeeze %dma_start3A_125 : memref<1x128xi32, #tpu.memory_space<vmem>> -> memref<128xi32, #tpu.memory_space<vmem>>
      %dma_start3A_127 = arith.constant 0 : i32
      %dma_start3A_128 = arith.constant 0 : i32
      %dma_start3A_129 = tpu.memref_slice %arg10[%dma_start3A_127, %dma_start3A_128] : memref<10128x128xf32, #tpu.memory_space<vmem_shared>> -> memref<10128x128xf32, #tpu.memory_space<vmem_shared>>
      tpu.enqueue_indirect_dma source(%arg9 : memref<128x128xf32, #tpu.memory_space<vmem>>) target(%dma_start3A_129 : memref<10128x128xf32, #tpu.memory_space<vmem_shared>>) offsets(%dma_start3A_126 : memref<128xi32, #tpu.memory_space<vmem>>) semaphore(%arg14 : memref<!tpu.dma_semaphore, #tpu.memory_space<semaphore_mem>>) {add = true}
      %add3A_130 = arith.constant 2 : i32
      %add3A_131 = arith.addi %mul3A_89, %add3A_130 : i32
      %lt3A_132 = arith.constant 40 : i32
      %lt3A_133 = arith.cmpi slt, %add3A_131, %lt3A_132 : i32
      %convert_element_type3A_134 = arith.extui %lt3A_133 : i1 to i32
      %cond3A_135 = arith.constant 0 : i32
      %cond3A_136 = arith.cmpi ne, %convert_element_type3A_134, %cond3A_135 : i32
      scf.if %cond3A_136 {
        %dma_wait3A_137 = arith.constant 0 : i32
        %dma_wait3A_138 = tpu.memref_slice %arg7[%mul3A_89, %dma_wait3A_137] : memref<40x128xi32, #tpu.memory_space<vmem>> -> memref<1x128xi32, #tpu.memory_space<vmem>>
        %dma_wait3A_139 = tpu.memref_squeeze %dma_wait3A_138 : memref<1x128xi32, #tpu.memory_space<vmem>> -> memref<128xi32, #tpu.memory_space<vmem>>
        %dma_wait3A_140 = arith.constant 0 : i32
        %dma_wait3A_141 = arith.constant 0 : i32
        %dma_wait3A_142 = tpu.memref_slice %arg10[%dma_wait3A_140, %dma_wait3A_141] : memref<10128x128xf32, #tpu.memory_space<vmem_shared>> -> memref<10128x128xf32, #tpu.memory_space<vmem_shared>>
        tpu.wait_indirect_dma semaphore(%arg13 : memref<!tpu.dma_semaphore, #tpu.memory_space<semaphore_mem>>) src(%arg8 : memref<128x128xf32, #tpu.memory_space<vmem>>) dst(%dma_wait3A_142 : memref<10128x128xf32, #tpu.memory_space<vmem_shared>>)
        %add3A_143 = arith.constant 2 : i32
        %add3A_144 = arith.addi %mul3A_89, %add3A_143 : i32
        %dma_start3A_145 = arith.constant 0 : i32
        %dma_start3A_146 = tpu.memref_slice %arg6[%add3A_144, %dma_start3A_145] : memref<40x128xi32, #tpu.memory_space<vmem>> -> memref<1x128xi32, #tpu.memory_space<vmem>>
        %dma_start3A_147 = tpu.memref_squeeze %dma_start3A_146 : memref<1x128xi32, #tpu.memory_space<vmem>> -> memref<128xi32, #tpu.memory_space<vmem>>
        %dma_start3A_148 = arith.constant 0 : i32
        %dma_start3A_149 = arith.constant 0 : i32
        %dma_start3A_150 = tpu.memref_slice %arg2[%dma_start3A_148, %dma_start3A_149] : memref<10000x128xf32, #tpu.memory_space<hbm>> -> memref<10000x128xf32, #tpu.memory_space<hbm>>
        tpu.enqueue_indirect_dma source(%dma_start3A_150 : memref<10000x128xf32, #tpu.memory_space<hbm>>) target(%arg8 : memref<128x128xf32, #tpu.memory_space<vmem>>) offsets(%dma_start3A_147 : memref<128xi32, #tpu.memory_space<vmem>>) semaphore(%arg11 : memref<!tpu.dma_semaphore, #tpu.memory_space<semaphore_mem>>)
      } else {
      }
    }
    %scan3A_27 = arith.constant 20 : i32
    %dma_wait3A = arith.constant 38 : i32
    %dma_wait3A_28 = arith.constant 0 : i32
    %dma_wait3A_29 = tpu.memref_slice %arg7[%dma_wait3A, %dma_wait3A_28] : memref<40x128xi32, #tpu.memory_space<vmem>> -> memref<1x128xi32, #tpu.memory_space<vmem>>
    %dma_wait3A_30 = tpu.memref_squeeze %dma_wait3A_29 : memref<1x128xi32, #tpu.memory_space<vmem>> -> memref<128xi32, #tpu.memory_space<vmem>>
    %dma_wait3A_31 = arith.constant 0 : i32
    %dma_wait3A_32 = arith.constant 0 : i32
    %dma_wait3A_33 = tpu.memref_slice %arg10[%dma_wait3A_31, %dma_wait3A_32] : memref<10128x128xf32, #tpu.memory_space<vmem_shared>> -> memref<10128x128xf32, #tpu.memory_space<vmem_shared>>
    tpu.wait_indirect_dma semaphore(%arg13 : memref<!tpu.dma_semaphore, #tpu.memory_space<semaphore_mem>>) src(%arg8 : memref<128x128xf32, #tpu.memory_space<vmem>>) dst(%dma_wait3A_33 : memref<10128x128xf32, #tpu.memory_space<vmem_shared>>)
    %dma_wait3A_34 = arith.constant 39 : i32
    %dma_wait3A_35 = arith.constant 0 : i32
    %dma_wait3A_36 = tpu.memref_slice %arg7[%dma_wait3A_34, %dma_wait3A_35] : memref<40x128xi32, #tpu.memory_space<vmem>> -> memref<1x128xi32, #tpu.memory_space<vmem>>
    %dma_wait3A_37 = tpu.memref_squeeze %dma_wait3A_36 : memref<1x128xi32, #tpu.memory_space<vmem>> -> memref<128xi32, #tpu.memory_space<vmem>>
    %dma_wait3A_38 = arith.constant 0 : i32
    %dma_wait3A_39 = arith.constant 0 : i32
    %dma_wait3A_40 = tpu.memref_slice %arg10[%dma_wait3A_38, %dma_wait3A_39] : memref<10128x128xf32, #tpu.memory_space<vmem_shared>> -> memref<10128x128xf32, #tpu.memory_space<vmem_shared>>
    tpu.wait_indirect_dma semaphore(%arg14 : memref<!tpu.dma_semaphore, #tpu.memory_space<semaphore_mem>>) src(%arg9 : memref<128x128xf32, #tpu.memory_space<vmem>>) dst(%dma_wait3A_40 : memref<10128x128xf32, #tpu.memory_space<vmem_shared>>)
    %mul3A_41 = arith.constant 80 : i32
    %mul3A_42 = arith.muli %add3A, %mul3A_41 : i32
    %add3A_43 = arith.constant 40 : i32
    %add3A_44 = arith.addi %mul3A_42, %add3A_43 : i32
    "tpu.region"() ({
      %run_scoped3A = tpu.sem_alloc : memref<!tpu.dma_semaphore, #tpu.memory_space<semaphore_mem>>
      %dma_start3A_87 = arith.constant 0 : i32
      %dma_start3A_88 = tpu.memref_slice %arg3[%add3A_44, %dma_start3A_87] : memref<2560x128xi32, #tpu.memory_space<hbm>> -> memref<40x128xi32, #tpu.memory_space<hbm>>
      %dma_start3A_89 = arith.constant 0 : i32
      %dma_start3A_90 = tpu.memref_slice %arg3[%add3A_44, %dma_start3A_89] : memref<2560x128xi32, #tpu.memory_space<hbm>> -> memref<40x128xi32, #tpu.memory_space<hbm>>
      tpu.enqueue_dma source(%dma_start3A_90 : memref<40x128xi32, #tpu.memory_space<hbm>>) target(%arg6 : memref<40x128xi32, #tpu.memory_space<vmem>>) target_semaphore(%run_scoped3A : memref<!tpu.dma_semaphore, #tpu.memory_space<semaphore_mem>>)
      %dma_wait3A_91 = arith.constant 0 : i32
      %dma_wait3A_92 = tpu.memref_slice %arg3[%add3A_44, %dma_wait3A_91] : memref<2560x128xi32, #tpu.memory_space<hbm>> -> memref<40x128xi32, #tpu.memory_space<hbm>>
      %dma_wait3A_93 = arith.constant 0 : i32
      %dma_wait3A_94 = tpu.memref_slice %arg3[%add3A_44, %dma_wait3A_93] : memref<2560x128xi32, #tpu.memory_space<hbm>> -> memref<40x128xi32, #tpu.memory_space<hbm>>
      tpu.wait_dma2 semaphore(%run_scoped3A : memref<!tpu.dma_semaphore, #tpu.memory_space<semaphore_mem>>) src(%dma_wait3A_94 : memref<40x128xi32, #tpu.memory_space<hbm>>) dst(%arg6 : memref<40x128xi32, #tpu.memory_space<vmem>>)
      tpu.yield
    }) : () -> ()
    %mul3A_45 = arith.constant 80 : i32
    %mul3A_46 = arith.muli %add3A, %mul3A_45 : i32
    %add3A_47 = arith.constant 40 : i32
    %add3A_48 = arith.addi %mul3A_46, %add3A_47 : i32
    "tpu.region"() ({
      %run_scoped3A = tpu.sem_alloc : memref<!tpu.dma_semaphore, #tpu.memory_space<semaphore_mem>>
      %dma_start3A_87 = arith.constant 0 : i32
      %dma_start3A_88 = tpu.memref_slice %arg4[%add3A_48, %dma_start3A_87] : memref<2560x128xi32, #tpu.memory_space<hbm>> -> memref<40x128xi32, #tpu.memory_space<hbm>>
      %dma_start3A_89 = arith.constant 0 : i32
      %dma_start3A_90 = tpu.memref_slice %arg4[%add3A_48, %dma_start3A_89] : memref<2560x128xi32, #tpu.memory_space<hbm>> -> memref<40x128xi32, #tpu.memory_space<hbm>>
      tpu.enqueue_dma source(%dma_start3A_90 : memref<40x128xi32, #tpu.memory_space<hbm>>) target(%arg7 : memref<40x128xi32, #tpu.memory_space<vmem>>) target_semaphore(%run_scoped3A : memref<!tpu.dma_semaphore, #tpu.memory_space<semaphore_mem>>)
      %dma_wait3A_91 = arith.constant 0 : i32
      %dma_wait3A_92 = tpu.memref_slice %arg4[%add3A_48, %dma_wait3A_91] : memref<2560x128xi32, #tpu.memory_space<hbm>> -> memref<40x128xi32, #tpu.memory_space<hbm>>
      %dma_wait3A_93 = arith.constant 0 : i32
      %dma_wait3A_94 = tpu.memref_slice %arg4[%add3A_48, %dma_wait3A_93] : memref<2560x128xi32, #tpu.memory_space<hbm>> -> memref<40x128xi32, #tpu.memory_space<hbm>>
      tpu.wait_dma2 semaphore(%run_scoped3A : memref<!tpu.dma_semaphore, #tpu.memory_space<semaphore_mem>>) src(%dma_wait3A_94 : memref<40x128xi32, #tpu.memory_space<hbm>>) dst(%arg7 : memref<40x128xi32, #tpu.memory_space<vmem>>)
      tpu.yield
    }) : () -> ()
    %dma_start3A_49 = arith.constant 0 : i32
    %dma_start3A_50 = arith.constant 0 : i32
    %dma_start3A_51 = tpu.memref_slice %arg6[%dma_start3A_49, %dma_start3A_50] : memref<40x128xi32, #tpu.memory_space<vmem>> -> memref<1x128xi32, #tpu.memory_space<vmem>>
    %dma_start3A_52 = tpu.memref_squeeze %dma_start3A_51 : memref<1x128xi32, #tpu.memory_space<vmem>> -> memref<128xi32, #tpu.memory_space<vmem>>
    %dma_start3A_53 = arith.constant 0 : i32
    %dma_start3A_54 = arith.constant 0 : i32
    %dma_start3A_55 = tpu.memref_slice %arg2[%dma_start3A_53, %dma_start3A_54] : memref<10000x128xf32, #tpu.memory_space<hbm>> -> memref<10000x128xf32, #tpu.memory_space<hbm>>
    tpu.enqueue_indirect_dma source(%dma_start3A_55 : memref<10000x128xf32, #tpu.memory_space<hbm>>) target(%arg8 : memref<128x128xf32, #tpu.memory_space<vmem>>) offsets(%dma_start3A_52 : memref<128xi32, #tpu.memory_space<vmem>>) semaphore(%arg11 : memref<!tpu.dma_semaphore, #tpu.memory_space<semaphore_mem>>)
    %scan3A_56 = arith.constant 0 : i32
    %scan3A_57 = arith.constant 0 : i32
    %scan3A_58 = arith.constant 20 : i32
    %scan3A_59 = arith.addi %scan3A_57, %scan3A_58 : i32
    %scan3A_60 = arith.constant 1 : i32
    scf.for %scan3A_87 = %scan3A_57 to %scan3A_59 step %scan3A_60  : i32 {
      %mul3A_88 = arith.constant 2 : i32
      %mul3A_89 = arith.muli %scan3A_87, %mul3A_88 : i32
      %dma_wait3A_90 = arith.constant 0 : i32
      %dma_wait3A_91 = tpu.memref_slice %arg6[%mul3A_89, %dma_wait3A_90] : memref<40x128xi32, #tpu.memory_space<vmem>> -> memref<1x128xi32, #tpu.memory_space<vmem>>
      %dma_wait3A_92 = tpu.memref_squeeze %dma_wait3A_91 : memref<1x128xi32, #tpu.memory_space<vmem>> -> memref<128xi32, #tpu.memory_space<vmem>>
      %dma_wait3A_93 = arith.constant 0 : i32
      %dma_wait3A_94 = arith.constant 0 : i32
      %dma_wait3A_95 = tpu.memref_slice %arg2[%dma_wait3A_93, %dma_wait3A_94] : memref<10000x128xf32, #tpu.memory_space<hbm>> -> memref<10000x128xf32, #tpu.memory_space<hbm>>
      tpu.wait_indirect_dma semaphore(%arg11 : memref<!tpu.dma_semaphore, #tpu.memory_space<semaphore_mem>>) src(%dma_wait3A_95 : memref<10000x128xf32, #tpu.memory_space<hbm>>) dst(%arg8 : memref<128x128xf32, #tpu.memory_space<vmem>>)
      %dma_start3A_96 = arith.constant 0 : i32
      %dma_start3A_97 = tpu.memref_slice %arg7[%mul3A_89, %dma_start3A_96] : memref<40x128xi32, #tpu.memory_space<vmem>> -> memref<1x128xi32, #tpu.memory_space<vmem>>
      %dma_start3A_98 = tpu.memref_squeeze %dma_start3A_97 : memref<1x128xi32, #tpu.memory_space<vmem>> -> memref<128xi32, #tpu.memory_space<vmem>>
      %dma_start3A_99 = arith.constant 0 : i32
      %dma_start3A_100 = arith.constant 0 : i32
      %dma_start3A_101 = tpu.memref_slice %arg10[%dma_start3A_99, %dma_start3A_100] : memref<10128x128xf32, #tpu.memory_space<vmem_shared>> -> memref<10128x128xf32, #tpu.memory_space<vmem_shared>>
      tpu.enqueue_indirect_dma source(%arg8 : memref<128x128xf32, #tpu.memory_space<vmem>>) target(%dma_start3A_101 : memref<10128x128xf32, #tpu.memory_space<vmem_shared>>) offsets(%dma_start3A_98 : memref<128xi32, #tpu.memory_space<vmem>>) semaphore(%arg13 : memref<!tpu.dma_semaphore, #tpu.memory_space<semaphore_mem>>) {add = true}
      %gt3A = arith.constant 0 : i32
      %gt3A_102 = arith.cmpi sgt, %scan3A_87, %gt3A : i32
      %convert_element_type3A_103 = arith.extui %gt3A_102 : i1 to i32
      %cond3A_104 = arith.constant 0 : i32
      %cond3A_105 = arith.cmpi ne, %convert_element_type3A_103, %cond3A_104 : i32
      scf.if %cond3A_105 {
        %sub3A = arith.constant 1 : i32
        %sub3A_137 = arith.subi %mul3A_89, %sub3A : i32
        %dma_wait3A_138 = arith.constant 0 : i32
        %dma_wait3A_139 = tpu.memref_slice %arg7[%sub3A_137, %dma_wait3A_138] : memref<40x128xi32, #tpu.memory_space<vmem>> -> memref<1x128xi32, #tpu.memory_space<vmem>>
        %dma_wait3A_140 = tpu.memref_squeeze %dma_wait3A_139 : memref<1x128xi32, #tpu.memory_space<vmem>> -> memref<128xi32, #tpu.memory_space<vmem>>
        %dma_wait3A_141 = arith.constant 0 : i32
        %dma_wait3A_142 = arith.constant 0 : i32
        %dma_wait3A_143 = tpu.memref_slice %arg10[%dma_wait3A_141, %dma_wait3A_142] : memref<10128x128xf32, #tpu.memory_space<vmem_shared>> -> memref<10128x128xf32, #tpu.memory_space<vmem_shared>>
        tpu.wait_indirect_dma semaphore(%arg14 : memref<!tpu.dma_semaphore, #tpu.memory_space<semaphore_mem>>) src(%arg9 : memref<128x128xf32, #tpu.memory_space<vmem>>) dst(%dma_wait3A_143 : memref<10128x128xf32, #tpu.memory_space<vmem_shared>>)
      } else {
      }
      %add3A_106 = arith.constant 1 : i32
      %add3A_107 = arith.addi %mul3A_89, %add3A_106 : i32
      %dma_start3A_108 = arith.constant 0 : i32
      %dma_start3A_109 = tpu.memref_slice %arg6[%add3A_107, %dma_start3A_108] : memref<40x128xi32, #tpu.memory_space<vmem>> -> memref<1x128xi32, #tpu.memory_space<vmem>>
      %dma_start3A_110 = tpu.memref_squeeze %dma_start3A_109 : memref<1x128xi32, #tpu.memory_space<vmem>> -> memref<128xi32, #tpu.memory_space<vmem>>
      %dma_start3A_111 = arith.constant 0 : i32
      %dma_start3A_112 = arith.constant 0 : i32
      %dma_start3A_113 = tpu.memref_slice %arg2[%dma_start3A_111, %dma_start3A_112] : memref<10000x128xf32, #tpu.memory_space<hbm>> -> memref<10000x128xf32, #tpu.memory_space<hbm>>
      tpu.enqueue_indirect_dma source(%dma_start3A_113 : memref<10000x128xf32, #tpu.memory_space<hbm>>) target(%arg9 : memref<128x128xf32, #tpu.memory_space<vmem>>) offsets(%dma_start3A_110 : memref<128xi32, #tpu.memory_space<vmem>>) semaphore(%arg12 : memref<!tpu.dma_semaphore, #tpu.memory_space<semaphore_mem>>)
      %add3A_114 = arith.constant 1 : i32
      %add3A_115 = arith.addi %mul3A_89, %add3A_114 : i32
      %dma_wait3A_116 = arith.constant 0 : i32
      %dma_wait3A_117 = tpu.memref_slice %arg6[%add3A_115, %dma_wait3A_116] : memref<40x128xi32, #tpu.memory_space<vmem>> -> memref<1x128xi32, #tpu.memory_space<vmem>>
      %dma_wait3A_118 = tpu.memref_squeeze %dma_wait3A_117 : memref<1x128xi32, #tpu.memory_space<vmem>> -> memref<128xi32, #tpu.memory_space<vmem>>
      %dma_wait3A_119 = arith.constant 0 : i32
      %dma_wait3A_120 = arith.constant 0 : i32
      %dma_wait3A_121 = tpu.memref_slice %arg2[%dma_wait3A_119, %dma_wait3A_120] : memref<10000x128xf32, #tpu.memory_space<hbm>> -> memref<10000x128xf32, #tpu.memory_space<hbm>>
      tpu.wait_indirect_dma semaphore(%arg12 : memref<!tpu.dma_semaphore, #tpu.memory_space<semaphore_mem>>) src(%dma_wait3A_121 : memref<10000x128xf32, #tpu.memory_space<hbm>>) dst(%arg9 : memref<128x128xf32, #tpu.memory_space<vmem>>)
      %add3A_122 = arith.constant 1 : i32
      %add3A_123 = arith.addi %mul3A_89, %add3A_122 : i32
      %dma_start3A_124 = arith.constant 0 : i32
      %dma_start3A_125 = tpu.memref_slice %arg7[%add3A_123, %dma_start3A_124] : memref<40x128xi32, #tpu.memory_space<vmem>> -> memref<1x128xi32, #tpu.memory_space<vmem>>
      %dma_start3A_126 = tpu.memref_squeeze %dma_start3A_125 : memref<1x128xi32, #tpu.memory_space<vmem>> -> memref<128xi32, #tpu.memory_space<vmem>>
      %dma_start3A_127 = arith.constant 0 : i32
      %dma_start3A_128 = arith.constant 0 : i32
      %dma_start3A_129 = tpu.memref_slice %arg10[%dma_start3A_127, %dma_start3A_128] : memref<10128x128xf32, #tpu.memory_space<vmem_shared>> -> memref<10128x128xf32, #tpu.memory_space<vmem_shared>>
      tpu.enqueue_indirect_dma source(%arg9 : memref<128x128xf32, #tpu.memory_space<vmem>>) target(%dma_start3A_129 : memref<10128x128xf32, #tpu.memory_space<vmem_shared>>) offsets(%dma_start3A_126 : memref<128xi32, #tpu.memory_space<vmem>>) semaphore(%arg14 : memref<!tpu.dma_semaphore, #tpu.memory_space<semaphore_mem>>) {add = true}
      %add3A_130 = arith.constant 2 : i32
      %add3A_131 = arith.addi %mul3A_89, %add3A_130 : i32
      %lt3A_132 = arith.constant 40 : i32
      %lt3A_133 = arith.cmpi slt, %add3A_131, %lt3A_132 : i32
      %convert_element_type3A_134 = arith.extui %lt3A_133 : i1 to i32
      %cond3A_135 = arith.constant 0 : i32
      %cond3A_136 = arith.cmpi ne, %convert_element_type3A_134, %cond3A_135 : i32
      scf.if %cond3A_136 {
        %dma_wait3A_137 = arith.constant 0 : i32
        %dma_wait3A_138 = tpu.memref_slice %arg7[%mul3A_89, %dma_wait3A_137] : memref<40x128xi32, #tpu.memory_space<vmem>> -> memref<1x128xi32, #tpu.memory_space<vmem>>
        %dma_wait3A_139 = tpu.memref_squeeze %dma_wait3A_138 : memref<1x128xi32, #tpu.memory_space<vmem>> -> memref<128xi32, #tpu.memory_space<vmem>>
        %dma_wait3A_140 = arith.constant 0 : i32
        %dma_wait3A_141 = arith.constant 0 : i32
        %dma_wait3A_142 = tpu.memref_slice %arg10[%dma_wait3A_140, %dma_wait3A_141] : memref<10128x128xf32, #tpu.memory_space<vmem_shared>> -> memref<10128x128xf32, #tpu.memory_space<vmem_shared>>
        tpu.wait_indirect_dma semaphore(%arg13 : memref<!tpu.dma_semaphore, #tpu.memory_space<semaphore_mem>>) src(%arg8 : memref<128x128xf32, #tpu.memory_space<vmem>>) dst(%dma_wait3A_142 : memref<10128x128xf32, #tpu.memory_space<vmem_shared>>)
        %add3A_143 = arith.constant 2 : i32
        %add3A_144 = arith.addi %mul3A_89, %add3A_143 : i32
        %dma_start3A_145 = arith.constant 0 : i32
        %dma_start3A_146 = tpu.memref_slice %arg6[%add3A_144, %dma_start3A_145] : memref<40x128xi32, #tpu.memory_space<vmem>> -> memref<1x128xi32, #tpu.memory_space<vmem>>
        %dma_start3A_147 = tpu.memref_squeeze %dma_start3A_146 : memref<1x128xi32, #tpu.memory_space<vmem>> -> memref<128xi32, #tpu.memory_space<vmem>>
        %dma_start3A_148 = arith.constant 0 : i32
        %dma_start3A_149 = arith.constant 0 : i32
        %dma_start3A_150 = tpu.memref_slice %arg2[%dma_start3A_148, %dma_start3A_149] : memref<10000x128xf32, #tpu.memory_space<hbm>> -> memref<10000x128xf32, #tpu.memory_space<hbm>>
        tpu.enqueue_indirect_dma source(%dma_start3A_150 : memref<10000x128xf32, #tpu.memory_space<hbm>>) target(%arg8 : memref<128x128xf32, #tpu.memory_space<vmem>>) offsets(%dma_start3A_147 : memref<128xi32, #tpu.memory_space<vmem>>) semaphore(%arg11 : memref<!tpu.dma_semaphore, #tpu.memory_space<semaphore_mem>>)
      } else {
      }
    }
    %scan3A_61 = arith.constant 20 : i32
    %dma_wait3A_62 = arith.constant 38 : i32
    %dma_wait3A_63 = arith.constant 0 : i32
    %dma_wait3A_64 = tpu.memref_slice %arg7[%dma_wait3A_62, %dma_wait3A_63] : memref<40x128xi32, #tpu.memory_space<vmem>> -> memref<1x128xi32, #tpu.memory_space<vmem>>
    %dma_wait3A_65 = tpu.memref_squeeze %dma_wait3A_64 : memref<1x128xi32, #tpu.memory_space<vmem>> -> memref<128xi32, #tpu.memory_space<vmem>>
    %dma_wait3A_66 = arith.constant 0 : i32
    %dma_wait3A_67 = arith.constant 0 : i32
    %dma_wait3A_68 = tpu.memref_slice %arg10[%dma_wait3A_66, %dma_wait3A_67] : memref<10128x128xf32, #tpu.memory_space<vmem_shared>> -> memref<10128x128xf32, #tpu.memory_space<vmem_shared>>
    tpu.wait_indirect_dma semaphore(%arg13 : memref<!tpu.dma_semaphore, #tpu.memory_space<semaphore_mem>>) src(%arg8 : memref<128x128xf32, #tpu.memory_space<vmem>>) dst(%dma_wait3A_68 : memref<10128x128xf32, #tpu.memory_space<vmem_shared>>)
    %dma_wait3A_69 = arith.constant 39 : i32
    %dma_wait3A_70 = arith.constant 0 : i32
    %dma_wait3A_71 = tpu.memref_slice %arg7[%dma_wait3A_69, %dma_wait3A_70] : memref<40x128xi32, #tpu.memory_space<vmem>> -> memref<1x128xi32, #tpu.memory_space<vmem>>
    %dma_wait3A_72 = tpu.memref_squeeze %dma_wait3A_71 : memref<1x128xi32, #tpu.memory_space<vmem>> -> memref<128xi32, #tpu.memory_space<vmem>>
    %dma_wait3A_73 = arith.constant 0 : i32
    %dma_wait3A_74 = arith.constant 0 : i32
    %dma_wait3A_75 = tpu.memref_slice %arg10[%dma_wait3A_73, %dma_wait3A_74] : memref<10128x128xf32, #tpu.memory_space<vmem_shared>> -> memref<10128x128xf32, #tpu.memory_space<vmem_shared>>
    tpu.wait_indirect_dma semaphore(%arg14 : memref<!tpu.dma_semaphore, #tpu.memory_space<semaphore_mem>>) src(%arg9 : memref<128x128xf32, #tpu.memory_space<vmem>>) dst(%dma_wait3A_75 : memref<10128x128xf32, #tpu.memory_space<vmem_shared>>)
    %barrier3A_76 = arith.constant 0 : index
    tpu.barrier barrier_id(%barrier3A_76)
    %lt3A_77 = arith.constant 15 : i32
    %lt3A_78 = arith.cmpi slt, %arg1, %lt3A_77 : i32
    %convert_element_type3A_79 = arith.extui %lt3A_78 : i1 to i32
    %cond3A_80 = arith.constant 0 : i32
    %cond3A_81 = arith.cmpi ne, %convert_element_type3A_79, %cond3A_80 : i32
    scf.if %cond3A_81 {
      "tpu.region"() ({
        %run_scoped3A = tpu.sem_alloc : memref<!tpu.dma_semaphore, #tpu.memory_space<semaphore_mem>>
        %dma_start3A_87 = arith.constant 0 : i32
        %dma_start3A_88 = tpu.memref_slice %arg5[%arg0, %multiple_of3A, %dma_start3A_87] : memref<2x10000x128xf32, #tpu.memory_space<hbm>> -> memref<1x632x128xf32, #tpu.memory_space<hbm>>
        %dma_start3A_89 = tpu.memref_squeeze %dma_start3A_88 : memref<1x632x128xf32, #tpu.memory_space<hbm>> -> memref<632x128xf32, #tpu.memory_space<hbm>>
        %dma_start3A_90 = arith.constant 0 : i32
        %dma_start3A_91 = tpu.memref_slice %arg10[%multiple_of3A, %dma_start3A_90] : memref<10128x128xf32, #tpu.memory_space<vmem_shared>> -> memref<632x128xf32, #tpu.memory_space<vmem_shared>>
        tpu.enqueue_dma source(%dma_start3A_91 : memref<632x128xf32, #tpu.memory_space<vmem_shared>>) target(%dma_start3A_89 : memref<632x128xf32, #tpu.memory_space<hbm>>) target_semaphore(%run_scoped3A : memref<!tpu.dma_semaphore, #tpu.memory_space<semaphore_mem>>)
        %dma_wait3A_92 = arith.constant 0 : i32
        %dma_wait3A_93 = tpu.memref_slice %arg5[%arg0, %multiple_of3A, %dma_wait3A_92] : memref<2x10000x128xf32, #tpu.memory_space<hbm>> -> memref<1x632x128xf32, #tpu.memory_space<hbm>>
        %dma_wait3A_94 = tpu.memref_squeeze %dma_wait3A_93 : memref<1x632x128xf32, #tpu.memory_space<hbm>> -> memref<632x128xf32, #tpu.memory_space<hbm>>
        %dma_wait3A_95 = arith.constant 0 : i32
        %dma_wait3A_96 = tpu.memref_slice %arg10[%multiple_of3A, %dma_wait3A_95] : memref<10128x128xf32, #tpu.memory_space<vmem_shared>> -> memref<632x128xf32, #tpu.memory_space<vmem_shared>>
        tpu.wait_dma2 semaphore(%run_scoped3A : memref<!tpu.dma_semaphore, #tpu.memory_space<semaphore_mem>>) src(%dma_wait3A_96 : memref<632x128xf32, #tpu.memory_space<vmem_shared>>) dst(%dma_wait3A_94 : memref<632x128xf32, #tpu.memory_space<hbm>>)
        tpu.yield
      }) : () -> ()
    } else {
    }
    %eq3A_82 = arith.constant 15 : i32
    %eq3A_83 = arith.cmpi eq, %arg1, %eq3A_82 : i32
    %convert_element_type3A_84 = arith.extui %eq3A_83 : i1 to i32
    %cond3A_85 = arith.constant 0 : i32
    %cond3A_86 = arith.cmpi ne, %convert_element_type3A_84, %cond3A_85 : i32
    scf.if %cond3A_86 {
      "tpu.region"() ({
        %run_scoped3A = tpu.sem_alloc : memref<!tpu.dma_semaphore, #tpu.memory_space<semaphore_mem>>
        %dma_start3A_87 = arith.constant 0 : i32
        %dma_start3A_88 = tpu.memref_slice %arg5[%arg0, %multiple_of3A, %dma_start3A_87] : memref<2x10000x128xf32, #tpu.memory_space<hbm>> -> memref<1x520x128xf32, #tpu.memory_space<hbm>>
        %dma_start3A_89 = tpu.memref_squeeze %dma_start3A_88 : memref<1x520x128xf32, #tpu.memory_space<hbm>> -> memref<520x128xf32, #tpu.memory_space<hbm>>
        %dma_start3A_90 = arith.constant 0 : i32
        %dma_start3A_91 = tpu.memref_slice %arg10[%multiple_of3A, %dma_start3A_90] : memref<10128x128xf32, #tpu.memory_space<vmem_shared>> -> memref<520x128xf32, #tpu.memory_space<vmem_shared>>
        tpu.enqueue_dma source(%dma_start3A_91 : memref<520x128xf32, #tpu.memory_space<vmem_shared>>) target(%dma_start3A_89 : memref<520x128xf32, #tpu.memory_space<hbm>>) target_semaphore(%run_scoped3A : memref<!tpu.dma_semaphore, #tpu.memory_space<semaphore_mem>>)
        %dma_wait3A_92 = arith.constant 0 : i32
        %dma_wait3A_93 = tpu.memref_slice %arg5[%arg0, %multiple_of3A, %dma_wait3A_92] : memref<2x10000x128xf32, #tpu.memory_space<hbm>> -> memref<1x520x128xf32, #tpu.memory_space<hbm>>
        %dma_wait3A_94 = tpu.memref_squeeze %dma_wait3A_93 : memref<1x520x128xf32, #tpu.memory_space<hbm>> -> memref<520x128xf32, #tpu.memory_space<hbm>>
        %dma_wait3A_95 = arith.constant 0 : i32
        %dma_wait3A_96 = tpu.memref_slice %arg10[%multiple_of3A, %dma_wait3A_95] : memref<10128x128xf32, #tpu.memory_space<vmem_shared>> -> memref<520x128xf32, #tpu.memory_space<vmem_shared>>
        tpu.wait_dma2 semaphore(%run_scoped3A : memref<!tpu.dma_semaphore, #tpu.memory_space<semaphore_mem>>) src(%dma_wait3A_96 : memref<520x128xf32, #tpu.memory_space<vmem_shared>>) dst(%dma_wait3A_94 : memref<520x128xf32, #tpu.memory_space<hbm>>)
        tpu.yield
      }) : () -> ()
    } else {
    }
    return
  }
}

#map = affine_map<(d0, d1) -> (0, 0)>
#map1 = affine_map<(d0, d1) -> (0, 0, 0)>
module attributes {stable_mosaic.version = 14 : i64} {
  func.func @sc_agg(%arg0: i32, %arg1: i32, %arg2: memref<10000x128xf32, #tpu.memory_space<hbm>>, %arg3: memref<2560x128xi32, #tpu.memory_space<hbm>>, %arg4: memref<2560x128xi32, #tpu.memory_space<hbm>>, %arg5: memref<2x10000x128xf32, #tpu.memory_space<hbm>>, %arg6: memref<40x128xi32, #tpu.memory_space<vmem>>, %arg7: memref<40x128xi32, #tpu.memory_space<vmem>>, %arg8: memref<128x128xf32, #tpu.memory_space<vmem>>, %arg9: memref<128x128xf32, #tpu.memory_space<vmem>>, %arg10: memref<10128x128xf32, #tpu.memory_space<vmem_shared>>, %arg11: memref<!tpu.dma_semaphore, #tpu.memory_space<semaphore_mem>>, %arg12: memref<!tpu.dma_semaphore, #tpu.memory_space<semaphore_mem>>, %arg13: memref<!tpu.dma_semaphore, #tpu.memory_space<semaphore_mem>>, %arg14: memref<!tpu.dma_semaphore, #tpu.memory_space<semaphore_mem>>) attributes {dimension_semantics = [#tpu.dimension_semantics<core_parallel>, #tpu.dimension_semantics<subcore_parallel>], iteration_bounds = array<i64: 2, 16>, scalar_prefetch = 0 : i64, scratch_operands = 9 : i64, tpu.core_type = #tpu.core_type<sc_vector_subcore>, window_params = [{transform_indices = #map}, {transform_indices = #map}, {transform_indices = #map}, {transform_indices = #map1}]} {
    %mul3A = arith.constant 16 : i32
    %mul3A_0 = arith.muli %arg0, %mul3A : i32
    %add3A = arith.addi %mul3A_0, %arg1 : i32
    %mul3A_1 = arith.constant 632 : i32
    %mul3A_2 = arith.muli %arg1, %mul3A_1 : i32
    %multiple_of3A = tpu.assume_multiple %mul3A_2, 8 : i32
    %lt3A = arith.constant 15 : i32
    %lt3A_3 = arith.cmpi slt, %arg1, %lt3A : i32
    %convert_element_type3A = arith.extui %lt3A_3 : i1 to i32
    %cond3A = arith.constant 0 : i32
    %cond3A_4 = arith.cmpi ne, %convert_element_type3A, %cond3A : i32
    scf.if %cond3A_4 {
      "tpu.region"() ({
        %run_scoped3A = tpu.sem_alloc : memref<!tpu.dma_semaphore, #tpu.memory_space<semaphore_mem>>
        %dma_start3A_87 = arith.constant 0 : i32
        %dma_start3A_88 = tpu.memref_slice %arg10[%multiple_of3A, %dma_start3A_87] : memref<10128x128xf32, #tpu.memory_space<vmem_shared>> -> memref<632x128xf32, #tpu.memory_space<vmem_shared>>
        %dma_start3A_89 = arith.constant 0 : i32
        %dma_start3A_90 = tpu.memref_slice %arg2[%multiple_of3A, %dma_start3A_89] : memref<10000x128xf32, #tpu.memory_space<hbm>> -> memref<632x128xf32, #tpu.memory_space<hbm>>
        tpu.enqueue_dma source(%dma_start3A_90 : memref<632x128xf32, #tpu.memory_space<hbm>>) target(%dma_start3A_88 : memref<632x128xf32, #tpu.memory_space<vmem_shared>>) target_semaphore(%run_scoped3A : memref<!tpu.dma_semaphore, #tpu.memory_space<semaphore_mem>>)
        %dma_wait3A_91 = arith.constant 0 : i32
        %dma_wait3A_92 = tpu.memref_slice %arg10[%multiple_of3A, %dma_wait3A_91] : memref<10128x128xf32, #tpu.memory_space<vmem_shared>> -> memref<632x128xf32, #tpu.memory_space<vmem_shared>>
        %dma_wait3A_93 = arith.constant 0 : i32
        %dma_wait3A_94 = tpu.memref_slice %arg2[%multiple_of3A, %dma_wait3A_93] : memref<10000x128xf32, #tpu.memory_space<hbm>> -> memref<632x128xf32, #tpu.memory_space<hbm>>
        tpu.wait_dma2 semaphore(%run_scoped3A : memref<!tpu.dma_semaphore, #tpu.memory_space<semaphore_mem>>) src(%dma_wait3A_94 : memref<632x128xf32, #tpu.memory_space<hbm>>) dst(%dma_wait3A_92 : memref<632x128xf32, #tpu.memory_space<vmem_shared>>)
        tpu.yield
      }) : () -> ()
    } else {
    }
    %eq3A = arith.constant 15 : i32
    %eq3A_5 = arith.cmpi eq, %arg1, %eq3A : i32
    %convert_element_type3A_6 = arith.extui %eq3A_5 : i1 to i32
    %cond3A_7 = arith.constant 0 : i32
    %cond3A_8 = arith.cmpi ne, %convert_element_type3A_6, %cond3A_7 : i32
    scf.if %cond3A_8 {
      "tpu.region"() ({
        %run_scoped3A = tpu.sem_alloc : memref<!tpu.dma_semaphore, #tpu.memory_space<semaphore_mem>>
        %dma_start3A_87 = arith.constant 0 : i32
        %dma_start3A_88 = tpu.memref_slice %arg10[%multiple_of3A, %dma_start3A_87] : memref<10128x128xf32, #tpu.memory_space<vmem_shared>> -> memref<520x128xf32, #tpu.memory_space<vmem_shared>>
        %dma_start3A_89 = arith.constant 0 : i32
        %dma_start3A_90 = tpu.memref_slice %arg2[%multiple_of3A, %dma_start3A_89] : memref<10000x128xf32, #tpu.memory_space<hbm>> -> memref<520x128xf32, #tpu.memory_space<hbm>>
        tpu.enqueue_dma source(%dma_start3A_90 : memref<520x128xf32, #tpu.memory_space<hbm>>) target(%dma_start3A_88 : memref<520x128xf32, #tpu.memory_space<vmem_shared>>) target_semaphore(%run_scoped3A : memref<!tpu.dma_semaphore, #tpu.memory_space<semaphore_mem>>)
        %dma_wait3A_91 = arith.constant 0 : i32
        %dma_wait3A_92 = tpu.memref_slice %arg10[%multiple_of3A, %dma_wait3A_91] : memref<10128x128xf32, #tpu.memory_space<vmem_shared>> -> memref<520x128xf32, #tpu.memory_space<vmem_shared>>
        %dma_wait3A_93 = arith.constant 0 : i32
        %dma_wait3A_94 = tpu.memref_slice %arg2[%multiple_of3A, %dma_wait3A_93] : memref<10000x128xf32, #tpu.memory_space<hbm>> -> memref<520x128xf32, #tpu.memory_space<hbm>>
        tpu.wait_dma2 semaphore(%run_scoped3A : memref<!tpu.dma_semaphore, #tpu.memory_space<semaphore_mem>>) src(%dma_wait3A_94 : memref<520x128xf32, #tpu.memory_space<hbm>>) dst(%dma_wait3A_92 : memref<520x128xf32, #tpu.memory_space<vmem_shared>>)
        tpu.yield
      }) : () -> ()
    } else {
    }
    %barrier3A = arith.constant 0 : index
    tpu.barrier barrier_id(%barrier3A)
    %mul3A_9 = arith.constant 80 : i32
    %mul3A_10 = arith.muli %add3A, %mul3A_9 : i32
    %add3A_11 = arith.constant 0 : i32
    %add3A_12 = arith.addi %mul3A_10, %add3A_11 : i32
    "tpu.region"() ({
      %run_scoped3A = tpu.sem_alloc : memref<!tpu.dma_semaphore, #tpu.memory_space<semaphore_mem>>
      %dma_start3A_87 = arith.constant 0 : i32
      %dma_start3A_88 = tpu.memref_slice %arg3[%add3A_12, %dma_start3A_87] : memref<2560x128xi32, #tpu.memory_space<hbm>> -> memref<40x128xi32, #tpu.memory_space<hbm>>
      %dma_start3A_89 = arith.constant 0 : i32
      %dma_start3A_90 = tpu.memref_slice %arg3[%add3A_12, %dma_start3A_89] : memref<2560x128xi32, #tpu.memory_space<hbm>> -> memref<40x128xi32, #tpu.memory_space<hbm>>
      tpu.enqueue_dma source(%dma_start3A_90 : memref<40x128xi32, #tpu.memory_space<hbm>>) target(%arg6 : memref<40x128xi32, #tpu.memory_space<vmem>>) target_semaphore(%run_scoped3A : memref<!tpu.dma_semaphore, #tpu.memory_space<semaphore_mem>>)
      %dma_wait3A_91 = arith.constant 0 : i32
      %dma_wait3A_92 = tpu.memref_slice %arg3[%add3A_12, %dma_wait3A_91] : memref<2560x128xi32, #tpu.memory_space<hbm>> -> memref<40x128xi32, #tpu.memory_space<hbm>>
      %dma_wait3A_93 = arith.constant 0 : i32
      %dma_wait3A_94 = tpu.memref_slice %arg3[%add3A_12, %dma_wait3A_93] : memref<2560x128xi32, #tpu.memory_space<hbm>> -> memref<40x128xi32, #tpu.memory_space<hbm>>
      tpu.wait_dma2 semaphore(%run_scoped3A : memref<!tpu.dma_semaphore, #tpu.memory_space<semaphore_mem>>) src(%dma_wait3A_94 : memref<40x128xi32, #tpu.memory_space<hbm>>) dst(%arg6 : memref<40x128xi32, #tpu.memory_space<vmem>>)
      tpu.yield
    }) : () -> ()
    %mul3A_13 = arith.constant 80 : i32
    %mul3A_14 = arith.muli %add3A, %mul3A_13 : i32
    %add3A_15 = arith.constant 0 : i32
    %add3A_16 = arith.addi %mul3A_14, %add3A_15 : i32
    "tpu.region"() ({
      %run_scoped3A = tpu.sem_alloc : memref<!tpu.dma_semaphore, #tpu.memory_space<semaphore_mem>>
      %dma_start3A_87 = arith.constant 0 : i32
      %dma_start3A_88 = tpu.memref_slice %arg4[%add3A_16, %dma_start3A_87] : memref<2560x128xi32, #tpu.memory_space<hbm>> -> memref<40x128xi32, #tpu.memory_space<hbm>>
      %dma_start3A_89 = arith.constant 0 : i32
      %dma_start3A_90 = tpu.memref_slice %arg4[%add3A_16, %dma_start3A_89] : memref<2560x128xi32, #tpu.memory_space<hbm>> -> memref<40x128xi32, #tpu.memory_space<hbm>>
      tpu.enqueue_dma source(%dma_start3A_90 : memref<40x128xi32, #tpu.memory_space<hbm>>) target(%arg7 : memref<40x128xi32, #tpu.memory_space<vmem>>) target_semaphore(%run_scoped3A : memref<!tpu.dma_semaphore, #tpu.memory_space<semaphore_mem>>)
      %dma_wait3A_91 = arith.constant 0 : i32
      %dma_wait3A_92 = tpu.memref_slice %arg4[%add3A_16, %dma_wait3A_91] : memref<2560x128xi32, #tpu.memory_space<hbm>> -> memref<40x128xi32, #tpu.memory_space<hbm>>
      %dma_wait3A_93 = arith.constant 0 : i32
      %dma_wait3A_94 = tpu.memref_slice %arg4[%add3A_16, %dma_wait3A_93] : memref<2560x128xi32, #tpu.memory_space<hbm>> -> memref<40x128xi32, #tpu.memory_space<hbm>>
      tpu.wait_dma2 semaphore(%run_scoped3A : memref<!tpu.dma_semaphore, #tpu.memory_space<semaphore_mem>>) src(%dma_wait3A_94 : memref<40x128xi32, #tpu.memory_space<hbm>>) dst(%arg7 : memref<40x128xi32, #tpu.memory_space<vmem>>)
      tpu.yield
    }) : () -> ()
    %dma_start3A = arith.constant 0 : i32
    %dma_start3A_17 = arith.constant 0 : i32
    %dma_start3A_18 = tpu.memref_slice %arg6[%dma_start3A, %dma_start3A_17] : memref<40x128xi32, #tpu.memory_space<vmem>> -> memref<1x128xi32, #tpu.memory_space<vmem>>
    %dma_start3A_19 = tpu.memref_squeeze %dma_start3A_18 : memref<1x128xi32, #tpu.memory_space<vmem>> -> memref<128xi32, #tpu.memory_space<vmem>>
    %dma_start3A_20 = arith.constant 0 : i32
    %dma_start3A_21 = arith.constant 0 : i32
    %dma_start3A_22 = tpu.memref_slice %arg2[%dma_start3A_20, %dma_start3A_21] : memref<10000x128xf32, #tpu.memory_space<hbm>> -> memref<10000x128xf32, #tpu.memory_space<hbm>>
    tpu.enqueue_indirect_dma source(%dma_start3A_22 : memref<10000x128xf32, #tpu.memory_space<hbm>>) target(%arg8 : memref<128x128xf32, #tpu.memory_space<vmem>>) offsets(%dma_start3A_19 : memref<128xi32, #tpu.memory_space<vmem>>) semaphore(%arg11 : memref<!tpu.dma_semaphore, #tpu.memory_space<semaphore_mem>>)
    %scan3A = arith.constant 0 : i32
    %scan3A_23 = arith.constant 0 : i32
    %scan3A_24 = arith.constant 20 : i32
    %scan3A_25 = arith.addi %scan3A_23, %scan3A_24 : i32
    %scan3A_26 = arith.constant 1 : i32
    scf.for %scan3A_87 = %scan3A_23 to %scan3A_25 step %scan3A_26  : i32 {
      %mul3A_88 = arith.constant 2 : i32
      %mul3A_89 = arith.muli %scan3A_87, %mul3A_88 : i32
      %dma_wait3A_90 = arith.constant 0 : i32
      %dma_wait3A_91 = tpu.memref_slice %arg6[%mul3A_89, %dma_wait3A_90] : memref<40x128xi32, #tpu.memory_space<vmem>> -> memref<1x128xi32, #tpu.memory_space<vmem>>
      %dma_wait3A_92 = tpu.memref_squeeze %dma_wait3A_91 : memref<1x128xi32, #tpu.memory_space<vmem>> -> memref<128xi32, #tpu.memory_space<vmem>>
      %dma_wait3A_93 = arith.constant 0 : i32
      %dma_wait3A_94 = arith.constant 0 : i32
      %dma_wait3A_95 = tpu.memref_slice %arg2[%dma_wait3A_93, %dma_wait3A_94] : memref<10000x128xf32, #tpu.memory_space<hbm>> -> memref<10000x128xf32, #tpu.memory_space<hbm>>
      tpu.wait_indirect_dma semaphore(%arg11 : memref<!tpu.dma_semaphore, #tpu.memory_space<semaphore_mem>>) src(%dma_wait3A_95 : memref<10000x128xf32, #tpu.memory_space<hbm>>) dst(%arg8 : memref<128x128xf32, #tpu.memory_space<vmem>>)
      %dma_start3A_96 = arith.constant 0 : i32
      %dma_start3A_97 = tpu.memref_slice %arg7[%mul3A_89, %dma_start3A_96] : memref<40x128xi32, #tpu.memory_space<vmem>> -> memref<1x128xi32, #tpu.memory_space<vmem>>
      %dma_start3A_98 = tpu.memref_squeeze %dma_start3A_97 : memref<1x128xi32, #tpu.memory_space<vmem>> -> memref<128xi32, #tpu.memory_space<vmem>>
      %dma_start3A_99 = arith.constant 0 : i32
      %dma_start3A_100 = arith.constant 0 : i32
      %dma_start3A_101 = tpu.memref_slice %arg10[%dma_start3A_99, %dma_start3A_100] : memref<10128x128xf32, #tpu.memory_space<vmem_shared>> -> memref<10128x128xf32, #tpu.memory_space<vmem_shared>>
      tpu.enqueue_indirect_dma source(%arg8 : memref<128x128xf32, #tpu.memory_space<vmem>>) target(%dma_start3A_101 : memref<10128x128xf32, #tpu.memory_space<vmem_shared>>) offsets(%dma_start3A_98 : memref<128xi32, #tpu.memory_space<vmem>>) semaphore(%arg13 : memref<!tpu.dma_semaphore, #tpu.memory_space<semaphore_mem>>) {add = true}
      %gt3A = arith.constant 0 : i32
      %gt3A_102 = arith.cmpi sgt, %scan3A_87, %gt3A : i32
      %convert_element_type3A_103 = arith.extui %gt3A_102 : i1 to i32
      %cond3A_104 = arith.constant 0 : i32
      %cond3A_105 = arith.cmpi ne, %convert_element_type3A_103, %cond3A_104 : i32
      scf.if %cond3A_105 {
        %sub3A = arith.constant 1 : i32
        %sub3A_137 = arith.subi %mul3A_89, %sub3A : i32
        %dma_wait3A_138 = arith.constant 0 : i32
        %dma_wait3A_139 = tpu.memref_slice %arg7[%sub3A_137, %dma_wait3A_138] : memref<40x128xi32, #tpu.memory_space<vmem>> -> memref<1x128xi32, #tpu.memory_space<vmem>>
        %dma_wait3A_140 = tpu.memref_squeeze %dma_wait3A_139 : memref<1x128xi32, #tpu.memory_space<vmem>> -> memref<128xi32, #tpu.memory_space<vmem>>
        %dma_wait3A_141 = arith.constant 0 : i32
        %dma_wait3A_142 = arith.constant 0 : i32
        %dma_wait3A_143 = tpu.memref_slice %arg10[%dma_wait3A_141, %dma_wait3A_142] : memref<10128x128xf32, #tpu.memory_space<vmem_shared>> -> memref<10128x128xf32, #tpu.memory_space<vmem_shared>>
        tpu.wait_indirect_dma semaphore(%arg14 : memref<!tpu.dma_semaphore, #tpu.memory_space<semaphore_mem>>) src(%arg9 : memref<128x128xf32, #tpu.memory_space<vmem>>) dst(%dma_wait3A_143 : memref<10128x128xf32, #tpu.memory_space<vmem_shared>>)
      } else {
      }
      %add3A_106 = arith.constant 1 : i32
      %add3A_107 = arith.addi %mul3A_89, %add3A_106 : i32
      %dma_start3A_108 = arith.constant 0 : i32
      %dma_start3A_109 = tpu.memref_slice %arg6[%add3A_107, %dma_start3A_108] : memref<40x128xi32, #tpu.memory_space<vmem>> -> memref<1x128xi32, #tpu.memory_space<vmem>>
      %dma_start3A_110 = tpu.memref_squeeze %dma_start3A_109 : memref<1x128xi32, #tpu.memory_space<vmem>> -> memref<128xi32, #tpu.memory_space<vmem>>
      %dma_start3A_111 = arith.constant 0 : i32
      %dma_start3A_112 = arith.constant 0 : i32
      %dma_start3A_113 = tpu.memref_slice %arg2[%dma_start3A_111, %dma_start3A_112] : memref<10000x128xf32, #tpu.memory_space<hbm>> -> memref<10000x128xf32, #tpu.memory_space<hbm>>
      tpu.enqueue_indirect_dma source(%dma_start3A_113 : memref<10000x128xf32, #tpu.memory_space<hbm>>) target(%arg9 : memref<128x128xf32, #tpu.memory_space<vmem>>) offsets(%dma_start3A_110 : memref<128xi32, #tpu.memory_space<vmem>>) semaphore(%arg12 : memref<!tpu.dma_semaphore, #tpu.memory_space<semaphore_mem>>)
      %add3A_114 = arith.constant 1 : i32
      %add3A_115 = arith.addi %mul3A_89, %add3A_114 : i32
      %dma_wait3A_116 = arith.constant 0 : i32
      %dma_wait3A_117 = tpu.memref_slice %arg6[%add3A_115, %dma_wait3A_116] : memref<40x128xi32, #tpu.memory_space<vmem>> -> memref<1x128xi32, #tpu.memory_space<vmem>>
      %dma_wait3A_118 = tpu.memref_squeeze %dma_wait3A_117 : memref<1x128xi32, #tpu.memory_space<vmem>> -> memref<128xi32, #tpu.memory_space<vmem>>
      %dma_wait3A_119 = arith.constant 0 : i32
      %dma_wait3A_120 = arith.constant 0 : i32
      %dma_wait3A_121 = tpu.memref_slice %arg2[%dma_wait3A_119, %dma_wait3A_120] : memref<10000x128xf32, #tpu.memory_space<hbm>> -> memref<10000x128xf32, #tpu.memory_space<hbm>>
      tpu.wait_indirect_dma semaphore(%arg12 : memref<!tpu.dma_semaphore, #tpu.memory_space<semaphore_mem>>) src(%dma_wait3A_121 : memref<10000x128xf32, #tpu.memory_space<hbm>>) dst(%arg9 : memref<128x128xf32, #tpu.memory_space<vmem>>)
      %add3A_122 = arith.constant 1 : i32
      %add3A_123 = arith.addi %mul3A_89, %add3A_122 : i32
      %dma_start3A_124 = arith.constant 0 : i32
      %dma_start3A_125 = tpu.memref_slice %arg7[%add3A_123, %dma_start3A_124] : memref<40x128xi32, #tpu.memory_space<vmem>> -> memref<1x128xi32, #tpu.memory_space<vmem>>
      %dma_start3A_126 = tpu.memref_squeeze %dma_start3A_125 : memref<1x128xi32, #tpu.memory_space<vmem>> -> memref<128xi32, #tpu.memory_space<vmem>>
      %dma_start3A_127 = arith.constant 0 : i32
      %dma_start3A_128 = arith.constant 0 : i32
      %dma_start3A_129 = tpu.memref_slice %arg10[%dma_start3A_127, %dma_start3A_128] : memref<10128x128xf32, #tpu.memory_space<vmem_shared>> -> memref<10128x128xf32, #tpu.memory_space<vmem_shared>>
      tpu.enqueue_indirect_dma source(%arg9 : memref<128x128xf32, #tpu.memory_space<vmem>>) target(%dma_start3A_129 : memref<10128x128xf32, #tpu.memory_space<vmem_shared>>) offsets(%dma_start3A_126 : memref<128xi32, #tpu.memory_space<vmem>>) semaphore(%arg14 : memref<!tpu.dma_semaphore, #tpu.memory_space<semaphore_mem>>) {add = true}
      %add3A_130 = arith.constant 2 : i32
      %add3A_131 = arith.addi %mul3A_89, %add3A_130 : i32
      %lt3A_132 = arith.constant 40 : i32
      %lt3A_133 = arith.cmpi slt, %add3A_131, %lt3A_132 : i32
      %convert_element_type3A_134 = arith.extui %lt3A_133 : i1 to i32
      %cond3A_135 = arith.constant 0 : i32
      %cond3A_136 = arith.cmpi ne, %convert_element_type3A_134, %cond3A_135 : i32
      scf.if %cond3A_136 {
        %dma_wait3A_137 = arith.constant 0 : i32
        %dma_wait3A_138 = tpu.memref_slice %arg7[%mul3A_89, %dma_wait3A_137] : memref<40x128xi32, #tpu.memory_space<vmem>> -> memref<1x128xi32, #tpu.memory_space<vmem>>
        %dma_wait3A_139 = tpu.memref_squeeze %dma_wait3A_138 : memref<1x128xi32, #tpu.memory_space<vmem>> -> memref<128xi32, #tpu.memory_space<vmem>>
        %dma_wait3A_140 = arith.constant 0 : i32
        %dma_wait3A_141 = arith.constant 0 : i32
        %dma_wait3A_142 = tpu.memref_slice %arg10[%dma_wait3A_140, %dma_wait3A_141] : memref<10128x128xf32, #tpu.memory_space<vmem_shared>> -> memref<10128x128xf32, #tpu.memory_space<vmem_shared>>
        tpu.wait_indirect_dma semaphore(%arg13 : memref<!tpu.dma_semaphore, #tpu.memory_space<semaphore_mem>>) src(%arg8 : memref<128x128xf32, #tpu.memory_space<vmem>>) dst(%dma_wait3A_142 : memref<10128x128xf32, #tpu.memory_space<vmem_shared>>)
        %add3A_143 = arith.constant 2 : i32
        %add3A_144 = arith.addi %mul3A_89, %add3A_143 : i32
        %dma_start3A_145 = arith.constant 0 : i32
        %dma_start3A_146 = tpu.memref_slice %arg6[%add3A_144, %dma_start3A_145] : memref<40x128xi32, #tpu.memory_space<vmem>> -> memref<1x128xi32, #tpu.memory_space<vmem>>
        %dma_start3A_147 = tpu.memref_squeeze %dma_start3A_146 : memref<1x128xi32, #tpu.memory_space<vmem>> -> memref<128xi32, #tpu.memory_space<vmem>>
        %dma_start3A_148 = arith.constant 0 : i32
        %dma_start3A_149 = arith.constant 0 : i32
        %dma_start3A_150 = tpu.memref_slice %arg2[%dma_start3A_148, %dma_start3A_149] : memref<10000x128xf32, #tpu.memory_space<hbm>> -> memref<10000x128xf32, #tpu.memory_space<hbm>>
        tpu.enqueue_indirect_dma source(%dma_start3A_150 : memref<10000x128xf32, #tpu.memory_space<hbm>>) target(%arg8 : memref<128x128xf32, #tpu.memory_space<vmem>>) offsets(%dma_start3A_147 : memref<128xi32, #tpu.memory_space<vmem>>) semaphore(%arg11 : memref<!tpu.dma_semaphore, #tpu.memory_space<semaphore_mem>>)
      } else {
      }
    }
    %scan3A_27 = arith.constant 20 : i32
    %dma_wait3A = arith.constant 38 : i32
    %dma_wait3A_28 = arith.constant 0 : i32
    %dma_wait3A_29 = tpu.memref_slice %arg7[%dma_wait3A, %dma_wait3A_28] : memref<40x128xi32, #tpu.memory_space<vmem>> -> memref<1x128xi32, #tpu.memory_space<vmem>>
    %dma_wait3A_30 = tpu.memref_squeeze %dma_wait3A_29 : memref<1x128xi32, #tpu.memory_space<vmem>> -> memref<128xi32, #tpu.memory_space<vmem>>
    %dma_wait3A_31 = arith.constant 0 : i32
    %dma_wait3A_32 = arith.constant 0 : i32
    %dma_wait3A_33 = tpu.memref_slice %arg10[%dma_wait3A_31, %dma_wait3A_32] : memref<10128x128xf32, #tpu.memory_space<vmem_shared>> -> memref<10128x128xf32, #tpu.memory_space<vmem_shared>>
    tpu.wait_indirect_dma semaphore(%arg13 : memref<!tpu.dma_semaphore, #tpu.memory_space<semaphore_mem>>) src(%arg8 : memref<128x128xf32, #tpu.memory_space<vmem>>) dst(%dma_wait3A_33 : memref<10128x128xf32, #tpu.memory_space<vmem_shared>>)
    %dma_wait3A_34 = arith.constant 39 : i32
    %dma_wait3A_35 = arith.constant 0 : i32
    %dma_wait3A_36 = tpu.memref_slice %arg7[%dma_wait3A_34, %dma_wait3A_35] : memref<40x128xi32, #tpu.memory_space<vmem>> -> memref<1x128xi32, #tpu.memory_space<vmem>>
    %dma_wait3A_37 = tpu.memref_squeeze %dma_wait3A_36 : memref<1x128xi32, #tpu.memory_space<vmem>> -> memref<128xi32, #tpu.memory_space<vmem>>
    %dma_wait3A_38 = arith.constant 0 : i32
    %dma_wait3A_39 = arith.constant 0 : i32
    %dma_wait3A_40 = tpu.memref_slice %arg10[%dma_wait3A_38, %dma_wait3A_39] : memref<10128x128xf32, #tpu.memory_space<vmem_shared>> -> memref<10128x128xf32, #tpu.memory_space<vmem_shared>>
    tpu.wait_indirect_dma semaphore(%arg14 : memref<!tpu.dma_semaphore, #tpu.memory_space<semaphore_mem>>) src(%arg9 : memref<128x128xf32, #tpu.memory_space<vmem>>) dst(%dma_wait3A_40 : memref<10128x128xf32, #tpu.memory_space<vmem_shared>>)
    %mul3A_41 = arith.constant 80 : i32
    %mul3A_42 = arith.muli %add3A, %mul3A_41 : i32
    %add3A_43 = arith.constant 40 : i32
    %add3A_44 = arith.addi %mul3A_42, %add3A_43 : i32
    "tpu.region"() ({
      %run_scoped3A = tpu.sem_alloc : memref<!tpu.dma_semaphore, #tpu.memory_space<semaphore_mem>>
      %dma_start3A_87 = arith.constant 0 : i32
      %dma_start3A_88 = tpu.memref_slice %arg3[%add3A_44, %dma_start3A_87] : memref<2560x128xi32, #tpu.memory_space<hbm>> -> memref<40x128xi32, #tpu.memory_space<hbm>>
      %dma_start3A_89 = arith.constant 0 : i32
      %dma_start3A_90 = tpu.memref_slice %arg3[%add3A_44, %dma_start3A_89] : memref<2560x128xi32, #tpu.memory_space<hbm>> -> memref<40x128xi32, #tpu.memory_space<hbm>>
      tpu.enqueue_dma source(%dma_start3A_90 : memref<40x128xi32, #tpu.memory_space<hbm>>) target(%arg6 : memref<40x128xi32, #tpu.memory_space<vmem>>) target_semaphore(%run_scoped3A : memref<!tpu.dma_semaphore, #tpu.memory_space<semaphore_mem>>)
      %dma_wait3A_91 = arith.constant 0 : i32
      %dma_wait3A_92 = tpu.memref_slice %arg3[%add3A_44, %dma_wait3A_91] : memref<2560x128xi32, #tpu.memory_space<hbm>> -> memref<40x128xi32, #tpu.memory_space<hbm>>
      %dma_wait3A_93 = arith.constant 0 : i32
      %dma_wait3A_94 = tpu.memref_slice %arg3[%add3A_44, %dma_wait3A_93] : memref<2560x128xi32, #tpu.memory_space<hbm>> -> memref<40x128xi32, #tpu.memory_space<hbm>>
      tpu.wait_dma2 semaphore(%run_scoped3A : memref<!tpu.dma_semaphore, #tpu.memory_space<semaphore_mem>>) src(%dma_wait3A_94 : memref<40x128xi32, #tpu.memory_space<hbm>>) dst(%arg6 : memref<40x128xi32, #tpu.memory_space<vmem>>)
      tpu.yield
    }) : () -> ()
    %mul3A_45 = arith.constant 80 : i32
    %mul3A_46 = arith.muli %add3A, %mul3A_45 : i32
    %add3A_47 = arith.constant 40 : i32
    %add3A_48 = arith.addi %mul3A_46, %add3A_47 : i32
    "tpu.region"() ({
      %run_scoped3A = tpu.sem_alloc : memref<!tpu.dma_semaphore, #tpu.memory_space<semaphore_mem>>
      %dma_start3A_87 = arith.constant 0 : i32
      %dma_start3A_88 = tpu.memref_slice %arg4[%add3A_48, %dma_start3A_87] : memref<2560x128xi32, #tpu.memory_space<hbm>> -> memref<40x128xi32, #tpu.memory_space<hbm>>
      %dma_start3A_89 = arith.constant 0 : i32
      %dma_start3A_90 = tpu.memref_slice %arg4[%add3A_48, %dma_start3A_89] : memref<2560x128xi32, #tpu.memory_space<hbm>> -> memref<40x128xi32, #tpu.memory_space<hbm>>
      tpu.enqueue_dma source(%dma_start3A_90 : memref<40x128xi32, #tpu.memory_space<hbm>>) target(%arg7 : memref<40x128xi32, #tpu.memory_space<vmem>>) target_semaphore(%run_scoped3A : memref<!tpu.dma_semaphore, #tpu.memory_space<semaphore_mem>>)
      %dma_wait3A_91 = arith.constant 0 : i32
      %dma_wait3A_92 = tpu.memref_slice %arg4[%add3A_48, %dma_wait3A_91] : memref<2560x128xi32, #tpu.memory_space<hbm>> -> memref<40x128xi32, #tpu.memory_space<hbm>>
      %dma_wait3A_93 = arith.constant 0 : i32
      %dma_wait3A_94 = tpu.memref_slice %arg4[%add3A_48, %dma_wait3A_93] : memref<2560x128xi32, #tpu.memory_space<hbm>> -> memref<40x128xi32, #tpu.memory_space<hbm>>
      tpu.wait_dma2 semaphore(%run_scoped3A : memref<!tpu.dma_semaphore, #tpu.memory_space<semaphore_mem>>) src(%dma_wait3A_94 : memref<40x128xi32, #tpu.memory_space<hbm>>) dst(%arg7 : memref<40x128xi32, #tpu.memory_space<vmem>>)
      tpu.yield
    }) : () -> ()
    %dma_start3A_49 = arith.constant 0 : i32
    %dma_start3A_50 = arith.constant 0 : i32
    %dma_start3A_51 = tpu.memref_slice %arg6[%dma_start3A_49, %dma_start3A_50] : memref<40x128xi32, #tpu.memory_space<vmem>> -> memref<1x128xi32, #tpu.memory_space<vmem>>
    %dma_start3A_52 = tpu.memref_squeeze %dma_start3A_51 : memref<1x128xi32, #tpu.memory_space<vmem>> -> memref<128xi32, #tpu.memory_space<vmem>>
    %dma_start3A_53 = arith.constant 0 : i32
    %dma_start3A_54 = arith.constant 0 : i32
    %dma_start3A_55 = tpu.memref_slice %arg2[%dma_start3A_53, %dma_start3A_54] : memref<10000x128xf32, #tpu.memory_space<hbm>> -> memref<10000x128xf32, #tpu.memory_space<hbm>>
    tpu.enqueue_indirect_dma source(%dma_start3A_55 : memref<10000x128xf32, #tpu.memory_space<hbm>>) target(%arg8 : memref<128x128xf32, #tpu.memory_space<vmem>>) offsets(%dma_start3A_52 : memref<128xi32, #tpu.memory_space<vmem>>) semaphore(%arg11 : memref<!tpu.dma_semaphore, #tpu.memory_space<semaphore_mem>>)
    %scan3A_56 = arith.constant 0 : i32
    %scan3A_57 = arith.constant 0 : i32
    %scan3A_58 = arith.constant 20 : i32
    %scan3A_59 = arith.addi %scan3A_57, %scan3A_58 : i32
    %scan3A_60 = arith.constant 1 : i32
    scf.for %scan3A_87 = %scan3A_57 to %scan3A_59 step %scan3A_60  : i32 {
      %mul3A_88 = arith.constant 2 : i32
      %mul3A_89 = arith.muli %scan3A_87, %mul3A_88 : i32
      %dma_wait3A_90 = arith.constant 0 : i32
      %dma_wait3A_91 = tpu.memref_slice %arg6[%mul3A_89, %dma_wait3A_90] : memref<40x128xi32, #tpu.memory_space<vmem>> -> memref<1x128xi32, #tpu.memory_space<vmem>>
      %dma_wait3A_92 = tpu.memref_squeeze %dma_wait3A_91 : memref<1x128xi32, #tpu.memory_space<vmem>> -> memref<128xi32, #tpu.memory_space<vmem>>
      %dma_wait3A_93 = arith.constant 0 : i32
      %dma_wait3A_94 = arith.constant 0 : i32
      %dma_wait3A_95 = tpu.memref_slice %arg2[%dma_wait3A_93, %dma_wait3A_94] : memref<10000x128xf32, #tpu.memory_space<hbm>> -> memref<10000x128xf32, #tpu.memory_space<hbm>>
      tpu.wait_indirect_dma semaphore(%arg11 : memref<!tpu.dma_semaphore, #tpu.memory_space<semaphore_mem>>) src(%dma_wait3A_95 : memref<10000x128xf32, #tpu.memory_space<hbm>>) dst(%arg8 : memref<128x128xf32, #tpu.memory_space<vmem>>)
      %dma_start3A_96 = arith.constant 0 : i32
      %dma_start3A_97 = tpu.memref_slice %arg7[%mul3A_89, %dma_start3A_96] : memref<40x128xi32, #tpu.memory_space<vmem>> -> memref<1x128xi32, #tpu.memory_space<vmem>>
      %dma_start3A_98 = tpu.memref_squeeze %dma_start3A_97 : memref<1x128xi32, #tpu.memory_space<vmem>> -> memref<128xi32, #tpu.memory_space<vmem>>
      %dma_start3A_99 = arith.constant 0 : i32
      %dma_start3A_100 = arith.constant 0 : i32
      %dma_start3A_101 = tpu.memref_slice %arg10[%dma_start3A_99, %dma_start3A_100] : memref<10128x128xf32, #tpu.memory_space<vmem_shared>> -> memref<10128x128xf32, #tpu.memory_space<vmem_shared>>
      tpu.enqueue_indirect_dma source(%arg8 : memref<128x128xf32, #tpu.memory_space<vmem>>) target(%dma_start3A_101 : memref<10128x128xf32, #tpu.memory_space<vmem_shared>>) offsets(%dma_start3A_98 : memref<128xi32, #tpu.memory_space<vmem>>) semaphore(%arg13 : memref<!tpu.dma_semaphore, #tpu.memory_space<semaphore_mem>>) {add = true}
      %gt3A = arith.constant 0 : i32
      %gt3A_102 = arith.cmpi sgt, %scan3A_87, %gt3A : i32
      %convert_element_type3A_103 = arith.extui %gt3A_102 : i1 to i32
      %cond3A_104 = arith.constant 0 : i32
      %cond3A_105 = arith.cmpi ne, %convert_element_type3A_103, %cond3A_104 : i32
      scf.if %cond3A_105 {
        %sub3A = arith.constant 1 : i32
        %sub3A_137 = arith.subi %mul3A_89, %sub3A : i32
        %dma_wait3A_138 = arith.constant 0 : i32
        %dma_wait3A_139 = tpu.memref_slice %arg7[%sub3A_137, %dma_wait3A_138] : memref<40x128xi32, #tpu.memory_space<vmem>> -> memref<1x128xi32, #tpu.memory_space<vmem>>
        %dma_wait3A_140 = tpu.memref_squeeze %dma_wait3A_139 : memref<1x128xi32, #tpu.memory_space<vmem>> -> memref<128xi32, #tpu.memory_space<vmem>>
        %dma_wait3A_141 = arith.constant 0 : i32
        %dma_wait3A_142 = arith.constant 0 : i32
        %dma_wait3A_143 = tpu.memref_slice %arg10[%dma_wait3A_141, %dma_wait3A_142] : memref<10128x128xf32, #tpu.memory_space<vmem_shared>> -> memref<10128x128xf32, #tpu.memory_space<vmem_shared>>
        tpu.wait_indirect_dma semaphore(%arg14 : memref<!tpu.dma_semaphore, #tpu.memory_space<semaphore_mem>>) src(%arg9 : memref<128x128xf32, #tpu.memory_space<vmem>>) dst(%dma_wait3A_143 : memref<10128x128xf32, #tpu.memory_space<vmem_shared>>)
      } else {
      }
      %add3A_106 = arith.constant 1 : i32
      %add3A_107 = arith.addi %mul3A_89, %add3A_106 : i32
      %dma_start3A_108 = arith.constant 0 : i32
      %dma_start3A_109 = tpu.memref_slice %arg6[%add3A_107, %dma_start3A_108] : memref<40x128xi32, #tpu.memory_space<vmem>> -> memref<1x128xi32, #tpu.memory_space<vmem>>
      %dma_start3A_110 = tpu.memref_squeeze %dma_start3A_109 : memref<1x128xi32, #tpu.memory_space<vmem>> -> memref<128xi32, #tpu.memory_space<vmem>>
      %dma_start3A_111 = arith.constant 0 : i32
      %dma_start3A_112 = arith.constant 0 : i32
      %dma_start3A_113 = tpu.memref_slice %arg2[%dma_start3A_111, %dma_start3A_112] : memref<10000x128xf32, #tpu.memory_space<hbm>> -> memref<10000x128xf32, #tpu.memory_space<hbm>>
      tpu.enqueue_indirect_dma source(%dma_start3A_113 : memref<10000x128xf32, #tpu.memory_space<hbm>>) target(%arg9 : memref<128x128xf32, #tpu.memory_space<vmem>>) offsets(%dma_start3A_110 : memref<128xi32, #tpu.memory_space<vmem>>) semaphore(%arg12 : memref<!tpu.dma_semaphore, #tpu.memory_space<semaphore_mem>>)
      %add3A_114 = arith.constant 1 : i32
      %add3A_115 = arith.addi %mul3A_89, %add3A_114 : i32
      %dma_wait3A_116 = arith.constant 0 : i32
      %dma_wait3A_117 = tpu.memref_slice %arg6[%add3A_115, %dma_wait3A_116] : memref<40x128xi32, #tpu.memory_space<vmem>> -> memref<1x128xi32, #tpu.memory_space<vmem>>
      %dma_wait3A_118 = tpu.memref_squeeze %dma_wait3A_117 : memref<1x128xi32, #tpu.memory_space<vmem>> -> memref<128xi32, #tpu.memory_space<vmem>>
      %dma_wait3A_119 = arith.constant 0 : i32
      %dma_wait3A_120 = arith.constant 0 : i32
      %dma_wait3A_121 = tpu.memref_slice %arg2[%dma_wait3A_119, %dma_wait3A_120] : memref<10000x128xf32, #tpu.memory_space<hbm>> -> memref<10000x128xf32, #tpu.memory_space<hbm>>
      tpu.wait_indirect_dma semaphore(%arg12 : memref<!tpu.dma_semaphore, #tpu.memory_space<semaphore_mem>>) src(%dma_wait3A_121 : memref<10000x128xf32, #tpu.memory_space<hbm>>) dst(%arg9 : memref<128x128xf32, #tpu.memory_space<vmem>>)
      %add3A_122 = arith.constant 1 : i32
      %add3A_123 = arith.addi %mul3A_89, %add3A_122 : i32
      %dma_start3A_124 = arith.constant 0 : i32
      %dma_start3A_125 = tpu.memref_slice %arg7[%add3A_123, %dma_start3A_124] : memref<40x128xi32, #tpu.memory_space<vmem>> -> memref<1x128xi32, #tpu.memory_space<vmem>>
      %dma_start3A_126 = tpu.memref_squeeze %dma_start3A_125 : memref<1x128xi32, #tpu.memory_space<vmem>> -> memref<128xi32, #tpu.memory_space<vmem>>
      %dma_start3A_127 = arith.constant 0 : i32
      %dma_start3A_128 = arith.constant 0 : i32
      %dma_start3A_129 = tpu.memref_slice %arg10[%dma_start3A_127, %dma_start3A_128] : memref<10128x128xf32, #tpu.memory_space<vmem_shared>> -> memref<10128x128xf32, #tpu.memory_space<vmem_shared>>
      tpu.enqueue_indirect_dma source(%arg9 : memref<128x128xf32, #tpu.memory_space<vmem>>) target(%dma_start3A_129 : memref<10128x128xf32, #tpu.memory_space<vmem_shared>>) offsets(%dma_start3A_126 : memref<128xi32, #tpu.memory_space<vmem>>) semaphore(%arg14 : memref<!tpu.dma_semaphore, #tpu.memory_space<semaphore_mem>>) {add = true}
      %add3A_130 = arith.constant 2 : i32
      %add3A_131 = arith.addi %mul3A_89, %add3A_130 : i32
      %lt3A_132 = arith.constant 40 : i32
      %lt3A_133 = arith.cmpi slt, %add3A_131, %lt3A_132 : i32
      %convert_element_type3A_134 = arith.extui %lt3A_133 : i1 to i32
      %cond3A_135 = arith.constant 0 : i32
      %cond3A_136 = arith.cmpi ne, %convert_element_type3A_134, %cond3A_135 : i32
      scf.if %cond3A_136 {
        %dma_wait3A_137 = arith.constant 0 : i32
        %dma_wait3A_138 = tpu.memref_slice %arg7[%mul3A_89, %dma_wait3A_137] : memref<40x128xi32, #tpu.memory_space<vmem>> -> memref<1x128xi32, #tpu.memory_space<vmem>>
        %dma_wait3A_139 = tpu.memref_squeeze %dma_wait3A_138 : memref<1x128xi32, #tpu.memory_space<vmem>> -> memref<128xi32, #tpu.memory_space<vmem>>
        %dma_wait3A_140 = arith.constant 0 : i32
        %dma_wait3A_141 = arith.constant 0 : i32
        %dma_wait3A_142 = tpu.memref_slice %arg10[%dma_wait3A_140, %dma_wait3A_141] : memref<10128x128xf32, #tpu.memory_space<vmem_shared>> -> memref<10128x128xf32, #tpu.memory_space<vmem_shared>>
        tpu.wait_indirect_dma semaphore(%arg13 : memref<!tpu.dma_semaphore, #tpu.memory_space<semaphore_mem>>) src(%arg8 : memref<128x128xf32, #tpu.memory_space<vmem>>) dst(%dma_wait3A_142 : memref<10128x128xf32, #tpu.memory_space<vmem_shared>>)
        %add3A_143 = arith.constant 2 : i32
        %add3A_144 = arith.addi %mul3A_89, %add3A_143 : i32
        %dma_start3A_145 = arith.constant 0 : i32
        %dma_start3A_146 = tpu.memref_slice %arg6[%add3A_144, %dma_start3A_145] : memref<40x128xi32, #tpu.memory_space<vmem>> -> memref<1x128xi32, #tpu.memory_space<vmem>>
        %dma_start3A_147 = tpu.memref_squeeze %dma_start3A_146 : memref<1x128xi32, #tpu.memory_space<vmem>> -> memref<128xi32, #tpu.memory_space<vmem>>
        %dma_start3A_148 = arith.constant 0 : i32
        %dma_start3A_149 = arith.constant 0 : i32
        %dma_start3A_150 = tpu.memref_slice %arg2[%dma_start3A_148, %dma_start3A_149] : memref<10000x128xf32, #tpu.memory_space<hbm>> -> memref<10000x128xf32, #tpu.memory_space<hbm>>
        tpu.enqueue_indirect_dma source(%dma_start3A_150 : memref<10000x128xf32, #tpu.memory_space<hbm>>) target(%arg8 : memref<128x128xf32, #tpu.memory_space<vmem>>) offsets(%dma_start3A_147 : memref<128xi32, #tpu.memory_space<vmem>>) semaphore(%arg11 : memref<!tpu.dma_semaphore, #tpu.memory_space<semaphore_mem>>)
      } else {
      }
    }
    %scan3A_61 = arith.constant 20 : i32
    %dma_wait3A_62 = arith.constant 38 : i32
    %dma_wait3A_63 = arith.constant 0 : i32
    %dma_wait3A_64 = tpu.memref_slice %arg7[%dma_wait3A_62, %dma_wait3A_63] : memref<40x128xi32, #tpu.memory_space<vmem>> -> memref<1x128xi32, #tpu.memory_space<vmem>>
    %dma_wait3A_65 = tpu.memref_squeeze %dma_wait3A_64 : memref<1x128xi32, #tpu.memory_space<vmem>> -> memref<128xi32, #tpu.memory_space<vmem>>
    %dma_wait3A_66 = arith.constant 0 : i32
    %dma_wait3A_67 = arith.constant 0 : i32
    %dma_wait3A_68 = tpu.memref_slice %arg10[%dma_wait3A_66, %dma_wait3A_67] : memref<10128x128xf32, #tpu.memory_space<vmem_shared>> -> memref<10128x128xf32, #tpu.memory_space<vmem_shared>>
    tpu.wait_indirect_dma semaphore(%arg13 : memref<!tpu.dma_semaphore, #tpu.memory_space<semaphore_mem>>) src(%arg8 : memref<128x128xf32, #tpu.memory_space<vmem>>) dst(%dma_wait3A_68 : memref<10128x128xf32, #tpu.memory_space<vmem_shared>>)
    %dma_wait3A_69 = arith.constant 39 : i32
    %dma_wait3A_70 = arith.constant 0 : i32
    %dma_wait3A_71 = tpu.memref_slice %arg7[%dma_wait3A_69, %dma_wait3A_70] : memref<40x128xi32, #tpu.memory_space<vmem>> -> memref<1x128xi32, #tpu.memory_space<vmem>>
    %dma_wait3A_72 = tpu.memref_squeeze %dma_wait3A_71 : memref<1x128xi32, #tpu.memory_space<vmem>> -> memref<128xi32, #tpu.memory_space<vmem>>
    %dma_wait3A_73 = arith.constant 0 : i32
    %dma_wait3A_74 = arith.constant 0 : i32
    %dma_wait3A_75 = tpu.memref_slice %arg10[%dma_wait3A_73, %dma_wait3A_74] : memref<10128x128xf32, #tpu.memory_space<vmem_shared>> -> memref<10128x128xf32, #tpu.memory_space<vmem_shared>>
    tpu.wait_indirect_dma semaphore(%arg14 : memref<!tpu.dma_semaphore, #tpu.memory_space<semaphore_mem>>) src(%arg9 : memref<128x128xf32, #tpu.memory_space<vmem>>) dst(%dma_wait3A_75 : memref<10128x128xf32, #tpu.memory_space<vmem_shared>>)
    %barrier3A_76 = arith.constant 0 : index
    tpu.barrier barrier_id(%barrier3A_76)
    %lt3A_77 = arith.constant 15 : i32
    %lt3A_78 = arith.cmpi slt, %arg1, %lt3A_77 : i32
    %convert_element_type3A_79 = arith.extui %lt3A_78 : i1 to i32
    %cond3A_80 = arith.constant 0 : i32
    %cond3A_81 = arith.cmpi ne, %convert_element_type3A_79, %cond3A_80 : i32
    scf.if %cond3A_81 {
      "tpu.region"() ({
        %run_scoped3A = tpu.sem_alloc : memref<!tpu.dma_semaphore, #tpu.memory_space<semaphore_mem>>
        %dma_start3A_87 = arith.constant 0 : i32
        %dma_start3A_88 = tpu.memref_slice %arg5[%arg0, %multiple_of3A, %dma_start3A_87] : memref<2x10000x128xf32, #tpu.memory_space<hbm>> -> memref<1x632x128xf32, #tpu.memory_space<hbm>>
        %dma_start3A_89 = tpu.memref_squeeze %dma_start3A_88 : memref<1x632x128xf32, #tpu.memory_space<hbm>> -> memref<632x128xf32, #tpu.memory_space<hbm>>
        %dma_start3A_90 = arith.constant 0 : i32
        %dma_start3A_91 = tpu.memref_slice %arg10[%multiple_of3A, %dma_start3A_90] : memref<10128x128xf32, #tpu.memory_space<vmem_shared>> -> memref<632x128xf32, #tpu.memory_space<vmem_shared>>
        tpu.enqueue_dma source(%dma_start3A_91 : memref<632x128xf32, #tpu.memory_space<vmem_shared>>) target(%dma_start3A_89 : memref<632x128xf32, #tpu.memory_space<hbm>>) target_semaphore(%run_scoped3A : memref<!tpu.dma_semaphore, #tpu.memory_space<semaphore_mem>>)
        %dma_wait3A_92 = arith.constant 0 : i32
        %dma_wait3A_93 = tpu.memref_slice %arg5[%arg0, %multiple_of3A, %dma_wait3A_92] : memref<2x10000x128xf32, #tpu.memory_space<hbm>> -> memref<1x632x128xf32, #tpu.memory_space<hbm>>
        %dma_wait3A_94 = tpu.memref_squeeze %dma_wait3A_93 : memref<1x632x128xf32, #tpu.memory_space<hbm>> -> memref<632x128xf32, #tpu.memory_space<hbm>>
        %dma_wait3A_95 = arith.constant 0 : i32
        %dma_wait3A_96 = tpu.memref_slice %arg10[%multiple_of3A, %dma_wait3A_95] : memref<10128x128xf32, #tpu.memory_space<vmem_shared>> -> memref<632x128xf32, #tpu.memory_space<vmem_shared>>
        tpu.wait_dma2 semaphore(%run_scoped3A : memref<!tpu.dma_semaphore, #tpu.memory_space<semaphore_mem>>) src(%dma_wait3A_96 : memref<632x128xf32, #tpu.memory_space<vmem_shared>>) dst(%dma_wait3A_94 : memref<632x128xf32, #tpu.memory_space<hbm>>)
        tpu.yield
      }) : () -> ()
    } else {
    }
    %eq3A_82 = arith.constant 15 : i32
    %eq3A_83 = arith.cmpi eq, %arg1, %eq3A_82 : i32
    %convert_element_type3A_84 = arith.extui %eq3A_83 : i1 to i32
    %cond3A_85 = arith.constant 0 : i32
    %cond3A_86 = arith.cmpi ne, %convert_element_type3A_84, %cond3A_85 : i32
    scf.if %cond3A_86 {
      "tpu.region"() ({
        %run_scoped3A = tpu.sem_alloc : memref<!tpu.dma_semaphore, #tpu.memory_space<semaphore_mem>>
        %dma_start3A_87 = arith.constant 0 : i32
        %dma_start3A_88 = tpu.memref_slice %arg5[%arg0, %multiple_of3A, %dma_start3A_87] : memref<2x10000x128xf32, #tpu.memory_space<hbm>> -> memref<1x520x128xf32, #tpu.memory_space<hbm>>
        %dma_start3A_89 = tpu.memref_squeeze %dma_start3A_88 : memref<1x520x128xf32, #tpu.memory_space<hbm>> -> memref<520x128xf32, #tpu.memory_space<hbm>>
        %dma_start3A_90 = arith.constant 0 : i32
        %dma_start3A_91 = tpu.memref_slice %arg10[%multiple_of3A, %dma_start3A_90] : memref<10128x128xf32, #tpu.memory_space<vmem_shared>> -> memref<520x128xf32, #tpu.memory_space<vmem_shared>>
        tpu.enqueue_dma source(%dma_start3A_91 : memref<520x128xf32, #tpu.memory_space<vmem_shared>>) target(%dma_start3A_89 : memref<520x128xf32, #tpu.memory_space<hbm>>) target_semaphore(%run_scoped3A : memref<!tpu.dma_semaphore, #tpu.memory_space<semaphore_mem>>)
        %dma_wait3A_92 = arith.constant 0 : i32
        %dma_wait3A_93 = tpu.memref_slice %arg5[%arg0, %multiple_of3A, %dma_wait3A_92] : memref<2x10000x128xf32, #tpu.memory_space<hbm>> -> memref<1x520x128xf32, #tpu.memory_space<hbm>>
        %dma_wait3A_94 = tpu.memref_squeeze %dma_wait3A_93 : memref<1x520x128xf32, #tpu.memory_space<hbm>> -> memref<520x128xf32, #tpu.memory_space<hbm>>
        %dma_wait3A_95 = arith.constant 0 : i32
        %dma_wait3A_96 = tpu.memref_slice %arg10[%multiple_of3A, %dma_wait3A_95] : memref<10128x128xf32, #tpu.memory_space<vmem_shared>> -> memref<520x128xf32, #tpu.memory_space<vmem_shared>>
        tpu.wait_dma2 semaphore(%run_scoped3A : memref<!tpu.dma_semaphore, #tpu.memory_space<semaphore_mem>>) src(%dma_wait3A_96 : memref<520x128xf32, #tpu.memory_space<vmem_shared>>) dst(%dma_wait3A_94 : memref<520x128xf32, #tpu.memory_space<hbm>>)
        tpu.yield
      }) : () -> ()
    } else {
    }
    return
  }
}

module attributes {stable_mosaic.version = 14 : i64} {
  func.func @_mlp_body(%arg0: memref<10000x128xf32, #tpu.memory_space<vmem>>, %arg1: memref<2x10000x128xf32, #tpu.memory_space<vmem>>, %arg2: memref<128x128xf32, #tpu.memory_space<vmem>>, %arg3: memref<1x128xf32, #tpu.memory_space<vmem>>, %arg4: memref<1x128xf32, #tpu.memory_space<vmem>>, %arg5: memref<1x128xf32, #tpu.memory_space<vmem>>, %arg6: memref<128x128xf32, #tpu.memory_space<vmem>>, %arg7: memref<1x128xf32, #tpu.memory_space<vmem>>, %arg8: memref<1x128xf32, #tpu.memory_space<vmem>>, %arg9: memref<1x128xf32, #tpu.memory_space<vmem>>, %arg10: memref<10000x128xf32, #tpu.memory_space<vmem>>) attributes {dimension_semantics = [], scalar_prefetch = 0 : i64, scratch_operands = 0 : i64, tpu.core_type = #tpu.core_type<tc>} {
    %get3A = arith.constant 0 : index
    %get3A_0 = arith.constant 0 : index
    %get3A_1 = arith.constant 0 : index
    %get3A_2 = vector.load %arg1[%get3A, %get3A_0, %get3A_1] : memref<2x10000x128xf32, #tpu.memory_space<vmem>>, vector<1x10000x128xf32>
    %get3A_3 = vector.shape_cast %get3A_2 : vector<1x10000x128xf32> to vector<10000x128xf32>
    %get3A_4 = arith.constant 1 : index
    %get3A_5 = arith.constant 0 : index
    %get3A_6 = arith.constant 0 : index
    %get3A_7 = vector.load %arg1[%get3A_4, %get3A_5, %get3A_6] : memref<2x10000x128xf32, #tpu.memory_space<vmem>>, vector<1x10000x128xf32>
    %get3A_8 = vector.shape_cast %get3A_7 : vector<1x10000x128xf32> to vector<10000x128xf32>
    %add3A = arith.addf %get3A_3, %get3A_8 : vector<10000x128xf32>
    %get3A_9 = arith.constant 0 : index
    %get3A_10 = arith.constant 0 : index
    %get3A_11 = vector.load %arg0[%get3A_9, %get3A_10] : memref<10000x128xf32, #tpu.memory_space<vmem>>, vector<10000x128xf32>
    %sub3A = arith.subf %add3A, %get3A_11 : vector<10000x128xf32>
    %get3A_12 = arith.constant 0 : index
    %get3A_13 = arith.constant 0 : index
    %get3A_14 = vector.load %arg2[%get3A_12, %get3A_13] : memref<128x128xf32, #tpu.memory_space<vmem>>, vector<128x128xf32>
    %dot_general3A = arith.constant dense<0.000000e+00> : vector<10000x128xf32>
    %dot_general3A_15 = tpu.matmul %sub3A, %get3A_14, %dot_general3A {dimension_numbers = #tpu.dot_dimension_numbers<[1], [0], [0], [1], [0, 0, 1, 1], [], []>, precision = #tpu.contract_precision<fp32>, transpose_lhs_hint = false} : vector<10000x128xf32>, vector<128x128xf32>, vector<10000x128xf32> -> vector<10000x128xf32>
    %get3A_16 = arith.constant 0 : index
    %get3A_17 = arith.constant 0 : index
    %get3A_18 = vector.load %arg3[%get3A_16, %get3A_17] : memref<1x128xf32, #tpu.memory_space<vmem>>, vector<1x128xf32>
    %add3A_19 = vector.broadcast %get3A_18 : vector<1x128xf32> to vector<10000x128xf32>
    %add3A_20 = arith.addf %dot_general3A_15, %add3A_19 : vector<10000x128xf32>
    %max3A = arith.constant 0.000000e+00 : f32
    %max3A_21 = vector.broadcast %max3A : f32 to vector<10000x128xf32>
    %max3A_22 = arith.maximumf %add3A_20, %max3A_21 : vector<10000x128xf32>
    %reduce_sum3A = arith.constant dense<0.000000e+00> : vector<128xf32>
    %reduce_sum3A_23 = vector.multi_reduction <add>, %max3A_22, %reduce_sum3A [0] : vector<10000x128xf32> to vector<128xf32>
    %broadcast_in_dim3A = vector.shape_cast %reduce_sum3A_23 : vector<128xf32> to vector<1x128xf32>
    %div3A = arith.constant 1.000000e+04 : f32
    %div3A_24 = vector.broadcast %div3A : f32 to vector<1x128xf32>
    %div3A_25 = arith.divf %broadcast_in_dim3A, %div3A_24 : vector<1x128xf32>
    %sub3A_26 = vector.broadcast %div3A_25 : vector<1x128xf32> to vector<10000x128xf32>
    %sub3A_27 = arith.subf %max3A_22, %sub3A_26 : vector<10000x128xf32>
    %integer_pow3A = arith.mulf %sub3A_27, %sub3A_27 : vector<10000x128xf32>
    %reduce_sum3A_28 = arith.constant dense<0.000000e+00> : vector<128xf32>
    %reduce_sum3A_29 = vector.multi_reduction <add>, %integer_pow3A, %reduce_sum3A_28 [0] : vector<10000x128xf32> to vector<128xf32>
    %broadcast_in_dim3A_30 = vector.shape_cast %reduce_sum3A_29 : vector<128xf32> to vector<1x128xf32>
    %div3A_31 = arith.constant 1.000000e+04 : f32
    %div3A_32 = vector.broadcast %div3A_31 : f32 to vector<1x128xf32>
    %div3A_33 = arith.divf %broadcast_in_dim3A_30, %div3A_32 : vector<1x128xf32>
    %sub3A_34 = vector.broadcast %div3A_25 : vector<1x128xf32> to vector<10000x128xf32>
    %sub3A_35 = arith.subf %max3A_22, %sub3A_34 : vector<10000x128xf32>
    %add3A_36 = arith.constant 9.99999974E-6 : f32
    %add3A_37 = vector.broadcast %add3A_36 : f32 to vector<1x128xf32>
    %add3A_38 = arith.addf %div3A_33, %add3A_37 : vector<1x128xf32>
    %sqrt3A = math.sqrt %add3A_38 : vector<1x128xf32>
    %div3A_39 = vector.broadcast %sqrt3A : vector<1x128xf32> to vector<10000x128xf32>
    %div3A_40 = arith.divf %sub3A_35, %div3A_39 : vector<10000x128xf32>
    %get3A_41 = arith.constant 0 : index
    %get3A_42 = arith.constant 0 : index
    %get3A_43 = vector.load %arg4[%get3A_41, %get3A_42] : memref<1x128xf32, #tpu.memory_space<vmem>>, vector<1x128xf32>
    %mul3A = vector.broadcast %get3A_43 : vector<1x128xf32> to vector<10000x128xf32>
    %mul3A_44 = arith.mulf %div3A_40, %mul3A : vector<10000x128xf32>
    %get3A_45 = arith.constant 0 : index
    %get3A_46 = arith.constant 0 : index
    %get3A_47 = vector.load %arg5[%get3A_45, %get3A_46] : memref<1x128xf32, #tpu.memory_space<vmem>>, vector<1x128xf32>
    %add3A_48 = vector.broadcast %get3A_47 : vector<1x128xf32> to vector<10000x128xf32>
    %add3A_49 = arith.addf %mul3A_44, %add3A_48 : vector<10000x128xf32>
    %get3A_50 = arith.constant 0 : index
    %get3A_51 = arith.constant 0 : index
    %get3A_52 = vector.load %arg6[%get3A_50, %get3A_51] : memref<128x128xf32, #tpu.memory_space<vmem>>, vector<128x128xf32>
    %dot_general3A_53 = arith.constant dense<0.000000e+00> : vector<10000x128xf32>
    %dot_general3A_54 = tpu.matmul %add3A_49, %get3A_52, %dot_general3A_53 {dimension_numbers = #tpu.dot_dimension_numbers<[1], [0], [0], [1], [0, 0, 1, 1], [], []>, precision = #tpu.contract_precision<fp32>, transpose_lhs_hint = false} : vector<10000x128xf32>, vector<128x128xf32>, vector<10000x128xf32> -> vector<10000x128xf32>
    %get3A_55 = arith.constant 0 : index
    %get3A_56 = arith.constant 0 : index
    %get3A_57 = vector.load %arg7[%get3A_55, %get3A_56] : memref<1x128xf32, #tpu.memory_space<vmem>>, vector<1x128xf32>
    %add3A_58 = vector.broadcast %get3A_57 : vector<1x128xf32> to vector<10000x128xf32>
    %add3A_59 = arith.addf %dot_general3A_54, %add3A_58 : vector<10000x128xf32>
    %max3A_60 = arith.constant 0.000000e+00 : f32
    %max3A_61 = vector.broadcast %max3A_60 : f32 to vector<10000x128xf32>
    %max3A_62 = arith.maximumf %add3A_59, %max3A_61 : vector<10000x128xf32>
    %reduce_sum3A_63 = arith.constant dense<0.000000e+00> : vector<128xf32>
    %reduce_sum3A_64 = vector.multi_reduction <add>, %max3A_62, %reduce_sum3A_63 [0] : vector<10000x128xf32> to vector<128xf32>
    %broadcast_in_dim3A_65 = vector.shape_cast %reduce_sum3A_64 : vector<128xf32> to vector<1x128xf32>
    %div3A_66 = arith.constant 1.000000e+04 : f32
    %div3A_67 = vector.broadcast %div3A_66 : f32 to vector<1x128xf32>
    %div3A_68 = arith.divf %broadcast_in_dim3A_65, %div3A_67 : vector<1x128xf32>
    %sub3A_69 = vector.broadcast %div3A_68 : vector<1x128xf32> to vector<10000x128xf32>
    %sub3A_70 = arith.subf %max3A_62, %sub3A_69 : vector<10000x128xf32>
    %integer_pow3A_71 = arith.mulf %sub3A_70, %sub3A_70 : vector<10000x128xf32>
    %reduce_sum3A_72 = arith.constant dense<0.000000e+00> : vector<128xf32>
    %reduce_sum3A_73 = vector.multi_reduction <add>, %integer_pow3A_71, %reduce_sum3A_72 [0] : vector<10000x128xf32> to vector<128xf32>
    %broadcast_in_dim3A_74 = vector.shape_cast %reduce_sum3A_73 : vector<128xf32> to vector<1x128xf32>
    %div3A_75 = arith.constant 1.000000e+04 : f32
    %div3A_76 = vector.broadcast %div3A_75 : f32 to vector<1x128xf32>
    %div3A_77 = arith.divf %broadcast_in_dim3A_74, %div3A_76 : vector<1x128xf32>
    %sub3A_78 = vector.broadcast %div3A_68 : vector<1x128xf32> to vector<10000x128xf32>
    %sub3A_79 = arith.subf %max3A_62, %sub3A_78 : vector<10000x128xf32>
    %add3A_80 = arith.constant 9.99999974E-6 : f32
    %add3A_81 = vector.broadcast %add3A_80 : f32 to vector<1x128xf32>
    %add3A_82 = arith.addf %div3A_77, %add3A_81 : vector<1x128xf32>
    %sqrt3A_83 = math.sqrt %add3A_82 : vector<1x128xf32>
    %div3A_84 = vector.broadcast %sqrt3A_83 : vector<1x128xf32> to vector<10000x128xf32>
    %div3A_85 = arith.divf %sub3A_79, %div3A_84 : vector<10000x128xf32>
    %get3A_86 = arith.constant 0 : index
    %get3A_87 = arith.constant 0 : index
    %get3A_88 = vector.load %arg8[%get3A_86, %get3A_87] : memref<1x128xf32, #tpu.memory_space<vmem>>, vector<1x128xf32>
    %mul3A_89 = vector.broadcast %get3A_88 : vector<1x128xf32> to vector<10000x128xf32>
    %mul3A_90 = arith.mulf %div3A_85, %mul3A_89 : vector<10000x128xf32>
    %get3A_91 = arith.constant 0 : index
    %get3A_92 = arith.constant 0 : index
    %get3A_93 = vector.load %arg9[%get3A_91, %get3A_92] : memref<1x128xf32, #tpu.memory_space<vmem>>, vector<1x128xf32>
    %add3A_94 = vector.broadcast %get3A_93 : vector<1x128xf32> to vector<10000x128xf32>
    %add3A_95 = arith.addf %mul3A_90, %add3A_94 : vector<10000x128xf32>
    %swap3A = arith.constant 0 : index
    %swap3A_96 = arith.constant 0 : index
    %swap3A_97 = vector.load %arg10[%swap3A, %swap3A_96] : memref<10000x128xf32, #tpu.memory_space<vmem>>, vector<10000x128xf32>
    tpu.vector_store %arg10[%swap3A, %swap3A_96], %add3A_95 {strides = array<i32>} : memref<10000x128xf32, #tpu.memory_space<vmem>>, vector<10000x128xf32>,
    return
  }
}

module attributes {stable_mosaic.version = 14 : i64} {
  func.func @_pool_body(%arg0: memref<1x10000xi32, #tpu.memory_space<vmem>>, %arg1: memref<10000x128xf32, #tpu.memory_space<vmem>>, %arg2: memref<64x128xf32, #tpu.memory_space<vmem>>) attributes {dimension_semantics = [], scalar_prefetch = 0 : i64, scratch_operands = 0 : i64, tpu.core_type = #tpu.core_type<tc>} {
    %iota3A = tpu.iota {dimensions = array<i32: 0>} : vector<64x10000xi32>
    %get3A = arith.constant 0 : index
    %get3A_0 = arith.constant 0 : index
    %get3A_1 = vector.load %arg0[%get3A, %get3A_0] : memref<1x10000xi32, #tpu.memory_space<vmem>>, vector<1x10000xi32>
    %eq3A = vector.broadcast %get3A_1 : vector<1x10000xi32> to vector<64x10000xi32>
    %eq3A_2 = arith.cmpi eq, %iota3A, %eq3A : vector<64x10000xi32>
    %convert_element_type3A = arith.extui %eq3A_2 : vector<64x10000xi1> to vector<64x10000xi32>
    %convert_element_type3A_3 = arith.sitofp %convert_element_type3A : vector<64x10000xi32> to vector<64x10000xf32>
    %get3A_4 = arith.constant 0 : index
    %get3A_5 = arith.constant 0 : index
    %get3A_6 = vector.load %arg1[%get3A_4, %get3A_5] : memref<10000x128xf32, #tpu.memory_space<vmem>>, vector<10000x128xf32>
    %dot_general3A = arith.constant dense<0.000000e+00> : vector<64x128xf32>
    %dot_general3A_7 = tpu.matmul %convert_element_type3A_3, %get3A_6, %dot_general3A {dimension_numbers = #tpu.dot_dimension_numbers<[1], [0], [0], [1], [0, 0, 1, 1], [], []>, precision = #tpu.contract_precision<fp32>, transpose_lhs_hint = false} : vector<64x10000xf32>, vector<10000x128xf32>, vector<64x128xf32> -> vector<64x128xf32>
    %swap3A = arith.constant 0 : index
    %swap3A_8 = arith.constant 0 : index
    %swap3A_9 = vector.load %arg2[%swap3A, %swap3A_8] : memref<64x128xf32, #tpu.memory_space<vmem>>, vector<64x128xf32>
    tpu.vector_store %arg2[%swap3A, %swap3A_8], %dot_general3A_7 {strides = array<i32>} : memref<64x128xf32, #tpu.memory_space<vmem>>, vector<64x128xf32>,
    return
  }
}

module attributes {stable_mosaic.version = 14 : i64} {
  func.func @_cls_body(%arg0: memref<64x640xf32, #tpu.memory_space<vmem>>, %arg1: memref<1x640xf32, #tpu.memory_space<vmem>>, %arg2: memref<1x640xf32, #tpu.memory_space<vmem>>, %arg3: memref<640x128xf32, #tpu.memory_space<vmem>>, %arg4: memref<1x128xf32, #tpu.memory_space<vmem>>, %arg5: memref<128x10xf32, #tpu.memory_space<vmem>>, %arg6: memref<1x10xf32, #tpu.memory_space<vmem>>, %arg7: memref<64x10xf32, #tpu.memory_space<vmem>>) attributes {dimension_semantics = [], scalar_prefetch = 0 : i64, scratch_operands = 0 : i64, tpu.core_type = #tpu.core_type<tc>} {
    %get3A = arith.constant 0 : index
    %get3A_0 = arith.constant 0 : index
    %get3A_1 = vector.load %arg0[%get3A, %get3A_0] : memref<64x640xf32, #tpu.memory_space<vmem>>, vector<64x640xf32>
    %reduce_sum3A = arith.constant dense<0.000000e+00> : vector<640xf32>
    %reduce_sum3A_2 = vector.multi_reduction <add>, %get3A_1, %reduce_sum3A [0] : vector<64x640xf32> to vector<640xf32>
    %broadcast_in_dim3A = vector.shape_cast %reduce_sum3A_2 : vector<640xf32> to vector<1x640xf32>
    %div3A = arith.constant 6.400000e+01 : f32
    %div3A_3 = vector.broadcast %div3A : f32 to vector<1x640xf32>
    %div3A_4 = arith.divf %broadcast_in_dim3A, %div3A_3 : vector<1x640xf32>
    %sub3A = vector.broadcast %div3A_4 : vector<1x640xf32> to vector<64x640xf32>
    %sub3A_5 = arith.subf %get3A_1, %sub3A : vector<64x640xf32>
    %integer_pow3A = arith.mulf %sub3A_5, %sub3A_5 : vector<64x640xf32>
    %reduce_sum3A_6 = arith.constant dense<0.000000e+00> : vector<640xf32>
    %reduce_sum3A_7 = vector.multi_reduction <add>, %integer_pow3A, %reduce_sum3A_6 [0] : vector<64x640xf32> to vector<640xf32>
    %broadcast_in_dim3A_8 = vector.shape_cast %reduce_sum3A_7 : vector<640xf32> to vector<1x640xf32>
    %div3A_9 = arith.constant 6.400000e+01 : f32
    %div3A_10 = vector.broadcast %div3A_9 : f32 to vector<1x640xf32>
    %div3A_11 = arith.divf %broadcast_in_dim3A_8, %div3A_10 : vector<1x640xf32>
    %sub3A_12 = vector.broadcast %div3A_4 : vector<1x640xf32> to vector<64x640xf32>
    %sub3A_13 = arith.subf %get3A_1, %sub3A_12 : vector<64x640xf32>
    %add3A = arith.constant 9.99999974E-6 : f32
    %add3A_14 = vector.broadcast %add3A : f32 to vector<1x640xf32>
    %add3A_15 = arith.addf %div3A_11, %add3A_14 : vector<1x640xf32>
    %sqrt3A = math.sqrt %add3A_15 : vector<1x640xf32>
    %div3A_16 = vector.broadcast %sqrt3A : vector<1x640xf32> to vector<64x640xf32>
    %div3A_17 = arith.divf %sub3A_13, %div3A_16 : vector<64x640xf32>
    %get3A_18 = arith.constant 0 : index
    %get3A_19 = arith.constant 0 : index
    %get3A_20 = vector.load %arg1[%get3A_18, %get3A_19] : memref<1x640xf32, #tpu.memory_space<vmem>>, vector<1x640xf32>
    %mul3A = vector.broadcast %get3A_20 : vector<1x640xf32> to vector<64x640xf32>
    %mul3A_21 = arith.mulf %div3A_17, %mul3A : vector<64x640xf32>
    %get3A_22 = arith.constant 0 : index
    %get3A_23 = arith.constant 0 : index
    %get3A_24 = vector.load %arg2[%get3A_22, %get3A_23] : memref<1x640xf32, #tpu.memory_space<vmem>>, vector<1x640xf32>
    %add3A_25 = vector.broadcast %get3A_24 : vector<1x640xf32> to vector<64x640xf32>
    %add3A_26 = arith.addf %mul3A_21, %add3A_25 : vector<64x640xf32>
    %get3A_27 = arith.constant 0 : index
    %get3A_28 = arith.constant 0 : index
    %get3A_29 = vector.load %arg3[%get3A_27, %get3A_28] : memref<640x128xf32, #tpu.memory_space<vmem>>, vector<640x128xf32>
    %dot_general3A = arith.constant dense<0.000000e+00> : vector<64x128xf32>
    %dot_general3A_30 = tpu.matmul %add3A_26, %get3A_29, %dot_general3A {dimension_numbers = #tpu.dot_dimension_numbers<[1], [0], [0], [1], [0, 0, 1, 1], [], []>, precision = #tpu.contract_precision<fp32>, transpose_lhs_hint = false} : vector<64x640xf32>, vector<640x128xf32>, vector<64x128xf32> -> vector<64x128xf32>
    %get3A_31 = arith.constant 0 : index
    %get3A_32 = arith.constant 0 : index
    %get3A_33 = vector.load %arg4[%get3A_31, %get3A_32] : memref<1x128xf32, #tpu.memory_space<vmem>>, vector<1x128xf32>
    %add3A_34 = vector.broadcast %get3A_33 : vector<1x128xf32> to vector<64x128xf32>
    %add3A_35 = arith.addf %dot_general3A_30, %add3A_34 : vector<64x128xf32>
    %max3A = arith.constant 0.000000e+00 : f32
    %max3A_36 = vector.broadcast %max3A : f32 to vector<64x128xf32>
    %max3A_37 = arith.maximumf %add3A_35, %max3A_36 : vector<64x128xf32>
    %get3A_38 = arith.constant 0 : index
    %get3A_39 = arith.constant 0 : index
    %get3A_40 = vector.load %arg5[%get3A_38, %get3A_39] : memref<128x10xf32, #tpu.memory_space<vmem>>, vector<128x10xf32>
    %dot_general3A_41 = arith.constant dense<0.000000e+00> : vector<64x10xf32>
    %dot_general3A_42 = tpu.matmul %max3A_37, %get3A_40, %dot_general3A_41 {dimension_numbers = #tpu.dot_dimension_numbers<[1], [0], [0], [1], [0, 0, 1, 1], [], []>, precision = #tpu.contract_precision<fp32>, transpose_lhs_hint = false} : vector<64x128xf32>, vector<128x10xf32>, vector<64x10xf32> -> vector<64x10xf32>
    %get3A_43 = arith.constant 0 : index
    %get3A_44 = arith.constant 0 : index
    %get3A_45 = vector.load %arg6[%get3A_43, %get3A_44] : memref<1x10xf32, #tpu.memory_space<vmem>>, vector<1x10xf32>
    %add3A_46 = vector.broadcast %get3A_45 : vector<1x10xf32> to vector<64x10xf32>
    %add3A_47 = arith.addf %dot_general3A_42, %add3A_46 : vector<64x10xf32>
    %reduce_max3A = arith.constant dense<0xFF800000> : vector<64xf32>
    %reduce_max3A_48 = vector.multi_reduction <maximumf>, %add3A_47, %reduce_max3A [1] : vector<64x10xf32> to vector<64xf32>
    %broadcast_in_dim3A_49 = vector.shape_cast %reduce_max3A_48 : vector<64xf32> to vector<64x1xf32>
    %sub3A_50 = vector.broadcast %broadcast_in_dim3A_49 : vector<64x1xf32> to vector<64x10xf32>
    %sub3A_51 = arith.subf %add3A_47, %sub3A_50 : vector<64x10xf32>
    %sub3A_52 = vector.broadcast %broadcast_in_dim3A_49 : vector<64x1xf32> to vector<64x10xf32>
    %sub3A_53 = arith.subf %add3A_47, %sub3A_52 : vector<64x10xf32>
    %exp3A = math.exp %sub3A_53 : vector<64x10xf32>
    %reduce_sum3A_54 = arith.constant dense<0.000000e+00> : vector<64xf32>
    %reduce_sum3A_55 = vector.multi_reduction <add>, %exp3A, %reduce_sum3A_54 [1] : vector<64x10xf32> to vector<64xf32>
    %broadcast_in_dim3A_56 = vector.shape_cast %reduce_sum3A_55 : vector<64xf32> to vector<64x1xf32>
    %log3A = math.log %broadcast_in_dim3A_56 : vector<64x1xf32>
    %sub3A_57 = vector.broadcast %log3A : vector<64x1xf32> to vector<64x10xf32>
    %sub3A_58 = arith.subf %sub3A_51, %sub3A_57 : vector<64x10xf32>
    %swap3A = arith.constant 0 : index
    %swap3A_59 = arith.constant 0 : index
    %swap3A_60 = vector.load %arg7[%swap3A, %swap3A_59] : memref<64x10xf32, #tpu.memory_space<vmem>>, vector<64x10xf32>
    tpu.vector_store %arg7[%swap3A, %swap3A_59], %sub3A_58 {strides = array<i32>} : memref<64x10xf32, #tpu.memory_space<vmem>>, vector<64x10xf32>,
    return
  }
}

</mosaic_0001>

<sc_bundles>
// kernel: kernel.18.cloned.1.call-start
scs
__scs_entry_jumppad:
0x0: {  	(pc) =	sbr.rel $0x88, $3  }
0x1: {  	(tag) =	ssettag $0x0;
	lr =	simm.s32 $0x1  }
0x2: {  	[smem:$0x3F90] =	sst lr;
	_ =	strace $0xD0000000  }
0x3: {  	_ = 	snop  }
0x4: {  	_ = 	snop  }
0x5: {  	_ = 	snop  }
0x6: {  	_ = 	snop  }
0x7: {  	_ = 	snop  }
__scs_overlays_trampoline_lowered:
0x8: {  	[smem:$0x3F9F] =	sst s0  }
0x9: {  	[smem:$0x3FA0] =	sst s1  }
0xa: {  	[smem:$0x3FA1] =	sst s2  }
0xb: {  	[smem:$0x3FA2] =	sst s3  }
0xc: {  	[smem:$0x3FA3] =	sst s4  }
0xd: {  	[smem:$0x3FA4] =	sst s5  }
0xe: {  	[smem:$0x3FA5] =	sst s6  }
0xf: {  	[smem:$0x3FA6] =	sst s7  }
0x10: {  	[smem:$0x3FA7] =	sst s8  }
0x11: {  	[smem:$0x3FA8] =	sst s9;
	s0 =	simm.s32 @!p0 $0x0  }
0x12: {  	s1 =	sld [smem:$0x3F8E];
	s0 =	simm.s32 @p0 $0x1  }
0x13: {  	[smem:$0x3FA9] =	sst s0;
	s0 =	simm.s32 @!p1 $0x0  }
0x14: {  	s2 =	sld [smem:$0x3F8D];
	s0 =	simm.s32 @p1 $0x1  }
0x15: {  	[smem:$0x3FAA] =	sst s0;
	s0 =	simm.s32 @!p2 $0x0  }
0x16: {  	s3 =	sld [smem:$0x3FDB];
	s0 =	simm.s32 @p2 $0x1  }
0x17: {  	s4 =	simm.s32 $0x1BF5;
	[smem:$0x3FAC] =	sst s0  }
0x18: {  	s0 =	sld [smem:$0x3F8F];
	_ =	swait.ge [sflag:s4], $0x0  }
0x19: {  	s7 =	sld [smem:$0x3F90]  }
0x1a: {  	s8 =	sadd.s32 $0xFFFFE003, lr  }
0x1b: {  	s9 =	sadd.s32 $0xFFFFFEF7, lr;
	s5 =	simm.s32 $0xFFFFFFFF;
	p2 =	slt.u32 s8, $0xFFFFF086  }
0x1c: {  	p1 =	slt.u32 s9, $0xF7A;
	s5 =	simm.s32 @!p2 $0x0  }
0x1d: {  	s5 =	simm.s32 @p1 $0x1;
	p0 =	seq.s32 s7, s2  }
0x1e: {  	s7 =	smul.u32 @!p0 $0xF7A, s2;
	p2 =	seq.s32 @!p0 s5, $0x0  }
0x1f: {  	s9 =	smul.u32 $0xF7A, s1;
	s8 =	simm.s32 @!p0 $0x1BF5;
	p2 =	por !p2, p0  }
0x20: {  	[sflag:s8] =	ssyncset.s32 @!p0 $0xFFFFF086;
	s6 =	sadd.s32 @!p0 s3, s7;
	s7 =	simm.s32 @!p0 $0x108  }
0x21: {  	s3 =	sadd.s32 s3, s9;
	s6 =	sadd.s32 @!p0 $0x88, s6;
	s7 =	simm.s32 @p2 $0x1082  }
0x22: {  	[simem:s7], [sflag:s8] =	dma.local @!p0 [hbm:s6], $0xF7A  }
0x23: {  	s9 =	sor.u32 $0xD0000000, s2;
	s6 =	simm.s32 $0x108;
	_ =	swait.ge @!p0 [sflag:s8], $0x0  }
0x24: {  	s3 =	sadd.s32 $0x88, s3;
	s6 =	simm.s32 @!p1 $0x1082;
	[sflag:s4] =	ssyncset.s32 $0xFFFFF086  }
0x25: {  	[simem:s6], [sflag:s4] =	dma.local [hbm:s3], $0xF7A  }
0x26: {  	[smem:$0x3F90] =	sst s1;
	(tag) =	ssettag s2;
	_ =	strace s9  }
0x27: {  	s1 =	sld [smem:$0x3FA0]  }
0x28: {  	s2 =	sld [smem:$0x3FA1]  }
0x29: {  	s4 =	sld [smem:$0x3FA3]  }
0x2a: {  	p0 =	seq.s32 s5, $0x0;
	s5 =	sld [smem:$0x3FA4]  }
0x2b: {  	s6 =	sld [smem:$0x3FA5]  }
0x2c: {  	s7 =	sld [smem:$0x3FA6]  }
0x2d: {  	s3 =	simm.s32 $0x108;
	s8 =	sld [smem:$0x3FA7]  }
0x2e: {  	s3 =	simm.s32 @!p0 $0x1082;
	s9 =	sld [smem:$0x3FA8]  }
0x2f: {  	lr =	sadd.s32 s0, s3;
	s0 =	sld [smem:$0x3F9F]  }
0x30: {  	s3 =	sld [smem:$0x3FA2]  }
0x31: {  	[smem:$0x3FAB] =	sst s10  }
0x32: {  	s10 =	sld [smem:$0x3FA9];
	_ =	sdelay $0x3  }
0x33: {  	p0 =	seq.s32 s10, $0x1;
	s10 =	sld [smem:$0x3FAB];
	_ =	sdelay $0x3  }
0x34: {  	[smem:$0x3FAB] =	sst s10  }
0x35: {  	s10 =	sld [smem:$0x3FAA];
	_ =	sdelay $0x3  }
0x36: {  	p1 =	seq.s32 s10, $0x1;
	s10 =	sld [smem:$0x3FAB];
	_ =	sdelay $0x3  }
0x37: {  	[smem:$0x3FAB] =	sst s10  }
0x38: {  	s10 =	sld [smem:$0x3FAC]  }
0x39: {  	_ = 	snop;
	(pc) =	sbr.ind lr, $3  }
0x3a: {  	_ = 	snop  }
0x3b: {  	_ = 	snop  }
0x3c: {  	p2 =	seq.s32 s10, $0x1;
	s10 =	sld [smem:$0x3FAB]  }
0x3d: {  	_ =	shalt  }
0x3e: {  	_ =	shalt  }
0x3f: {  	_ =	shalt  }
0x40: {  	_ =	shalt  }
0x41: {  	_ =	shalt  }
0x42: {  	_ =	shalt  }
0x43: {  	_ =	shalt  }
0x44: {  	_ =	shalt  }
0x45: {  	_ =	shalt  }
0x46: {  	_ =	shalt  }
0x47: {  	_ =	shalt  }
0x48: {  	_ =	shalt  }
0x49: {  	_ =	shalt  }
0x4a: {  	_ =	shalt  }
0x4b: {  	_ =	shalt  }
0x4c: {  	_ =	shalt  }
0x4d: {  	_ =	shalt  }
0x4e: {  	_ =	shalt  }
0x4f: {  	_ =	shalt  }
0x50: {  	_ =	shalt  }
0x51: {  	_ =	shalt  }
0x52: {  	_ =	shalt  }
0x53: {  	_ =	shalt  }
0x54: {  	_ =	shalt  }
0x55: {  	_ =	shalt  }
0x56: {  	_ =	shalt  }
0x57: {  	_ =	shalt  }
0x58: {  	_ =	shalt  }
0x59: {  	_ =	shalt  }
0x5a: {  	_ =	shalt  }
0x5b: {  	_ =	shalt  }
0x5c: {  	_ =	shalt  }
0x5d: {  	_ =	shalt  }
0x5e: {  	_ =	shalt  }
0x5f: {  	_ =	shalt  }
0x60: {  	_ =	shalt  }
0x61: {  	_ =	shalt  }
0x62: {  	_ =	shalt  }
0x63: {  	_ =	shalt  }
0x64: {  	_ =	shalt  }
0x65: {  	_ =	shalt  }
0x66: {  	_ =	shalt  }
0x67: {  	_ =	shalt  }
0x68: {  	_ =	shalt  }
0x69: {  	_ =	shalt  }
0x6a: {  	_ =	shalt  }
0x6b: {  	_ =	shalt  }
0x6c: {  	_ =	shalt  }
0x6d: {  	_ =	shalt  }
0x6e: {  	_ =	shalt  }
0x6f: {  	_ =	shalt  }
0x70: {  	_ =	shalt  }
0x71: {  	_ =	shalt  }
0x72: {  	_ =	shalt  }
0x73: {  	_ =	shalt  }
0x74: {  	_ =	shalt  }
0x75: {  	_ =	shalt  }
0x76: {  	_ =	shalt  }
0x77: {  	_ =	shalt  }
0x78: {  	_ =	shalt  }
0x79: {  	_ =	shalt  }
0x7a: {  	_ =	shalt  }
0x7b: {  	_ =	shalt  }
0x7c: {  	_ =	shalt  }
0x7d: {  	_ =	shalt  }
0x7e: {  	_ =	shalt  }
0x7f: {  	_ =	shalt  }
0x80: {  	_ =	shalt  }
0x81: {  	_ =	shalt  }
0x82: {  	_ =	shalt  }
0x83: {  	_ =	shalt  }
0x84: {  	_ =	shalt  }
0x85: {  	_ =	shalt  }
0x86: {  	_ =	shalt  }
0x87: {  	_ =	shalt  }
.Lfunc_end0:
.L_simem_size_0:
called_computation_lowered:
.L_overlay_start_0:
0x88: {  	s2 =	sld [smem:$0x3FD9]  }
0x89: {  	s3 =	sld [smem:$0x3FFE];
	_ =	sdelay $0x1  }
0x8a: {  	s1 =	srdreg.scid  }
0x8b: {  	s0 =	sand.u32 $0x1, s1  }
0x8c: {  	s17 =	sshll.u32 s0, $0xA;
	s2 =	sadd.s32 s3, s2  }
0x8d: {  	s2 =	sadd.s32 s2, s17  }
0x8e: {  	[smem:$0x3FB7] =	sst s2  }
0x8f: {  	_ = 	snop  }
0x90: {  	s2 =	sld [smem:$0x3FC9];
	(tm) =	ssettm $0x1  }
0x91: {  	s18 =	sld [smem:$0x3FFB];
	_ =	sdelay $0x3  }
0x92: {  	_ =	strace s18  }
0x93: {  	s3 =	sld [smem:$0x3FFC];
	_ =	sdelay $0x3  }
0x94: {  	_ =	strace s3  }
0x95: {  	s3 =	sld [smem:$0x3FFD];
	_ =	sdelay $0x3  }
0x96: {  	_ =	strace s3  }
0x97: {  	_ =	strace $0x8FFFFFFF  }
0x98: {  	s19 =	sld [smem:$0x3FDB];
	_ =	sdelay $0x1  }
0x99: {  	s4 =	simm.s32 $_scs_section_size  }
0x9a: {  	s5 =	simm.s32 $_size__tile_overlayer_lowered;
	s6 =	simm.s32 $_tile_overlayer_lowered  }
0x9b: {  	s22 =	simm.s32 $0x1BFF;
	s21 =	sshll.u32 s6, $0x1;
	s3 =	sadd.s32 s4, s19  }
0x9c: {  	s7 =	simm.s32 $0x0;
	s20 =	sshll.u32 s5, $0x1;
	s5 =	sadd.s32 s21, s3  }
0x9d: {  	[timem:s7], [sflag:s22] =	dma.local [hbm:s5], s20  }
0x9e: {  	_ =	swait.ge [sflag:s22], s20  }
0x9f: {  	s4 =	ssub.s32 $0x0, s20;
	[sflag:s22] =	ssyncset.done $0x0  }
0xa0: {  	[sflag:s22] =	ssyncadd.s32 s4;
	_ =	sdelay $0x1  }
0xa1: {  	s23 =	simm.s32 $0x1B8B  }
0xa2: {  	_ =	swait.ge [sflag:s23], $0x1  }
0xa3: {  	[sflag:s23] =	ssyncset.done $0x0  }
0xa4: {  	s25 =	simm.s32 $0x1B8E;
	s24 =	sld [smem:$0x3FFE];
	[sflag:s23] =	ssyncadd.s32 $0xFFFFFFFF  }
0xa5: {  	s26 =	simm.s32 $execute0_lowered;
	[smem:$0x3FD2] =	sst s25  }
0xa6: {  	s5 =	sshll.u32 s26, $0x1;
	_ =	strace $0x80000046;
	[dreg:$0x1] =	wrdreg $0xFFFFFFFF  }
0xa7: {  	s28 =	simm.s32 $_size_execute0_lowered;
	s3 =	sadd.s32 s3, s5;
	[dreg:$0x0] =	wrdreg $0x0  }
0xa8: {  	s5 =	sshll.u32 s28, $0x1;
	[dreg:$0x2] =	wrdreg s3  }
0xa9: {  	[dreg:$0x3] =	wrdreg s5  }
0xaa: {  	[dreg:$0x4] =	wrdreg $0xC0  }
0xab: {  	_ =	task [dreg:s7], $0x5FFFF  }
0xac: {  	[dreg:$0x1] =	wrdreg $0xFFFFFFFF  }
0xad: {  	[dreg:$0x0] =	wrdreg $0x60  }
0xae: {  	[dreg:$0x2] =	wrdreg s2  }
0xaf: {  	[dreg:$0x3] =	wrdreg s24  }
0xb0: {  	[dreg:$0x4] =	wrdreg $0xA8000  }
0xb1: {  	[dreg:$0x5] =	wrdreg $0x9  }
0xb2: {  	_ =	task.clear_ibuf [dreg:s7], $0x6FFFF;
	_ =	strace $0x90000046  }
0xb3: {  	s29 =	simm.s32 $0x9;
	_ =	strace $0x80000048  }
0xb4: {  	_ =	swait.ge [sflag:s29], $0x1  }
0xb5: {  	[sflag:s29] =	ssyncadd.s32 $0xFFFFFFFF  }
0xb6: {  	_ =	strace $0x90000048  }
0xb7: {  	_ =	sfence  }
0xb8: {  	s30 =	sld [smem:$0x0];
	_ =	sdelay $0x2  }
0xb9: {  	s31 =	sshll.u32 s1, $0xD;
	s1 =	sshrl.u32 s1, $0x2  }
0xba: {  	s3 =	sand.u32 $0x4000, s31;
	s1 =	sadd.s32 s1, s30  }
0xbb: {  	s0 =	sor.u32 s3, s0;
	s1 =	sshll.u32 s1, $0x11  }
0xbc: {  	s0 =	sor.u32 s1, s0  }
0xbd: {  	s0 =	sadd.s32 $0x8F2B, s0  }
0xbe: {  	[sflag:s0] =	ssyncadd.remote.s32 $0x1  }
0xbf: {  	_ =	sfence.sel $0xFFFF  }
0xc0: {  	[dreg:$0x0] =	wrdreg $0xFFFFFFFF;
	(pc) =	sbr.abs _section_cstart, $3  }
0xc1: {  	[dreg:$0x1] =	wrdreg $0xFFFFFFFF  }
0xc2: {  	_ =	task.clear_ibuf [dreg:s7], $0x2FFFF;
	_ =	strace $0x9FFFFFFF  }
0xc3: {  	(tm) =	ssettm $0x7FFFFFFF  }
tec
execute0_lowered:
.L_overlay_start_1:
0x0: {  	(tag) =	ssettag $0x1  }
0x1: {  	s1 =	rddreg [dreg:$0x0]  }
0x2: {  	s5 =	rddreg [dreg:$0x1]  }
0x3: {  	s2 =	rddreg [dreg:$0x2];
	s3 =	simm.s32 $0x0;
	s6 =	srdreg.scid  }
0x4: {  	s4 =	stileid.u32;
	s19 =	simm.s32 $0x80;
	s20 =	simm.s32 $0x2800  }
0x5: {  	s21 =	simm.s32 $0x1;
	s28 =	simm.s32 $0x4;
	s29 =	simm.s32 $0x0  }
0x6: {  	[smem:$0x7FF] =	sst s3;
	s9 =	sadd.s32 $0x6400, s5;
	s8 =	smul.u32 $0x4F000, s4  }
0x7: {  	s6 =	sand.u32 $0x1, s6;
	s10 =	sadd.s32 $0x10400, s5;
	s12 =	smul.u32 $0x2780, s4  }
0x8: {  	s13 =	sadd.s32 $0x1A400, s5;
	s17 =	sadd.s32 $0x128400, s2;
	s26 =	smul.u32 $0x13C00, s4  }
0x9: {  	p0 =	seq.s32 s4, $0xF;
	_ =	strace $0x80000047;
	s7 =	sshll.u32 s6, $0x4  }
0xa: {  	s11 =	ssub.s32 $0x2, s6;
	s24 =	smul.u32 $0x138800, s6;
	s6 =	sadd.s32 $0x25080, s1  }
0xb: {  	s7 =	sor.u32 s4, s7;
	s22 =	sshrl.u32 s11, $0x1;
	s23 =	sshrl.u32 s8, $0x2  }
0xc: {  	s5 =	sadd.s32 s1, s12;
	s14 =	smul.u32 $0x500, s7;
	s15 =	ssub.s32 s11, s22  }
0xd: {  	s7 =	smul.u32 $0x2800, s7;
	s16 =	sadd.s32 s23, s2;
	s12 =	sadd.s32 s26, s24  }
0xe: {  	s30 =	sshrl.u32 s24, $0x3;
	s22 =	simm.s32 $0x6800;
	s23 =	simm.s32 $0x2  }
0xf: {  	s24 =	simm.s32 $0x1480;
	s26 =	simm.s32 $0x100;
	s12 =	sshrl.u32 s12, $0x3  }
0x10: {  	s31 =	sadd.s32 s13, s30;
	s16 =	sshrl.u32 @!p0 s16, $0x3;
	s25 =	sshrl.u32 s7, $0x3  }
.Ltmp0:
0x11: {  	s7 =	sadd.s32 s9, s14;
	s8 =	sadd.s32 s10, s14;
	(pc) =	sbr.rel .LBB2_1-.Ltmp0, $4  }
0x12: {  	s11 =	sadd.s32 s13, s12;
	s12 =	sadd.s32 $0x25080, s31;
	s13 =	smax.u32 s15, $0x1  }
0x13: {  	s15 =	sshll.u32 @!p0 s4, $0x6;
	s14 =	sshrl.u32 @p0 s17, $0x3;
	s17 =	simm.s32 $0x5  }
0x14: {  	s18 =	sadd.s32 $0x280, s25;
	s15 =	sor.u32 @!p0 $0x1C05, s15;
	s25 =	simm.s32 $0x3  }
0x15: {  	s9 =	sadd.s32 s9, s18;
	s10 =	sadd.s32 s10, s18;
	s18 =	simm.s32 $0x1400  }
.LBB2_7:
0x16: {  	_ =	swait.ge [sflag:s28], $0x4000  }
0x17: {  	[sflag:s28] =	ssyncset.done $0x0  }
0x18: {  	[sflag:s28] =	ssyncadd.s32 $0xFFFFC000  }
0x19: {  	s0 =	simm.s32 @p0 $0x1FC5;
	[bflag:$0x0] =	sbarrier.arrive $0xFFFF  }
0x1a: {  	[hbm:s12], [sflag:s0] =	dma.local @p0 [spmem:s14], $0x2080  }
0x1b: {  	s0 =	simm.s32 @p0 $0x5  }
0x1c: {  	s29 =	sadd.s32 $0x1, s29;
	_ =	swait.ge @p0 [sflag:s0], $0x2080  }
0x1d: {  	p1 =	sne.s32 s29, s13;
	[sflag:s0] =	ssyncset.done @p0 $0x0  }
.Ltmp1:
0x1e: {  	[sflag:s0] =	ssyncadd.s32 @p0 $0xFFFFDF80;
	s0 =	simm.s32 @!p0 $0x5;
	(pc) =	sbr.rel @!p1 .LBB2_8-.Ltmp1, $4  }
0x1f: {  	[hbm:s11], [sflag:s15] =	dma.local @!p0 [spmem:s16], $0x2780  }
0x20: {  	_ =	swait.ge @!p0 [sflag:s0], $0x2780  }
0x21: {  	[sflag:s0] =	ssyncset.done @!p0 $0x0  }
0x22: {  	[sflag:s0] =	ssyncadd.s32 @!p0 $0xFFFFD880  }
.LBB2_1:
0x23: {  	s30 =	simm.s32 @p0 $0x1FC5  }
0x24: {  	[spmem:s14], [sflag:s30] =	dma.local @p0 [hbm:s6], $0x2080  }
0x25: {  	s30 =	simm.s32 @p0 $0x5  }
0x26: {  	_ =	swait.ge @p0 [sflag:s30], $0x2080  }
0x27: {  	[sflag:s30] =	ssyncset.done @p0 $0x0  }
0x28: {  	[sflag:s30] =	ssyncadd.s32 @p0 $0xFFFFDF80;
	s30 =	simm.s32 @!p0 $0x5  }
0x29: {  	[spmem:s16], [sflag:s15] =	dma.local @!p0 [hbm:s5], $0x2780  }
0x2a: {  	_ =	swait.ge @!p0 [sflag:s30], $0x2780  }
0x2b: {  	[sflag:s30] =	ssyncset.done @!p0 $0x0  }
0x2c: {  	[sflag:s30] =	ssyncadd.s32 @!p0 $0xFFFFD880  }
0x2d: {  	[bflag:$0x0] =	sbarrier.arrive $0xFFFF  }
0x2e: {  	[tilespmem:s3], [sflag:$0x5] =	stream.linear.gather [hbm4b:s7+s3], $0x1400, $0x38;
	[tilespmem:$0x1E480] =	vst v63  }
0x2f: {  	_ =	swait.ge [sflag:s17], $0x1400  }
0x30: {  	[sflag:s17] =	ssyncset.done $0x0  }
0x31: {  	[sflag:s17] =	ssyncadd.s32 $0xFFFFEC00  }
0x32: {  	[tilespmem:s18], [sflag:$0x5] =	stream.linear.gather [hbm4b:s8+s3], $0x1400, $0x38;
	[tilespmem:$0x1E480] =	vst v63  }
0x33: {  	_ =	swait.ge [sflag:s17], $0x1400  }
0x34: {  	[sflag:s17] =	ssyncset.done $0x0  }
0x35: {  	[sflag:s17] =	ssyncadd.s32 $0xFFFFEC00  }
0x36: {  	[tilespmem:s20], [sflag:$0x1] =	stream.indirect.gather [hbm4b:s1+s19], $0x80, s3, s19, $0xb8;
	[tilespmem:$0x1E480] =	vst v63  }
0x37: {  	_ =	swait.ge [sflag:s21], $0x4000  }
0x38: {  	[sflag:s21] =	ssyncset.done $0x0  }
0x39: {  	[sflag:s21] =	ssyncadd.s32 $0xFFFFC000  }
0x3a: {  	[spmem:s2] =	stream.indirect.scatter.add.f32 [tilespmem:s20], [sflag:$0x3], $0x80, s18, s19, $0xb8;
	[tilespmem:$0x1E480] =	vst v63  }
0x3b: {  	_ = 	snop  }
0x3c: {  	[tilespmem:s22], [sflag:$0x2] =	stream.indirect.gather [hbm4b:s1+s19], $0x80, s19, s19, $0xb8;
	[tilespmem:$0x1E480] =	vst v63  }
0x3d: {  	_ =	swait.ge [sflag:s23], $0x4000  }
0x3e: {  	[sflag:s23] =	ssyncset.done $0x0  }
0x3f: {  	[sflag:s23] =	ssyncadd.s32 $0xFFFFC000  }
0x40: {  	[spmem:s2] =	stream.indirect.scatter.add.f32 [tilespmem:s22], [sflag:$0x4], $0x80, s24, s19, $0xb8;
	[tilespmem:$0x1E480] =	vst v63  }
0x41: {  	_ =	swait.ge [sflag:s25], $0x4000  }
0x42: {  	[sflag:s25] =	ssyncset.done $0x0  }
0x43: {  	s30 =	simm.s32 $0xFFFFB800;
	[sflag:s25] =	ssyncadd.s32 $0xFFFFC000  }
0x44: {  	[tilespmem:s20], [sflag:$0x1] =	stream.indirect.gather [hbm4b:s1+s19], $0x80, s26, s19, $0xb8;
	[tilespmem:$0x1E480] =	vst v63  }
.LBB2_2:
0x45: {  	_ =	swait.ge [sflag:s21], $0x4000  }
0x46: {  	s31 =	sshra.s32 s30, $0x2;
	[sflag:s21] =	ssyncset.done $0x0  }
0x47: {  	s0 =	sadd.s32 $0x2700, s31;
	[sflag:s21] =	ssyncadd.s32 $0xFFFFC000  }
0x48: {  	[spmem:s2] =	stream.indirect.scatter.add.f32 [tilespmem:s20], [sflag:$0x3], $0x80, s0, s19, $0xb8;
	[tilespmem:$0x1E480] =	vst v63  }
0x49: {  	_ =	swait.ge [sflag:s28], $0x4000  }
0x4a: {  	[sflag:s28] =	ssyncset.done $0x0  }
0x4b: {  	s0 =	sadd.s32 $0x1380, s31;
	[sflag:s28] =	ssyncadd.s32 $0xFFFFC000  }
0x4c: {  	[tilespmem:s22], [sflag:$0x2] =	stream.indirect.gather [hbm4b:s1+s19], $0x80, s0, s19, $0xb8;
	[tilespmem:$0x1E480] =	vst v63  }
0x4d: {  	_ =	swait.ge [sflag:s23], $0x4000  }
0x4e: {  	p1 =	seq.s32 s30, $0x0;
	[sflag:s23] =	ssyncset.done $0x0  }
.Ltmp2:
0x4f: {  	s0 =	sadd.s32 $0x2780, s31;
	[sflag:s23] =	ssyncadd.s32 $0xFFFFC000;
	(pc) =	sbr.rel @p1 .LBB2_4-.Ltmp2, $4  }
0x50: {  	[spmem:s2] =	stream.indirect.scatter.add.f32 [tilespmem:s22], [sflag:$0x4], $0x80, s0, s19, $0xb8;
	[tilespmem:$0x1E480] =	vst v63  }
0x51: {  	_ =	swait.ge [sflag:s25], $0x4000  }
0x52: {  	[sflag:s25] =	ssyncset.done $0x0  }
0x53: {  	[sflag:s25] =	ssyncadd.s32 $0xFFFFC000  }
.Ltmp3:
0x54: {  	(pc) =	sbr.rel .LBB2_2-.Ltmp3, $3  }
0x55: {  	_ =	sdelay $0x1  }
0x56: {  	s0 =	sadd.s32 $0x1400, s31;
	s30 =	sadd.s32 $0x400, s30  }
0x57: {  	[tilespmem:s20], [sflag:$0x1] =	stream.indirect.gather [hbm4b:s1+s19], $0x80, s0, s19, $0xb8;
	[tilespmem:$0x1E480] =	vst v63  }
.LBB2_4:
0x58: {  	_ =	swait.ge [sflag:s28], $0x4000  }
0x59: {  	[sflag:s28] =	ssyncset.done $0x0  }
0x5a: {  	[sflag:s28] =	ssyncadd.s32 $0xFFFFC000  }
0x5b: {  	[tilespmem:s3], [sflag:$0x5] =	stream.linear.gather [hbm4b:s9+s3], $0x1400, $0x38;
	[tilespmem:$0x1E480] =	vst v63  }
0x5c: {  	_ =	swait.ge [sflag:s17], $0x1400  }
0x5d: {  	[sflag:s17] =	ssyncset.done $0x0  }
0x5e: {  	[sflag:s17] =	ssyncadd.s32 $0xFFFFEC00  }
0x5f: {  	[tilespmem:s18], [sflag:$0x5] =	stream.linear.gather [hbm4b:s10+s3], $0x1400, $0x38;
	[tilespmem:$0x1E480] =	vst v63  }
0x60: {  	_ =	swait.ge [sflag:s17], $0x1400  }
0x61: {  	[sflag:s17] =	ssyncset.done $0x0  }
0x62: {  	[sflag:s17] =	ssyncadd.s32 $0xFFFFEC00  }
0x63: {  	[tilespmem:s20], [sflag:$0x1] =	stream.indirect.gather [hbm4b:s1+s19], $0x80, s3, s19, $0xb8;
	[tilespmem:$0x1E480] =	vst v63  }
0x64: {  	_ =	swait.ge [sflag:s21], $0x4000  }
0x65: {  	[sflag:s21] =	ssyncset.done $0x0  }
0x66: {  	[sflag:s21] =	ssyncadd.s32 $0xFFFFC000  }
0x67: {  	[spmem:s2] =	stream.indirect.scatter.add.f32 [tilespmem:s20], [sflag:$0x3], $0x80, s18, s19, $0xb8;
	[tilespmem:$0x1E480] =	vst v63  }
0x68: {  	_ = 	snop  }
0x69: {  	[tilespmem:s22], [sflag:$0x2] =	stream.indirect.gather [hbm4b:s1+s19], $0x80, s19, s19, $0xb8;
	[tilespmem:$0x1E480] =	vst v63  }
0x6a: {  	_ =	swait.ge [sflag:s23], $0x4000  }
0x6b: {  	[sflag:s23] =	ssyncset.done $0x0  }
0x6c: {  	[sflag:s23] =	ssyncadd.s32 $0xFFFFC000  }
0x6d: {  	[spmem:s2] =	stream.indirect.scatter.add.f32 [tilespmem:s22], [sflag:$0x4], $0x80, s24, s19, $0xb8;
	[tilespmem:$0x1E480] =	vst v63  }
0x6e: {  	_ =	swait.ge [sflag:s25], $0x4000  }
0x6f: {  	[sflag:s25] =	ssyncset.done $0x0  }
0x70: {  	s30 =	simm.s32 $0xFFFFB800;
	[sflag:s25] =	ssyncadd.s32 $0xFFFFC000  }
0x71: {  	[tilespmem:s20], [sflag:$0x1] =	stream.indirect.gather [hbm4b:s1+s19], $0x80, s26, s19, $0xb8;
	[tilespmem:$0x1E480] =	vst v63  }
.LBB2_5:
0x72: {  	_ =	swait.ge [sflag:s21], $0x4000  }
0x73: {  	s31 =	sshra.s32 s30, $0x2;
	[sflag:s21] =	ssyncset.done $0x0  }
0x74: {  	s0 =	sadd.s32 $0x2700, s31;
	[sflag:s21] =	ssyncadd.s32 $0xFFFFC000  }
0x75: {  	[spmem:s2] =	stream.indirect.scatter.add.f32 [tilespmem:s20], [sflag:$0x3], $0x80, s0, s19, $0xb8;
	[tilespmem:$0x1E480] =	vst v63  }
0x76: {  	_ =	swait.ge [sflag:s28], $0x4000  }
0x77: {  	[sflag:s28] =	ssyncset.done $0x0  }
0x78: {  	s0 =	sadd.s32 $0x1380, s31;
	[sflag:s28] =	ssyncadd.s32 $0xFFFFC000  }
0x79: {  	[tilespmem:s22], [sflag:$0x2] =	stream.indirect.gather [hbm4b:s1+s19], $0x80, s0, s19, $0xb8;
	[tilespmem:$0x1E480] =	vst v63  }
0x7a: {  	_ =	swait.ge [sflag:s23], $0x4000  }
0x7b: {  	p1 =	seq.s32 s30, $0x0;
	[sflag:s23] =	ssyncset.done $0x0  }
.Ltmp4:
0x7c: {  	s0 =	sadd.s32 $0x2780, s31;
	[sflag:s23] =	ssyncadd.s32 $0xFFFFC000;
	(pc) =	sbr.rel @p1 .LBB2_7-.Ltmp4, $4  }
0x7d: {  	[spmem:s2] =	stream.indirect.scatter.add.f32 [tilespmem:s22], [sflag:$0x4], $0x80, s0, s19, $0xb8;
	[tilespmem:$0x1E480] =	vst v63  }
0x7e: {  	_ =	swait.ge [sflag:s25], $0x4000  }
0x7f: {  	[sflag:s25] =	ssyncset.done $0x0  }
0x80: {  	[sflag:s25] =	ssyncadd.s32 $0xFFFFC000  }
.Ltmp5:
0x81: {  	(pc) =	sbr.rel .LBB2_5-.Ltmp5, $3  }
0x82: {  	_ =	sdelay $0x1  }
0x83: {  	s0 =	sadd.s32 $0x1400, s31;
	s30 =	sadd.s32 $0x400, s30  }
0x84: {  	[tilespmem:s20], [sflag:$0x1] =	stream.indirect.gather [hbm4b:s1+s19], $0x80, s0, s19, $0xb8;
	[tilespmem:$0x1E480] =	vst v63  }
.LBB2_8:
0x85: {  	_ =	sfence.sel $0x180000  }
0x86: {  	[bflag:$0x0] =	sbarrier.arrive $0xFFFF  }
0x87: {  	_ =	strace $0x90000047  }
0x88: {  	[bflag:$0x2] =	sbarrier.arrive $0xFFFF  }
0x89: {  	p0 =	sne.s32 s4, $0x0;
	s0 =	rddreg [dreg:$0x3]  }
0x8a: {  	s0 =	sadd.s32 @!p0 $0x100000, s0  }
0x8b: {  	[sflag:s0] =	ssyncadd.tile.s32 @!p0 $0x1;
	_ =	shalt  }
.Lfunc_end2:
_tile_overlayer_lowered:
.L_overlay_start_2:
0x8c: {  	(tag) =	ssettag $0x2  }
0x8d: {  	s0 =	rddreg [dreg:$0x0];
	s2 =	stileid.u32  }
0x8e: {  	s1 =	rddreg [dreg:$0x1];
	p0 =	sne.s32 s2, $0x0  }
0x8f: {  	s3 =	rddreg [dreg:$0x2];
	[bflag:$0x3] =	sbarrier.arrive $0xFFFF;
	s2 =	simm.s32 @!p0 $0x1C05  }
0x90: {  	[timem:s3], [sflag:s2] =	dma.local @!p0 [hbm:s0], s1  }
0x91: {  	s0 =	simm.s32 @!p0 $0x5  }
0x92: {  	_ =	swait.ge @!p0 [sflag:s0], s1  }
0x93: {  	s1 =	ssub.s32 @!p0 $0x0, s1;
	[sflag:s0] =	ssyncset.done @!p0 $0x0  }
0x94: {  	[sflag:s0] =	ssyncadd.s32 @!p0 s1  }
0x95: {  	[bflag:$0x3] =	sbarrier.arrive $0xFFFF  }
0x96: {  	_ =	shalt  }

// kernel: kernel.21.cloned.1.call-start
scs
__scs_entry_jumppad:
0x0: {  	(pc) =	sbr.rel $0x88, $3  }
0x1: {  	(tag) =	ssettag $0x0;
	lr =	simm.s32 $0x1  }
0x2: {  	[smem:$0x3F90] =	sst lr;
	_ =	strace $0xD0000000  }
0x3: {  	_ = 	snop  }
0x4: {  	_ = 	snop  }
0x5: {  	_ = 	snop  }
0x6: {  	_ = 	snop  }
0x7: {  	_ = 	snop  }
__scs_overlays_trampoline_lowered:
0x8: {  	[smem:$0x3F9F] =	sst s0  }
0x9: {  	[smem:$0x3FA0] =	sst s1  }
0xa: {  	[smem:$0x3FA1] =	sst s2  }
0xb: {  	[smem:$0x3FA2] =	sst s3  }
0xc: {  	[smem:$0x3FA3] =	sst s4  }
0xd: {  	[smem:$0x3FA4] =	sst s5  }
0xe: {  	[smem:$0x3FA5] =	sst s6  }
0xf: {  	[smem:$0x3FA6] =	sst s7  }
0x10: {  	[smem:$0x3FA7] =	sst s8  }
0x11: {  	[smem:$0x3FA8] =	sst s9;
	s0 =	simm.s32 @!p0 $0x0  }
0x12: {  	s1 =	sld [smem:$0x3F8E];
	s0 =	simm.s32 @p0 $0x1  }
0x13: {  	[smem:$0x3FA9] =	sst s0;
	s0 =	simm.s32 @!p1 $0x0  }
0x14: {  	s2 =	sld [smem:$0x3F8D];
	s0 =	simm.s32 @p1 $0x1  }
0x15: {  	[smem:$0x3FAA] =	sst s0;
	s0 =	simm.s32 @!p2 $0x0  }
0x16: {  	s3 =	sld [smem:$0x3FDB];
	s0 =	simm.s32 @p2 $0x1  }
0x17: {  	s4 =	simm.s32 $0x1BF5;
	[smem:$0x3FAC] =	sst s0  }
0x18: {  	s0 =	sld [smem:$0x3F8F];
	_ =	swait.ge [sflag:s4], $0x0  }
0x19: {  	s7 =	sld [smem:$0x3F90]  }
0x1a: {  	s8 =	sadd.s32 $0xFFFFE003, lr  }
0x1b: {  	s9 =	sadd.s32 $0xFFFFFEF7, lr;
	s5 =	simm.s32 $0xFFFFFFFF;
	p2 =	slt.u32 s8, $0xFFFFF086  }
0x1c: {  	p1 =	slt.u32 s9, $0xF7A;
	s5 =	simm.s32 @!p2 $0x0  }
0x1d: {  	s5 =	simm.s32 @p1 $0x1;
	p0 =	seq.s32 s7, s2  }
0x1e: {  	s7 =	smul.u32 @!p0 $0xF7A, s2;
	p2 =	seq.s32 @!p0 s5, $0x0  }
0x1f: {  	s9 =	smul.u32 $0xF7A, s1;
	s8 =	simm.s32 @!p0 $0x1BF5;
	p2 =	por !p2, p0  }
0x20: {  	[sflag:s8] =	ssyncset.s32 @!p0 $0xFFFFF086;
	s6 =	sadd.s32 @!p0 s3, s7;
	s7 =	simm.s32 @!p0 $0x108  }
0x21: {  	s3 =	sadd.s32 s3, s9;
	s6 =	sadd.s32 @!p0 $0x88, s6;
	s7 =	simm.s32 @p2 $0x1082  }
0x22: {  	[simem:s7], [sflag:s8] =	dma.local @!p0 [hbm:s6], $0xF7A  }
0x23: {  	s9 =	sor.u32 $0xD0000000, s2;
	s6 =	simm.s32 $0x108;
	_ =	swait.ge @!p0 [sflag:s8], $0x0  }
0x24: {  	s3 =	sadd.s32 $0x88, s3;
	s6 =	simm.s32 @!p1 $0x1082;
	[sflag:s4] =	ssyncset.s32 $0xFFFFF086  }
0x25: {  	[simem:s6], [sflag:s4] =	dma.local [hbm:s3], $0xF7A  }
0x26: {  	[smem:$0x3F90] =	sst s1;
	(tag) =	ssettag s2;
	_ =	strace s9  }
0x27: {  	s1 =	sld [smem:$0x3FA0]  }
0x28: {  	s2 =	sld [smem:$0x3FA1]  }
0x29: {  	s4 =	sld [smem:$0x3FA3]  }
0x2a: {  	p0 =	seq.s32 s5, $0x0;
	s5 =	sld [smem:$0x3FA4]  }
0x2b: {  	s6 =	sld [smem:$0x3FA5]  }
0x2c: {  	s7 =	sld [smem:$0x3FA6]  }
0x2d: {  	s3 =	simm.s32 $0x108;
	s8 =	sld [smem:$0x3FA7]  }
0x2e: {  	s3 =	simm.s32 @!p0 $0x1082;
	s9 =	sld [smem:$0x3FA8]  }
0x2f: {  	lr =	sadd.s32 s0, s3;
	s0 =	sld [smem:$0x3F9F]  }
0x30: {  	s3 =	sld [smem:$0x3FA2]  }
0x31: {  	[smem:$0x3FAB] =	sst s10  }
0x32: {  	s10 =	sld [smem:$0x3FA9];
	_ =	sdelay $0x3  }
0x33: {  	p0 =	seq.s32 s10, $0x1;
	s10 =	sld [smem:$0x3FAB];
	_ =	sdelay $0x3  }
0x34: {  	[smem:$0x3FAB] =	sst s10  }
0x35: {  	s10 =	sld [smem:$0x3FAA];
	_ =	sdelay $0x3  }
0x36: {  	p1 =	seq.s32 s10, $0x1;
	s10 =	sld [smem:$0x3FAB];
	_ =	sdelay $0x3  }
0x37: {  	[smem:$0x3FAB] =	sst s10  }
0x38: {  	s10 =	sld [smem:$0x3FAC]  }
0x39: {  	_ = 	snop;
	(pc) =	sbr.ind lr, $3  }
0x3a: {  	_ = 	snop  }
0x3b: {  	_ = 	snop  }
0x3c: {  	p2 =	seq.s32 s10, $0x1;
	s10 =	sld [smem:$0x3FAB]  }
0x3d: {  	_ =	shalt  }
0x3e: {  	_ =	shalt  }
0x3f: {  	_ =	shalt  }
0x40: {  	_ =	shalt  }
0x41: {  	_ =	shalt  }
0x42: {  	_ =	shalt  }
0x43: {  	_ =	shalt  }
0x44: {  	_ =	shalt  }
0x45: {  	_ =	shalt  }
0x46: {  	_ =	shalt  }
0x47: {  	_ =	shalt  }
0x48: {  	_ =	shalt  }
0x49: {  	_ =	shalt  }
0x4a: {  	_ =	shalt  }
0x4b: {  	_ =	shalt  }
0x4c: {  	_ =	shalt  }
0x4d: {  	_ =	shalt  }
0x4e: {  	_ =	shalt  }
0x4f: {  	_ =	shalt  }
0x50: {  	_ =	shalt  }
0x51: {  	_ =	shalt  }
0x52: {  	_ =	shalt  }
0x53: {  	_ =	shalt  }
0x54: {  	_ =	shalt  }
0x55: {  	_ =	shalt  }
0x56: {  	_ =	shalt  }
0x57: {  	_ =	shalt  }
0x58: {  	_ =	shalt  }
0x59: {  	_ =	shalt  }
0x5a: {  	_ =	shalt  }
0x5b: {  	_ =	shalt  }
0x5c: {  	_ =	shalt  }
0x5d: {  	_ =	shalt  }
0x5e: {  	_ =	shalt  }
0x5f: {  	_ =	shalt  }
0x60: {  	_ =	shalt  }
0x61: {  	_ =	shalt  }
0x62: {  	_ =	shalt  }
0x63: {  	_ =	shalt  }
0x64: {  	_ =	shalt  }
0x65: {  	_ =	shalt  }
0x66: {  	_ =	shalt  }
0x67: {  	_ =	shalt  }
0x68: {  	_ =	shalt  }
0x69: {  	_ =	shalt  }
0x6a: {  	_ =	shalt  }
0x6b: {  	_ =	shalt  }
0x6c: {  	_ =	shalt  }
0x6d: {  	_ =	shalt  }
0x6e: {  	_ =	shalt  }
0x6f: {  	_ =	shalt  }
0x70: {  	_ =	shalt  }
0x71: {  	_ =	shalt  }
0x72: {  	_ =	shalt  }
0x73: {  	_ =	shalt  }
0x74: {  	_ =	shalt  }
0x75: {  	_ =	shalt  }
0x76: {  	_ =	shalt  }
0x77: {  	_ =	shalt  }
0x78: {  	_ =	shalt  }
0x79: {  	_ =	shalt  }
0x7a: {  	_ =	shalt  }
0x7b: {  	_ =	shalt  }
0x7c: {  	_ =	shalt  }
0x7d: {  	_ =	shalt  }
0x7e: {  	_ =	shalt  }
0x7f: {  	_ =	shalt  }
0x80: {  	_ =	shalt  }
0x81: {  	_ =	shalt  }
0x82: {  	_ =	shalt  }
0x83: {  	_ =	shalt  }
0x84: {  	_ =	shalt  }
0x85: {  	_ =	shalt  }
0x86: {  	_ =	shalt  }
0x87: {  	_ =	shalt  }
.Lfunc_end0:
.L_simem_size_0:
called_computation.1_lowered:
.L_overlay_start_0:
0x88: {  	s2 =	sld [smem:$0x3FD9]  }
0x89: {  	s3 =	sld [smem:$0x3FFE];
	_ =	sdelay $0x1  }
0x8a: {  	s1 =	srdreg.scid  }
0x8b: {  	s0 =	sand.u32 $0x1, s1  }
0x8c: {  	s16 =	sshll.u32 s0, $0xA;
	s2 =	sadd.s32 s3, s2  }
0x8d: {  	s2 =	sadd.s32 s2, s16  }
0x8e: {  	[smem:$0x3FB7] =	sst s2  }
0x8f: {  	_ = 	snop  }
0x90: {  	(tm) =	ssettm $0x1  }
0x91: {  	s17 =	sld [smem:$0x3FFB];
	_ =	sdelay $0x3  }
0x92: {  	_ =	strace s17  }
0x93: {  	s2 =	sld [smem:$0x3FFC];
	_ =	sdelay $0x3  }
0x94: {  	_ =	strace s2  }
0x95: {  	s2 =	sld [smem:$0x3FFD];
	_ =	sdelay $0x3  }
0x96: {  	_ =	strace s2  }
0x97: {  	_ =	strace $0x8FFFFFFF  }
0x98: {  	s18 =	sld [smem:$0x3FDB];
	_ =	sdelay $0x1  }
0x99: {  	s19 =	simm.s32 $_scs_section_size  }
0x9a: {  	s4 =	simm.s32 $_size__tile_overlayer_lowered;
	s5 =	simm.s32 $_tile_overlayer_lowered  }
0x9b: {  	s22 =	simm.s32 $0x1BFF;
	s21 =	sshll.u32 s5, $0x1;
	s2 =	sadd.s32 s19, s18  }
0x9c: {  	s6 =	simm.s32 $0x0;
	s20 =	sshll.u32 s4, $0x1;
	s4 =	sadd.s32 s21, s2  }
0x9d: {  	[timem:s6], [sflag:s22] =	dma.local [hbm:s4], s20  }
0x9e: {  	_ =	swait.ge [sflag:s22], s20  }
0x9f: {  	s3 =	ssub.s32 $0x0, s20;
	[sflag:s22] =	ssyncset.done $0x0  }
0xa0: {  	[sflag:s22] =	ssyncadd.s32 s3;
	_ =	sdelay $0x1  }
0xa1: {  	s23 =	simm.s32 $0x1B8B  }
0xa2: {  	_ =	swait.ge [sflag:s23], $0x1  }
0xa3: {  	[sflag:s23] =	ssyncset.done $0x0  }
0xa4: {  	s25 =	simm.s32 $0x1B8E;
	s24 =	sld [smem:$0x3FFE];
	[sflag:s23] =	ssyncadd.s32 $0xFFFFFFFF  }
0xa5: {  	s26 =	simm.s32 $execute0_lowered;
	[smem:$0x3FD2] =	sst s25  }
0xa6: {  	s4 =	sshll.u32 s26, $0x1;
	_ =	strace $0x80000049;
	[dreg:$0x1] =	wrdreg $0xFFFFFFFF  }
0xa7: {  	s28 =	simm.s32 $_size_execute0_lowered;
	s2 =	sadd.s32 s2, s4;
	[dreg:$0x0] =	wrdreg $0x0  }
0xa8: {  	s4 =	sshll.u32 s28, $0x1;
	[dreg:$0x2] =	wrdreg s2  }
0xa9: {  	[dreg:$0x3] =	wrdreg s4  }
0xaa: {  	[dreg:$0x4] =	wrdreg $0xC0  }
0xab: {  	_ =	task [dreg:s6], $0x5FFFF  }
0xac: {  	[dreg:$0x1] =	wrdreg $0xFFFFFFFF  }
0xad: {  	[dreg:$0x0] =	wrdreg $0x60  }
0xae: {  	[dreg:$0x2] =	wrdreg s24  }
0xaf: {  	[dreg:$0x3] =	wrdreg $0xA8000  }
0xb0: {  	[dreg:$0x4] =	wrdreg $0x9  }
0xb1: {  	_ =	task.clear_ibuf [dreg:s6], $0x5FFFF;
	_ =	strace $0x90000049  }
0xb2: {  	s29 =	simm.s32 $0x9;
	_ =	strace $0x8000004B  }
0xb3: {  	_ =	swait.ge [sflag:s29], $0x1  }
0xb4: {  	[sflag:s29] =	ssyncadd.s32 $0xFFFFFFFF  }
0xb5: {  	_ =	strace $0x9000004B  }
0xb6: {  	_ =	sfence  }
0xb7: {  	s30 =	sld [smem:$0x0];
	_ =	sdelay $0x2  }
0xb8: {  	s31 =	sshll.u32 s1, $0xD;
	s1 =	sshrl.u32 s1, $0x2  }
0xb9: {  	s3 =	sand.u32 $0x4000, s31;
	s1 =	sadd.s32 s1, s30  }
0xba: {  	s0 =	sor.u32 s3, s0;
	s1 =	sshll.u32 s1, $0x11  }
0xbb: {  	s0 =	sor.u32 s1, s0  }
0xbc: {  	s0 =	sadd.s32 $0x8F2B, s0  }
0xbd: {  	[sflag:s0] =	ssyncadd.remote.s32 $0x1  }
0xbe: {  	_ =	sfence.sel $0xFFFF  }
0xbf: {  	[dreg:$0x0] =	wrdreg $0xFFFFFFFF;
	(pc) =	sbr.abs _section_cstart, $3  }
0xc0: {  	[dreg:$0x1] =	wrdreg $0xFFFFFFFF  }
0xc1: {  	_ =	task.clear_ibuf [dreg:s6], $0x2FFFF;
	_ =	strace $0x9FFFFFFF  }
0xc2: {  	(tm) =	ssettm $0x7FFFFFFF  }
0xc3: {  	_ =	shalt  }
tec
execute0_lowered:
.L_overlay_start_1:
0x0: {  	(tag) =	ssettag $0x1  }
0x1: {  	s6 =	rddreg [dreg:$0x0]  }
0x2: {  	s1 =	rddreg [dreg:$0x1]  }
0x3: {  	s2 =	simm.s32 $0x0;
	s5 =	srdreg.scid;
	s3 =	stileid.u32  }
0x4: {  	s19 =	simm.s32 $0x80;
	s20 =	simm.s32 $0x2800;
	s21 =	simm.s32 $0x1  }
0x5: {  	s22 =	simm.s32 $0x6800;
	s23 =	simm.s32 $0x2;
	s24 =	simm.s32 $0x1480  }
0x6: {  	s28 =	simm.s32 $0x4;
	s29 =	simm.s32 $0x0;
	[smem:$0x7FF] =	sst s2  }
0x7: {  	s4 =	sadd.s32 $0x1A400, s6;
	s9 =	sadd.s32 $0x6400, s6;
	s8 =	smul.u32 $0x4F000, s3  }
0x8: {  	s7 =	sand.u32 $0x1, s5;
	s10 =	sadd.s32 $0x10400, s6;
	s12 =	smul.u32 $0x2780, s3  }
0x9: {  	s13 =	sadd.s32 $0x41600, s6;
	s17 =	sadd.s32 $0x128400, s1;
	s31 =	smul.u32 $0x13C00, s3  }
0xa: {  	s6 =	sadd.s32 $0x3F480, s6;
	p0 =	seq.s32 s3, $0xF;
	s5 =	sshll.u32 s7, $0x4  }
0xb: {  	s11 =	ssub.s32 $0x2, s7;
	s26 =	smul.u32 $0x138800, s7;
	s5 =	sor.u32 s3, s5  }
0xc: {  	_ =	strace $0x8000004A;
	s14 =	sshrl.u32 s11, $0x1;
	s15 =	smul.u32 $0x500, s5  }
0xd: {  	s8 =	sshrl.u32 s8, $0x2;
	s14 =	ssub.s32 s11, s14;
	s25 =	smul.u32 $0x2800, s5  }
0xe: {  	s16 =	sadd.s32 s8, s1;
	s5 =	sadd.s32 s4, s12;
	s11 =	sadd.s32 s31, s26  }
0xf: {  	s12 =	sshrl.u32 s26, $0x3;
	s26 =	simm.s32 $0x100;
	s11 =	sshrl.u32 s11, $0x3  }
0x10: {  	s12 =	sadd.s32 s13, s12;
	s16 =	sshrl.u32 @!p0 s16, $0x3;
	s30 =	sshrl.u32 s25, $0x3  }
.Ltmp0:
0x11: {  	s7 =	sadd.s32 s9, s15;
	s8 =	sadd.s32 s10, s15;
	(pc) =	sbr.rel .LBB2_1-.Ltmp0, $4  }
0x12: {  	s11 =	sadd.s32 s13, s11;
	s12 =	sadd.s32 $0x25080, s12;
	s13 =	smax.u32 s14, $0x1  }
0x13: {  	s15 =	sshll.u32 @!p0 s3, $0x6;
	s14 =	sshrl.u32 @p0 s17, $0x3;
	s17 =	simm.s32 $0x5  }
0x14: {  	s25 =	simm.s32 $0x3;
	s18 =	sadd.s32 $0x280, s30;
	s15 =	sor.u32 @!p0 $0x1C05, s15  }
0x15: {  	s9 =	sadd.s32 s9, s18;
	s10 =	sadd.s32 s10, s18;
	s18 =	simm.s32 $0x1400  }
.LBB2_7:
0x16: {  	_ =	swait.ge [sflag:s28], $0x4000  }
0x17: {  	[sflag:s28] =	ssyncset.done $0x0  }
0x18: {  	[sflag:s28] =	ssyncadd.s32 $0xFFFFC000  }
0x19: {  	s0 =	simm.s32 @p0 $0x1FC5;
	[bflag:$0x0] =	sbarrier.arrive $0xFFFF  }
0x1a: {  	[hbm:s12], [sflag:s0] =	dma.local @p0 [spmem:s14], $0x2080  }
0x1b: {  	s0 =	simm.s32 @p0 $0x5  }
0x1c: {  	s29 =	sadd.s32 $0x1, s29;
	_ =	swait.ge @p0 [sflag:s0], $0x2080  }
0x1d: {  	p1 =	sne.s32 s29, s13;
	[sflag:s0] =	ssyncset.done @p0 $0x0  }
.Ltmp1:
0x1e: {  	[sflag:s0] =	ssyncadd.s32 @p0 $0xFFFFDF80;
	s0 =	simm.s32 @!p0 $0x5;
	(pc) =	sbr.rel @!p1 .LBB2_8-.Ltmp1, $4  }
0x1f: {  	[hbm:s11], [sflag:s15] =	dma.local @!p0 [spmem:s16], $0x2780  }
0x20: {  	_ =	swait.ge @!p0 [sflag:s0], $0x2780  }
0x21: {  	[sflag:s0] =	ssyncset.done @!p0 $0x0  }
0x22: {  	[sflag:s0] =	ssyncadd.s32 @!p0 $0xFFFFD880  }
.LBB2_1:
0x23: {  	s30 =	simm.s32 @p0 $0x1FC5  }
0x24: {  	[spmem:s14], [sflag:s30] =	dma.local @p0 [hbm:s6], $0x2080  }
0x25: {  	s30 =	simm.s32 @p0 $0x5  }
0x26: {  	_ =	swait.ge @p0 [sflag:s30], $0x2080  }
0x27: {  	[sflag:s30] =	ssyncset.done @p0 $0x0  }
0x28: {  	[sflag:s30] =	ssyncadd.s32 @p0 $0xFFFFDF80;
	s30 =	simm.s32 @!p0 $0x5  }
0x29: {  	[spmem:s16], [sflag:s15] =	dma.local @!p0 [hbm:s5], $0x2780  }
0x2a: {  	_ =	swait.ge @!p0 [sflag:s30], $0x2780  }
0x2b: {  	[sflag:s30] =	ssyncset.done @!p0 $0x0  }
0x2c: {  	[sflag:s30] =	ssyncadd.s32 @!p0 $0xFFFFD880  }
0x2d: {  	[bflag:$0x0] =	sbarrier.arrive $0xFFFF  }
0x2e: {  	[tilespmem:s2], [sflag:$0x5] =	stream.linear.gather [hbm4b:s7+s2], $0x1400, $0x38;
	[tilespmem:$0x1E480] =	vst v63  }
0x2f: {  	_ =	swait.ge [sflag:s17], $0x1400  }
0x30: {  	[sflag:s17] =	ssyncset.done $0x0  }
0x31: {  	[sflag:s17] =	ssyncadd.s32 $0xFFFFEC00  }
0x32: {  	[tilespmem:s18], [sflag:$0x5] =	stream.linear.gather [hbm4b:s8+s2], $0x1400, $0x38;
	[tilespmem:$0x1E480] =	vst v63  }
0x33: {  	_ =	swait.ge [sflag:s17], $0x1400  }
0x34: {  	[sflag:s17] =	ssyncset.done $0x0  }
0x35: {  	[sflag:s17] =	ssyncadd.s32 $0xFFFFEC00  }
0x36: {  	[tilespmem:s20], [sflag:$0x1] =	stream.indirect.gather [hbm4b:s4+s19], $0x80, s2, s19, $0xb8;
	[tilespmem:$0x1E480] =	vst v63  }
0x37: {  	_ =	swait.ge [sflag:s21], $0x4000  }
0x38: {  	[sflag:s21] =	ssyncset.done $0x0  }
0x39: {  	[sflag:s21] =	ssyncadd.s32 $0xFFFFC000  }
0x3a: {  	[spmem:s1] =	stream.indirect.scatter.add.f32 [tilespmem:s20], [sflag:$0x3], $0x80, s18, s19, $0xb8;
	[tilespmem:$0x1E480] =	vst v63  }
0x3b: {  	_ = 	snop  }
0x3c: {  	[tilespmem:s22], [sflag:$0x2] =	stream.indirect.gather [hbm4b:s4+s19], $0x80, s19, s19, $0xb8;
	[tilespmem:$0x1E480] =	vst v63  }
0x3d: {  	_ =	swait.ge [sflag:s23], $0x4000  }
0x3e: {  	[sflag:s23] =	ssyncset.done $0x0  }
0x3f: {  	[sflag:s23] =	ssyncadd.s32 $0xFFFFC000  }
0x40: {  	[spmem:s1] =	stream.indirect.scatter.add.f32 [tilespmem:s22], [sflag:$0x4], $0x80, s24, s19, $0xb8;
	[tilespmem:$0x1E480] =	vst v63  }
0x41: {  	_ =	swait.ge [sflag:s25], $0x4000  }
0x42: {  	[sflag:s25] =	ssyncset.done $0x0  }
0x43: {  	s30 =	simm.s32 $0xFFFFB800;
	[sflag:s25] =	ssyncadd.s32 $0xFFFFC000  }
0x44: {  	[tilespmem:s20], [sflag:$0x1] =	stream.indirect.gather [hbm4b:s4+s19], $0x80, s26, s19, $0xb8;
	[tilespmem:$0x1E480] =	vst v63  }
.LBB2_2:
0x45: {  	_ =	swait.ge [sflag:s21], $0x4000  }
0x46: {  	s31 =	sshra.s32 s30, $0x2;
	[sflag:s21] =	ssyncset.done $0x0  }
0x47: {  	s0 =	sadd.s32 $0x2700, s31;
	[sflag:s21] =	ssyncadd.s32 $0xFFFFC000  }
0x48: {  	[spmem:s1] =	stream.indirect.scatter.add.f32 [tilespmem:s20], [sflag:$0x3], $0x80, s0, s19, $0xb8;
	[tilespmem:$0x1E480] =	vst v63  }
0x49: {  	_ =	swait.ge [sflag:s28], $0x4000  }
0x4a: {  	[sflag:s28] =	ssyncset.done $0x0  }
0x4b: {  	s0 =	sadd.s32 $0x1380, s31;
	[sflag:s28] =	ssyncadd.s32 $0xFFFFC000  }
0x4c: {  	[tilespmem:s22], [sflag:$0x2] =	stream.indirect.gather [hbm4b:s4+s19], $0x80, s0, s19, $0xb8;
	[tilespmem:$0x1E480] =	vst v63  }
0x4d: {  	_ =	swait.ge [sflag:s23], $0x4000  }
0x4e: {  	p1 =	seq.s32 s30, $0x0;
	[sflag:s23] =	ssyncset.done $0x0  }
.Ltmp2:
0x4f: {  	s0 =	sadd.s32 $0x2780, s31;
	[sflag:s23] =	ssyncadd.s32 $0xFFFFC000;
	(pc) =	sbr.rel @p1 .LBB2_4-.Ltmp2, $4  }
0x50: {  	[spmem:s1] =	stream.indirect.scatter.add.f32 [tilespmem:s22], [sflag:$0x4], $0x80, s0, s19, $0xb8;
	[tilespmem:$0x1E480] =	vst v63  }
0x51: {  	_ =	swait.ge [sflag:s25], $0x4000  }
0x52: {  	[sflag:s25] =	ssyncset.done $0x0  }
0x53: {  	[sflag:s25] =	ssyncadd.s32 $0xFFFFC000  }
.Ltmp3:
0x54: {  	(pc) =	sbr.rel .LBB2_2-.Ltmp3, $3  }
0x55: {  	_ =	sdelay $0x1  }
0x56: {  	s0 =	sadd.s32 $0x1400, s31;
	s30 =	sadd.s32 $0x400, s30  }
0x57: {  	[tilespmem:s20], [sflag:$0x1] =	stream.indirect.gather [hbm4b:s4+s19], $0x80, s0, s19, $0xb8;
	[tilespmem:$0x1E480] =	vst v63  }
.LBB2_4:
0x58: {  	_ =	swait.ge [sflag:s28], $0x4000  }
0x59: {  	[sflag:s28] =	ssyncset.done $0x0  }
0x5a: {  	[sflag:s28] =	ssyncadd.s32 $0xFFFFC000  }
0x5b: {  	[tilespmem:s2], [sflag:$0x5] =	stream.linear.gather [hbm4b:s9+s2], $0x1400, $0x38;
	[tilespmem:$0x1E480] =	vst v63  }
0x5c: {  	_ =	swait.ge [sflag:s17], $0x1400  }
0x5d: {  	[sflag:s17] =	ssyncset.done $0x0  }
0x5e: {  	[sflag:s17] =	ssyncadd.s32 $0xFFFFEC00  }
0x5f: {  	[tilespmem:s18], [sflag:$0x5] =	stream.linear.gather [hbm4b:s10+s2], $0x1400, $0x38;
	[tilespmem:$0x1E480] =	vst v63  }
0x60: {  	_ =	swait.ge [sflag:s17], $0x1400  }
0x61: {  	[sflag:s17] =	ssyncset.done $0x0  }
0x62: {  	[sflag:s17] =	ssyncadd.s32 $0xFFFFEC00  }
0x63: {  	[tilespmem:s20], [sflag:$0x1] =	stream.indirect.gather [hbm4b:s4+s19], $0x80, s2, s19, $0xb8;
	[tilespmem:$0x1E480] =	vst v63  }
0x64: {  	_ =	swait.ge [sflag:s21], $0x4000  }
0x65: {  	[sflag:s21] =	ssyncset.done $0x0  }
0x66: {  	[sflag:s21] =	ssyncadd.s32 $0xFFFFC000  }
0x67: {  	[spmem:s1] =	stream.indirect.scatter.add.f32 [tilespmem:s20], [sflag:$0x3], $0x80, s18, s19, $0xb8;
	[tilespmem:$0x1E480] =	vst v63  }
0x68: {  	_ = 	snop  }
0x69: {  	[tilespmem:s22], [sflag:$0x2] =	stream.indirect.gather [hbm4b:s4+s19], $0x80, s19, s19, $0xb8;
	[tilespmem:$0x1E480] =	vst v63  }
0x6a: {  	_ =	swait.ge [sflag:s23], $0x4000  }
0x6b: {  	[sflag:s23] =	ssyncset.done $0x0  }
0x6c: {  	[sflag:s23] =	ssyncadd.s32 $0xFFFFC000  }
0x6d: {  	[spmem:s1] =	stream.indirect.scatter.add.f32 [tilespmem:s22], [sflag:$0x4], $0x80, s24, s19, $0xb8;
	[tilespmem:$0x1E480] =	vst v63  }
0x6e: {  	_ =	swait.ge [sflag:s25], $0x4000  }
0x6f: {  	[sflag:s25] =	ssyncset.done $0x0  }
0x70: {  	s30 =	simm.s32 $0xFFFFB800;
	[sflag:s25] =	ssyncadd.s32 $0xFFFFC000  }
0x71: {  	[tilespmem:s20], [sflag:$0x1] =	stream.indirect.gather [hbm4b:s4+s19], $0x80, s26, s19, $0xb8;
	[tilespmem:$0x1E480] =	vst v63  }
.LBB2_5:
0x72: {  	_ =	swait.ge [sflag:s21], $0x4000  }
0x73: {  	s31 =	sshra.s32 s30, $0x2;
	[sflag:s21] =	ssyncset.done $0x0  }
0x74: {  	s0 =	sadd.s32 $0x2700, s31;
	[sflag:s21] =	ssyncadd.s32 $0xFFFFC000  }
0x75: {  	[spmem:s1] =	stream.indirect.scatter.add.f32 [tilespmem:s20], [sflag:$0x3], $0x80, s0, s19, $0xb8;
	[tilespmem:$0x1E480] =	vst v63  }
0x76: {  	_ =	swait.ge [sflag:s28], $0x4000  }
0x77: {  	[sflag:s28] =	ssyncset.done $0x0  }
0x78: {  	s0 =	sadd.s32 $0x1380, s31;
	[sflag:s28] =	ssyncadd.s32 $0xFFFFC000  }
0x79: {  	[tilespmem:s22], [sflag:$0x2] =	stream.indirect.gather [hbm4b:s4+s19], $0x80, s0, s19, $0xb8;
	[tilespmem:$0x1E480] =	vst v63  }
0x7a: {  	_ =	swait.ge [sflag:s23], $0x4000  }
0x7b: {  	p1 =	seq.s32 s30, $0x0;
	[sflag:s23] =	ssyncset.done $0x0  }
.Ltmp4:
0x7c: {  	s0 =	sadd.s32 $0x2780, s31;
	[sflag:s23] =	ssyncadd.s32 $0xFFFFC000;
	(pc) =	sbr.rel @p1 .LBB2_7-.Ltmp4, $4  }
0x7d: {  	[spmem:s1] =	stream.indirect.scatter.add.f32 [tilespmem:s22], [sflag:$0x4], $0x80, s0, s19, $0xb8;
	[tilespmem:$0x1E480] =	vst v63  }
0x7e: {  	_ =	swait.ge [sflag:s25], $0x4000  }
0x7f: {  	[sflag:s25] =	ssyncset.done $0x0  }
0x80: {  	[sflag:s25] =	ssyncadd.s32 $0xFFFFC000  }
.Ltmp5:
0x81: {  	(pc) =	sbr.rel .LBB2_5-.Ltmp5, $3  }
0x82: {  	_ =	sdelay $0x1  }
0x83: {  	s0 =	sadd.s32 $0x1400, s31;
	s30 =	sadd.s32 $0x400, s30  }
0x84: {  	[tilespmem:s20], [sflag:$0x1] =	stream.indirect.gather [hbm4b:s4+s19], $0x80, s0, s19, $0xb8;
	[tilespmem:$0x1E480] =	vst v63  }
.LBB2_8:
0x85: {  	_ =	sfence.sel $0x180000  }
0x86: {  	[bflag:$0x0] =	sbarrier.arrive $0xFFFF  }
0x87: {  	_ =	strace $0x9000004A  }
0x88: {  	[bflag:$0x2] =	sbarrier.arrive $0xFFFF  }
0x89: {  	p0 =	sne.s32 s3, $0x0;
	s0 =	rddreg [dreg:$0x2]  }
0x8a: {  	s0 =	sadd.s32 @!p0 $0x100000, s0  }
0x8b: {  	[sflag:s0] =	ssyncadd.tile.s32 @!p0 $0x1;
	_ =	shalt  }
.Lfunc_end2:
_tile_overlayer_lowered:
.L_overlay_start_2:
0x8c: {  	(tag) =	ssettag $0x2  }
0x8d: {  	s0 =	rddreg [dreg:$0x0];
	s2 =	stileid.u32  }
0x8e: {  	s1 =	rddreg [dreg:$0x1];
	p0 =	sne.s32 s2, $0x0  }
0x8f: {  	s3 =	rddreg [dreg:$0x2];
	[bflag:$0x3] =	sbarrier.arrive $0xFFFF;
	s2 =	simm.s32 @!p0 $0x1C05  }
0x90: {  	[timem:s3], [sflag:s2] =	dma.local @!p0 [hbm:s0], s1  }
0x91: {  	s0 =	simm.s32 @!p0 $0x5  }
0x92: {  	_ =	swait.ge @!p0 [sflag:s0], s1  }
0x93: {  	s1 =	ssub.s32 @!p0 $0x0, s1;
	[sflag:s0] =	ssyncset.done @!p0 $0x0  }
0x94: {  	[sflag:s0] =	ssyncadd.s32 @!p0 s1  }
0x95: {  	[bflag:$0x3] =	sbarrier.arrive $0xFFFF  }
0x96: {  	_ =	shalt  }

// kernel: kernel.24.cloned.1.call-start
scs
__scs_entry_jumppad:
0x0: {  	(pc) =	sbr.rel $0x88, $3  }
0x1: {  	(tag) =	ssettag $0x0;
	lr =	simm.s32 $0x1  }
0x2: {  	[smem:$0x3F90] =	sst lr;
	_ =	strace $0xD0000000  }
0x3: {  	_ = 	snop  }
0x4: {  	_ = 	snop  }
0x5: {  	_ = 	snop  }
0x6: {  	_ = 	snop  }
0x7: {  	_ = 	snop  }
__scs_overlays_trampoline_lowered:
0x8: {  	[smem:$0x3F9F] =	sst s0  }
0x9: {  	[smem:$0x3FA0] =	sst s1  }
0xa: {  	[smem:$0x3FA1] =	sst s2  }
0xb: {  	[smem:$0x3FA2] =	sst s3  }
0xc: {  	[smem:$0x3FA3] =	sst s4  }
0xd: {  	[smem:$0x3FA4] =	sst s5  }
0xe: {  	[smem:$0x3FA5] =	sst s6  }
0xf: {  	[smem:$0x3FA6] =	sst s7  }
0x10: {  	[smem:$0x3FA7] =	sst s8  }
0x11: {  	[smem:$0x3FA8] =	sst s9;
	s0 =	simm.s32 @!p0 $0x0  }
0x12: {  	s1 =	sld [smem:$0x3F8E];
	s0 =	simm.s32 @p0 $0x1  }
0x13: {  	[smem:$0x3FA9] =	sst s0;
	s0 =	simm.s32 @!p1 $0x0  }
0x14: {  	s2 =	sld [smem:$0x3F8D];
	s0 =	simm.s32 @p1 $0x1  }
0x15: {  	[smem:$0x3FAA] =	sst s0;
	s0 =	simm.s32 @!p2 $0x0  }
0x16: {  	s3 =	sld [smem:$0x3FDB];
	s0 =	simm.s32 @p2 $0x1  }
0x17: {  	s4 =	simm.s32 $0x1BF5;
	[smem:$0x3FAC] =	sst s0  }
0x18: {  	s0 =	sld [smem:$0x3F8F];
	_ =	swait.ge [sflag:s4], $0x0  }
0x19: {  	s7 =	sld [smem:$0x3F90]  }
0x1a: {  	s8 =	sadd.s32 $0xFFFFE003, lr  }
0x1b: {  	s9 =	sadd.s32 $0xFFFFFEF7, lr;
	s5 =	simm.s32 $0xFFFFFFFF;
	p2 =	slt.u32 s8, $0xFFFFF086  }
0x1c: {  	p1 =	slt.u32 s9, $0xF7A;
	s5 =	simm.s32 @!p2 $0x0  }
0x1d: {  	s5 =	simm.s32 @p1 $0x1;
	p0 =	seq.s32 s7, s2  }
0x1e: {  	s7 =	smul.u32 @!p0 $0xF7A, s2;
	p2 =	seq.s32 @!p0 s5, $0x0  }
0x1f: {  	s9 =	smul.u32 $0xF7A, s1;
	s8 =	simm.s32 @!p0 $0x1BF5;
	p2 =	por !p2, p0  }
0x20: {  	[sflag:s8] =	ssyncset.s32 @!p0 $0xFFFFF086;
	s6 =	sadd.s32 @!p0 s3, s7;
	s7 =	simm.s32 @!p0 $0x108  }
0x21: {  	s3 =	sadd.s32 s3, s9;
	s6 =	sadd.s32 @!p0 $0x88, s6;
	s7 =	simm.s32 @p2 $0x1082  }
0x22: {  	[simem:s7], [sflag:s8] =	dma.local @!p0 [hbm:s6], $0xF7A  }
0x23: {  	s9 =	sor.u32 $0xD0000000, s2;
	s6 =	simm.s32 $0x108;
	_ =	swait.ge @!p0 [sflag:s8], $0x0  }
0x24: {  	s3 =	sadd.s32 $0x88, s3;
	s6 =	simm.s32 @!p1 $0x1082;
	[sflag:s4] =	ssyncset.s32 $0xFFFFF086  }
0x25: {  	[simem:s6], [sflag:s4] =	dma.local [hbm:s3], $0xF7A  }
0x26: {  	[smem:$0x3F90] =	sst s1;
	(tag) =	ssettag s2;
	_ =	strace s9  }
0x27: {  	s1 =	sld [smem:$0x3FA0]  }
0x28: {  	s2 =	sld [smem:$0x3FA1]  }
0x29: {  	s4 =	sld [smem:$0x3FA3]  }
0x2a: {  	p0 =	seq.s32 s5, $0x0;
	s5 =	sld [smem:$0x3FA4]  }
0x2b: {  	s6 =	sld [smem:$0x3FA5]  }
0x2c: {  	s7 =	sld [smem:$0x3FA6]  }
0x2d: {  	s3 =	simm.s32 $0x108;
	s8 =	sld [smem:$0x3FA7]  }
0x2e: {  	s3 =	simm.s32 @!p0 $0x1082;
	s9 =	sld [smem:$0x3FA8]  }
0x2f: {  	lr =	sadd.s32 s0, s3;
	s0 =	sld [smem:$0x3F9F]  }
0x30: {  	s3 =	sld [smem:$0x3FA2]  }
0x31: {  	[smem:$0x3FAB] =	sst s10  }
0x32: {  	s10 =	sld [smem:$0x3FA9];
	_ =	sdelay $0x3  }
0x33: {  	p0 =	seq.s32 s10, $0x1;
	s10 =	sld [smem:$0x3FAB];
	_ =	sdelay $0x3  }
0x34: {  	[smem:$0x3FAB] =	sst s10  }
0x35: {  	s10 =	sld [smem:$0x3FAA];
	_ =	sdelay $0x3  }
0x36: {  	p1 =	seq.s32 s10, $0x1;
	s10 =	sld [smem:$0x3FAB];
	_ =	sdelay $0x3  }
0x37: {  	[smem:$0x3FAB] =	sst s10  }
0x38: {  	s10 =	sld [smem:$0x3FAC]  }
0x39: {  	_ = 	snop;
	(pc) =	sbr.ind lr, $3  }
0x3a: {  	_ = 	snop  }
0x3b: {  	_ = 	snop  }
0x3c: {  	p2 =	seq.s32 s10, $0x1;
	s10 =	sld [smem:$0x3FAB]  }
0x3d: {  	_ =	shalt  }
0x3e: {  	_ =	shalt  }
0x3f: {  	_ =	shalt  }
0x40: {  	_ =	shalt  }
0x41: {  	_ =	shalt  }
0x42: {  	_ =	shalt  }
0x43: {  	_ =	shalt  }
0x44: {  	_ =	shalt  }
0x45: {  	_ =	shalt  }
0x46: {  	_ =	shalt  }
0x47: {  	_ =	shalt  }
0x48: {  	_ =	shalt  }
0x49: {  	_ =	shalt  }
0x4a: {  	_ =	shalt  }
0x4b: {  	_ =	shalt  }
0x4c: {  	_ =	shalt  }
0x4d: {  	_ =	shalt  }
0x4e: {  	_ =	shalt  }
0x4f: {  	_ =	shalt  }
0x50: {  	_ =	shalt  }
0x51: {  	_ =	shalt  }
0x52: {  	_ =	shalt  }
0x53: {  	_ =	shalt  }
0x54: {  	_ =	shalt  }
0x55: {  	_ =	shalt  }
0x56: {  	_ =	shalt  }
0x57: {  	_ =	shalt  }
0x58: {  	_ =	shalt  }
0x59: {  	_ =	shalt  }
0x5a: {  	_ =	shalt  }
0x5b: {  	_ =	shalt  }
0x5c: {  	_ =	shalt  }
0x5d: {  	_ =	shalt  }
0x5e: {  	_ =	shalt  }
0x5f: {  	_ =	shalt  }
0x60: {  	_ =	shalt  }
0x61: {  	_ =	shalt  }
0x62: {  	_ =	shalt  }
0x63: {  	_ =	shalt  }
0x64: {  	_ =	shalt  }
0x65: {  	_ =	shalt  }
0x66: {  	_ =	shalt  }
0x67: {  	_ =	shalt  }
0x68: {  	_ =	shalt  }
0x69: {  	_ =	shalt  }
0x6a: {  	_ =	shalt  }
0x6b: {  	_ =	shalt  }
0x6c: {  	_ =	shalt  }
0x6d: {  	_ =	shalt  }
0x6e: {  	_ =	shalt  }
0x6f: {  	_ =	shalt  }
0x70: {  	_ =	shalt  }
0x71: {  	_ =	shalt  }
0x72: {  	_ =	shalt  }
0x73: {  	_ =	shalt  }
0x74: {  	_ =	shalt  }
0x75: {  	_ =	shalt  }
0x76: {  	_ =	shalt  }
0x77: {  	_ =	shalt  }
0x78: {  	_ =	shalt  }
0x79: {  	_ =	shalt  }
0x7a: {  	_ =	shalt  }
0x7b: {  	_ =	shalt  }
0x7c: {  	_ =	shalt  }
0x7d: {  	_ =	shalt  }
0x7e: {  	_ =	shalt  }
0x7f: {  	_ =	shalt  }
0x80: {  	_ =	shalt  }
0x81: {  	_ =	shalt  }
0x82: {  	_ =	shalt  }
0x83: {  	_ =	shalt  }
0x84: {  	_ =	shalt  }
0x85: {  	_ =	shalt  }
0x86: {  	_ =	shalt  }
0x87: {  	_ =	shalt  }
.Lfunc_end0:
.L_simem_size_0:
called_computation.2_lowered:
.L_overlay_start_0:
0x88: {  	s2 =	sld [smem:$0x3FD9]  }
0x89: {  	s3 =	sld [smem:$0x3FFE];
	_ =	sdelay $0x1  }
0x8a: {  	s1 =	srdreg.scid  }
0x8b: {  	s0 =	sand.u32 $0x1, s1  }
0x8c: {  	s16 =	sshll.u32 s0, $0xA;
	s2 =	sadd.s32 s3, s2  }
0x8d: {  	s2 =	sadd.s32 s2, s16  }
0x8e: {  	[smem:$0x3FB7] =	sst s2  }
0x8f: {  	_ = 	snop  }
0x90: {  	(tm) =	ssettm $0x1  }
0x91: {  	s17 =	sld [smem:$0x3FFB];
	_ =	sdelay $0x3  }
0x92: {  	_ =	strace s17  }
0x93: {  	s2 =	sld [smem:$0x3FFC];
	_ =	sdelay $0x3  }
0x94: {  	_ =	strace s2  }
0x95: {  	s2 =	sld [smem:$0x3FFD];
	_ =	sdelay $0x3  }
0x96: {  	_ =	strace s2  }
0x97: {  	_ =	strace $0x8FFFFFFF  }
0x98: {  	s18 =	sld [smem:$0x3FDB];
	_ =	sdelay $0x1  }
0x99: {  	s19 =	simm.s32 $_scs_section_size  }
0x9a: {  	s4 =	simm.s32 $_size__tile_overlayer_lowered;
	s5 =	simm.s32 $_tile_overlayer_lowered  }
0x9b: {  	s22 =	simm.s32 $0x1BFF;
	s21 =	sshll.u32 s5, $0x1;
	s2 =	sadd.s32 s19, s18  }
0x9c: {  	s6 =	simm.s32 $0x0;
	s20 =	sshll.u32 s4, $0x1;
	s4 =	sadd.s32 s21, s2  }
0x9d: {  	[timem:s6], [sflag:s22] =	dma.local [hbm:s4], s20  }
0x9e: {  	_ =	swait.ge [sflag:s22], s20  }
0x9f: {  	s3 =	ssub.s32 $0x0, s20;
	[sflag:s22] =	ssyncset.done $0x0  }
0xa0: {  	[sflag:s22] =	ssyncadd.s32 s3;
	_ =	sdelay $0x1  }
0xa1: {  	s23 =	simm.s32 $0x1B8B  }
0xa2: {  	_ =	swait.ge [sflag:s23], $0x1  }
0xa3: {  	[sflag:s23] =	ssyncset.done $0x0  }
0xa4: {  	s25 =	simm.s32 $0x1B8E;
	s24 =	sld [smem:$0x3FFE];
	[sflag:s23] =	ssyncadd.s32 $0xFFFFFFFF  }
0xa5: {  	s26 =	simm.s32 $execute0_lowered;
	[smem:$0x3FD2] =	sst s25  }
0xa6: {  	s4 =	sshll.u32 s26, $0x1;
	_ =	strace $0x8000004C;
	[dreg:$0x1] =	wrdreg $0xFFFFFFFF  }
0xa7: {  	s28 =	simm.s32 $_size_execute0_lowered;
	s2 =	sadd.s32 s2, s4;
	[dreg:$0x0] =	wrdreg $0x0  }
0xa8: {  	s4 =	sshll.u32 s28, $0x1;
	[dreg:$0x2] =	wrdreg s2  }
0xa9: {  	[dreg:$0x3] =	wrdreg s4  }
0xaa: {  	[dreg:$0x4] =	wrdreg $0xC0  }
0xab: {  	_ =	task [dreg:s6], $0x5FFFF  }
0xac: {  	[dreg:$0x1] =	wrdreg $0xFFFFFFFF  }
0xad: {  	[dreg:$0x0] =	wrdreg $0x60  }
0xae: {  	[dreg:$0x2] =	wrdreg s24  }
0xaf: {  	[dreg:$0x3] =	wrdreg $0xA8000  }
0xb0: {  	[dreg:$0x4] =	wrdreg $0x9  }
0xb1: {  	_ =	task.clear_ibuf [dreg:s6], $0x5FFFF;
	_ =	strace $0x9000004C  }
0xb2: {  	s29 =	simm.s32 $0x9;
	_ =	strace $0x8000004E  }
0xb3: {  	_ =	swait.ge [sflag:s29], $0x1  }
0xb4: {  	[sflag:s29] =	ssyncadd.s32 $0xFFFFFFFF  }
0xb5: {  	_ =	strace $0x9000004E  }
0xb6: {  	_ =	sfence  }
0xb7: {  	s30 =	sld [smem:$0x0];
	_ =	sdelay $0x2  }
0xb8: {  	s31 =	sshll.u32 s1, $0xD;
	s1 =	sshrl.u32 s1, $0x2  }
0xb9: {  	s3 =	sand.u32 $0x4000, s31;
	s1 =	sadd.s32 s1, s30  }
0xba: {  	s0 =	sor.u32 s3, s0;
	s1 =	sshll.u32 s1, $0x11  }
0xbb: {  	s0 =	sor.u32 s1, s0  }
0xbc: {  	s0 =	sadd.s32 $0x8F2B, s0  }
0xbd: {  	[sflag:s0] =	ssyncadd.remote.s32 $0x1  }
0xbe: {  	_ =	sfence.sel $0xFFFF  }
0xbf: {  	[dreg:$0x0] =	wrdreg $0xFFFFFFFF;
	(pc) =	sbr.abs _section_cstart, $3  }
0xc0: {  	[dreg:$0x1] =	wrdreg $0xFFFFFFFF  }
0xc1: {  	_ =	task.clear_ibuf [dreg:s6], $0x2FFFF;
	_ =	strace $0x9FFFFFFF  }
0xc2: {  	(tm) =	ssettm $0x7FFFFFFF  }
0xc3: {  	_ =	shalt  }
tec
execute0_lowered:
.L_overlay_start_1:
0x0: {  	(tag) =	ssettag $0x1  }
0x1: {  	s6 =	rddreg [dreg:$0x0]  }
0x2: {  	s1 =	rddreg [dreg:$0x1]  }
0x3: {  	s2 =	simm.s32 $0x0;
	s5 =	srdreg.scid;
	s3 =	stileid.u32  }
0x4: {  	s19 =	simm.s32 $0x80;
	s20 =	simm.s32 $0x2800;
	s21 =	simm.s32 $0x1  }
0x5: {  	s22 =	simm.s32 $0x6800;
	s23 =	simm.s32 $0x2;
	s24 =	simm.s32 $0x1480  }
0x6: {  	s28 =	simm.s32 $0x4;
	s29 =	simm.s32 $0x0;
	[smem:$0x7FF] =	sst s2  }
0x7: {  	s4 =	sadd.s32 $0x1A400, s6;
	s9 =	sadd.s32 $0x6400, s6;
	s8 =	smul.u32 $0x4F000, s3  }
0x8: {  	s7 =	sand.u32 $0x1, s5;
	s10 =	sadd.s32 $0x10400, s6;
	s12 =	smul.u32 $0x2780, s3  }
0x9: {  	s13 =	sadd.s32 $0x41600, s6;
	s17 =	sadd.s32 $0x128400, s1;
	s31 =	smul.u32 $0x13C00, s3  }
0xa: {  	s6 =	sadd.s32 $0x3F480, s6;
	p0 =	seq.s32 s3, $0xF;
	s5 =	sshll.u32 s7, $0x4  }
0xb: {  	s11 =	ssub.s32 $0x2, s7;
	s26 =	smul.u32 $0x138800, s7;
	s5 =	sor.u32 s3, s5  }
0xc: {  	_ =	strace $0x8000004D;
	s14 =	sshrl.u32 s11, $0x1;
	s15 =	smul.u32 $0x500, s5  }
0xd: {  	s8 =	sshrl.u32 s8, $0x2;
	s14 =	ssub.s32 s11, s14;
	s25 =	smul.u32 $0x2800, s5  }
0xe: {  	s16 =	sadd.s32 s8, s1;
	s5 =	sadd.s32 s4, s12;
	s11 =	sadd.s32 s31, s26  }
0xf: {  	s12 =	sshrl.u32 s26, $0x3;
	s26 =	simm.s32 $0x100;
	s11 =	sshrl.u32 s11, $0x3  }
0x10: {  	s12 =	sadd.s32 s13, s12;
	s16 =	sshrl.u32 @!p0 s16, $0x3;
	s30 =	sshrl.u32 s25, $0x3  }
.Ltmp0:
0x11: {  	s7 =	sadd.s32 s9, s15;
	s8 =	sadd.s32 s10, s15;
	(pc) =	sbr.rel .LBB2_1-.Ltmp0, $4  }
0x12: {  	s11 =	sadd.s32 s13, s11;
	s12 =	sadd.s32 $0x25080, s12;
	s13 =	smax.u32 s14, $0x1  }
0x13: {  	s15 =	sshll.u32 @!p0 s3, $0x6;
	s14 =	sshrl.u32 @p0 s17, $0x3;
	s17 =	simm.s32 $0x5  }
0x14: {  	s25 =	simm.s32 $0x3;
	s18 =	sadd.s32 $0x280, s30;
	s15 =	sor.u32 @!p0 $0x1C05, s15  }
0x15: {  	s9 =	sadd.s32 s9, s18;
	s10 =	sadd.s32 s10, s18;
	s18 =	simm.s32 $0x1400  }
.LBB2_7:
0x16: {  	_ =	swait.ge [sflag:s28], $0x4000  }
0x17: {  	[sflag:s28] =	ssyncset.done $0x0  }
0x18: {  	[sflag:s28] =	ssyncadd.s32 $0xFFFFC000  }
0x19: {  	s0 =	simm.s32 @p0 $0x1FC5;
	[bflag:$0x0] =	sbarrier.arrive $0xFFFF  }
0x1a: {  	[hbm:s12], [sflag:s0] =	dma.local @p0 [spmem:s14], $0x2080  }
0x1b: {  	s0 =	simm.s32 @p0 $0x5  }
0x1c: {  	s29 =	sadd.s32 $0x1, s29;
	_ =	swait.ge @p0 [sflag:s0], $0x2080  }
0x1d: {  	p1 =	sne.s32 s29, s13;
	[sflag:s0] =	ssyncset.done @p0 $0x0  }
.Ltmp1:
0x1e: {  	[sflag:s0] =	ssyncadd.s32 @p0 $0xFFFFDF80;
	s0 =	simm.s32 @!p0 $0x5;
	(pc) =	sbr.rel @!p1 .LBB2_8-.Ltmp1, $4  }
0x1f: {  	[hbm:s11], [sflag:s15] =	dma.local @!p0 [spmem:s16], $0x2780  }
0x20: {  	_ =	swait.ge @!p0 [sflag:s0], $0x2780  }
0x21: {  	[sflag:s0] =	ssyncset.done @!p0 $0x0  }
0x22: {  	[sflag:s0] =	ssyncadd.s32 @!p0 $0xFFFFD880  }
.LBB2_1:
0x23: {  	s30 =	simm.s32 @p0 $0x1FC5  }
0x24: {  	[spmem:s14], [sflag:s30] =	dma.local @p0 [hbm:s6], $0x2080  }
0x25: {  	s30 =	simm.s32 @p0 $0x5  }
0x26: {  	_ =	swait.ge @p0 [sflag:s30], $0x2080  }
0x27: {  	[sflag:s30] =	ssyncset.done @p0 $0x0  }
0x28: {  	[sflag:s30] =	ssyncadd.s32 @p0 $0xFFFFDF80;
	s30 =	simm.s32 @!p0 $0x5  }
0x29: {  	[spmem:s16], [sflag:s15] =	dma.local @!p0 [hbm:s5], $0x2780  }
0x2a: {  	_ =	swait.ge @!p0 [sflag:s30], $0x2780  }
0x2b: {  	[sflag:s30] =	ssyncset.done @!p0 $0x0  }
0x2c: {  	[sflag:s30] =	ssyncadd.s32 @!p0 $0xFFFFD880  }
0x2d: {  	[bflag:$0x0] =	sbarrier.arrive $0xFFFF  }
0x2e: {  	[tilespmem:s2], [sflag:$0x5] =	stream.linear.gather [hbm4b:s7+s2], $0x1400, $0x38;
	[tilespmem:$0x1E480] =	vst v63  }
0x2f: {  	_ =	swait.ge [sflag:s17], $0x1400  }
0x30: {  	[sflag:s17] =	ssyncset.done $0x0  }
0x31: {  	[sflag:s17] =	ssyncadd.s32 $0xFFFFEC00  }
0x32: {  	[tilespmem:s18], [sflag:$0x5] =	stream.linear.gather [hbm4b:s8+s2], $0x1400, $0x38;
	[tilespmem:$0x1E480] =	vst v63  }
0x33: {  	_ =	swait.ge [sflag:s17], $0x1400  }
0x34: {  	[sflag:s17] =	ssyncset.done $0x0  }
0x35: {  	[sflag:s17] =	ssyncadd.s32 $0xFFFFEC00  }
0x36: {  	[tilespmem:s20], [sflag:$0x1] =	stream.indirect.gather [hbm4b:s4+s19], $0x80, s2, s19, $0xb8;
	[tilespmem:$0x1E480] =	vst v63  }
0x37: {  	_ =	swait.ge [sflag:s21], $0x4000  }
0x38: {  	[sflag:s21] =	ssyncset.done $0x0  }
0x39: {  	[sflag:s21] =	ssyncadd.s32 $0xFFFFC000  }
0x3a: {  	[spmem:s1] =	stream.indirect.scatter.add.f32 [tilespmem:s20], [sflag:$0x3], $0x80, s18, s19, $0xb8;
	[tilespmem:$0x1E480] =	vst v63  }
0x3b: {  	_ = 	snop  }
0x3c: {  	[tilespmem:s22], [sflag:$0x2] =	stream.indirect.gather [hbm4b:s4+s19], $0x80, s19, s19, $0xb8;
	[tilespmem:$0x1E480] =	vst v63  }
0x3d: {  	_ =	swait.ge [sflag:s23], $0x4000  }
0x3e: {  	[sflag:s23] =	ssyncset.done $0x0  }
0x3f: {  	[sflag:s23] =	ssyncadd.s32 $0xFFFFC000  }
0x40: {  	[spmem:s1] =	stream.indirect.scatter.add.f32 [tilespmem:s22], [sflag:$0x4], $0x80, s24, s19, $0xb8;
	[tilespmem:$0x1E480] =	vst v63  }
0x41: {  	_ =	swait.ge [sflag:s25], $0x4000  }
0x42: {  	[sflag:s25] =	ssyncset.done $0x0  }
0x43: {  	s30 =	simm.s32 $0xFFFFB800;
	[sflag:s25] =	ssyncadd.s32 $0xFFFFC000  }
0x44: {  	[tilespmem:s20], [sflag:$0x1] =	stream.indirect.gather [hbm4b:s4+s19], $0x80, s26, s19, $0xb8;
	[tilespmem:$0x1E480] =	vst v63  }
.LBB2_2:
0x45: {  	_ =	swait.ge [sflag:s21], $0x4000  }
0x46: {  	s31 =	sshra.s32 s30, $0x2;
	[sflag:s21] =	ssyncset.done $0x0  }
0x47: {  	s0 =	sadd.s32 $0x2700, s31;
	[sflag:s21] =	ssyncadd.s32 $0xFFFFC000  }
0x48: {  	[spmem:s1] =	stream.indirect.scatter.add.f32 [tilespmem:s20], [sflag:$0x3], $0x80, s0, s19, $0xb8;
	[tilespmem:$0x1E480] =	vst v63  }
0x49: {  	_ =	swait.ge [sflag:s28], $0x4000  }
0x4a: {  	[sflag:s28] =	ssyncset.done $0x0  }
0x4b: {  	s0 =	sadd.s32 $0x1380, s31;
	[sflag:s28] =	ssyncadd.s32 $0xFFFFC000  }
0x4c: {  	[tilespmem:s22], [sflag:$0x2] =	stream.indirect.gather [hbm4b:s4+s19], $0x80, s0, s19, $0xb8;
	[tilespmem:$0x1E480] =	vst v63  }
0x4d: {  	_ =	swait.ge [sflag:s23], $0x4000  }
0x4e: {  	p1 =	seq.s32 s30, $0x0;
	[sflag:s23] =	ssyncset.done $0x0  }
.Ltmp2:
0x4f: {  	s0 =	sadd.s32 $0x2780, s31;
	[sflag:s23] =	ssyncadd.s32 $0xFFFFC000;
	(pc) =	sbr.rel @p1 .LBB2_4-.Ltmp2, $4  }
0x50: {  	[spmem:s1] =	stream.indirect.scatter.add.f32 [tilespmem:s22], [sflag:$0x4], $0x80, s0, s19, $0xb8;
	[tilespmem:$0x1E480] =	vst v63  }
0x51: {  	_ =	swait.ge [sflag:s25], $0x4000  }
0x52: {  	[sflag:s25] =	ssyncset.done $0x0  }
0x53: {  	[sflag:s25] =	ssyncadd.s32 $0xFFFFC000  }
.Ltmp3:
0x54: {  	(pc) =	sbr.rel .LBB2_2-.Ltmp3, $3  }
0x55: {  	_ =	sdelay $0x1  }
0x56: {  	s0 =	sadd.s32 $0x1400, s31;
	s30 =	sadd.s32 $0x400, s30  }
0x57: {  	[tilespmem:s20], [sflag:$0x1] =	stream.indirect.gather [hbm4b:s4+s19], $0x80, s0, s19, $0xb8;
	[tilespmem:$0x1E480] =	vst v63  }
.LBB2_4:
0x58: {  	_ =	swait.ge [sflag:s28], $0x4000  }
0x59: {  	[sflag:s28] =	ssyncset.done $0x0  }
0x5a: {  	[sflag:s28] =	ssyncadd.s32 $0xFFFFC000  }
0x5b: {  	[tilespmem:s2], [sflag:$0x5] =	stream.linear.gather [hbm4b:s9+s2], $0x1400, $0x38;
	[tilespmem:$0x1E480] =	vst v63  }
0x5c: {  	_ =	swait.ge [sflag:s17], $0x1400  }
0x5d: {  	[sflag:s17] =	ssyncset.done $0x0  }
0x5e: {  	[sflag:s17] =	ssyncadd.s32 $0xFFFFEC00  }
0x5f: {  	[tilespmem:s18], [sflag:$0x5] =	stream.linear.gather [hbm4b:s10+s2], $0x1400, $0x38;
	[tilespmem:$0x1E480] =	vst v63  }
0x60: {  	_ =	swait.ge [sflag:s17], $0x1400  }
0x61: {  	[sflag:s17] =	ssyncset.done $0x0  }
0x62: {  	[sflag:s17] =	ssyncadd.s32 $0xFFFFEC00  }
0x63: {  	[tilespmem:s20], [sflag:$0x1] =	stream.indirect.gather [hbm4b:s4+s19], $0x80, s2, s19, $0xb8;
	[tilespmem:$0x1E480] =	vst v63  }
0x64: {  	_ =	swait.ge [sflag:s21], $0x4000  }
0x65: {  	[sflag:s21] =	ssyncset.done $0x0  }
0x66: {  	[sflag:s21] =	ssyncadd.s32 $0xFFFFC000  }
0x67: {  	[spmem:s1] =	stream.indirect.scatter.add.f32 [tilespmem:s20], [sflag:$0x3], $0x80, s18, s19, $0xb8;
	[tilespmem:$0x1E480] =	vst v63  }
0x68: {  	_ = 	snop  }
0x69: {  	[tilespmem:s22], [sflag:$0x2] =	stream.indirect.gather [hbm4b:s4+s19], $0x80, s19, s19, $0xb8;
	[tilespmem:$0x1E480] =	vst v63  }
0x6a: {  	_ =	swait.ge [sflag:s23], $0x4000  }
0x6b: {  	[sflag:s23] =	ssyncset.done $0x0  }
0x6c: {  	[sflag:s23] =	ssyncadd.s32 $0xFFFFC000  }
0x6d: {  	[spmem:s1] =	stream.indirect.scatter.add.f32 [tilespmem:s22], [sflag:$0x4], $0x80, s24, s19, $0xb8;
	[tilespmem:$0x1E480] =	vst v63  }
0x6e: {  	_ =	swait.ge [sflag:s25], $0x4000  }
0x6f: {  	[sflag:s25] =	ssyncset.done $0x0  }
0x70: {  	s30 =	simm.s32 $0xFFFFB800;
	[sflag:s25] =	ssyncadd.s32 $0xFFFFC000  }
0x71: {  	[tilespmem:s20], [sflag:$0x1] =	stream.indirect.gather [hbm4b:s4+s19], $0x80, s26, s19, $0xb8;
	[tilespmem:$0x1E480] =	vst v63  }
.LBB2_5:
0x72: {  	_ =	swait.ge [sflag:s21], $0x4000  }
0x73: {  	s31 =	sshra.s32 s30, $0x2;
	[sflag:s21] =	ssyncset.done $0x0  }
0x74: {  	s0 =	sadd.s32 $0x2700, s31;
	[sflag:s21] =	ssyncadd.s32 $0xFFFFC000  }
0x75: {  	[spmem:s1] =	stream.indirect.scatter.add.f32 [tilespmem:s20], [sflag:$0x3], $0x80, s0, s19, $0xb8;
	[tilespmem:$0x1E480] =	vst v63  }
0x76: {  	_ =	swait.ge [sflag:s28], $0x4000  }
0x77: {  	[sflag:s28] =	ssyncset.done $0x0  }
0x78: {  	s0 =	sadd.s32 $0x1380, s31;
	[sflag:s28] =	ssyncadd.s32 $0xFFFFC000  }
0x79: {  	[tilespmem:s22], [sflag:$0x2] =	stream.indirect.gather [hbm4b:s4+s19], $0x80, s0, s19, $0xb8;
	[tilespmem:$0x1E480] =	vst v63  }
0x7a: {  	_ =	swait.ge [sflag:s23], $0x4000  }
0x7b: {  	p1 =	seq.s32 s30, $0x0;
	[sflag:s23] =	ssyncset.done $0x0  }
.Ltmp4:
0x7c: {  	s0 =	sadd.s32 $0x2780, s31;
	[sflag:s23] =	ssyncadd.s32 $0xFFFFC000;
	(pc) =	sbr.rel @p1 .LBB2_7-.Ltmp4, $4  }
0x7d: {  	[spmem:s1] =	stream.indirect.scatter.add.f32 [tilespmem:s22], [sflag:$0x4], $0x80, s0, s19, $0xb8;
	[tilespmem:$0x1E480] =	vst v63  }
0x7e: {  	_ =	swait.ge [sflag:s25], $0x4000  }
0x7f: {  	[sflag:s25] =	ssyncset.done $0x0  }
0x80: {  	[sflag:s25] =	ssyncadd.s32 $0xFFFFC000  }
.Ltmp5:
0x81: {  	(pc) =	sbr.rel .LBB2_5-.Ltmp5, $3  }
0x82: {  	_ =	sdelay $0x1  }
0x83: {  	s0 =	sadd.s32 $0x1400, s31;
	s30 =	sadd.s32 $0x400, s30  }
0x84: {  	[tilespmem:s20], [sflag:$0x1] =	stream.indirect.gather [hbm4b:s4+s19], $0x80, s0, s19, $0xb8;
	[tilespmem:$0x1E480] =	vst v63  }
.LBB2_8:
0x85: {  	_ =	sfence.sel $0x180000  }
0x86: {  	[bflag:$0x0] =	sbarrier.arrive $0xFFFF  }
0x87: {  	_ =	strace $0x9000004D  }
0x88: {  	[bflag:$0x2] =	sbarrier.arrive $0xFFFF  }
0x89: {  	p0 =	sne.s32 s3, $0x0;
	s0 =	rddreg [dreg:$0x2]  }
0x8a: {  	s0 =	sadd.s32 @!p0 $0x100000, s0  }
0x8b: {  	[sflag:s0] =	ssyncadd.tile.s32 @!p0 $0x1;
	_ =	shalt  }
.Lfunc_end2:
_tile_overlayer_lowered:
.L_overlay_start_2:
0x8c: {  	(tag) =	ssettag $0x2  }
0x8d: {  	s0 =	rddreg [dreg:$0x0];
	s2 =	stileid.u32  }
0x8e: {  	s1 =	rddreg [dreg:$0x1];
	p0 =	sne.s32 s2, $0x0  }
0x8f: {  	s3 =	rddreg [dreg:$0x2];
	[bflag:$0x3] =	sbarrier.arrive $0xFFFF;
	s2 =	simm.s32 @!p0 $0x1C05  }
0x90: {  	[timem:s3], [sflag:s2] =	dma.local @!p0 [hbm:s0], s1  }
0x91: {  	s0 =	simm.s32 @!p0 $0x5  }
0x92: {  	_ =	swait.ge @!p0 [sflag:s0], s1  }
0x93: {  	s1 =	ssub.s32 @!p0 $0x0, s1;
	[sflag:s0] =	ssyncset.done @!p0 $0x0  }
0x94: {  	[sflag:s0] =	ssyncadd.s32 @!p0 s1  }
0x95: {  	[bflag:$0x3] =	sbarrier.arrive $0xFFFF  }
0x96: {  	_ =	shalt  }

// kernel: kernel.27.cloned.1.call-start
scs
__scs_entry_jumppad:
0x0: {  	(pc) =	sbr.rel $0x88, $3  }
0x1: {  	(tag) =	ssettag $0x0;
	lr =	simm.s32 $0x1  }
0x2: {  	[smem:$0x3F90] =	sst lr;
	_ =	strace $0xD0000000  }
0x3: {  	_ = 	snop  }
0x4: {  	_ = 	snop  }
0x5: {  	_ = 	snop  }
0x6: {  	_ = 	snop  }
0x7: {  	_ = 	snop  }
__scs_overlays_trampoline_lowered:
0x8: {  	[smem:$0x3F9F] =	sst s0  }
0x9: {  	[smem:$0x3FA0] =	sst s1  }
0xa: {  	[smem:$0x3FA1] =	sst s2  }
0xb: {  	[smem:$0x3FA2] =	sst s3  }
0xc: {  	[smem:$0x3FA3] =	sst s4  }
0xd: {  	[smem:$0x3FA4] =	sst s5  }
0xe: {  	[smem:$0x3FA5] =	sst s6  }
0xf: {  	[smem:$0x3FA6] =	sst s7  }
0x10: {  	[smem:$0x3FA7] =	sst s8  }
0x11: {  	[smem:$0x3FA8] =	sst s9;
	s0 =	simm.s32 @!p0 $0x0  }
0x12: {  	s1 =	sld [smem:$0x3F8E];
	s0 =	simm.s32 @p0 $0x1  }
0x13: {  	[smem:$0x3FA9] =	sst s0;
	s0 =	simm.s32 @!p1 $0x0  }
0x14: {  	s2 =	sld [smem:$0x3F8D];
	s0 =	simm.s32 @p1 $0x1  }
0x15: {  	[smem:$0x3FAA] =	sst s0;
	s0 =	simm.s32 @!p2 $0x0  }
0x16: {  	s3 =	sld [smem:$0x3FDB];
	s0 =	simm.s32 @p2 $0x1  }
0x17: {  	s4 =	simm.s32 $0x1BF5;
	[smem:$0x3FAC] =	sst s0  }
0x18: {  	s0 =	sld [smem:$0x3F8F];
	_ =	swait.ge [sflag:s4], $0x0  }
0x19: {  	s7 =	sld [smem:$0x3F90]  }
0x1a: {  	s8 =	sadd.s32 $0xFFFFE003, lr  }
0x1b: {  	s9 =	sadd.s32 $0xFFFFFEF7, lr;
	s5 =	simm.s32 $0xFFFFFFFF;
	p2 =	slt.u32 s8, $0xFFFFF086  }
0x1c: {  	p1 =	slt.u32 s9, $0xF7A;
	s5 =	simm.s32 @!p2 $0x0  }
0x1d: {  	s5 =	simm.s32 @p1 $0x1;
	p0 =	seq.s32 s7, s2  }
0x1e: {  	s7 =	smul.u32 @!p0 $0xF7A, s2;
	p2 =	seq.s32 @!p0 s5, $0x0  }
0x1f: {  	s9 =	smul.u32 $0xF7A, s1;
	s8 =	simm.s32 @!p0 $0x1BF5;
	p2 =	por !p2, p0  }
0x20: {  	[sflag:s8] =	ssyncset.s32 @!p0 $0xFFFFF086;
	s6 =	sadd.s32 @!p0 s3, s7;
	s7 =	simm.s32 @!p0 $0x108  }
0x21: {  	s3 =	sadd.s32 s3, s9;
	s6 =	sadd.s32 @!p0 $0x88, s6;
	s7 =	simm.s32 @p2 $0x1082  }
0x22: {  	[simem:s7], [sflag:s8] =	dma.local @!p0 [hbm:s6], $0xF7A  }
0x23: {  	s9 =	sor.u32 $0xD0000000, s2;
	s6 =	simm.s32 $0x108;
	_ =	swait.ge @!p0 [sflag:s8], $0x0  }
0x24: {  	s3 =	sadd.s32 $0x88, s3;
	s6 =	simm.s32 @!p1 $0x1082;
	[sflag:s4] =	ssyncset.s32 $0xFFFFF086  }
0x25: {  	[simem:s6], [sflag:s4] =	dma.local [hbm:s3], $0xF7A  }
0x26: {  	[smem:$0x3F90] =	sst s1;
	(tag) =	ssettag s2;
	_ =	strace s9  }
0x27: {  	s1 =	sld [smem:$0x3FA0]  }
0x28: {  	s2 =	sld [smem:$0x3FA1]  }
0x29: {  	s4 =	sld [smem:$0x3FA3]  }
0x2a: {  	p0 =	seq.s32 s5, $0x0;
	s5 =	sld [smem:$0x3FA4]  }
0x2b: {  	s6 =	sld [smem:$0x3FA5]  }
0x2c: {  	s7 =	sld [smem:$0x3FA6]  }
0x2d: {  	s3 =	simm.s32 $0x108;
	s8 =	sld [smem:$0x3FA7]  }
0x2e: {  	s3 =	simm.s32 @!p0 $0x1082;
	s9 =	sld [smem:$0x3FA8]  }
0x2f: {  	lr =	sadd.s32 s0, s3;
	s0 =	sld [smem:$0x3F9F]  }
0x30: {  	s3 =	sld [smem:$0x3FA2]  }
0x31: {  	[smem:$0x3FAB] =	sst s10  }
0x32: {  	s10 =	sld [smem:$0x3FA9];
	_ =	sdelay $0x3  }
0x33: {  	p0 =	seq.s32 s10, $0x1;
	s10 =	sld [smem:$0x3FAB];
	_ =	sdelay $0x3  }
0x34: {  	[smem:$0x3FAB] =	sst s10  }
0x35: {  	s10 =	sld [smem:$0x3FAA];
	_ =	sdelay $0x3  }
0x36: {  	p1 =	seq.s32 s10, $0x1;
	s10 =	sld [smem:$0x3FAB];
	_ =	sdelay $0x3  }
0x37: {  	[smem:$0x3FAB] =	sst s10  }
0x38: {  	s10 =	sld [smem:$0x3FAC]  }
0x39: {  	_ = 	snop;
	(pc) =	sbr.ind lr, $3  }
0x3a: {  	_ = 	snop  }
0x3b: {  	_ = 	snop  }
0x3c: {  	p2 =	seq.s32 s10, $0x1;
	s10 =	sld [smem:$0x3FAB]  }
0x3d: {  	_ =	shalt  }
0x3e: {  	_ =	shalt  }
0x3f: {  	_ =	shalt  }
0x40: {  	_ =	shalt  }
0x41: {  	_ =	shalt  }
0x42: {  	_ =	shalt  }
0x43: {  	_ =	shalt  }
0x44: {  	_ =	shalt  }
0x45: {  	_ =	shalt  }
0x46: {  	_ =	shalt  }
0x47: {  	_ =	shalt  }
0x48: {  	_ =	shalt  }
0x49: {  	_ =	shalt  }
0x4a: {  	_ =	shalt  }
0x4b: {  	_ =	shalt  }
0x4c: {  	_ =	shalt  }
0x4d: {  	_ =	shalt  }
0x4e: {  	_ =	shalt  }
0x4f: {  	_ =	shalt  }
0x50: {  	_ =	shalt  }
0x51: {  	_ =	shalt  }
0x52: {  	_ =	shalt  }
0x53: {  	_ =	shalt  }
0x54: {  	_ =	shalt  }
0x55: {  	_ =	shalt  }
0x56: {  	_ =	shalt  }
0x57: {  	_ =	shalt  }
0x58: {  	_ =	shalt  }
0x59: {  	_ =	shalt  }
0x5a: {  	_ =	shalt  }
0x5b: {  	_ =	shalt  }
0x5c: {  	_ =	shalt  }
0x5d: {  	_ =	shalt  }
0x5e: {  	_ =	shalt  }
0x5f: {  	_ =	shalt  }
0x60: {  	_ =	shalt  }
0x61: {  	_ =	shalt  }
0x62: {  	_ =	shalt  }
0x63: {  	_ =	shalt  }
0x64: {  	_ =	shalt  }
0x65: {  	_ =	shalt  }
0x66: {  	_ =	shalt  }
0x67: {  	_ =	shalt  }
0x68: {  	_ =	shalt  }
0x69: {  	_ =	shalt  }
0x6a: {  	_ =	shalt  }
0x6b: {  	_ =	shalt  }
0x6c: {  	_ =	shalt  }
0x6d: {  	_ =	shalt  }
0x6e: {  	_ =	shalt  }
0x6f: {  	_ =	shalt  }
0x70: {  	_ =	shalt  }
0x71: {  	_ =	shalt  }
0x72: {  	_ =	shalt  }
0x73: {  	_ =	shalt  }
0x74: {  	_ =	shalt  }
0x75: {  	_ =	shalt  }
0x76: {  	_ =	shalt  }
0x77: {  	_ =	shalt  }
0x78: {  	_ =	shalt  }
0x79: {  	_ =	shalt  }
0x7a: {  	_ =	shalt  }
0x7b: {  	_ =	shalt  }
0x7c: {  	_ =	shalt  }
0x7d: {  	_ =	shalt  }
0x7e: {  	_ =	shalt  }
0x7f: {  	_ =	shalt  }
0x80: {  	_ =	shalt  }
0x81: {  	_ =	shalt  }
0x82: {  	_ =	shalt  }
0x83: {  	_ =	shalt  }
0x84: {  	_ =	shalt  }
0x85: {  	_ =	shalt  }
0x86: {  	_ =	shalt  }
0x87: {  	_ =	shalt  }
.Lfunc_end0:
.L_simem_size_0:
called_computation.3_lowered:
.L_overlay_start_0:
0x88: {  	s2 =	sld [smem:$0x3FD9]  }
0x89: {  	s3 =	sld [smem:$0x3FFE];
	_ =	sdelay $0x1  }
0x8a: {  	s1 =	srdreg.scid  }
0x8b: {  	s0 =	sand.u32 $0x1, s1  }
0x8c: {  	s16 =	sshll.u32 s0, $0xA;
	s2 =	sadd.s32 s3, s2  }
0x8d: {  	s2 =	sadd.s32 s2, s16  }
0x8e: {  	[smem:$0x3FB7] =	sst s2  }
0x8f: {  	_ = 	snop  }
0x90: {  	(tm) =	ssettm $0x1  }
0x91: {  	s17 =	sld [smem:$0x3FFB];
	_ =	sdelay $0x3  }
0x92: {  	_ =	strace s17  }
0x93: {  	s2 =	sld [smem:$0x3FFC];
	_ =	sdelay $0x3  }
0x94: {  	_ =	strace s2  }
0x95: {  	s2 =	sld [smem:$0x3FFD];
	_ =	sdelay $0x3  }
0x96: {  	_ =	strace s2  }
0x97: {  	_ =	strace $0x8FFFFFFF  }
0x98: {  	s18 =	sld [smem:$0x3FDB];
	_ =	sdelay $0x1  }
0x99: {  	s19 =	simm.s32 $_scs_section_size  }
0x9a: {  	s4 =	simm.s32 $_size__tile_overlayer_lowered;
	s5 =	simm.s32 $_tile_overlayer_lowered  }
0x9b: {  	s22 =	simm.s32 $0x1BFF;
	s21 =	sshll.u32 s5, $0x1;
	s2 =	sadd.s32 s19, s18  }
0x9c: {  	s6 =	simm.s32 $0x0;
	s20 =	sshll.u32 s4, $0x1;
	s4 =	sadd.s32 s21, s2  }
0x9d: {  	[timem:s6], [sflag:s22] =	dma.local [hbm:s4], s20  }
0x9e: {  	_ =	swait.ge [sflag:s22], s20  }
0x9f: {  	s3 =	ssub.s32 $0x0, s20;
	[sflag:s22] =	ssyncset.done $0x0  }
0xa0: {  	[sflag:s22] =	ssyncadd.s32 s3;
	_ =	sdelay $0x1  }
0xa1: {  	s23 =	simm.s32 $0x1B8B  }
0xa2: {  	_ =	swait.ge [sflag:s23], $0x1  }
0xa3: {  	[sflag:s23] =	ssyncset.done $0x0  }
0xa4: {  	s25 =	simm.s32 $0x1B8E;
	s24 =	sld [smem:$0x3FFE];
	[sflag:s23] =	ssyncadd.s32 $0xFFFFFFFF  }
0xa5: {  	s26 =	simm.s32 $execute0_lowered;
	[smem:$0x3FD2] =	sst s25  }
0xa6: {  	s4 =	sshll.u32 s26, $0x1;
	_ =	strace $0x8000004F;
	[dreg:$0x1] =	wrdreg $0xFFFFFFFF  }
0xa7: {  	s28 =	simm.s32 $_size_execute0_lowered;
	s2 =	sadd.s32 s2, s4;
	[dreg:$0x0] =	wrdreg $0x0  }
0xa8: {  	s4 =	sshll.u32 s28, $0x1;
	[dreg:$0x2] =	wrdreg s2  }
0xa9: {  	[dreg:$0x3] =	wrdreg s4  }
0xaa: {  	[dreg:$0x4] =	wrdreg $0xC0  }
0xab: {  	_ =	task [dreg:s6], $0x5FFFF  }
0xac: {  	[dreg:$0x1] =	wrdreg $0xFFFFFFFF  }
0xad: {  	[dreg:$0x0] =	wrdreg $0x60  }
0xae: {  	[dreg:$0x2] =	wrdreg s24  }
0xaf: {  	[dreg:$0x3] =	wrdreg $0xA8000  }
0xb0: {  	[dreg:$0x4] =	wrdreg $0x9  }
0xb1: {  	_ =	task.clear_ibuf [dreg:s6], $0x5FFFF;
	_ =	strace $0x9000004F  }
0xb2: {  	s29 =	simm.s32 $0x9;
	_ =	strace $0x80000051  }
0xb3: {  	_ =	swait.ge [sflag:s29], $0x1  }
0xb4: {  	[sflag:s29] =	ssyncadd.s32 $0xFFFFFFFF  }
0xb5: {  	_ =	strace $0x90000051  }
0xb6: {  	_ =	sfence  }
0xb7: {  	s30 =	sld [smem:$0x0];
	_ =	sdelay $0x2  }
0xb8: {  	s31 =	sshll.u32 s1, $0xD;
	s1 =	sshrl.u32 s1, $0x2  }
0xb9: {  	s3 =	sand.u32 $0x4000, s31;
	s1 =	sadd.s32 s1, s30  }
0xba: {  	s0 =	sor.u32 s3, s0;
	s1 =	sshll.u32 s1, $0x11  }
0xbb: {  	s0 =	sor.u32 s1, s0  }
0xbc: {  	s0 =	sadd.s32 $0x8F2B, s0  }
0xbd: {  	[sflag:s0] =	ssyncadd.remote.s32 $0x1  }
0xbe: {  	_ =	sfence.sel $0xFFFF  }
0xbf: {  	[dreg:$0x0] =	wrdreg $0xFFFFFFFF;
	(pc) =	sbr.abs _section_cstart, $3  }
0xc0: {  	[dreg:$0x1] =	wrdreg $0xFFFFFFFF  }
0xc1: {  	_ =	task.clear_ibuf [dreg:s6], $0x2FFFF;
	_ =	strace $0x9FFFFFFF  }
0xc2: {  	(tm) =	ssettm $0x7FFFFFFF  }
0xc3: {  	_ =	shalt  }
tec
execute0_lowered:
.L_overlay_start_1:
0x0: {  	(tag) =	ssettag $0x1  }
0x1: {  	s6 =	rddreg [dreg:$0x0]  }
0x2: {  	s1 =	rddreg [dreg:$0x1]  }
0x3: {  	s2 =	simm.s32 $0x0;
	s5 =	srdreg.scid;
	s3 =	stileid.u32  }
0x4: {  	s19 =	simm.s32 $0x80;
	s20 =	simm.s32 $0x2800;
	s21 =	simm.s32 $0x1  }
0x5: {  	s22 =	simm.s32 $0x6800;
	s23 =	simm.s32 $0x2;
	s24 =	simm.s32 $0x1480  }
0x6: {  	s28 =	simm.s32 $0x4;
	s29 =	simm.s32 $0x0;
	[smem:$0x7FF] =	sst s2  }
0x7: {  	s4 =	sadd.s32 $0x1A400, s6;
	s9 =	sadd.s32 $0x6400, s6;
	s8 =	smul.u32 $0x4F000, s3  }
0x8: {  	s7 =	sand.u32 $0x1, s5;
	s10 =	sadd.s32 $0x10400, s6;
	s12 =	smul.u32 $0x2780, s3  }
0x9: {  	s13 =	sadd.s32 $0x41600, s6;
	s17 =	sadd.s32 $0x128400, s1;
	s31 =	smul.u32 $0x13C00, s3  }
0xa: {  	s6 =	sadd.s32 $0x3F480, s6;
	p0 =	seq.s32 s3, $0xF;
	s5 =	sshll.u32 s7, $0x4  }
0xb: {  	s11 =	ssub.s32 $0x2, s7;
	s26 =	smul.u32 $0x138800, s7;
	s5 =	sor.u32 s3, s5  }
0xc: {  	_ =	strace $0x80000050;
	s14 =	sshrl.u32 s11, $0x1;
	s15 =	smul.u32 $0x500, s5  }
0xd: {  	s8 =	sshrl.u32 s8, $0x2;
	s14 =	ssub.s32 s11, s14;
	s25 =	smul.u32 $0x2800, s5  }
0xe: {  	s16 =	sadd.s32 s8, s1;
	s5 =	sadd.s32 s4, s12;
	s11 =	sadd.s32 s31, s26  }
0xf: {  	s12 =	sshrl.u32 s26, $0x3;
	s26 =	simm.s32 $0x100;
	s11 =	sshrl.u32 s11, $0x3  }
0x10: {  	s12 =	sadd.s32 s13, s12;
	s16 =	sshrl.u32 @!p0 s16, $0x3;
	s30 =	sshrl.u32 s25, $0x3  }
.Ltmp0:
0x11: {  	s7 =	sadd.s32 s9, s15;
	s8 =	sadd.s32 s10, s15;
	(pc) =	sbr.rel .LBB2_1-.Ltmp0, $4  }
0x12: {  	s11 =	sadd.s32 s13, s11;
	s12 =	sadd.s32 $0x25080, s12;
	s13 =	smax.u32 s14, $0x1  }
0x13: {  	s15 =	sshll.u32 @!p0 s3, $0x6;
	s14 =	sshrl.u32 @p0 s17, $0x3;
	s17 =	simm.s32 $0x5  }
0x14: {  	s25 =	simm.s32 $0x3;
	s18 =	sadd.s32 $0x280, s30;
	s15 =	sor.u32 @!p0 $0x1C05, s15  }
0x15: {  	s9 =	sadd.s32 s9, s18;
	s10 =	sadd.s32 s10, s18;
	s18 =	simm.s32 $0x1400  }
.LBB2_7:
0x16: {  	_ =	swait.ge [sflag:s28], $0x4000  }
0x17: {  	[sflag:s28] =	ssyncset.done $0x0  }
0x18: {  	[sflag:s28] =	ssyncadd.s32 $0xFFFFC000  }
0x19: {  	s0 =	simm.s32 @p0 $0x1FC5;
	[bflag:$0x0] =	sbarrier.arrive $0xFFFF  }
0x1a: {  	[hbm:s12], [sflag:s0] =	dma.local @p0 [spmem:s14], $0x2080  }
0x1b: {  	s0 =	simm.s32 @p0 $0x5  }
0x1c: {  	s29 =	sadd.s32 $0x1, s29;
	_ =	swait.ge @p0 [sflag:s0], $0x2080  }
0x1d: {  	p1 =	sne.s32 s29, s13;
	[sflag:s0] =	ssyncset.done @p0 $0x0  }
.Ltmp1:
0x1e: {  	[sflag:s0] =	ssyncadd.s32 @p0 $0xFFFFDF80;
	s0 =	simm.s32 @!p0 $0x5;
	(pc) =	sbr.rel @!p1 .LBB2_8-.Ltmp1, $4  }
0x1f: {  	[hbm:s11], [sflag:s15] =	dma.local @!p0 [spmem:s16], $0x2780  }
0x20: {  	_ =	swait.ge @!p0 [sflag:s0], $0x2780  }
0x21: {  	[sflag:s0] =	ssyncset.done @!p0 $0x0  }
0x22: {  	[sflag:s0] =	ssyncadd.s32 @!p0 $0xFFFFD880  }
.LBB2_1:
0x23: {  	s30 =	simm.s32 @p0 $0x1FC5  }
0x24: {  	[spmem:s14], [sflag:s30] =	dma.local @p0 [hbm:s6], $0x2080  }
0x25: {  	s30 =	simm.s32 @p0 $0x5  }
0x26: {  	_ =	swait.ge @p0 [sflag:s30], $0x2080  }
0x27: {  	[sflag:s30] =	ssyncset.done @p0 $0x0  }
0x28: {  	[sflag:s30] =	ssyncadd.s32 @p0 $0xFFFFDF80;
	s30 =	simm.s32 @!p0 $0x5  }
0x29: {  	[spmem:s16], [sflag:s15] =	dma.local @!p0 [hbm:s5], $0x2780  }
0x2a: {  	_ =	swait.ge @!p0 [sflag:s30], $0x2780  }
0x2b: {  	[sflag:s30] =	ssyncset.done @!p0 $0x0  }
0x2c: {  	[sflag:s30] =	ssyncadd.s32 @!p0 $0xFFFFD880  }
0x2d: {  	[bflag:$0x0] =	sbarrier.arrive $0xFFFF  }
0x2e: {  	[tilespmem:s2], [sflag:$0x5] =	stream.linear.gather [hbm4b:s7+s2], $0x1400, $0x38;
	[tilespmem:$0x1E480] =	vst v63  }
0x2f: {  	_ =	swait.ge [sflag:s17], $0x1400  }
0x30: {  	[sflag:s17] =	ssyncset.done $0x0  }
0x31: {  	[sflag:s17] =	ssyncadd.s32 $0xFFFFEC00  }
0x32: {  	[tilespmem:s18], [sflag:$0x5] =	stream.linear.gather [hbm4b:s8+s2], $0x1400, $0x38;
	[tilespmem:$0x1E480] =	vst v63  }
0x33: {  	_ =	swait.ge [sflag:s17], $0x1400  }
0x34: {  	[sflag:s17] =	ssyncset.done $0x0  }
0x35: {  	[sflag:s17] =	ssyncadd.s32 $0xFFFFEC00  }
0x36: {  	[tilespmem:s20], [sflag:$0x1] =	stream.indirect.gather [hbm4b:s4+s19], $0x80, s2, s19, $0xb8;
	[tilespmem:$0x1E480] =	vst v63  }
0x37: {  	_ =	swait.ge [sflag:s21], $0x4000  }
0x38: {  	[sflag:s21] =	ssyncset.done $0x0  }
0x39: {  	[sflag:s21] =	ssyncadd.s32 $0xFFFFC000  }
0x3a: {  	[spmem:s1] =	stream.indirect.scatter.add.f32 [tilespmem:s20], [sflag:$0x3], $0x80, s18, s19, $0xb8;
	[tilespmem:$0x1E480] =	vst v63  }
0x3b: {  	_ = 	snop  }
0x3c: {  	[tilespmem:s22], [sflag:$0x2] =	stream.indirect.gather [hbm4b:s4+s19], $0x80, s19, s19, $0xb8;
	[tilespmem:$0x1E480] =	vst v63  }
0x3d: {  	_ =	swait.ge [sflag:s23], $0x4000  }
0x3e: {  	[sflag:s23] =	ssyncset.done $0x0  }
0x3f: {  	[sflag:s23] =	ssyncadd.s32 $0xFFFFC000  }
0x40: {  	[spmem:s1] =	stream.indirect.scatter.add.f32 [tilespmem:s22], [sflag:$0x4], $0x80, s24, s19, $0xb8;
	[tilespmem:$0x1E480] =	vst v63  }
0x41: {  	_ =	swait.ge [sflag:s25], $0x4000  }
0x42: {  	[sflag:s25] =	ssyncset.done $0x0  }
0x43: {  	s30 =	simm.s32 $0xFFFFB800;
	[sflag:s25] =	ssyncadd.s32 $0xFFFFC000  }
0x44: {  	[tilespmem:s20], [sflag:$0x1] =	stream.indirect.gather [hbm4b:s4+s19], $0x80, s26, s19, $0xb8;
	[tilespmem:$0x1E480] =	vst v63  }
.LBB2_2:
0x45: {  	_ =	swait.ge [sflag:s21], $0x4000  }
0x46: {  	s31 =	sshra.s32 s30, $0x2;
	[sflag:s21] =	ssyncset.done $0x0  }
0x47: {  	s0 =	sadd.s32 $0x2700, s31;
	[sflag:s21] =	ssyncadd.s32 $0xFFFFC000  }
0x48: {  	[spmem:s1] =	stream.indirect.scatter.add.f32 [tilespmem:s20], [sflag:$0x3], $0x80, s0, s19, $0xb8;
	[tilespmem:$0x1E480] =	vst v63  }
0x49: {  	_ =	swait.ge [sflag:s28], $0x4000  }
0x4a: {  	[sflag:s28] =	ssyncset.done $0x0  }
0x4b: {  	s0 =	sadd.s32 $0x1380, s31;
	[sflag:s28] =	ssyncadd.s32 $0xFFFFC000  }
0x4c: {  	[tilespmem:s22], [sflag:$0x2] =	stream.indirect.gather [hbm4b:s4+s19], $0x80, s0, s19, $0xb8;
	[tilespmem:$0x1E480] =	vst v63  }
0x4d: {  	_ =	swait.ge [sflag:s23], $0x4000  }
0x4e: {  	p1 =	seq.s32 s30, $0x0;
	[sflag:s23] =	ssyncset.done $0x0  }
.Ltmp2:
0x4f: {  	s0 =	sadd.s32 $0x2780, s31;
	[sflag:s23] =	ssyncadd.s32 $0xFFFFC000;
	(pc) =	sbr.rel @p1 .LBB2_4-.Ltmp2, $4  }
0x50: {  	[spmem:s1] =	stream.indirect.scatter.add.f32 [tilespmem:s22], [sflag:$0x4], $0x80, s0, s19, $0xb8;
	[tilespmem:$0x1E480] =	vst v63  }
0x51: {  	_ =	swait.ge [sflag:s25], $0x4000  }
0x52: {  	[sflag:s25] =	ssyncset.done $0x0  }
0x53: {  	[sflag:s25] =	ssyncadd.s32 $0xFFFFC000  }
.Ltmp3:
0x54: {  	(pc) =	sbr.rel .LBB2_2-.Ltmp3, $3  }
0x55: {  	_ =	sdelay $0x1  }
0x56: {  	s0 =	sadd.s32 $0x1400, s31;
	s30 =	sadd.s32 $0x400, s30  }
0x57: {  	[tilespmem:s20], [sflag:$0x1] =	stream.indirect.gather [hbm4b:s4+s19], $0x80, s0, s19, $0xb8;
	[tilespmem:$0x1E480] =	vst v63  }
.LBB2_4:
0x58: {  	_ =	swait.ge [sflag:s28], $0x4000  }
0x59: {  	[sflag:s28] =	ssyncset.done $0x0  }
0x5a: {  	[sflag:s28] =	ssyncadd.s32 $0xFFFFC000  }
0x5b: {  	[tilespmem:s2], [sflag:$0x5] =	stream.linear.gather [hbm4b:s9+s2], $0x1400, $0x38;
	[tilespmem:$0x1E480] =	vst v63  }
0x5c: {  	_ =	swait.ge [sflag:s17], $0x1400  }
0x5d: {  	[sflag:s17] =	ssyncset.done $0x0  }
0x5e: {  	[sflag:s17] =	ssyncadd.s32 $0xFFFFEC00  }
0x5f: {  	[tilespmem:s18], [sflag:$0x5] =	stream.linear.gather [hbm4b:s10+s2], $0x1400, $0x38;
	[tilespmem:$0x1E480] =	vst v63  }
0x60: {  	_ =	swait.ge [sflag:s17], $0x1400  }
0x61: {  	[sflag:s17] =	ssyncset.done $0x0  }
0x62: {  	[sflag:s17] =	ssyncadd.s32 $0xFFFFEC00  }
0x63: {  	[tilespmem:s20], [sflag:$0x1] =	stream.indirect.gather [hbm4b:s4+s19], $0x80, s2, s19, $0xb8;
	[tilespmem:$0x1E480] =	vst v63  }
0x64: {  	_ =	swait.ge [sflag:s21], $0x4000  }
0x65: {  	[sflag:s21] =	ssyncset.done $0x0  }
0x66: {  	[sflag:s21] =	ssyncadd.s32 $0xFFFFC000  }
0x67: {  	[spmem:s1] =	stream.indirect.scatter.add.f32 [tilespmem:s20], [sflag:$0x3], $0x80, s18, s19, $0xb8;
	[tilespmem:$0x1E480] =	vst v63  }
0x68: {  	_ = 	snop  }
0x69: {  	[tilespmem:s22], [sflag:$0x2] =	stream.indirect.gather [hbm4b:s4+s19], $0x80, s19, s19, $0xb8;
	[tilespmem:$0x1E480] =	vst v63  }
0x6a: {  	_ =	swait.ge [sflag:s23], $0x4000  }
0x6b: {  	[sflag:s23] =	ssyncset.done $0x0  }
0x6c: {  	[sflag:s23] =	ssyncadd.s32 $0xFFFFC000  }
0x6d: {  	[spmem:s1] =	stream.indirect.scatter.add.f32 [tilespmem:s22], [sflag:$0x4], $0x80, s24, s19, $0xb8;
	[tilespmem:$0x1E480] =	vst v63  }
0x6e: {  	_ =	swait.ge [sflag:s25], $0x4000  }
0x6f: {  	[sflag:s25] =	ssyncset.done $0x0  }
0x70: {  	s30 =	simm.s32 $0xFFFFB800;
	[sflag:s25] =	ssyncadd.s32 $0xFFFFC000  }
0x71: {  	[tilespmem:s20], [sflag:$0x1] =	stream.indirect.gather [hbm4b:s4+s19], $0x80, s26, s19, $0xb8;
	[tilespmem:$0x1E480] =	vst v63  }
.LBB2_5:
0x72: {  	_ =	swait.ge [sflag:s21], $0x4000  }
0x73: {  	s31 =	sshra.s32 s30, $0x2;
	[sflag:s21] =	ssyncset.done $0x0  }
0x74: {  	s0 =	sadd.s32 $0x2700, s31;
	[sflag:s21] =	ssyncadd.s32 $0xFFFFC000  }
0x75: {  	[spmem:s1] =	stream.indirect.scatter.add.f32 [tilespmem:s20], [sflag:$0x3], $0x80, s0, s19, $0xb8;
	[tilespmem:$0x1E480] =	vst v63  }
0x76: {  	_ =	swait.ge [sflag:s28], $0x4000  }
0x77: {  	[sflag:s28] =	ssyncset.done $0x0  }
0x78: {  	s0 =	sadd.s32 $0x1380, s31;
	[sflag:s28] =	ssyncadd.s32 $0xFFFFC000  }
0x79: {  	[tilespmem:s22], [sflag:$0x2] =	stream.indirect.gather [hbm4b:s4+s19], $0x80, s0, s19, $0xb8;
	[tilespmem:$0x1E480] =	vst v63  }
0x7a: {  	_ =	swait.ge [sflag:s23], $0x4000  }
0x7b: {  	p1 =	seq.s32 s30, $0x0;
	[sflag:s23] =	ssyncset.done $0x0  }
.Ltmp4:
0x7c: {  	s0 =	sadd.s32 $0x2780, s31;
	[sflag:s23] =	ssyncadd.s32 $0xFFFFC000;
	(pc) =	sbr.rel @p1 .LBB2_7-.Ltmp4, $4  }
0x7d: {  	[spmem:s1] =	stream.indirect.scatter.add.f32 [tilespmem:s22], [sflag:$0x4], $0x80, s0, s19, $0xb8;
	[tilespmem:$0x1E480] =	vst v63  }
0x7e: {  	_ =	swait.ge [sflag:s25], $0x4000  }
0x7f: {  	[sflag:s25] =	ssyncset.done $0x0  }
0x80: {  	[sflag:s25] =	ssyncadd.s32 $0xFFFFC000  }
.Ltmp5:
0x81: {  	(pc) =	sbr.rel .LBB2_5-.Ltmp5, $3  }
0x82: {  	_ =	sdelay $0x1  }
0x83: {  	s0 =	sadd.s32 $0x1400, s31;
	s30 =	sadd.s32 $0x400, s30  }
0x84: {  	[tilespmem:s20], [sflag:$0x1] =	stream.indirect.gather [hbm4b:s4+s19], $0x80, s0, s19, $0xb8;
	[tilespmem:$0x1E480] =	vst v63  }
.LBB2_8:
0x85: {  	_ =	sfence.sel $0x180000  }
0x86: {  	[bflag:$0x0] =	sbarrier.arrive $0xFFFF  }
0x87: {  	_ =	strace $0x90000050  }
0x88: {  	[bflag:$0x2] =	sbarrier.arrive $0xFFFF  }
0x89: {  	p0 =	sne.s32 s3, $0x0;
	s0 =	rddreg [dreg:$0x2]  }
0x8a: {  	s0 =	sadd.s32 @!p0 $0x100000, s0  }
0x8b: {  	[sflag:s0] =	ssyncadd.tile.s32 @!p0 $0x1;
	_ =	shalt  }
.Lfunc_end2:
_tile_overlayer_lowered:
.L_overlay_start_2:
0x8c: {  	(tag) =	ssettag $0x2  }
0x8d: {  	s0 =	rddreg [dreg:$0x0];
	s2 =	stileid.u32  }
0x8e: {  	s1 =	rddreg [dreg:$0x1];
	p0 =	sne.s32 s2, $0x0  }
0x8f: {  	s3 =	rddreg [dreg:$0x2];
	[bflag:$0x3] =	sbarrier.arrive $0xFFFF;
	s2 =	simm.s32 @!p0 $0x1C05  }
0x90: {  	[timem:s3], [sflag:s2] =	dma.local @!p0 [hbm:s0], s1  }
0x91: {  	s0 =	simm.s32 @!p0 $0x5  }
0x92: {  	_ =	swait.ge @!p0 [sflag:s0], s1  }
0x93: {  	s1 =	ssub.s32 @!p0 $0x0, s1;
	[sflag:s0] =	ssyncset.done @!p0 $0x0  }
0x94: {  	[sflag:s0] =	ssyncadd.s32 @!p0 s1  }
0x95: {  	[bflag:$0x3] =	sbarrier.arrive $0xFFFF  }
0x96: {  	_ =	shalt  }

// kernel: kernel.30.cloned.1.call-start
scs
__scs_entry_jumppad:
0x0: {  	(pc) =	sbr.rel $0x88, $3  }
0x1: {  	(tag) =	ssettag $0x0;
	lr =	simm.s32 $0x1  }
0x2: {  	[smem:$0x3F90] =	sst lr;
	_ =	strace $0xD0000000  }
0x3: {  	_ = 	snop  }
0x4: {  	_ = 	snop  }
0x5: {  	_ = 	snop  }
0x6: {  	_ = 	snop  }
0x7: {  	_ = 	snop  }
__scs_overlays_trampoline_lowered:
0x8: {  	[smem:$0x3F9F] =	sst s0  }
0x9: {  	[smem:$0x3FA0] =	sst s1  }
0xa: {  	[smem:$0x3FA1] =	sst s2  }
0xb: {  	[smem:$0x3FA2] =	sst s3  }
0xc: {  	[smem:$0x3FA3] =	sst s4  }
0xd: {  	[smem:$0x3FA4] =	sst s5  }
0xe: {  	[smem:$0x3FA5] =	sst s6  }
0xf: {  	[smem:$0x3FA6] =	sst s7  }
0x10: {  	[smem:$0x3FA7] =	sst s8  }
0x11: {  	[smem:$0x3FA8] =	sst s9;
	s0 =	simm.s32 @!p0 $0x0  }
0x12: {  	s1 =	sld [smem:$0x3F8E];
	s0 =	simm.s32 @p0 $0x1  }
0x13: {  	[smem:$0x3FA9] =	sst s0;
	s0 =	simm.s32 @!p1 $0x0  }
0x14: {  	s2 =	sld [smem:$0x3F8D];
	s0 =	simm.s32 @p1 $0x1  }
0x15: {  	[smem:$0x3FAA] =	sst s0;
	s0 =	simm.s32 @!p2 $0x0  }
0x16: {  	s3 =	sld [smem:$0x3FDB];
	s0 =	simm.s32 @p2 $0x1  }
0x17: {  	s4 =	simm.s32 $0x1BF5;
	[smem:$0x3FAC] =	sst s0  }
0x18: {  	s0 =	sld [smem:$0x3F8F];
	_ =	swait.ge [sflag:s4], $0x0  }
0x19: {  	s7 =	sld [smem:$0x3F90]  }
0x1a: {  	s8 =	sadd.s32 $0xFFFFE003, lr  }
0x1b: {  	s9 =	sadd.s32 $0xFFFFFEF7, lr;
	s5 =	simm.s32 $0xFFFFFFFF;
	p2 =	slt.u32 s8, $0xFFFFF086  }
0x1c: {  	p1 =	slt.u32 s9, $0xF7A;
	s5 =	simm.s32 @!p2 $0x0  }
0x1d: {  	s5 =	simm.s32 @p1 $0x1;
	p0 =	seq.s32 s7, s2  }
0x1e: {  	s7 =	smul.u32 @!p0 $0xF7A, s2;
	p2 =	seq.s32 @!p0 s5, $0x0  }
0x1f: {  	s9 =	smul.u32 $0xF7A, s1;
	s8 =	simm.s32 @!p0 $0x1BF5;
	p2 =	por !p2, p0  }
0x20: {  	[sflag:s8] =	ssyncset.s32 @!p0 $0xFFFFF086;
	s6 =	sadd.s32 @!p0 s3, s7;
	s7 =	simm.s32 @!p0 $0x108  }
0x21: {  	s3 =	sadd.s32 s3, s9;
	s6 =	sadd.s32 @!p0 $0x88, s6;
	s7 =	simm.s32 @p2 $0x1082  }
0x22: {  	[simem:s7], [sflag:s8] =	dma.local @!p0 [hbm:s6], $0xF7A  }
0x23: {  	s9 =	sor.u32 $0xD0000000, s2;
	s6 =	simm.s32 $0x108;
	_ =	swait.ge @!p0 [sflag:s8], $0x0  }
0x24: {  	s3 =	sadd.s32 $0x88, s3;
	s6 =	simm.s32 @!p1 $0x1082;
	[sflag:s4] =	ssyncset.s32 $0xFFFFF086  }
0x25: {  	[simem:s6], [sflag:s4] =	dma.local [hbm:s3], $0xF7A  }
0x26: {  	[smem:$0x3F90] =	sst s1;
	(tag) =	ssettag s2;
	_ =	strace s9  }
0x27: {  	s1 =	sld [smem:$0x3FA0]  }
0x28: {  	s2 =	sld [smem:$0x3FA1]  }
0x29: {  	s4 =	sld [smem:$0x3FA3]  }
0x2a: {  	p0 =	seq.s32 s5, $0x0;
	s5 =	sld [smem:$0x3FA4]  }
0x2b: {  	s6 =	sld [smem:$0x3FA5]  }
0x2c: {  	s7 =	sld [smem:$0x3FA6]  }
0x2d: {  	s3 =	simm.s32 $0x108;
	s8 =	sld [smem:$0x3FA7]  }
0x2e: {  	s3 =	simm.s32 @!p0 $0x1082;
	s9 =	sld [smem:$0x3FA8]  }
0x2f: {  	lr =	sadd.s32 s0, s3;
	s0 =	sld [smem:$0x3F9F]  }
0x30: {  	s3 =	sld [smem:$0x3FA2]  }
0x31: {  	[smem:$0x3FAB] =	sst s10  }
0x32: {  	s10 =	sld [smem:$0x3FA9];
	_ =	sdelay $0x3  }
0x33: {  	p0 =	seq.s32 s10, $0x1;
	s10 =	sld [smem:$0x3FAB];
	_ =	sdelay $0x3  }
0x34: {  	[smem:$0x3FAB] =	sst s10  }
0x35: {  	s10 =	sld [smem:$0x3FAA];
	_ =	sdelay $0x3  }
0x36: {  	p1 =	seq.s32 s10, $0x1;
	s10 =	sld [smem:$0x3FAB];
	_ =	sdelay $0x3  }
0x37: {  	[smem:$0x3FAB] =	sst s10  }
0x38: {  	s10 =	sld [smem:$0x3FAC]  }
0x39: {  	_ = 	snop;
	(pc) =	sbr.ind lr, $3  }
0x3a: {  	_ = 	snop  }
0x3b: {  	_ = 	snop  }
0x3c: {  	p2 =	seq.s32 s10, $0x1;
	s10 =	sld [smem:$0x3FAB]  }
0x3d: {  	_ =	shalt  }
0x3e: {  	_ =	shalt  }
0x3f: {  	_ =	shalt  }
0x40: {  	_ =	shalt  }
0x41: {  	_ =	shalt  }
0x42: {  	_ =	shalt  }
0x43: {  	_ =	shalt  }
0x44: {  	_ =	shalt  }
0x45: {  	_ =	shalt  }
0x46: {  	_ =	shalt  }
0x47: {  	_ =	shalt  }
0x48: {  	_ =	shalt  }
0x49: {  	_ =	shalt  }
0x4a: {  	_ =	shalt  }
0x4b: {  	_ =	shalt  }
0x4c: {  	_ =	shalt  }
0x4d: {  	_ =	shalt  }
0x4e: {  	_ =	shalt  }
0x4f: {  	_ =	shalt  }
0x50: {  	_ =	shalt  }
0x51: {  	_ =	shalt  }
0x52: {  	_ =	shalt  }
0x53: {  	_ =	shalt  }
0x54: {  	_ =	shalt  }
0x55: {  	_ =	shalt  }
0x56: {  	_ =	shalt  }
0x57: {  	_ =	shalt  }
0x58: {  	_ =	shalt  }
0x59: {  	_ =	shalt  }
0x5a: {  	_ =	shalt  }
0x5b: {  	_ =	shalt  }
0x5c: {  	_ =	shalt  }
0x5d: {  	_ =	shalt  }
0x5e: {  	_ =	shalt  }
0x5f: {  	_ =	shalt  }
0x60: {  	_ =	shalt  }
0x61: {  	_ =	shalt  }
0x62: {  	_ =	shalt  }
0x63: {  	_ =	shalt  }
0x64: {  	_ =	shalt  }
0x65: {  	_ =	shalt  }
0x66: {  	_ =	shalt  }
0x67: {  	_ =	shalt  }
0x68: {  	_ =	shalt  }
0x69: {  	_ =	shalt  }
0x6a: {  	_ =	shalt  }
0x6b: {  	_ =	shalt  }
0x6c: {  	_ =	shalt  }
0x6d: {  	_ =	shalt  }
0x6e: {  	_ =	shalt  }
0x6f: {  	_ =	shalt  }
0x70: {  	_ =	shalt  }
0x71: {  	_ =	shalt  }
0x72: {  	_ =	shalt  }
0x73: {  	_ =	shalt  }
0x74: {  	_ =	shalt  }
0x75: {  	_ =	shalt  }
0x76: {  	_ =	shalt  }
0x77: {  	_ =	shalt  }
0x78: {  	_ =	shalt  }
0x79: {  	_ =	shalt  }
0x7a: {  	_ =	shalt  }
0x7b: {  	_ =	shalt  }
0x7c: {  	_ =	shalt  }
0x7d: {  	_ =	shalt  }
0x7e: {  	_ =	shalt  }
0x7f: {  	_ =	shalt  }
0x80: {  	_ =	shalt  }
0x81: {  	_ =	shalt  }
0x82: {  	_ =	shalt  }
0x83: {  	_ =	shalt  }
0x84: {  	_ =	shalt  }
0x85: {  	_ =	shalt  }
0x86: {  	_ =	shalt  }
0x87: {  	_ =	shalt  }
.Lfunc_end0:
.L_simem_size_0:
called_computation.4_lowered:
.L_overlay_start_0:
0x88: {  	s2 =	sld [smem:$0x3FD9]  }
0x89: {  	s3 =	sld [smem:$0x3FFE];
	_ =	sdelay $0x1  }
0x8a: {  	s1 =	srdreg.scid  }
0x8b: {  	s0 =	sand.u32 $0x1, s1  }
0x8c: {  	s16 =	sshll.u32 s0, $0xA;
	s2 =	sadd.s32 s3, s2  }
0x8d: {  	s2 =	sadd.s32 s2, s16  }
0x8e: {  	[smem:$0x3FB7] =	sst s2  }
0x8f: {  	_ = 	snop  }
0x90: {  	(tm) =	ssettm $0x1  }
0x91: {  	s17 =	sld [smem:$0x3FFB];
	_ =	sdelay $0x3  }
0x92: {  	_ =	strace s17  }
0x93: {  	s2 =	sld [smem:$0x3FFC];
	_ =	sdelay $0x3  }
0x94: {  	_ =	strace s2  }
0x95: {  	s2 =	sld [smem:$0x3FFD];
	_ =	sdelay $0x3  }
0x96: {  	_ =	strace s2  }
0x97: {  	_ =	strace $0x8FFFFFFF  }
0x98: {  	s18 =	sld [smem:$0x3FDB];
	_ =	sdelay $0x1  }
0x99: {  	s19 =	simm.s32 $_scs_section_size  }
0x9a: {  	s4 =	simm.s32 $_size__tile_overlayer_lowered;
	s5 =	simm.s32 $_tile_overlayer_lowered  }
0x9b: {  	s22 =	simm.s32 $0x1BFF;
	s21 =	sshll.u32 s5, $0x1;
	s2 =	sadd.s32 s19, s18  }
0x9c: {  	s6 =	simm.s32 $0x0;
	s20 =	sshll.u32 s4, $0x1;
	s4 =	sadd.s32 s21, s2  }
0x9d: {  	[timem:s6], [sflag:s22] =	dma.local [hbm:s4], s20  }
0x9e: {  	_ =	swait.ge [sflag:s22], s20  }
0x9f: {  	s3 =	ssub.s32 $0x0, s20;
	[sflag:s22] =	ssyncset.done $0x0  }
0xa0: {  	[sflag:s22] =	ssyncadd.s32 s3;
	_ =	sdelay $0x1  }
0xa1: {  	s23 =	simm.s32 $0x1B8B  }
0xa2: {  	_ =	swait.ge [sflag:s23], $0x1  }
0xa3: {  	[sflag:s23] =	ssyncset.done $0x0  }
0xa4: {  	s25 =	simm.s32 $0x1B8E;
	s24 =	sld [smem:$0x3FFE];
	[sflag:s23] =	ssyncadd.s32 $0xFFFFFFFF  }
0xa5: {  	s26 =	simm.s32 $execute0_lowered;
	[smem:$0x3FD2] =	sst s25  }
0xa6: {  	s4 =	sshll.u32 s26, $0x1;
	_ =	strace $0x80000052;
	[dreg:$0x1] =	wrdreg $0xFFFFFFFF  }
0xa7: {  	s28 =	simm.s32 $_size_execute0_lowered;
	s2 =	sadd.s32 s2, s4;
	[dreg:$0x0] =	wrdreg $0x0  }
0xa8: {  	s4 =	sshll.u32 s28, $0x1;
	[dreg:$0x2] =	wrdreg s2  }
0xa9: {  	[dreg:$0x3] =	wrdreg s4  }
0xaa: {  	[dreg:$0x4] =	wrdreg $0xC0  }
0xab: {  	_ =	task [dreg:s6], $0x5FFFF  }
0xac: {  	[dreg:$0x1] =	wrdreg $0xFFFFFFFF  }
0xad: {  	[dreg:$0x0] =	wrdreg $0x60  }
0xae: {  	[dreg:$0x2] =	wrdreg s24  }
0xaf: {  	[dreg:$0x3] =	wrdreg $0xA8000  }
0xb0: {  	[dreg:$0x4] =	wrdreg $0x9  }
0xb1: {  	_ =	task.clear_ibuf [dreg:s6], $0x5FFFF;
	_ =	strace $0x90000052  }
0xb2: {  	s29 =	simm.s32 $0x9;
	_ =	strace $0x80000054  }
0xb3: {  	_ =	swait.ge [sflag:s29], $0x1  }
0xb4: {  	[sflag:s29] =	ssyncadd.s32 $0xFFFFFFFF  }
0xb5: {  	_ =	strace $0x90000054  }
0xb6: {  	_ =	sfence  }
0xb7: {  	s30 =	sld [smem:$0x0];
	_ =	sdelay $0x2  }
0xb8: {  	s31 =	sshll.u32 s1, $0xD;
	s1 =	sshrl.u32 s1, $0x2  }
0xb9: {  	s3 =	sand.u32 $0x4000, s31;
	s1 =	sadd.s32 s1, s30  }
0xba: {  	s0 =	sor.u32 s3, s0;
	s1 =	sshll.u32 s1, $0x11  }
0xbb: {  	s0 =	sor.u32 s1, s0  }
0xbc: {  	s0 =	sadd.s32 $0x8F2B, s0  }
0xbd: {  	[sflag:s0] =	ssyncadd.remote.s32 $0x1  }
0xbe: {  	_ =	sfence.sel $0xFFFF  }
0xbf: {  	[dreg:$0x0] =	wrdreg $0xFFFFFFFF;
	(pc) =	sbr.abs _section_cstart, $3  }
0xc0: {  	[dreg:$0x1] =	wrdreg $0xFFFFFFFF  }
0xc1: {  	_ =	task.clear_ibuf [dreg:s6], $0x2FFFF;
	_ =	strace $0x9FFFFFFF  }
0xc2: {  	(tm) =	ssettm $0x7FFFFFFF  }
0xc3: {  	_ =	shalt  }
tec
execute0_lowered:
.L_overlay_start_1:
0x0: {  	(tag) =	ssettag $0x1  }
0x1: {  	s6 =	rddreg [dreg:$0x0]  }
0x2: {  	s1 =	rddreg [dreg:$0x1]  }
0x3: {  	s2 =	simm.s32 $0x0;
	s5 =	srdreg.scid;
	s3 =	stileid.u32  }
0x4: {  	s19 =	simm.s32 $0x80;
	s20 =	simm.s32 $0x2800;
	s21 =	simm.s32 $0x1  }
0x5: {  	s22 =	simm.s32 $0x6800;
	s23 =	simm.s32 $0x2;
	s24 =	simm.s32 $0x1480  }
0x6: {  	s28 =	simm.s32 $0x4;
	s29 =	simm.s32 $0x0;
	[smem:$0x7FF] =	sst s2  }
0x7: {  	s4 =	sadd.s32 $0x1A400, s6;
	s9 =	sadd.s32 $0x6400, s6;
	s8 =	smul.u32 $0x4F000, s3  }
0x8: {  	s7 =	sand.u32 $0x1, s5;
	s10 =	sadd.s32 $0x10400, s6;
	s12 =	smul.u32 $0x2780, s3  }
0x9: {  	s13 =	sadd.s32 $0x41600, s6;
	s17 =	sadd.s32 $0x128400, s1;
	s31 =	smul.u32 $0x13C00, s3  }
0xa: {  	s6 =	sadd.s32 $0x3F480, s6;
	p0 =	seq.s32 s3, $0xF;
	s5 =	sshll.u32 s7, $0x4  }
0xb: {  	s11 =	ssub.s32 $0x2, s7;
	s26 =	smul.u32 $0x138800, s7;
	s5 =	sor.u32 s3, s5  }
0xc: {  	_ =	strace $0x80000053;
	s14 =	sshrl.u32 s11, $0x1;
	s15 =	smul.u32 $0x500, s5  }
0xd: {  	s8 =	sshrl.u32 s8, $0x2;
	s14 =	ssub.s32 s11, s14;
	s25 =	smul.u32 $0x2800, s5  }
0xe: {  	s16 =	sadd.s32 s8, s1;
	s5 =	sadd.s32 s4, s12;
	s11 =	sadd.s32 s31, s26  }
0xf: {  	s12 =	sshrl.u32 s26, $0x3;
	s26 =	simm.s32 $0x100;
	s11 =	sshrl.u32 s11, $0x3  }
0x10: {  	s12 =	sadd.s32 s13, s12;
	s16 =	sshrl.u32 @!p0 s16, $0x3;
	s30 =	sshrl.u32 s25, $0x3  }
.Ltmp0:
0x11: {  	s7 =	sadd.s32 s9, s15;
	s8 =	sadd.s32 s10, s15;
	(pc) =	sbr.rel .LBB2_1-.Ltmp0, $4  }
0x12: {  	s11 =	sadd.s32 s13, s11;
	s12 =	sadd.s32 $0x25080, s12;
	s13 =	smax.u32 s14, $0x1  }
0x13: {  	s15 =	sshll.u32 @!p0 s3, $0x6;
	s14 =	sshrl.u32 @p0 s17, $0x3;
	s17 =	simm.s32 $0x5  }
0x14: {  	s25 =	simm.s32 $0x3;
	s18 =	sadd.s32 $0x280, s30;
	s15 =	sor.u32 @!p0 $0x1C05, s15  }
0x15: {  	s9 =	sadd.s32 s9, s18;
	s10 =	sadd.s32 s10, s18;
	s18 =	simm.s32 $0x1400  }
.LBB2_7:
0x16: {  	_ =	swait.ge [sflag:s28], $0x4000  }
0x17: {  	[sflag:s28] =	ssyncset.done $0x0  }
0x18: {  	[sflag:s28] =	ssyncadd.s32 $0xFFFFC000  }
0x19: {  	s0 =	simm.s32 @p0 $0x1FC5;
	[bflag:$0x0] =	sbarrier.arrive $0xFFFF  }
0x1a: {  	[hbm:s12], [sflag:s0] =	dma.local @p0 [spmem:s14], $0x2080  }
0x1b: {  	s0 =	simm.s32 @p0 $0x5  }
0x1c: {  	s29 =	sadd.s32 $0x1, s29;
	_ =	swait.ge @p0 [sflag:s0], $0x2080  }
0x1d: {  	p1 =	sne.s32 s29, s13;
	[sflag:s0] =	ssyncset.done @p0 $0x0  }
.Ltmp1:
0x1e: {  	[sflag:s0] =	ssyncadd.s32 @p0 $0xFFFFDF80;
	s0 =	simm.s32 @!p0 $0x5;
	(pc) =	sbr.rel @!p1 .LBB2_8-.Ltmp1, $4  }
0x1f: {  	[hbm:s11], [sflag:s15] =	dma.local @!p0 [spmem:s16], $0x2780  }
0x20: {  	_ =	swait.ge @!p0 [sflag:s0], $0x2780  }
0x21: {  	[sflag:s0] =	ssyncset.done @!p0 $0x0  }
0x22: {  	[sflag:s0] =	ssyncadd.s32 @!p0 $0xFFFFD880  }
.LBB2_1:
0x23: {  	s30 =	simm.s32 @p0 $0x1FC5  }
0x24: {  	[spmem:s14], [sflag:s30] =	dma.local @p0 [hbm:s6], $0x2080  }
0x25: {  	s30 =	simm.s32 @p0 $0x5  }
0x26: {  	_ =	swait.ge @p0 [sflag:s30], $0x2080  }
0x27: {  	[sflag:s30] =	ssyncset.done @p0 $0x0  }
0x28: {  	[sflag:s30] =	ssyncadd.s32 @p0 $0xFFFFDF80;
	s30 =	simm.s32 @!p0 $0x5  }
0x29: {  	[spmem:s16], [sflag:s15] =	dma.local @!p0 [hbm:s5], $0x2780  }
0x2a: {  	_ =	swait.ge @!p0 [sflag:s30], $0x2780  }
0x2b: {  	[sflag:s30] =	ssyncset.done @!p0 $0x0  }
0x2c: {  	[sflag:s30] =	ssyncadd.s32 @!p0 $0xFFFFD880  }
0x2d: {  	[bflag:$0x0] =	sbarrier.arrive $0xFFFF  }
0x2e: {  	[tilespmem:s2], [sflag:$0x5] =	stream.linear.gather [hbm4b:s7+s2], $0x1400, $0x38;
	[tilespmem:$0x1E480] =	vst v63  }
0x2f: {  	_ =	swait.ge [sflag:s17], $0x1400  }
0x30: {  	[sflag:s17] =	ssyncset.done $0x0  }
0x31: {  	[sflag:s17] =	ssyncadd.s32 $0xFFFFEC00  }
0x32: {  	[tilespmem:s18], [sflag:$0x5] =	stream.linear.gather [hbm4b:s8+s2], $0x1400, $0x38;
	[tilespmem:$0x1E480] =	vst v63  }
0x33: {  	_ =	swait.ge [sflag:s17], $0x1400  }
0x34: {  	[sflag:s17] =	ssyncset.done $0x0  }
0x35: {  	[sflag:s17] =	ssyncadd.s32 $0xFFFFEC00  }
0x36: {  	[tilespmem:s20], [sflag:$0x1] =	stream.indirect.gather [hbm4b:s4+s19], $0x80, s2, s19, $0xb8;
	[tilespmem:$0x1E480] =	vst v63  }
0x37: {  	_ =	swait.ge [sflag:s21], $0x4000  }
0x38: {  	[sflag:s21] =	ssyncset.done $0x0  }
0x39: {  	[sflag:s21] =	ssyncadd.s32 $0xFFFFC000  }
0x3a: {  	[spmem:s1] =	stream.indirect.scatter.add.f32 [tilespmem:s20], [sflag:$0x3], $0x80, s18, s19, $0xb8;
	[tilespmem:$0x1E480] =	vst v63  }
0x3b: {  	_ = 	snop  }
0x3c: {  	[tilespmem:s22], [sflag:$0x2] =	stream.indirect.gather [hbm4b:s4+s19], $0x80, s19, s19, $0xb8;
	[tilespmem:$0x1E480] =	vst v63  }
0x3d: {  	_ =	swait.ge [sflag:s23], $0x4000  }
0x3e: {  	[sflag:s23] =	ssyncset.done $0x0  }
0x3f: {  	[sflag:s23] =	ssyncadd.s32 $0xFFFFC000  }
0x40: {  	[spmem:s1] =	stream.indirect.scatter.add.f32 [tilespmem:s22], [sflag:$0x4], $0x80, s24, s19, $0xb8;
	[tilespmem:$0x1E480] =	vst v63  }
0x41: {  	_ =	swait.ge [sflag:s25], $0x4000  }
0x42: {  	[sflag:s25] =	ssyncset.done $0x0  }
0x43: {  	s30 =	simm.s32 $0xFFFFB800;
	[sflag:s25] =	ssyncadd.s32 $0xFFFFC000  }
0x44: {  	[tilespmem:s20], [sflag:$0x1] =	stream.indirect.gather [hbm4b:s4+s19], $0x80, s26, s19, $0xb8;
	[tilespmem:$0x1E480] =	vst v63  }
.LBB2_2:
0x45: {  	_ =	swait.ge [sflag:s21], $0x4000  }
0x46: {  	s31 =	sshra.s32 s30, $0x2;
	[sflag:s21] =	ssyncset.done $0x0  }
0x47: {  	s0 =	sadd.s32 $0x2700, s31;
	[sflag:s21] =	ssyncadd.s32 $0xFFFFC000  }
0x48: {  	[spmem:s1] =	stream.indirect.scatter.add.f32 [tilespmem:s20], [sflag:$0x3], $0x80, s0, s19, $0xb8;
	[tilespmem:$0x1E480] =	vst v63  }
0x49: {  	_ =	swait.ge [sflag:s28], $0x4000  }
0x4a: {  	[sflag:s28] =	ssyncset.done $0x0  }
0x4b: {  	s0 =	sadd.s32 $0x1380, s31;
	[sflag:s28] =	ssyncadd.s32 $0xFFFFC000  }
0x4c: {  	[tilespmem:s22], [sflag:$0x2] =	stream.indirect.gather [hbm4b:s4+s19], $0x80, s0, s19, $0xb8;
	[tilespmem:$0x1E480] =	vst v63  }
0x4d: {  	_ =	swait.ge [sflag:s23], $0x4000  }
0x4e: {  	p1 =	seq.s32 s30, $0x0;
	[sflag:s23] =	ssyncset.done $0x0  }
.Ltmp2:
0x4f: {  	s0 =	sadd.s32 $0x2780, s31;
	[sflag:s23] =	ssyncadd.s32 $0xFFFFC000;
	(pc) =	sbr.rel @p1 .LBB2_4-.Ltmp2, $4  }
0x50: {  	[spmem:s1] =	stream.indirect.scatter.add.f32 [tilespmem:s22], [sflag:$0x4], $0x80, s0, s19, $0xb8;
	[tilespmem:$0x1E480] =	vst v63  }
0x51: {  	_ =	swait.ge [sflag:s25], $0x4000  }
0x52: {  	[sflag:s25] =	ssyncset.done $0x0  }
0x53: {  	[sflag:s25] =	ssyncadd.s32 $0xFFFFC000  }
.Ltmp3:
0x54: {  	(pc) =	sbr.rel .LBB2_2-.Ltmp3, $3  }
0x55: {  	_ =	sdelay $0x1  }
0x56: {  	s0 =	sadd.s32 $0x1400, s31;
	s30 =	sadd.s32 $0x400, s30  }
0x57: {  	[tilespmem:s20], [sflag:$0x1] =	stream.indirect.gather [hbm4b:s4+s19], $0x80, s0, s19, $0xb8;
	[tilespmem:$0x1E480] =	vst v63  }
.LBB2_4:
0x58: {  	_ =	swait.ge [sflag:s28], $0x4000  }
0x59: {  	[sflag:s28] =	ssyncset.done $0x0  }
0x5a: {  	[sflag:s28] =	ssyncadd.s32 $0xFFFFC000  }
0x5b: {  	[tilespmem:s2], [sflag:$0x5] =	stream.linear.gather [hbm4b:s9+s2], $0x1400, $0x38;
	[tilespmem:$0x1E480] =	vst v63  }
0x5c: {  	_ =	swait.ge [sflag:s17], $0x1400  }
0x5d: {  	[sflag:s17] =	ssyncset.done $0x0  }
0x5e: {  	[sflag:s17] =	ssyncadd.s32 $0xFFFFEC00  }
0x5f: {  	[tilespmem:s18], [sflag:$0x5] =	stream.linear.gather [hbm4b:s10+s2], $0x1400, $0x38;
	[tilespmem:$0x1E480] =	vst v63  }
0x60: {  	_ =	swait.ge [sflag:s17], $0x1400  }
0x61: {  	[sflag:s17] =	ssyncset.done $0x0  }
0x62: {  	[sflag:s17] =	ssyncadd.s32 $0xFFFFEC00  }
0x63: {  	[tilespmem:s20], [sflag:$0x1] =	stream.indirect.gather [hbm4b:s4+s19], $0x80, s2, s19, $0xb8;
	[tilespmem:$0x1E480] =	vst v63  }
0x64: {  	_ =	swait.ge [sflag:s21], $0x4000  }
0x65: {  	[sflag:s21] =	ssyncset.done $0x0  }
0x66: {  	[sflag:s21] =	ssyncadd.s32 $0xFFFFC000  }
0x67: {  	[spmem:s1] =	stream.indirect.scatter.add.f32 [tilespmem:s20], [sflag:$0x3], $0x80, s18, s19, $0xb8;
	[tilespmem:$0x1E480] =	vst v63  }
0x68: {  	_ = 	snop  }
0x69: {  	[tilespmem:s22], [sflag:$0x2] =	stream.indirect.gather [hbm4b:s4+s19], $0x80, s19, s19, $0xb8;
	[tilespmem:$0x1E480] =	vst v63  }
0x6a: {  	_ =	swait.ge [sflag:s23], $0x4000  }
0x6b: {  	[sflag:s23] =	ssyncset.done $0x0  }
0x6c: {  	[sflag:s23] =	ssyncadd.s32 $0xFFFFC000  }
0x6d: {  	[spmem:s1] =	stream.indirect.scatter.add.f32 [tilespmem:s22], [sflag:$0x4], $0x80, s24, s19, $0xb8;
	[tilespmem:$0x1E480] =	vst v63  }
0x6e: {  	_ =	swait.ge [sflag:s25], $0x4000  }
0x6f: {  	[sflag:s25] =	ssyncset.done $0x0  }
0x70: {  	s30 =	simm.s32 $0xFFFFB800;
	[sflag:s25] =	ssyncadd.s32 $0xFFFFC000  }
0x71: {  	[tilespmem:s20], [sflag:$0x1] =	stream.indirect.gather [hbm4b:s4+s19], $0x80, s26, s19, $0xb8;
	[tilespmem:$0x1E480] =	vst v63  }
.LBB2_5:
0x72: {  	_ =	swait.ge [sflag:s21], $0x4000  }
0x73: {  	s31 =	sshra.s32 s30, $0x2;
	[sflag:s21] =	ssyncset.done $0x0  }
0x74: {  	s0 =	sadd.s32 $0x2700, s31;
	[sflag:s21] =	ssyncadd.s32 $0xFFFFC000  }
0x75: {  	[spmem:s1] =	stream.indirect.scatter.add.f32 [tilespmem:s20], [sflag:$0x3], $0x80, s0, s19, $0xb8;
	[tilespmem:$0x1E480] =	vst v63  }
0x76: {  	_ =	swait.ge [sflag:s28], $0x4000  }
0x77: {  	[sflag:s28] =	ssyncset.done $0x0  }
0x78: {  	s0 =	sadd.s32 $0x1380, s31;
	[sflag:s28] =	ssyncadd.s32 $0xFFFFC000  }
0x79: {  	[tilespmem:s22], [sflag:$0x2] =	stream.indirect.gather [hbm4b:s4+s19], $0x80, s0, s19, $0xb8;
	[tilespmem:$0x1E480] =	vst v63  }
0x7a: {  	_ =	swait.ge [sflag:s23], $0x4000  }
0x7b: {  	p1 =	seq.s32 s30, $0x0;
	[sflag:s23] =	ssyncset.done $0x0  }
.Ltmp4:
0x7c: {  	s0 =	sadd.s32 $0x2780, s31;
	[sflag:s23] =	ssyncadd.s32 $0xFFFFC000;
	(pc) =	sbr.rel @p1 .LBB2_7-.Ltmp4, $4  }
0x7d: {  	[spmem:s1] =	stream.indirect.scatter.add.f32 [tilespmem:s22], [sflag:$0x4], $0x80, s0, s19, $0xb8;
	[tilespmem:$0x1E480] =	vst v63  }
0x7e: {  	_ =	swait.ge [sflag:s25], $0x4000  }
0x7f: {  	[sflag:s25] =	ssyncset.done $0x0  }
0x80: {  	[sflag:s25] =	ssyncadd.s32 $0xFFFFC000  }
.Ltmp5:
0x81: {  	(pc) =	sbr.rel .LBB2_5-.Ltmp5, $3  }
0x82: {  	_ =	sdelay $0x1  }
0x83: {  	s0 =	sadd.s32 $0x1400, s31;
	s30 =	sadd.s32 $0x400, s30  }
0x84: {  	[tilespmem:s20], [sflag:$0x1] =	stream.indirect.gather [hbm4b:s4+s19], $0x80, s0, s19, $0xb8;
	[tilespmem:$0x1E480] =	vst v63  }
.LBB2_8:
0x85: {  	_ =	sfence.sel $0x180000  }
0x86: {  	[bflag:$0x0] =	sbarrier.arrive $0xFFFF  }
0x87: {  	_ =	strace $0x90000053  }
0x88: {  	[bflag:$0x2] =	sbarrier.arrive $0xFFFF  }
0x89: {  	p0 =	sne.s32 s3, $0x0;
	s0 =	rddreg [dreg:$0x2]  }
0x8a: {  	s0 =	sadd.s32 @!p0 $0x100000, s0  }
0x8b: {  	[sflag:s0] =	ssyncadd.tile.s32 @!p0 $0x1;
	_ =	shalt  }
.Lfunc_end2:
_tile_overlayer_lowered:
.L_overlay_start_2:
0x8c: {  	(tag) =	ssettag $0x2  }
0x8d: {  	s0 =	rddreg [dreg:$0x0];
	s2 =	stileid.u32  }
0x8e: {  	s1 =	rddreg [dreg:$0x1];
	p0 =	sne.s32 s2, $0x0  }
0x8f: {  	s3 =	rddreg [dreg:$0x2];
	[bflag:$0x3] =	sbarrier.arrive $0xFFFF;
	s2 =	simm.s32 @!p0 $0x1C05  }
0x90: {  	[timem:s3], [sflag:s2] =	dma.local @!p0 [hbm:s0], s1  }
0x91: {  	s0 =	simm.s32 @!p0 $0x5  }
0x92: {  	_ =	swait.ge @!p0 [sflag:s0], s1  }
0x93: {  	s1 =	ssub.s32 @!p0 $0x0, s1;
	[sflag:s0] =	ssyncset.done @!p0 $0x0  }
0x94: {  	[sflag:s0] =	ssyncadd.s32 @!p0 s1  }
0x95: {  	[bflag:$0x3] =	sbarrier.arrive $0xFFFF  }
0x96: {  	_ =	shalt  }

</sc_bundles>
